<compile_context>
chip_gen: v7x
topology: tpu7x:2x2x1
jax: 0.10.2.dev20260603
libtpu: 0.0.44.dev20260713+nightly
codegen_flags: <defaults>
</compile_context>

<pallas_src>
import functools

import jax
import jax.numpy as jnp
from jax import lax
from jax.experimental import pallas as pl
from jax.experimental.pallas import tpu as pltpu
from jax.experimental.pallas import tpu_sc as plsc

_START = 1024
_ROWS = 1002048
_D = 64
_BATCH, _HIST = 4096, 50
_NC, _NS = 2, 16
_NW = _NC * _NS
_L = 16
_G0 = _START // 256
_G1 = (_ROWS - _START - 1) // 256
_NGA = (_G1 - _G0) // _NW + 1
_PAIRS = _ROWS // 2
_KB = _BATCH // 128


def _wid():
    return lax.axis_index("s") * _NC + lax.axis_index("c")


def _wait(src, dst, sem):
    pltpu.make_async_copy(src, dst, sem).wait()


def _transpose_kernel(tT, scratch, vbA, vbB, pbA, pbB, siA, siB, soA, soB):
    wid = _wid()
    iot = lax.iota(jnp.int32, _L)

    def g_of(t):
        return lax.min(_G0 + wid + t * _NW, _G1)

    def start_in(t, vb, sem):
        off = pl.multiple_of(g_of(t) * 256, 128)
        pltpu.async_copy(tT.at[:, pl.ds(off, 256)], vb, sem)

    def transpose(vb, pb):
        def m_body(m, carry):
            r_v = m * _L + iot
            p_v = lax.shift_right_logical(r_v, 1)
            col = lax.bitwise_and(r_v, 127)
            for c in range(_D):
                val = vb[c, pl.ds(m * _L, _L)]
                plsc.store_scatter(pb, [p_v, col], val)
                col = lax.bitwise_and(col + 2, 127)
            return carry

        lax.fori_loop(0, 16, m_body, 0)

    def start_out(t, pb, sem):
        poff = pl.multiple_of(g_of(t) * 128, 128)
        pltpu.async_copy(pb, scratch.at[pl.ds(poff, 128), :], sem)

    start_in(0, vbA, siA)

    def a_body(t2, carry):
        t0 = 2 * t2
        _wait(tT.at[:, pl.ds(0, 256)], vbA, siA)
        start_in(t0 + 1, vbB, siB)

        @pl.when(t2 > 0)
        def _():
            _wait(pbA, scratch.at[pl.ds(0, 128), :], soA)

        transpose(vbA, pbA)
        start_out(t0, pbA, soA)

        _wait(tT.at[:, pl.ds(0, 256)], vbB, siB)
        start_in(t0 + 2, vbA, siA)

        @pl.when(t2 > 0)
        def _():
            _wait(pbB, scratch.at[pl.ds(0, 128), :], soB)

        transpose(vbB, pbB)
        start_out(t0 + 1, pbB, soB)
        return carry

    lax.fori_loop(0, (_NGA + 1) // 2, a_body, 0)
    _wait(tT.at[:, pl.ds(0, 256)], vbA, siA)
    _wait(pbA, scratch.at[pl.ds(0, 128), :], soA)
    _wait(pbB, scratch.at[pl.ds(0, 128), :], soB)


def _gather_kernel(scratch, idxT, out6, idxs, piA, piB, gbA, gbB, obA, obB,
                   sgA, sgB, swA, swB):
    wid = _wid()
    iot = lax.iota(jnp.int32, _L)
    kb = wid
    koff = pl.multiple_of(kb * 128, 128)
    pltpu.sync_copy(idxT.at[:, pl.ds(koff, 128)], idxs)

    def pidx_of(h, pi):
        def jg_body(jg, carry):
            sl = pl.ds(jg * _L, _L)
            pi[sl] = lax.shift_right_logical(idxs[h, sl] + _START, 1)
            return carry

        lax.fori_loop(0, 8, jg_body, 0, unroll=8)

    def extract(h, gb, ob):
        def jg_body(jg, carry):
            sl = pl.ds(jg * _L, _L)
            rows = jg * _L + iot
            ib = lax.bitwise_and(idxs[h, sl], 127)

            def c_body(c, col):
                val = plsc.load_gather(gb, [rows, col])
                ob[c // 8, c % 8, sl] = val
                return lax.bitwise_and(col + 2, 127)

            col = ib
            for c in range(_D):
                col = c_body(c, col)
            return carry

        lax.fori_loop(0, 8, jg_body, 0)

    pidx_of(0, piA)
    pltpu.async_copy(scratch.at[piA], gbA, sgA)

    def b_body(hp, carry):
        h0 = 2 * hp
        h1 = h0 + 1
        h2 = lax.min(h0 + 2, _HIST - 1)

        pidx_of(h1, piB)
        _wait(scratch.at[piA], gbA, sgA)
        pltpu.async_copy(scratch.at[piB], gbB, sgB)

        @pl.when(hp > 0)
        def _():
            _wait(obA, out6.at[0, :, 0, :, :], swA)

        extract(h0, gbA, obA)
        pltpu.async_copy(obA, out6.at[h0, :, kb, :, :], swA)

        pidx_of(h2, piA)
        _wait(scratch.at[piB], gbB, sgB)
        pltpu.async_copy(scratch.at[piA], gbA, sgA)

        @pl.when(hp > 0)
        def _():
            _wait(obB, out6.at[0, :, 0, :, :], swB)

        extract(h1, gbB, obB)
        pltpu.async_copy(obB, out6.at[h1, :, kb, :, :], swB)
        return carry

    lax.fori_loop(0, _HIST // 2, b_body, 0)
    _wait(scratch.at[piA], gbA, sgA)
    _wait(obA, out6.at[0, :, 0, :, :], swA)
    _wait(obB, out6.at[0, :, 0, :, :], swB)


@jax.jit
def _lookup(tT, idxT):
    mesh = plsc.VectorSubcoreMesh(core_axis_name="c", subcore_axis_name="s")
    params = pltpu.CompilerParams(needs_layout_passes=False)

    t_call = functools.partial(
        pl.kernel,
        mesh=mesh,
        compiler_params=params,
        out_type=jax.ShapeDtypeStruct((_PAIRS, 128), jnp.float32),
        scratch_types=[
            pltpu.VMEM((_D, 256), jnp.float32),
            pltpu.VMEM((_D, 256), jnp.float32),
            pltpu.VMEM((128, 128), jnp.float32),
            pltpu.VMEM((128, 128), jnp.float32),
        ] + [pltpu.SemaphoreType.DMA] * 4,
    )(_transpose_kernel)
    scratch = t_call(tT)

    g_call = functools.partial(
        pl.kernel,
        mesh=mesh,
        compiler_params=params,
        out_type=jax.ShapeDtypeStruct((_HIST, 8, _KB, 8, 128), jnp.float32),
        scratch_types=[
            pltpu.VMEM((_HIST, 128), jnp.int32),
            pltpu.VMEM((128,), jnp.int32),
            pltpu.VMEM((128,), jnp.int32),
            pltpu.VMEM((128, 128), jnp.float32),
            pltpu.VMEM((128, 128), jnp.float32),
            pltpu.VMEM((8, 8, 128), jnp.float32),
            pltpu.VMEM((8, 8, 128), jnp.float32),
        ] + [pltpu.SemaphoreType.DMA] * 4,
    )(_gather_kernel)
    return g_call(scratch, idxT)


def kernel(kernel, inputs):
    out6 = _lookup(kernel.T, inputs.T)
    return out6.transpose(2, 4, 0, 1, 3).reshape(_BATCH, _HIST, _D)

# --- scband reference (transcript-rebuilt; emitter-appended) ---
"""Pipeline reference for scband-shared-embedding-49581102465178 (READ-ONLY COPY).

The authoritative reference and input builder live on the scoring server;
editing this copy changes nothing except your own understanding.
"""

import jax, jax.numpy as jnp
import numpy as np

START_INDEX = 1024
END_INDEX = 1001024
KERNEL_ROWS = 1002048
EMB_DIM = 64
BATCH = 4096
HIST_LEN = 50
VOCAB = END_INDEX - START_INDEX


def setup_inputs(seed: int = 0) -> dict:
    key = jax.random.key(seed)
    k1, k2 = jax.random.split(key)
    # The tied linear layer's kernel; SharedEmbedding slices rows [start_index:end_index]
    kernel = jax.random.normal(k1, (KERNEL_ROWS, EMB_DIM), dtype=jnp.float32) * 0.02
    inputs = jax.random.randint(k2, (BATCH, HIST_LEN), 0, VOCAB, dtype=jnp.int32)
    return {"kernel": kernel, "inputs": inputs}


def reference(kernel, inputs):
    # emb_weight = self.linear.kernel[self.start_index:self.end_index]
    emb_weight = jax.lax.dynamic_slice_in_dim(kernel, START_INDEX, END_INDEX - START_INDEX, axis=0)
    # tf.nn.embedding_lookup(emb_weight, inputs)
    return jnp.take(emb_weight, inputs, axis=0)

if __name__ == "__main__":
    import jax
    _d = setup_inputs()
    print(jax.jit(kernel)(*tuple(_d.values())))

</pallas_src>

<mosaic_0001>
#map = affine_map<(d0, d1) -> (0, 0)>
module attributes {stable_mosaic.version = 14 : i64} {
  func.func @_transpose_kernel(%arg0: i32, %arg1: i32, %arg2: memref<64x1002048xf32, #tpu.memory_space<hbm>>, %arg3: memref<501024x128xf32, #tpu.memory_space<hbm>>, %arg4: memref<64x256xf32, #tpu.memory_space<vmem>>, %arg5: memref<64x256xf32, #tpu.memory_space<vmem>>, %arg6: memref<128x128xf32, #tpu.memory_space<vmem>>, %arg7: memref<128x128xf32, #tpu.memory_space<vmem>>, %arg8: memref<!tpu.dma_semaphore, #tpu.memory_space<semaphore_mem>>, %arg9: memref<!tpu.dma_semaphore, #tpu.memory_space<semaphore_mem>>, %arg10: memref<!tpu.dma_semaphore, #tpu.memory_space<semaphore_mem>>, %arg11: memref<!tpu.dma_semaphore, #tpu.memory_space<semaphore_mem>>) attributes {dimension_semantics = [#tpu.dimension_semantics<core_parallel>, #tpu.dimension_semantics<subcore_parallel>], iteration_bounds = array<i64: 2, 16>, scalar_prefetch = 0 : i64, scratch_operands = 8 : i64, tpu.core_type = #tpu.core_type<sc_vector_subcore>, window_params = [{transform_indices = #map}, {transform_indices = #map}]} {
    %mul3A = arith.constant 2 : i32
    %mul3A_0 = arith.muli %arg1, %mul3A : i32
    %add3A = arith.addi %mul3A_0, %arg0 : i32
    %iota3A = tpu.iota {dimensions = array<i32: 0>} : vector<16xi32>
    %add3A_1 = arith.constant 4 : i32
    %add3A_2 = arith.addi %add3A_1, %add3A : i32
    %add3A_3 = arith.constant 0 : i32
    %add3A_4 = arith.addi %add3A_2, %add3A_3 : i32
    %min3A = arith.constant 3910 : i32
    %min3A_5 = arith.minsi %add3A_4, %min3A : i32
    %mul3A_6 = arith.constant 256 : i32
    %mul3A_7 = arith.muli %min3A_5, %mul3A_6 : i32
    %multiple_of3A = tpu.assume_multiple %mul3A_7, 128 : i32
    %dma_start3A = arith.constant 0 : i32
    %dma_start3A_8 = tpu.memref_slice %arg2[%dma_start3A, %multiple_of3A] : memref<64x1002048xf32, #tpu.memory_space<hbm>> -> memref<64x256xf32, #tpu.memory_space<hbm>>
    %dma_start3A_9 = arith.constant 0 : i32
    %dma_start3A_10 = tpu.memref_slice %arg2[%dma_start3A_9, %multiple_of3A] : memref<64x1002048xf32, #tpu.memory_space<hbm>> -> memref<64x256xf32, #tpu.memory_space<hbm>>
    tpu.enqueue_dma source(%dma_start3A_10 : memref<64x256xf32, #tpu.memory_space<hbm>>) target(%arg4 : memref<64x256xf32, #tpu.memory_space<vmem>>) target_semaphore(%arg8 : memref<!tpu.dma_semaphore, #tpu.memory_space<semaphore_mem>>)
    %scan3A = arith.constant 0 : i32
    %scan3A_11 = arith.constant 0 : i32
    %scan3A_12 = arith.constant 62 : i32
    %scan3A_13 = arith.addi %scan3A_11, %scan3A_12 : i32
    %scan3A_14 = arith.constant 1 : i32
    scf.for %scan3A_33 = %scan3A_11 to %scan3A_13 step %scan3A_14  : i32 {
      %mul3A_34 = arith.constant 2 : i32
      %mul3A_35 = arith.muli %mul3A_34, %scan3A_33 : i32
      %dma_wait3A_36 = arith.constant 0 : i32
      %dma_wait3A_37 = arith.constant 0 : i32
      %dma_wait3A_38 = tpu.memref_slice %arg2[%dma_wait3A_36, %dma_wait3A_37] : memref<64x1002048xf32, #tpu.memory_space<hbm>> -> memref<64x256xf32, #tpu.memory_space<hbm>>
      %dma_wait3A_39 = arith.constant 0 : i32
      %dma_wait3A_40 = arith.constant 0 : i32
      %dma_wait3A_41 = tpu.memref_slice %arg2[%dma_wait3A_39, %dma_wait3A_40] : memref<64x1002048xf32, #tpu.memory_space<hbm>> -> memref<64x256xf32, #tpu.memory_space<hbm>>
      tpu.wait_dma2 semaphore(%arg8 : memref<!tpu.dma_semaphore, #tpu.memory_space<semaphore_mem>>) src(%dma_wait3A_41 : memref<64x256xf32, #tpu.memory_space<hbm>>) dst(%arg4 : memref<64x256xf32, #tpu.memory_space<vmem>>)
      %add3A_42 = arith.constant 1 : i32
      %add3A_43 = arith.addi %mul3A_35, %add3A_42 : i32
      %add3A_44 = arith.constant 4 : i32
      %add3A_45 = arith.addi %add3A_44, %add3A : i32
      %mul3A_46 = arith.constant 32 : i32
      %mul3A_47 = arith.muli %add3A_43, %mul3A_46 : i32
      %add3A_48 = arith.addi %add3A_45, %mul3A_47 : i32
      %min3A_49 = arith.constant 3910 : i32
      %min3A_50 = arith.minsi %add3A_48, %min3A_49 : i32
      %mul3A_51 = arith.constant 256 : i32
      %mul3A_52 = arith.muli %min3A_50, %mul3A_51 : i32
      %multiple_of3A_53 = tpu.assume_multiple %mul3A_52, 128 : i32
      %dma_start3A_54 = arith.constant 0 : i32
      %dma_start3A_55 = tpu.memref_slice %arg2[%dma_start3A_54, %multiple_of3A_53] : memref<64x1002048xf32, #tpu.memory_space<hbm>> -> memref<64x256xf32, #tpu.memory_space<hbm>>
      %dma_start3A_56 = arith.constant 0 : i32
      %dma_start3A_57 = tpu.memref_slice %arg2[%dma_start3A_56, %multiple_of3A_53] : memref<64x1002048xf32, #tpu.memory_space<hbm>> -> memref<64x256xf32, #tpu.memory_space<hbm>>
      tpu.enqueue_dma source(%dma_start3A_57 : memref<64x256xf32, #tpu.memory_space<hbm>>) target(%arg5 : memref<64x256xf32, #tpu.memory_space<vmem>>) target_semaphore(%arg9 : memref<!tpu.dma_semaphore, #tpu.memory_space<semaphore_mem>>)
      %gt3A = arith.constant 0 : i32
      %gt3A_58 = arith.cmpi sgt, %scan3A_33, %gt3A : i32
      %convert_element_type3A = arith.extui %gt3A_58 : i1 to i32
      %cond3A = arith.constant 0 : i32
      %cond3A_59 = arith.cmpi ne, %convert_element_type3A, %cond3A : i32
      scf.if %cond3A_59 {
        %dma_wait3A_129 = arith.constant 0 : i32
        %dma_wait3A_130 = arith.constant 0 : i32
        %dma_wait3A_131 = tpu.memref_slice %arg3[%dma_wait3A_129, %dma_wait3A_130] : memref<501024x128xf32, #tpu.memory_space<hbm>> -> memref<128x128xf32, #tpu.memory_space<hbm>>
        %dma_wait3A_132 = arith.constant 0 : i32
        %dma_wait3A_133 = arith.constant 0 : i32
        %dma_wait3A_134 = tpu.memref_slice %arg3[%dma_wait3A_132, %dma_wait3A_133] : memref<501024x128xf32, #tpu.memory_space<hbm>> -> memref<128x128xf32, #tpu.memory_space<hbm>>
        tpu.wait_dma2 semaphore(%arg10 : memref<!tpu.dma_semaphore, #tpu.memory_space<semaphore_mem>>) src(%arg6 : memref<128x128xf32, #tpu.memory_space<vmem>>) dst(%dma_wait3A_134 : memref<128x128xf32, #tpu.memory_space<hbm>>)
      } else {
      }
      %scan3A_60 = arith.constant 0 : i32
      %scan3A_61 = arith.constant 0 : i32
      %scan3A_62 = arith.constant 16 : i32
      %scan3A_63 = arith.addi %scan3A_61, %scan3A_62 : i32
      %scan3A_64 = arith.constant 1 : i32
      scf.for %scan3A_129 = %scan3A_61 to %scan3A_63 step %scan3A_64  : i32 {
        %mul3A_130 = arith.constant 16 : i32
        %mul3A_131 = arith.muli %scan3A_129, %mul3A_130 : i32
        %add3A_132 = vector.broadcast %mul3A_131 : i32 to vector<16xi32>
        %add3A_133 = arith.addi %add3A_132, %iota3A : vector<16xi32>
        %shift_right_logical3A = arith.constant 1 : i32
        %shift_right_logical3A_134 = vector.broadcast %shift_right_logical3A : i32 to vector<16xi32>
        %shift_right_logical3A_135 = arith.shrui %add3A_133, %shift_right_logical3A_134 : vector<16xi32>
        %and3A = arith.constant 127 : i32
        %and3A_136 = vector.broadcast %and3A : i32 to vector<16xi32>
        %and3A_137 = arith.andi %add3A_133, %and3A_136 : vector<16xi32>
        %mul3A_138 = arith.constant 16 : i32
        %mul3A_139 = arith.muli %scan3A_129, %mul3A_138 : i32
        %get3A = arith.constant 0 : i32
        %get3A_140 = arith.index_cast %get3A : i32 to index
        %get3A_141 = arith.index_cast %mul3A_139 : i32 to index
        %get3A_142 = tpu.vector_load %arg4[%get3A_140, %get3A_141] {strides = array<i32>} : memref<64x256xf32, #tpu.memory_space<vmem>>, vector<16xf32>,
        tpu.vector_store_idx %arg6[%shift_right_logical3A_135, %and3A_137], %get3A_142 : memref<128x128xf32, #tpu.memory_space<vmem>>[vector<16xi32>, vector<16xi32>], vector<16xf32>,
        %add3A_143 = arith.constant 2 : i32
        %add3A_144 = vector.broadcast %add3A_143 : i32 to vector<16xi32>
        %add3A_145 = arith.addi %and3A_137, %add3A_144 : vector<16xi32>
        %and3A_146 = arith.constant 127 : i32
        %and3A_147 = vector.broadcast %and3A_146 : i32 to vector<16xi32>
        %and3A_148 = arith.andi %add3A_145, %and3A_147 : vector<16xi32>
        %mul3A_149 = arith.constant 16 : i32
        %mul3A_150 = arith.muli %scan3A_129, %mul3A_149 : i32
        %get3A_151 = arith.constant 1 : i32
        %get3A_152 = arith.index_cast %get3A_151 : i32 to index
        %get3A_153 = arith.index_cast %mul3A_150 : i32 to index
        %get3A_154 = tpu.vector_load %arg4[%get3A_152, %get3A_153] {strides = array<i32>} : memref<64x256xf32, #tpu.memory_space<vmem>>, vector<16xf32>,
        tpu.vector_store_idx %arg6[%shift_right_logical3A_135, %and3A_148], %get3A_154 : memref<128x128xf32, #tpu.memory_space<vmem>>[vector<16xi32>, vector<16xi32>], vector<16xf32>,
        %add3A_155 = arith.constant 2 : i32
        %add3A_156 = vector.broadcast %add3A_155 : i32 to vector<16xi32>
        %add3A_157 = arith.addi %and3A_148, %add3A_156 : vector<16xi32>
        %and3A_158 = arith.constant 127 : i32
        %and3A_159 = vector.broadcast %and3A_158 : i32 to vector<16xi32>
        %and3A_160 = arith.andi %add3A_157, %and3A_159 : vector<16xi32>
        %mul3A_161 = arith.constant 16 : i32
        %mul3A_162 = arith.muli %scan3A_129, %mul3A_161 : i32
        %get3A_163 = arith.constant 2 : i32
        %get3A_164 = arith.index_cast %get3A_163 : i32 to index
        %get3A_165 = arith.index_cast %mul3A_162 : i32 to index
        %get3A_166 = tpu.vector_load %arg4[%get3A_164, %get3A_165] {strides = array<i32>} : memref<64x256xf32, #tpu.memory_space<vmem>>, vector<16xf32>,
        tpu.vector_store_idx %arg6[%shift_right_logical3A_135, %and3A_160], %get3A_166 : memref<128x128xf32, #tpu.memory_space<vmem>>[vector<16xi32>, vector<16xi32>], vector<16xf32>,
        %add3A_167 = arith.constant 2 : i32
        %add3A_168 = vector.broadcast %add3A_167 : i32 to vector<16xi32>
        %add3A_169 = arith.addi %and3A_160, %add3A_168 : vector<16xi32>
        %and3A_170 = arith.constant 127 : i32
        %and3A_171 = vector.broadcast %and3A_170 : i32 to vector<16xi32>
        %and3A_172 = arith.andi %add3A_169, %and3A_171 : vector<16xi32>
        %mul3A_173 = arith.constant 16 : i32
        %mul3A_174 = arith.muli %scan3A_129, %mul3A_173 : i32
        %get3A_175 = arith.constant 3 : i32
        %get3A_176 = arith.index_cast %get3A_175 : i32 to index
        %get3A_177 = arith.index_cast %mul3A_174 : i32 to index
        %get3A_178 = tpu.vector_load %arg4[%get3A_176, %get3A_177] {strides = array<i32>} : memref<64x256xf32, #tpu.memory_space<vmem>>, vector<16xf32>,
        tpu.vector_store_idx %arg6[%shift_right_logical3A_135, %and3A_172], %get3A_178 : memref<128x128xf32, #tpu.memory_space<vmem>>[vector<16xi32>, vector<16xi32>], vector<16xf32>,
        %add3A_179 = arith.constant 2 : i32
        %add3A_180 = vector.broadcast %add3A_179 : i32 to vector<16xi32>
        %add3A_181 = arith.addi %and3A_172, %add3A_180 : vector<16xi32>
        %and3A_182 = arith.constant 127 : i32
        %and3A_183 = vector.broadcast %and3A_182 : i32 to vector<16xi32>
        %and3A_184 = arith.andi %add3A_181, %and3A_183 : vector<16xi32>
        %mul3A_185 = arith.constant 16 : i32
        %mul3A_186 = arith.muli %scan3A_129, %mul3A_185 : i32
        %get3A_187 = arith.constant 4 : i32
        %get3A_188 = arith.index_cast %get3A_187 : i32 to index
        %get3A_189 = arith.index_cast %mul3A_186 : i32 to index
        %get3A_190 = tpu.vector_load %arg4[%get3A_188, %get3A_189] {strides = array<i32>} : memref<64x256xf32, #tpu.memory_space<vmem>>, vector<16xf32>,
        tpu.vector_store_idx %arg6[%shift_right_logical3A_135, %and3A_184], %get3A_190 : memref<128x128xf32, #tpu.memory_space<vmem>>[vector<16xi32>, vector<16xi32>], vector<16xf32>,
        %add3A_191 = arith.constant 2 : i32
        %add3A_192 = vector.broadcast %add3A_191 : i32 to vector<16xi32>
        %add3A_193 = arith.addi %and3A_184, %add3A_192 : vector<16xi32>
        %and3A_194 = arith.constant 127 : i32
        %and3A_195 = vector.broadcast %and3A_194 : i32 to vector<16xi32>
        %and3A_196 = arith.andi %add3A_193, %and3A_195 : vector<16xi32>
        %mul3A_197 = arith.constant 16 : i32
        %mul3A_198 = arith.muli %scan3A_129, %mul3A_197 : i32
        %get3A_199 = arith.constant 5 : i32
        %get3A_200 = arith.index_cast %get3A_199 : i32 to index
        %get3A_201 = arith.index_cast %mul3A_198 : i32 to index
        %get3A_202 = tpu.vector_load %arg4[%get3A_200, %get3A_201] {strides = array<i32>} : memref<64x256xf32, #tpu.memory_space<vmem>>, vector<16xf32>,
        tpu.vector_store_idx %arg6[%shift_right_logical3A_135, %and3A_196], %get3A_202 : memref<128x128xf32, #tpu.memory_space<vmem>>[vector<16xi32>, vector<16xi32>], vector<16xf32>,
        %add3A_203 = arith.constant 2 : i32
        %add3A_204 = vector.broadcast %add3A_203 : i32 to vector<16xi32>
        %add3A_205 = arith.addi %and3A_196, %add3A_204 : vector<16xi32>
        %and3A_206 = arith.constant 127 : i32
        %and3A_207 = vector.broadcast %and3A_206 : i32 to vector<16xi32>
        %and3A_208 = arith.andi %add3A_205, %and3A_207 : vector<16xi32>
        %mul3A_209 = arith.constant 16 : i32
        %mul3A_210 = arith.muli %scan3A_129, %mul3A_209 : i32
        %get3A_211 = arith.constant 6 : i32
        %get3A_212 = arith.index_cast %get3A_211 : i32 to index
        %get3A_213 = arith.index_cast %mul3A_210 : i32 to index
        %get3A_214 = tpu.vector_load %arg4[%get3A_212, %get3A_213] {strides = array<i32>} : memref<64x256xf32, #tpu.memory_space<vmem>>, vector<16xf32>,
        tpu.vector_store_idx %arg6[%shift_right_logical3A_135, %and3A_208], %get3A_214 : memref<128x128xf32, #tpu.memory_space<vmem>>[vector<16xi32>, vector<16xi32>], vector<16xf32>,
        %add3A_215 = arith.constant 2 : i32
        %add3A_216 = vector.broadcast %add3A_215 : i32 to vector<16xi32>
        %add3A_217 = arith.addi %and3A_208, %add3A_216 : vector<16xi32>
        %and3A_218 = arith.constant 127 : i32
        %and3A_219 = vector.broadcast %and3A_218 : i32 to vector<16xi32>
        %and3A_220 = arith.andi %add3A_217, %and3A_219 : vector<16xi32>
        %mul3A_221 = arith.constant 16 : i32
        %mul3A_222 = arith.muli %scan3A_129, %mul3A_221 : i32
        %get3A_223 = arith.constant 7 : i32
        %get3A_224 = arith.index_cast %get3A_223 : i32 to index
        %get3A_225 = arith.index_cast %mul3A_222 : i32 to index
        %get3A_226 = tpu.vector_load %arg4[%get3A_224, %get3A_225] {strides = array<i32>} : memref<64x256xf32, #tpu.memory_space<vmem>>, vector<16xf32>,
        tpu.vector_store_idx %arg6[%shift_right_logical3A_135, %and3A_220], %get3A_226 : memref<128x128xf32, #tpu.memory_space<vmem>>[vector<16xi32>, vector<16xi32>], vector<16xf32>,
        %add3A_227 = arith.constant 2 : i32
        %add3A_228 = vector.broadcast %add3A_227 : i32 to vector<16xi32>
        %add3A_229 = arith.addi %and3A_220, %add3A_228 : vector<16xi32>
        %and3A_230 = arith.constant 127 : i32
        %and3A_231 = vector.broadcast %and3A_230 : i32 to vector<16xi32>
        %and3A_232 = arith.andi %add3A_229, %and3A_231 : vector<16xi32>
        %mul3A_233 = arith.constant 16 : i32
        %mul3A_234 = arith.muli %scan3A_129, %mul3A_233 : i32
        %get3A_235 = arith.constant 8 : i32
        %get3A_236 = arith.index_cast %get3A_235 : i32 to index
        %get3A_237 = arith.index_cast %mul3A_234 : i32 to index
        %get3A_238 = tpu.vector_load %arg4[%get3A_236, %get3A_237] {strides = array<i32>} : memref<64x256xf32, #tpu.memory_space<vmem>>, vector<16xf32>,
        tpu.vector_store_idx %arg6[%shift_right_logical3A_135, %and3A_232], %get3A_238 : memref<128x128xf32, #tpu.memory_space<vmem>>[vector<16xi32>, vector<16xi32>], vector<16xf32>,
        %add3A_239 = arith.constant 2 : i32
        %add3A_240 = vector.broadcast %add3A_239 : i32 to vector<16xi32>
        %add3A_241 = arith.addi %and3A_232, %add3A_240 : vector<16xi32>
        %and3A_242 = arith.constant 127 : i32
        %and3A_243 = vector.broadcast %and3A_242 : i32 to vector<16xi32>
        %and3A_244 = arith.andi %add3A_241, %and3A_243 : vector<16xi32>
        %mul3A_245 = arith.constant 16 : i32
        %mul3A_246 = arith.muli %scan3A_129, %mul3A_245 : i32
        %get3A_247 = arith.constant 9 : i32
        %get3A_248 = arith.index_cast %get3A_247 : i32 to index
        %get3A_249 = arith.index_cast %mul3A_246 : i32 to index
        %get3A_250 = tpu.vector_load %arg4[%get3A_248, %get3A_249] {strides = array<i32>} : memref<64x256xf32, #tpu.memory_space<vmem>>, vector<16xf32>,
        tpu.vector_store_idx %arg6[%shift_right_logical3A_135, %and3A_244], %get3A_250 : memref<128x128xf32, #tpu.memory_space<vmem>>[vector<16xi32>, vector<16xi32>], vector<16xf32>,
        %add3A_251 = arith.constant 2 : i32
        %add3A_252 = vector.broadcast %add3A_251 : i32 to vector<16xi32>
        %add3A_253 = arith.addi %and3A_244, %add3A_252 : vector<16xi32>
        %and3A_254 = arith.constant 127 : i32
        %and3A_255 = vector.broadcast %and3A_254 : i32 to vector<16xi32>
        %and3A_256 = arith.andi %add3A_253, %and3A_255 : vector<16xi32>
        %mul3A_257 = arith.constant 16 : i32
        %mul3A_258 = arith.muli %scan3A_129, %mul3A_257 : i32
        %get3A_259 = arith.constant 10 : i32
        %get3A_260 = arith.index_cast %get3A_259 : i32 to index
        %get3A_261 = arith.index_cast %mul3A_258 : i32 to index
        %get3A_262 = tpu.vector_load %arg4[%get3A_260, %get3A_261] {strides = array<i32>} : memref<64x256xf32, #tpu.memory_space<vmem>>, vector<16xf32>,
        tpu.vector_store_idx %arg6[%shift_right_logical3A_135, %and3A_256], %get3A_262 : memref<128x128xf32, #tpu.memory_space<vmem>>[vector<16xi32>, vector<16xi32>], vector<16xf32>,
        %add3A_263 = arith.constant 2 : i32
        %add3A_264 = vector.broadcast %add3A_263 : i32 to vector<16xi32>
        %add3A_265 = arith.addi %and3A_256, %add3A_264 : vector<16xi32>
        %and3A_266 = arith.constant 127 : i32
        %and3A_267 = vector.broadcast %and3A_266 : i32 to vector<16xi32>
        %and3A_268 = arith.andi %add3A_265, %and3A_267 : vector<16xi32>
        %mul3A_269 = arith.constant 16 : i32
        %mul3A_270 = arith.muli %scan3A_129, %mul3A_269 : i32
        %get3A_271 = arith.constant 11 : i32
        %get3A_272 = arith.index_cast %get3A_271 : i32 to index
        %get3A_273 = arith.index_cast %mul3A_270 : i32 to index
        %get3A_274 = tpu.vector_load %arg4[%get3A_272, %get3A_273] {strides = array<i32>} : memref<64x256xf32, #tpu.memory_space<vmem>>, vector<16xf32>,
        tpu.vector_store_idx %arg6[%shift_right_logical3A_135, %and3A_268], %get3A_274 : memref<128x128xf32, #tpu.memory_space<vmem>>[vector<16xi32>, vector<16xi32>], vector<16xf32>,
        %add3A_275 = arith.constant 2 : i32
        %add3A_276 = vector.broadcast %add3A_275 : i32 to vector<16xi32>
        %add3A_277 = arith.addi %and3A_268, %add3A_276 : vector<16xi32>
        %and3A_278 = arith.constant 127 : i32
        %and3A_279 = vector.broadcast %and3A_278 : i32 to vector<16xi32>
        %and3A_280 = arith.andi %add3A_277, %and3A_279 : vector<16xi32>
        %mul3A_281 = arith.constant 16 : i32
        %mul3A_282 = arith.muli %scan3A_129, %mul3A_281 : i32
        %get3A_283 = arith.constant 12 : i32
        %get3A_284 = arith.index_cast %get3A_283 : i32 to index
        %get3A_285 = arith.index_cast %mul3A_282 : i32 to index
        %get3A_286 = tpu.vector_load %arg4[%get3A_284, %get3A_285] {strides = array<i32>} : memref<64x256xf32, #tpu.memory_space<vmem>>, vector<16xf32>,
        tpu.vector_store_idx %arg6[%shift_right_logical3A_135, %and3A_280], %get3A_286 : memref<128x128xf32, #tpu.memory_space<vmem>>[vector<16xi32>, vector<16xi32>], vector<16xf32>,
        %add3A_287 = arith.constant 2 : i32
        %add3A_288 = vector.broadcast %add3A_287 : i32 to vector<16xi32>
        %add3A_289 = arith.addi %and3A_280, %add3A_288 : vector<16xi32>
        %and3A_290 = arith.constant 127 : i32
        %and3A_291 = vector.broadcast %and3A_290 : i32 to vector<16xi32>
        %and3A_292 = arith.andi %add3A_289, %and3A_291 : vector<16xi32>
        %mul3A_293 = arith.constant 16 : i32
        %mul3A_294 = arith.muli %scan3A_129, %mul3A_293 : i32
        %get3A_295 = arith.constant 13 : i32
        %get3A_296 = arith.index_cast %get3A_295 : i32 to index
        %get3A_297 = arith.index_cast %mul3A_294 : i32 to index
        %get3A_298 = tpu.vector_load %arg4[%get3A_296, %get3A_297] {strides = array<i32>} : memref<64x256xf32, #tpu.memory_space<vmem>>, vector<16xf32>,
        tpu.vector_store_idx %arg6[%shift_right_logical3A_135, %and3A_292], %get3A_298 : memref<128x128xf32, #tpu.memory_space<vmem>>[vector<16xi32>, vector<16xi32>], vector<16xf32>,
        %add3A_299 = arith.constant 2 : i32
        %add3A_300 = vector.broadcast %add3A_299 : i32 to vector<16xi32>
        %add3A_301 = arith.addi %and3A_292, %add3A_300 : vector<16xi32>
        %and3A_302 = arith.constant 127 : i32
        %and3A_303 = vector.broadcast %and3A_302 : i32 to vector<16xi32>
        %and3A_304 = arith.andi %add3A_301, %and3A_303 : vector<16xi32>
        %mul3A_305 = arith.constant 16 : i32
        %mul3A_306 = arith.muli %scan3A_129, %mul3A_305 : i32
        %get3A_307 = arith.constant 14 : i32
        %get3A_308 = arith.index_cast %get3A_307 : i32 to index
        %get3A_309 = arith.index_cast %mul3A_306 : i32 to index
        %get3A_310 = tpu.vector_load %arg4[%get3A_308, %get3A_309] {strides = array<i32>} : memref<64x256xf32, #tpu.memory_space<vmem>>, vector<16xf32>,
        tpu.vector_store_idx %arg6[%shift_right_logical3A_135, %and3A_304], %get3A_310 : memref<128x128xf32, #tpu.memory_space<vmem>>[vector<16xi32>, vector<16xi32>], vector<16xf32>,
        %add3A_311 = arith.constant 2 : i32
        %add3A_312 = vector.broadcast %add3A_311 : i32 to vector<16xi32>
        %add3A_313 = arith.addi %and3A_304, %add3A_312 : vector<16xi32>
        %and3A_314 = arith.constant 127 : i32
        %and3A_315 = vector.broadcast %and3A_314 : i32 to vector<16xi32>
        %and3A_316 = arith.andi %add3A_313, %and3A_315 : vector<16xi32>
        %mul3A_317 = arith.constant 16 : i32
        %mul3A_318 = arith.muli %scan3A_129, %mul3A_317 : i32
        %get3A_319 = arith.constant 15 : i32
        %get3A_320 = arith.index_cast %get3A_319 : i32 to index
        %get3A_321 = arith.index_cast %mul3A_318 : i32 to index
        %get3A_322 = tpu.vector_load %arg4[%get3A_320, %get3A_321] {strides = array<i32>} : memref<64x256xf32, #tpu.memory_space<vmem>>, vector<16xf32>,
        tpu.vector_store_idx %arg6[%shift_right_logical3A_135, %and3A_316], %get3A_322 : memref<128x128xf32, #tpu.memory_space<vmem>>[vector<16xi32>, vector<16xi32>], vector<16xf32>,
        %add3A_323 = arith.constant 2 : i32
        %add3A_324 = vector.broadcast %add3A_323 : i32 to vector<16xi32>
        %add3A_325 = arith.addi %and3A_316, %add3A_324 : vector<16xi32>
        %and3A_326 = arith.constant 127 : i32
        %and3A_327 = vector.broadcast %and3A_326 : i32 to vector<16xi32>
        %and3A_328 = arith.andi %add3A_325, %and3A_327 : vector<16xi32>
        %mul3A_329 = arith.constant 16 : i32
        %mul3A_330 = arith.muli %scan3A_129, %mul3A_329 : i32
        %get3A_331 = arith.constant 16 : i32
        %get3A_332 = arith.index_cast %get3A_331 : i32 to index
        %get3A_333 = arith.index_cast %mul3A_330 : i32 to index
        %get3A_334 = tpu.vector_load %arg4[%get3A_332, %get3A_333] {strides = array<i32>} : memref<64x256xf32, #tpu.memory_space<vmem>>, vector<16xf32>,
        tpu.vector_store_idx %arg6[%shift_right_logical3A_135, %and3A_328], %get3A_334 : memref<128x128xf32, #tpu.memory_space<vmem>>[vector<16xi32>, vector<16xi32>], vector<16xf32>,
        %add3A_335 = arith.constant 2 : i32
        %add3A_336 = vector.broadcast %add3A_335 : i32 to vector<16xi32>
        %add3A_337 = arith.addi %and3A_328, %add3A_336 : vector<16xi32>
        %and3A_338 = arith.constant 127 : i32
        %and3A_339 = vector.broadcast %and3A_338 : i32 to vector<16xi32>
        %and3A_340 = arith.andi %add3A_337, %and3A_339 : vector<16xi32>
        %mul3A_341 = arith.constant 16 : i32
        %mul3A_342 = arith.muli %scan3A_129, %mul3A_341 : i32
        %get3A_343 = arith.constant 17 : i32
        %get3A_344 = arith.index_cast %get3A_343 : i32 to index
        %get3A_345 = arith.index_cast %mul3A_342 : i32 to index
        %get3A_346 = tpu.vector_load %arg4[%get3A_344, %get3A_345] {strides = array<i32>} : memref<64x256xf32, #tpu.memory_space<vmem>>, vector<16xf32>,
        tpu.vector_store_idx %arg6[%shift_right_logical3A_135, %and3A_340], %get3A_346 : memref<128x128xf32, #tpu.memory_space<vmem>>[vector<16xi32>, vector<16xi32>], vector<16xf32>,
        %add3A_347 = arith.constant 2 : i32
        %add3A_348 = vector.broadcast %add3A_347 : i32 to vector<16xi32>
        %add3A_349 = arith.addi %and3A_340, %add3A_348 : vector<16xi32>
        %and3A_350 = arith.constant 127 : i32
        %and3A_351 = vector.broadcast %and3A_350 : i32 to vector<16xi32>
        %and3A_352 = arith.andi %add3A_349, %and3A_351 : vector<16xi32>
        %mul3A_353 = arith.constant 16 : i32
        %mul3A_354 = arith.muli %scan3A_129, %mul3A_353 : i32
        %get3A_355 = arith.constant 18 : i32
        %get3A_356 = arith.index_cast %get3A_355 : i32 to index
        %get3A_357 = arith.index_cast %mul3A_354 : i32 to index
        %get3A_358 = tpu.vector_load %arg4[%get3A_356, %get3A_357] {strides = array<i32>} : memref<64x256xf32, #tpu.memory_space<vmem>>, vector<16xf32>,
        tpu.vector_store_idx %arg6[%shift_right_logical3A_135, %and3A_352], %get3A_358 : memref<128x128xf32, #tpu.memory_space<vmem>>[vector<16xi32>, vector<16xi32>], vector<16xf32>,
        %add3A_359 = arith.constant 2 : i32
        %add3A_360 = vector.broadcast %add3A_359 : i32 to vector<16xi32>
        %add3A_361 = arith.addi %and3A_352, %add3A_360 : vector<16xi32>
        %and3A_362 = arith.constant 127 : i32
        %and3A_363 = vector.broadcast %and3A_362 : i32 to vector<16xi32>
        %and3A_364 = arith.andi %add3A_361, %and3A_363 : vector<16xi32>
        %mul3A_365 = arith.constant 16 : i32
        %mul3A_366 = arith.muli %scan3A_129, %mul3A_365 : i32
        %get3A_367 = arith.constant 19 : i32
        %get3A_368 = arith.index_cast %get3A_367 : i32 to index
        %get3A_369 = arith.index_cast %mul3A_366 : i32 to index
        %get3A_370 = tpu.vector_load %arg4[%get3A_368, %get3A_369] {strides = array<i32>} : memref<64x256xf32, #tpu.memory_space<vmem>>, vector<16xf32>,
        tpu.vector_store_idx %arg6[%shift_right_logical3A_135, %and3A_364], %get3A_370 : memref<128x128xf32, #tpu.memory_space<vmem>>[vector<16xi32>, vector<16xi32>], vector<16xf32>,
        %add3A_371 = arith.constant 2 : i32
        %add3A_372 = vector.broadcast %add3A_371 : i32 to vector<16xi32>
        %add3A_373 = arith.addi %and3A_364, %add3A_372 : vector<16xi32>
        %and3A_374 = arith.constant 127 : i32
        %and3A_375 = vector.broadcast %and3A_374 : i32 to vector<16xi32>
        %and3A_376 = arith.andi %add3A_373, %and3A_375 : vector<16xi32>
        %mul3A_377 = arith.constant 16 : i32
        %mul3A_378 = arith.muli %scan3A_129, %mul3A_377 : i32
        %get3A_379 = arith.constant 20 : i32
        %get3A_380 = arith.index_cast %get3A_379 : i32 to index
        %get3A_381 = arith.index_cast %mul3A_378 : i32 to index
        %get3A_382 = tpu.vector_load %arg4[%get3A_380, %get3A_381] {strides = array<i32>} : memref<64x256xf32, #tpu.memory_space<vmem>>, vector<16xf32>,
        tpu.vector_store_idx %arg6[%shift_right_logical3A_135, %and3A_376], %get3A_382 : memref<128x128xf32, #tpu.memory_space<vmem>>[vector<16xi32>, vector<16xi32>], vector<16xf32>,
        %add3A_383 = arith.constant 2 : i32
        %add3A_384 = vector.broadcast %add3A_383 : i32 to vector<16xi32>
        %add3A_385 = arith.addi %and3A_376, %add3A_384 : vector<16xi32>
        %and3A_386 = arith.constant 127 : i32
        %and3A_387 = vector.broadcast %and3A_386 : i32 to vector<16xi32>
        %and3A_388 = arith.andi %add3A_385, %and3A_387 : vector<16xi32>
        %mul3A_389 = arith.constant 16 : i32
        %mul3A_390 = arith.muli %scan3A_129, %mul3A_389 : i32
        %get3A_391 = arith.constant 21 : i32
        %get3A_392 = arith.index_cast %get3A_391 : i32 to index
        %get3A_393 = arith.index_cast %mul3A_390 : i32 to index
        %get3A_394 = tpu.vector_load %arg4[%get3A_392, %get3A_393] {strides = array<i32>} : memref<64x256xf32, #tpu.memory_space<vmem>>, vector<16xf32>,
        tpu.vector_store_idx %arg6[%shift_right_logical3A_135, %and3A_388], %get3A_394 : memref<128x128xf32, #tpu.memory_space<vmem>>[vector<16xi32>, vector<16xi32>], vector<16xf32>,
        %add3A_395 = arith.constant 2 : i32
        %add3A_396 = vector.broadcast %add3A_395 : i32 to vector<16xi32>
        %add3A_397 = arith.addi %and3A_388, %add3A_396 : vector<16xi32>
        %and3A_398 = arith.constant 127 : i32
        %and3A_399 = vector.broadcast %and3A_398 : i32 to vector<16xi32>
        %and3A_400 = arith.andi %add3A_397, %and3A_399 : vector<16xi32>
        %mul3A_401 = arith.constant 16 : i32
        %mul3A_402 = arith.muli %scan3A_129, %mul3A_401 : i32
        %get3A_403 = arith.constant 22 : i32
        %get3A_404 = arith.index_cast %get3A_403 : i32 to index
        %get3A_405 = arith.index_cast %mul3A_402 : i32 to index
        %get3A_406 = tpu.vector_load %arg4[%get3A_404, %get3A_405] {strides = array<i32>} : memref<64x256xf32, #tpu.memory_space<vmem>>, vector<16xf32>,
        tpu.vector_store_idx %arg6[%shift_right_logical3A_135, %and3A_400], %get3A_406 : memref<128x128xf32, #tpu.memory_space<vmem>>[vector<16xi32>, vector<16xi32>], vector<16xf32>,
        %add3A_407 = arith.constant 2 : i32
        %add3A_408 = vector.broadcast %add3A_407 : i32 to vector<16xi32>
        %add3A_409 = arith.addi %and3A_400, %add3A_408 : vector<16xi32>
        %and3A_410 = arith.constant 127 : i32
        %and3A_411 = vector.broadcast %and3A_410 : i32 to vector<16xi32>
        %and3A_412 = arith.andi %add3A_409, %and3A_411 : vector<16xi32>
        %mul3A_413 = arith.constant 16 : i32
        %mul3A_414 = arith.muli %scan3A_129, %mul3A_413 : i32
        %get3A_415 = arith.constant 23 : i32
        %get3A_416 = arith.index_cast %get3A_415 : i32 to index
        %get3A_417 = arith.index_cast %mul3A_414 : i32 to index
        %get3A_418 = tpu.vector_load %arg4[%get3A_416, %get3A_417] {strides = array<i32>} : memref<64x256xf32, #tpu.memory_space<vmem>>, vector<16xf32>,
        tpu.vector_store_idx %arg6[%shift_right_logical3A_135, %and3A_412], %get3A_418 : memref<128x128xf32, #tpu.memory_space<vmem>>[vector<16xi32>, vector<16xi32>], vector<16xf32>,
        %add3A_419 = arith.constant 2 : i32
        %add3A_420 = vector.broadcast %add3A_419 : i32 to vector<16xi32>
        %add3A_421 = arith.addi %and3A_412, %add3A_420 : vector<16xi32>
        %and3A_422 = arith.constant 127 : i32
        %and3A_423 = vector.broadcast %and3A_422 : i32 to vector<16xi32>
        %and3A_424 = arith.andi %add3A_421, %and3A_423 : vector<16xi32>
        %mul3A_425 = arith.constant 16 : i32
        %mul3A_426 = arith.muli %scan3A_129, %mul3A_425 : i32
        %get3A_427 = arith.constant 24 : i32
        %get3A_428 = arith.index_cast %get3A_427 : i32 to index
        %get3A_429 = arith.index_cast %mul3A_426 : i32 to index
        %get3A_430 = tpu.vector_load %arg4[%get3A_428, %get3A_429] {strides = array<i32>} : memref<64x256xf32, #tpu.memory_space<vmem>>, vector<16xf32>,
        tpu.vector_store_idx %arg6[%shift_right_logical3A_135, %and3A_424], %get3A_430 : memref<128x128xf32, #tpu.memory_space<vmem>>[vector<16xi32>, vector<16xi32>], vector<16xf32>,
        %add3A_431 = arith.constant 2 : i32
        %add3A_432 = vector.broadcast %add3A_431 : i32 to vector<16xi32>
        %add3A_433 = arith.addi %and3A_424, %add3A_432 : vector<16xi32>
        %and3A_434 = arith.constant 127 : i32
        %and3A_435 = vector.broadcast %and3A_434 : i32 to vector<16xi32>
        %and3A_436 = arith.andi %add3A_433, %and3A_435 : vector<16xi32>
        %mul3A_437 = arith.constant 16 : i32
        %mul3A_438 = arith.muli %scan3A_129, %mul3A_437 : i32
        %get3A_439 = arith.constant 25 : i32
        %get3A_440 = arith.index_cast %get3A_439 : i32 to index
        %get3A_441 = arith.index_cast %mul3A_438 : i32 to index
        %get3A_442 = tpu.vector_load %arg4[%get3A_440, %get3A_441] {strides = array<i32>} : memref<64x256xf32, #tpu.memory_space<vmem>>, vector<16xf32>,
        tpu.vector_store_idx %arg6[%shift_right_logical3A_135, %and3A_436], %get3A_442 : memref<128x128xf32, #tpu.memory_space<vmem>>[vector<16xi32>, vector<16xi32>], vector<16xf32>,
        %add3A_443 = arith.constant 2 : i32
        %add3A_444 = vector.broadcast %add3A_443 : i32 to vector<16xi32>
        %add3A_445 = arith.addi %and3A_436, %add3A_444 : vector<16xi32>
        %and3A_446 = arith.constant 127 : i32
        %and3A_447 = vector.broadcast %and3A_446 : i32 to vector<16xi32>
        %and3A_448 = arith.andi %add3A_445, %and3A_447 : vector<16xi32>
        %mul3A_449 = arith.constant 16 : i32
        %mul3A_450 = arith.muli %scan3A_129, %mul3A_449 : i32
        %get3A_451 = arith.constant 26 : i32
        %get3A_452 = arith.index_cast %get3A_451 : i32 to index
        %get3A_453 = arith.index_cast %mul3A_450 : i32 to index
        %get3A_454 = tpu.vector_load %arg4[%get3A_452, %get3A_453] {strides = array<i32>} : memref<64x256xf32, #tpu.memory_space<vmem>>, vector<16xf32>,
        tpu.vector_store_idx %arg6[%shift_right_logical3A_135, %and3A_448], %get3A_454 : memref<128x128xf32, #tpu.memory_space<vmem>>[vector<16xi32>, vector<16xi32>], vector<16xf32>,
        %add3A_455 = arith.constant 2 : i32
        %add3A_456 = vector.broadcast %add3A_455 : i32 to vector<16xi32>
        %add3A_457 = arith.addi %and3A_448, %add3A_456 : vector<16xi32>
        %and3A_458 = arith.constant 127 : i32
        %and3A_459 = vector.broadcast %and3A_458 : i32 to vector<16xi32>
        %and3A_460 = arith.andi %add3A_457, %and3A_459 : vector<16xi32>
        %mul3A_461 = arith.constant 16 : i32
        %mul3A_462 = arith.muli %scan3A_129, %mul3A_461 : i32
        %get3A_463 = arith.constant 27 : i32
        %get3A_464 = arith.index_cast %get3A_463 : i32 to index
        %get3A_465 = arith.index_cast %mul3A_462 : i32 to index
        %get3A_466 = tpu.vector_load %arg4[%get3A_464, %get3A_465] {strides = array<i32>} : memref<64x256xf32, #tpu.memory_space<vmem>>, vector<16xf32>,
        tpu.vector_store_idx %arg6[%shift_right_logical3A_135, %and3A_460], %get3A_466 : memref<128x128xf32, #tpu.memory_space<vmem>>[vector<16xi32>, vector<16xi32>], vector<16xf32>,
        %add3A_467 = arith.constant 2 : i32
        %add3A_468 = vector.broadcast %add3A_467 : i32 to vector<16xi32>
        %add3A_469 = arith.addi %and3A_460, %add3A_468 : vector<16xi32>
        %and3A_470 = arith.constant 127 : i32
        %and3A_471 = vector.broadcast %and3A_470 : i32 to vector<16xi32>
        %and3A_472 = arith.andi %add3A_469, %and3A_471 : vector<16xi32>
        %mul3A_473 = arith.constant 16 : i32
        %mul3A_474 = arith.muli %scan3A_129, %mul3A_473 : i32
        %get3A_475 = arith.constant 28 : i32
        %get3A_476 = arith.index_cast %get3A_475 : i32 to index
        %get3A_477 = arith.index_cast %mul3A_474 : i32 to index
        %get3A_478 = tpu.vector_load %arg4[%get3A_476, %get3A_477] {strides = array<i32>} : memref<64x256xf32, #tpu.memory_space<vmem>>, vector<16xf32>,
        tpu.vector_store_idx %arg6[%shift_right_logical3A_135, %and3A_472], %get3A_478 : memref<128x128xf32, #tpu.memory_space<vmem>>[vector<16xi32>, vector<16xi32>], vector<16xf32>,
        %add3A_479 = arith.constant 2 : i32
        %add3A_480 = vector.broadcast %add3A_479 : i32 to vector<16xi32>
        %add3A_481 = arith.addi %and3A_472, %add3A_480 : vector<16xi32>
        %and3A_482 = arith.constant 127 : i32
        %and3A_483 = vector.broadcast %and3A_482 : i32 to vector<16xi32>
        %and3A_484 = arith.andi %add3A_481, %and3A_483 : vector<16xi32>
        %mul3A_485 = arith.constant 16 : i32
        %mul3A_486 = arith.muli %scan3A_129, %mul3A_485 : i32
        %get3A_487 = arith.constant 29 : i32
        %get3A_488 = arith.index_cast %get3A_487 : i32 to index
        %get3A_489 = arith.index_cast %mul3A_486 : i32 to index
        %get3A_490 = tpu.vector_load %arg4[%get3A_488, %get3A_489] {strides = array<i32>} : memref<64x256xf32, #tpu.memory_space<vmem>>, vector<16xf32>,
        tpu.vector_store_idx %arg6[%shift_right_logical3A_135, %and3A_484], %get3A_490 : memref<128x128xf32, #tpu.memory_space<vmem>>[vector<16xi32>, vector<16xi32>], vector<16xf32>,
        %add3A_491 = arith.constant 2 : i32
        %add3A_492 = vector.broadcast %add3A_491 : i32 to vector<16xi32>
        %add3A_493 = arith.addi %and3A_484, %add3A_492 : vector<16xi32>
        %and3A_494 = arith.constant 127 : i32
        %and3A_495 = vector.broadcast %and3A_494 : i32 to vector<16xi32>
        %and3A_496 = arith.andi %add3A_493, %and3A_495 : vector<16xi32>
        %mul3A_497 = arith.constant 16 : i32
        %mul3A_498 = arith.muli %scan3A_129, %mul3A_497 : i32
        %get3A_499 = arith.constant 30 : i32
        %get3A_500 = arith.index_cast %get3A_499 : i32 to index
        %get3A_501 = arith.index_cast %mul3A_498 : i32 to index
        %get3A_502 = tpu.vector_load %arg4[%get3A_500, %get3A_501] {strides = array<i32>} : memref<64x256xf32, #tpu.memory_space<vmem>>, vector<16xf32>,
        tpu.vector_store_idx %arg6[%shift_right_logical3A_135, %and3A_496], %get3A_502 : memref<128x128xf32, #tpu.memory_space<vmem>>[vector<16xi32>, vector<16xi32>], vector<16xf32>,
        %add3A_503 = arith.constant 2 : i32
        %add3A_504 = vector.broadcast %add3A_503 : i32 to vector<16xi32>
        %add3A_505 = arith.addi %and3A_496, %add3A_504 : vector<16xi32>
        %and3A_506 = arith.constant 127 : i32
        %and3A_507 = vector.broadcast %and3A_506 : i32 to vector<16xi32>
        %and3A_508 = arith.andi %add3A_505, %and3A_507 : vector<16xi32>
        %mul3A_509 = arith.constant 16 : i32
        %mul3A_510 = arith.muli %scan3A_129, %mul3A_509 : i32
        %get3A_511 = arith.constant 31 : i32
        %get3A_512 = arith.index_cast %get3A_511 : i32 to index
        %get3A_513 = arith.index_cast %mul3A_510 : i32 to index
        %get3A_514 = tpu.vector_load %arg4[%get3A_512, %get3A_513] {strides = array<i32>} : memref<64x256xf32, #tpu.memory_space<vmem>>, vector<16xf32>,
        tpu.vector_store_idx %arg6[%shift_right_logical3A_135, %and3A_508], %get3A_514 : memref<128x128xf32, #tpu.memory_space<vmem>>[vector<16xi32>, vector<16xi32>], vector<16xf32>,
        %add3A_515 = arith.constant 2 : i32
        %add3A_516 = vector.broadcast %add3A_515 : i32 to vector<16xi32>
        %add3A_517 = arith.addi %and3A_508, %add3A_516 : vector<16xi32>
        %and3A_518 = arith.constant 127 : i32
        %and3A_519 = vector.broadcast %and3A_518 : i32 to vector<16xi32>
        %and3A_520 = arith.andi %add3A_517, %and3A_519 : vector<16xi32>
        %mul3A_521 = arith.constant 16 : i32
        %mul3A_522 = arith.muli %scan3A_129, %mul3A_521 : i32
        %get3A_523 = arith.constant 32 : i32
        %get3A_524 = arith.index_cast %get3A_523 : i32 to index
        %get3A_525 = arith.index_cast %mul3A_522 : i32 to index
        %get3A_526 = tpu.vector_load %arg4[%get3A_524, %get3A_525] {strides = array<i32>} : memref<64x256xf32, #tpu.memory_space<vmem>>, vector<16xf32>,
        tpu.vector_store_idx %arg6[%shift_right_logical3A_135, %and3A_520], %get3A_526 : memref<128x128xf32, #tpu.memory_space<vmem>>[vector<16xi32>, vector<16xi32>], vector<16xf32>,
        %add3A_527 = arith.constant 2 : i32
        %add3A_528 = vector.broadcast %add3A_527 : i32 to vector<16xi32>
        %add3A_529 = arith.addi %and3A_520, %add3A_528 : vector<16xi32>
        %and3A_530 = arith.constant 127 : i32
        %and3A_531 = vector.broadcast %and3A_530 : i32 to vector<16xi32>
        %and3A_532 = arith.andi %add3A_529, %and3A_531 : vector<16xi32>
        %mul3A_533 = arith.constant 16 : i32
        %mul3A_534 = arith.muli %scan3A_129, %mul3A_533 : i32
        %get3A_535 = arith.constant 33 : i32
        %get3A_536 = arith.index_cast %get3A_535 : i32 to index
        %get3A_537 = arith.index_cast %mul3A_534 : i32 to index
        %get3A_538 = tpu.vector_load %arg4[%get3A_536, %get3A_537] {strides = array<i32>} : memref<64x256xf32, #tpu.memory_space<vmem>>, vector<16xf32>,
        tpu.vector_store_idx %arg6[%shift_right_logical3A_135, %and3A_532], %get3A_538 : memref<128x128xf32, #tpu.memory_space<vmem>>[vector<16xi32>, vector<16xi32>], vector<16xf32>,
        %add3A_539 = arith.constant 2 : i32
        %add3A_540 = vector.broadcast %add3A_539 : i32 to vector<16xi32>
        %add3A_541 = arith.addi %and3A_532, %add3A_540 : vector<16xi32>
        %and3A_542 = arith.constant 127 : i32
        %and3A_543 = vector.broadcast %and3A_542 : i32 to vector<16xi32>
        %and3A_544 = arith.andi %add3A_541, %and3A_543 : vector<16xi32>
        %mul3A_545 = arith.constant 16 : i32
        %mul3A_546 = arith.muli %scan3A_129, %mul3A_545 : i32
        %get3A_547 = arith.constant 34 : i32
        %get3A_548 = arith.index_cast %get3A_547 : i32 to index
        %get3A_549 = arith.index_cast %mul3A_546 : i32 to index
        %get3A_550 = tpu.vector_load %arg4[%get3A_548, %get3A_549] {strides = array<i32>} : memref<64x256xf32, #tpu.memory_space<vmem>>, vector<16xf32>,
        tpu.vector_store_idx %arg6[%shift_right_logical3A_135, %and3A_544], %get3A_550 : memref<128x128xf32, #tpu.memory_space<vmem>>[vector<16xi32>, vector<16xi32>], vector<16xf32>,
        %add3A_551 = arith.constant 2 : i32
        %add3A_552 = vector.broadcast %add3A_551 : i32 to vector<16xi32>
        %add3A_553 = arith.addi %and3A_544, %add3A_552 : vector<16xi32>
        %and3A_554 = arith.constant 127 : i32
        %and3A_555 = vector.broadcast %and3A_554 : i32 to vector<16xi32>
        %and3A_556 = arith.andi %add3A_553, %and3A_555 : vector<16xi32>
        %mul3A_557 = arith.constant 16 : i32
        %mul3A_558 = arith.muli %scan3A_129, %mul3A_557 : i32
        %get3A_559 = arith.constant 35 : i32
        %get3A_560 = arith.index_cast %get3A_559 : i32 to index
        %get3A_561 = arith.index_cast %mul3A_558 : i32 to index
        %get3A_562 = tpu.vector_load %arg4[%get3A_560, %get3A_561] {strides = array<i32>} : memref<64x256xf32, #tpu.memory_space<vmem>>, vector<16xf32>,
        tpu.vector_store_idx %arg6[%shift_right_logical3A_135, %and3A_556], %get3A_562 : memref<128x128xf32, #tpu.memory_space<vmem>>[vector<16xi32>, vector<16xi32>], vector<16xf32>,
        %add3A_563 = arith.constant 2 : i32
        %add3A_564 = vector.broadcast %add3A_563 : i32 to vector<16xi32>
        %add3A_565 = arith.addi %and3A_556, %add3A_564 : vector<16xi32>
        %and3A_566 = arith.constant 127 : i32
        %and3A_567 = vector.broadcast %and3A_566 : i32 to vector<16xi32>
        %and3A_568 = arith.andi %add3A_565, %and3A_567 : vector<16xi32>
        %mul3A_569 = arith.constant 16 : i32
        %mul3A_570 = arith.muli %scan3A_129, %mul3A_569 : i32
        %get3A_571 = arith.constant 36 : i32
        %get3A_572 = arith.index_cast %get3A_571 : i32 to index
        %get3A_573 = arith.index_cast %mul3A_570 : i32 to index
        %get3A_574 = tpu.vector_load %arg4[%get3A_572, %get3A_573] {strides = array<i32>} : memref<64x256xf32, #tpu.memory_space<vmem>>, vector<16xf32>,
        tpu.vector_store_idx %arg6[%shift_right_logical3A_135, %and3A_568], %get3A_574 : memref<128x128xf32, #tpu.memory_space<vmem>>[vector<16xi32>, vector<16xi32>], vector<16xf32>,
        %add3A_575 = arith.constant 2 : i32
        %add3A_576 = vector.broadcast %add3A_575 : i32 to vector<16xi32>
        %add3A_577 = arith.addi %and3A_568, %add3A_576 : vector<16xi32>
        %and3A_578 = arith.constant 127 : i32
        %and3A_579 = vector.broadcast %and3A_578 : i32 to vector<16xi32>
        %and3A_580 = arith.andi %add3A_577, %and3A_579 : vector<16xi32>
        %mul3A_581 = arith.constant 16 : i32
        %mul3A_582 = arith.muli %scan3A_129, %mul3A_581 : i32
        %get3A_583 = arith.constant 37 : i32
        %get3A_584 = arith.index_cast %get3A_583 : i32 to index
        %get3A_585 = arith.index_cast %mul3A_582 : i32 to index
        %get3A_586 = tpu.vector_load %arg4[%get3A_584, %get3A_585] {strides = array<i32>} : memref<64x256xf32, #tpu.memory_space<vmem>>, vector<16xf32>,
        tpu.vector_store_idx %arg6[%shift_right_logical3A_135, %and3A_580], %get3A_586 : memref<128x128xf32, #tpu.memory_space<vmem>>[vector<16xi32>, vector<16xi32>], vector<16xf32>,
        %add3A_587 = arith.constant 2 : i32
        %add3A_588 = vector.broadcast %add3A_587 : i32 to vector<16xi32>
        %add3A_589 = arith.addi %and3A_580, %add3A_588 : vector<16xi32>
        %and3A_590 = arith.constant 127 : i32
        %and3A_591 = vector.broadcast %and3A_590 : i32 to vector<16xi32>
        %and3A_592 = arith.andi %add3A_589, %and3A_591 : vector<16xi32>
        %mul3A_593 = arith.constant 16 : i32
        %mul3A_594 = arith.muli %scan3A_129, %mul3A_593 : i32
        %get3A_595 = arith.constant 38 : i32
        %get3A_596 = arith.index_cast %get3A_595 : i32 to index
        %get3A_597 = arith.index_cast %mul3A_594 : i32 to index
        %get3A_598 = tpu.vector_load %arg4[%get3A_596, %get3A_597] {strides = array<i32>} : memref<64x256xf32, #tpu.memory_space<vmem>>, vector<16xf32>,
        tpu.vector_store_idx %arg6[%shift_right_logical3A_135, %and3A_592], %get3A_598 : memref<128x128xf32, #tpu.memory_space<vmem>>[vector<16xi32>, vector<16xi32>], vector<16xf32>,
        %add3A_599 = arith.constant 2 : i32
        %add3A_600 = vector.broadcast %add3A_599 : i32 to vector<16xi32>
        %add3A_601 = arith.addi %and3A_592, %add3A_600 : vector<16xi32>
        %and3A_602 = arith.constant 127 : i32
        %and3A_603 = vector.broadcast %and3A_602 : i32 to vector<16xi32>
        %and3A_604 = arith.andi %add3A_601, %and3A_603 : vector<16xi32>
        %mul3A_605 = arith.constant 16 : i32
        %mul3A_606 = arith.muli %scan3A_129, %mul3A_605 : i32
        %get3A_607 = arith.constant 39 : i32
        %get3A_608 = arith.index_cast %get3A_607 : i32 to index
        %get3A_609 = arith.index_cast %mul3A_606 : i32 to index
        %get3A_610 = tpu.vector_load %arg4[%get3A_608, %get3A_609] {strides = array<i32>} : memref<64x256xf32, #tpu.memory_space<vmem>>, vector<16xf32>,
        tpu.vector_store_idx %arg6[%shift_right_logical3A_135, %and3A_604], %get3A_610 : memref<128x128xf32, #tpu.memory_space<vmem>>[vector<16xi32>, vector<16xi32>], vector<16xf32>,
        %add3A_611 = arith.constant 2 : i32
        %add3A_612 = vector.broadcast %add3A_611 : i32 to vector<16xi32>
        %add3A_613 = arith.addi %and3A_604, %add3A_612 : vector<16xi32>
        %and3A_614 = arith.constant 127 : i32
        %and3A_615 = vector.broadcast %and3A_614 : i32 to vector<16xi32>
        %and3A_616 = arith.andi %add3A_613, %and3A_615 : vector<16xi32>
        %mul3A_617 = arith.constant 16 : i32
        %mul3A_618 = arith.muli %scan3A_129, %mul3A_617 : i32
        %get3A_619 = arith.constant 40 : i32
        %get3A_620 = arith.index_cast %get3A_619 : i32 to index
        %get3A_621 = arith.index_cast %mul3A_618 : i32 to index
        %get3A_622 = tpu.vector_load %arg4[%get3A_620, %get3A_621] {strides = array<i32>} : memref<64x256xf32, #tpu.memory_space<vmem>>, vector<16xf32>,
        tpu.vector_store_idx %arg6[%shift_right_logical3A_135, %and3A_616], %get3A_622 : memref<128x128xf32, #tpu.memory_space<vmem>>[vector<16xi32>, vector<16xi32>], vector<16xf32>,
        %add3A_623 = arith.constant 2 : i32
        %add3A_624 = vector.broadcast %add3A_623 : i32 to vector<16xi32>
        %add3A_625 = arith.addi %and3A_616, %add3A_624 : vector<16xi32>
        %and3A_626 = arith.constant 127 : i32
        %and3A_627 = vector.broadcast %and3A_626 : i32 to vector<16xi32>
        %and3A_628 = arith.andi %add3A_625, %and3A_627 : vector<16xi32>
        %mul3A_629 = arith.constant 16 : i32
        %mul3A_630 = arith.muli %scan3A_129, %mul3A_629 : i32
        %get3A_631 = arith.constant 41 : i32
        %get3A_632 = arith.index_cast %get3A_631 : i32 to index
        %get3A_633 = arith.index_cast %mul3A_630 : i32 to index
        %get3A_634 = tpu.vector_load %arg4[%get3A_632, %get3A_633] {strides = array<i32>} : memref<64x256xf32, #tpu.memory_space<vmem>>, vector<16xf32>,
        tpu.vector_store_idx %arg6[%shift_right_logical3A_135, %and3A_628], %get3A_634 : memref<128x128xf32, #tpu.memory_space<vmem>>[vector<16xi32>, vector<16xi32>], vector<16xf32>,
        %add3A_635 = arith.constant 2 : i32
        %add3A_636 = vector.broadcast %add3A_635 : i32 to vector<16xi32>
        %add3A_637 = arith.addi %and3A_628, %add3A_636 : vector<16xi32>
        %and3A_638 = arith.constant 127 : i32
        %and3A_639 = vector.broadcast %and3A_638 : i32 to vector<16xi32>
        %and3A_640 = arith.andi %add3A_637, %and3A_639 : vector<16xi32>
        %mul3A_641 = arith.constant 16 : i32
        %mul3A_642 = arith.muli %scan3A_129, %mul3A_641 : i32
        %get3A_643 = arith.constant 42 : i32
        %get3A_644 = arith.index_cast %get3A_643 : i32 to index
        %get3A_645 = arith.index_cast %mul3A_642 : i32 to index
        %get3A_646 = tpu.vector_load %arg4[%get3A_644, %get3A_645] {strides = array<i32>} : memref<64x256xf32, #tpu.memory_space<vmem>>, vector<16xf32>,
        tpu.vector_store_idx %arg6[%shift_right_logical3A_135, %and3A_640], %get3A_646 : memref<128x128xf32, #tpu.memory_space<vmem>>[vector<16xi32>, vector<16xi32>], vector<16xf32>,
        %add3A_647 = arith.constant 2 : i32
        %add3A_648 = vector.broadcast %add3A_647 : i32 to vector<16xi32>
        %add3A_649 = arith.addi %and3A_640, %add3A_648 : vector<16xi32>
        %and3A_650 = arith.constant 127 : i32
        %and3A_651 = vector.broadcast %and3A_650 : i32 to vector<16xi32>
        %and3A_652 = arith.andi %add3A_649, %and3A_651 : vector<16xi32>
        %mul3A_653 = arith.constant 16 : i32
        %mul3A_654 = arith.muli %scan3A_129, %mul3A_653 : i32
        %get3A_655 = arith.constant 43 : i32
        %get3A_656 = arith.index_cast %get3A_655 : i32 to index
        %get3A_657 = arith.index_cast %mul3A_654 : i32 to index
        %get3A_658 = tpu.vector_load %arg4[%get3A_656, %get3A_657] {strides = array<i32>} : memref<64x256xf32, #tpu.memory_space<vmem>>, vector<16xf32>,
        tpu.vector_store_idx %arg6[%shift_right_logical3A_135, %and3A_652], %get3A_658 : memref<128x128xf32, #tpu.memory_space<vmem>>[vector<16xi32>, vector<16xi32>], vector<16xf32>,
        %add3A_659 = arith.constant 2 : i32
        %add3A_660 = vector.broadcast %add3A_659 : i32 to vector<16xi32>
        %add3A_661 = arith.addi %and3A_652, %add3A_660 : vector<16xi32>
        %and3A_662 = arith.constant 127 : i32
        %and3A_663 = vector.broadcast %and3A_662 : i32 to vector<16xi32>
        %and3A_664 = arith.andi %add3A_661, %and3A_663 : vector<16xi32>
        %mul3A_665 = arith.constant 16 : i32
        %mul3A_666 = arith.muli %scan3A_129, %mul3A_665 : i32
        %get3A_667 = arith.constant 44 : i32
        %get3A_668 = arith.index_cast %get3A_667 : i32 to index
        %get3A_669 = arith.index_cast %mul3A_666 : i32 to index
        %get3A_670 = tpu.vector_load %arg4[%get3A_668, %get3A_669] {strides = array<i32>} : memref<64x256xf32, #tpu.memory_space<vmem>>, vector<16xf32>,
        tpu.vector_store_idx %arg6[%shift_right_logical3A_135, %and3A_664], %get3A_670 : memref<128x128xf32, #tpu.memory_space<vmem>>[vector<16xi32>, vector<16xi32>], vector<16xf32>,
        %add3A_671 = arith.constant 2 : i32
        %add3A_672 = vector.broadcast %add3A_671 : i32 to vector<16xi32>
        %add3A_673 = arith.addi %and3A_664, %add3A_672 : vector<16xi32>
        %and3A_674 = arith.constant 127 : i32
        %and3A_675 = vector.broadcast %and3A_674 : i32 to vector<16xi32>
        %and3A_676 = arith.andi %add3A_673, %and3A_675 : vector<16xi32>
        %mul3A_677 = arith.constant 16 : i32
        %mul3A_678 = arith.muli %scan3A_129, %mul3A_677 : i32
        %get3A_679 = arith.constant 45 : i32
        %get3A_680 = arith.index_cast %get3A_679 : i32 to index
        %get3A_681 = arith.index_cast %mul3A_678 : i32 to index
        %get3A_682 = tpu.vector_load %arg4[%get3A_680, %get3A_681] {strides = array<i32>} : memref<64x256xf32, #tpu.memory_space<vmem>>, vector<16xf32>,
        tpu.vector_store_idx %arg6[%shift_right_logical3A_135, %and3A_676], %get3A_682 : memref<128x128xf32, #tpu.memory_space<vmem>>[vector<16xi32>, vector<16xi32>], vector<16xf32>,
        %add3A_683 = arith.constant 2 : i32
        %add3A_684 = vector.broadcast %add3A_683 : i32 to vector<16xi32>
        %add3A_685 = arith.addi %and3A_676, %add3A_684 : vector<16xi32>
        %and3A_686 = arith.constant 127 : i32
        %and3A_687 = vector.broadcast %and3A_686 : i32 to vector<16xi32>
        %and3A_688 = arith.andi %add3A_685, %and3A_687 : vector<16xi32>
        %mul3A_689 = arith.constant 16 : i32
        %mul3A_690 = arith.muli %scan3A_129, %mul3A_689 : i32
        %get3A_691 = arith.constant 46 : i32
        %get3A_692 = arith.index_cast %get3A_691 : i32 to index
        %get3A_693 = arith.index_cast %mul3A_690 : i32 to index
        %get3A_694 = tpu.vector_load %arg4[%get3A_692, %get3A_693] {strides = array<i32>} : memref<64x256xf32, #tpu.memory_space<vmem>>, vector<16xf32>,
        tpu.vector_store_idx %arg6[%shift_right_logical3A_135, %and3A_688], %get3A_694 : memref<128x128xf32, #tpu.memory_space<vmem>>[vector<16xi32>, vector<16xi32>], vector<16xf32>,
        %add3A_695 = arith.constant 2 : i32
        %add3A_696 = vector.broadcast %add3A_695 : i32 to vector<16xi32>
        %add3A_697 = arith.addi %and3A_688, %add3A_696 : vector<16xi32>
        %and3A_698 = arith.constant 127 : i32
        %and3A_699 = vector.broadcast %and3A_698 : i32 to vector<16xi32>
        %and3A_700 = arith.andi %add3A_697, %and3A_699 : vector<16xi32>
        %mul3A_701 = arith.constant 16 : i32
        %mul3A_702 = arith.muli %scan3A_129, %mul3A_701 : i32
        %get3A_703 = arith.constant 47 : i32
        %get3A_704 = arith.index_cast %get3A_703 : i32 to index
        %get3A_705 = arith.index_cast %mul3A_702 : i32 to index
        %get3A_706 = tpu.vector_load %arg4[%get3A_704, %get3A_705] {strides = array<i32>} : memref<64x256xf32, #tpu.memory_space<vmem>>, vector<16xf32>,
        tpu.vector_store_idx %arg6[%shift_right_logical3A_135, %and3A_700], %get3A_706 : memref<128x128xf32, #tpu.memory_space<vmem>>[vector<16xi32>, vector<16xi32>], vector<16xf32>,
        %add3A_707 = arith.constant 2 : i32
        %add3A_708 = vector.broadcast %add3A_707 : i32 to vector<16xi32>
        %add3A_709 = arith.addi %and3A_700, %add3A_708 : vector<16xi32>
        %and3A_710 = arith.constant 127 : i32
        %and3A_711 = vector.broadcast %and3A_710 : i32 to vector<16xi32>
        %and3A_712 = arith.andi %add3A_709, %and3A_711 : vector<16xi32>
        %mul3A_713 = arith.constant 16 : i32
        %mul3A_714 = arith.muli %scan3A_129, %mul3A_713 : i32
        %get3A_715 = arith.constant 48 : i32
        %get3A_716 = arith.index_cast %get3A_715 : i32 to index
        %get3A_717 = arith.index_cast %mul3A_714 : i32 to index
        %get3A_718 = tpu.vector_load %arg4[%get3A_716, %get3A_717] {strides = array<i32>} : memref<64x256xf32, #tpu.memory_space<vmem>>, vector<16xf32>,
        tpu.vector_store_idx %arg6[%shift_right_logical3A_135, %and3A_712], %get3A_718 : memref<128x128xf32, #tpu.memory_space<vmem>>[vector<16xi32>, vector<16xi32>], vector<16xf32>,
        %add3A_719 = arith.constant 2 : i32
        %add3A_720 = vector.broadcast %add3A_719 : i32 to vector<16xi32>
        %add3A_721 = arith.addi %and3A_712, %add3A_720 : vector<16xi32>
        %and3A_722 = arith.constant 127 : i32
        %and3A_723 = vector.broadcast %and3A_722 : i32 to vector<16xi32>
        %and3A_724 = arith.andi %add3A_721, %and3A_723 : vector<16xi32>
        %mul3A_725 = arith.constant 16 : i32
        %mul3A_726 = arith.muli %scan3A_129, %mul3A_725 : i32
        %get3A_727 = arith.constant 49 : i32
        %get3A_728 = arith.index_cast %get3A_727 : i32 to index
        %get3A_729 = arith.index_cast %mul3A_726 : i32 to index
        %get3A_730 = tpu.vector_load %arg4[%get3A_728, %get3A_729] {strides = array<i32>} : memref<64x256xf32, #tpu.memory_space<vmem>>, vector<16xf32>,
        tpu.vector_store_idx %arg6[%shift_right_logical3A_135, %and3A_724], %get3A_730 : memref<128x128xf32, #tpu.memory_space<vmem>>[vector<16xi32>, vector<16xi32>], vector<16xf32>,
        %add3A_731 = arith.constant 2 : i32
        %add3A_732 = vector.broadcast %add3A_731 : i32 to vector<16xi32>
        %add3A_733 = arith.addi %and3A_724, %add3A_732 : vector<16xi32>
        %and3A_734 = arith.constant 127 : i32
        %and3A_735 = vector.broadcast %and3A_734 : i32 to vector<16xi32>
        %and3A_736 = arith.andi %add3A_733, %and3A_735 : vector<16xi32>
        %mul3A_737 = arith.constant 16 : i32
        %mul3A_738 = arith.muli %scan3A_129, %mul3A_737 : i32
        %get3A_739 = arith.constant 50 : i32
        %get3A_740 = arith.index_cast %get3A_739 : i32 to index
        %get3A_741 = arith.index_cast %mul3A_738 : i32 to index
        %get3A_742 = tpu.vector_load %arg4[%get3A_740, %get3A_741] {strides = array<i32>} : memref<64x256xf32, #tpu.memory_space<vmem>>, vector<16xf32>,
        tpu.vector_store_idx %arg6[%shift_right_logical3A_135, %and3A_736], %get3A_742 : memref<128x128xf32, #tpu.memory_space<vmem>>[vector<16xi32>, vector<16xi32>], vector<16xf32>,
        %add3A_743 = arith.constant 2 : i32
        %add3A_744 = vector.broadcast %add3A_743 : i32 to vector<16xi32>
        %add3A_745 = arith.addi %and3A_736, %add3A_744 : vector<16xi32>
        %and3A_746 = arith.constant 127 : i32
        %and3A_747 = vector.broadcast %and3A_746 : i32 to vector<16xi32>
        %and3A_748 = arith.andi %add3A_745, %and3A_747 : vector<16xi32>
        %mul3A_749 = arith.constant 16 : i32
        %mul3A_750 = arith.muli %scan3A_129, %mul3A_749 : i32
        %get3A_751 = arith.constant 51 : i32
        %get3A_752 = arith.index_cast %get3A_751 : i32 to index
        %get3A_753 = arith.index_cast %mul3A_750 : i32 to index
        %get3A_754 = tpu.vector_load %arg4[%get3A_752, %get3A_753] {strides = array<i32>} : memref<64x256xf32, #tpu.memory_space<vmem>>, vector<16xf32>,
        tpu.vector_store_idx %arg6[%shift_right_logical3A_135, %and3A_748], %get3A_754 : memref<128x128xf32, #tpu.memory_space<vmem>>[vector<16xi32>, vector<16xi32>], vector<16xf32>,
        %add3A_755 = arith.constant 2 : i32
        %add3A_756 = vector.broadcast %add3A_755 : i32 to vector<16xi32>
        %add3A_757 = arith.addi %and3A_748, %add3A_756 : vector<16xi32>
        %and3A_758 = arith.constant 127 : i32
        %and3A_759 = vector.broadcast %and3A_758 : i32 to vector<16xi32>
        %and3A_760 = arith.andi %add3A_757, %and3A_759 : vector<16xi32>
        %mul3A_761 = arith.constant 16 : i32
        %mul3A_762 = arith.muli %scan3A_129, %mul3A_761 : i32
        %get3A_763 = arith.constant 52 : i32
        %get3A_764 = arith.index_cast %get3A_763 : i32 to index
        %get3A_765 = arith.index_cast %mul3A_762 : i32 to index
        %get3A_766 = tpu.vector_load %arg4[%get3A_764, %get3A_765] {strides = array<i32>} : memref<64x256xf32, #tpu.memory_space<vmem>>, vector<16xf32>,
        tpu.vector_store_idx %arg6[%shift_right_logical3A_135, %and3A_760], %get3A_766 : memref<128x128xf32, #tpu.memory_space<vmem>>[vector<16xi32>, vector<16xi32>], vector<16xf32>,
        %add3A_767 = arith.constant 2 : i32
        %add3A_768 = vector.broadcast %add3A_767 : i32 to vector<16xi32>
        %add3A_769 = arith.addi %and3A_760, %add3A_768 : vector<16xi32>
        %and3A_770 = arith.constant 127 : i32
        %and3A_771 = vector.broadcast %and3A_770 : i32 to vector<16xi32>
        %and3A_772 = arith.andi %add3A_769, %and3A_771 : vector<16xi32>
        %mul3A_773 = arith.constant 16 : i32
        %mul3A_774 = arith.muli %scan3A_129, %mul3A_773 : i32
        %get3A_775 = arith.constant 53 : i32
        %get3A_776 = arith.index_cast %get3A_775 : i32 to index
        %get3A_777 = arith.index_cast %mul3A_774 : i32 to index
        %get3A_778 = tpu.vector_load %arg4[%get3A_776, %get3A_777] {strides = array<i32>} : memref<64x256xf32, #tpu.memory_space<vmem>>, vector<16xf32>,
        tpu.vector_store_idx %arg6[%shift_right_logical3A_135, %and3A_772], %get3A_778 : memref<128x128xf32, #tpu.memory_space<vmem>>[vector<16xi32>, vector<16xi32>], vector<16xf32>,
        %add3A_779 = arith.constant 2 : i32
        %add3A_780 = vector.broadcast %add3A_779 : i32 to vector<16xi32>
        %add3A_781 = arith.addi %and3A_772, %add3A_780 : vector<16xi32>
        %and3A_782 = arith.constant 127 : i32
        %and3A_783 = vector.broadcast %and3A_782 : i32 to vector<16xi32>
        %and3A_784 = arith.andi %add3A_781, %and3A_783 : vector<16xi32>
        %mul3A_785 = arith.constant 16 : i32
        %mul3A_786 = arith.muli %scan3A_129, %mul3A_785 : i32
        %get3A_787 = arith.constant 54 : i32
        %get3A_788 = arith.index_cast %get3A_787 : i32 to index
        %get3A_789 = arith.index_cast %mul3A_786 : i32 to index
        %get3A_790 = tpu.vector_load %arg4[%get3A_788, %get3A_789] {strides = array<i32>} : memref<64x256xf32, #tpu.memory_space<vmem>>, vector<16xf32>,
        tpu.vector_store_idx %arg6[%shift_right_logical3A_135, %and3A_784], %get3A_790 : memref<128x128xf32, #tpu.memory_space<vmem>>[vector<16xi32>, vector<16xi32>], vector<16xf32>,
        %add3A_791 = arith.constant 2 : i32
        %add3A_792 = vector.broadcast %add3A_791 : i32 to vector<16xi32>
        %add3A_793 = arith.addi %and3A_784, %add3A_792 : vector<16xi32>
        %and3A_794 = arith.constant 127 : i32
        %and3A_795 = vector.broadcast %and3A_794 : i32 to vector<16xi32>
        %and3A_796 = arith.andi %add3A_793, %and3A_795 : vector<16xi32>
        %mul3A_797 = arith.constant 16 : i32
        %mul3A_798 = arith.muli %scan3A_129, %mul3A_797 : i32
        %get3A_799 = arith.constant 55 : i32
        %get3A_800 = arith.index_cast %get3A_799 : i32 to index
        %get3A_801 = arith.index_cast %mul3A_798 : i32 to index
        %get3A_802 = tpu.vector_load %arg4[%get3A_800, %get3A_801] {strides = array<i32>} : memref<64x256xf32, #tpu.memory_space<vmem>>, vector<16xf32>,
        tpu.vector_store_idx %arg6[%shift_right_logical3A_135, %and3A_796], %get3A_802 : memref<128x128xf32, #tpu.memory_space<vmem>>[vector<16xi32>, vector<16xi32>], vector<16xf32>,
        %add3A_803 = arith.constant 2 : i32
        %add3A_804 = vector.broadcast %add3A_803 : i32 to vector<16xi32>
        %add3A_805 = arith.addi %and3A_796, %add3A_804 : vector<16xi32>
        %and3A_806 = arith.constant 127 : i32
        %and3A_807 = vector.broadcast %and3A_806 : i32 to vector<16xi32>
        %and3A_808 = arith.andi %add3A_805, %and3A_807 : vector<16xi32>
        %mul3A_809 = arith.constant 16 : i32
        %mul3A_810 = arith.muli %scan3A_129, %mul3A_809 : i32
        %get3A_811 = arith.constant 56 : i32
        %get3A_812 = arith.index_cast %get3A_811 : i32 to index
        %get3A_813 = arith.index_cast %mul3A_810 : i32 to index
        %get3A_814 = tpu.vector_load %arg4[%get3A_812, %get3A_813] {strides = array<i32>} : memref<64x256xf32, #tpu.memory_space<vmem>>, vector<16xf32>,
        tpu.vector_store_idx %arg6[%shift_right_logical3A_135, %and3A_808], %get3A_814 : memref<128x128xf32, #tpu.memory_space<vmem>>[vector<16xi32>, vector<16xi32>], vector<16xf32>,
        %add3A_815 = arith.constant 2 : i32
        %add3A_816 = vector.broadcast %add3A_815 : i32 to vector<16xi32>
        %add3A_817 = arith.addi %and3A_808, %add3A_816 : vector<16xi32>
        %and3A_818 = arith.constant 127 : i32
        %and3A_819 = vector.broadcast %and3A_818 : i32 to vector<16xi32>
        %and3A_820 = arith.andi %add3A_817, %and3A_819 : vector<16xi32>
        %mul3A_821 = arith.constant 16 : i32
        %mul3A_822 = arith.muli %scan3A_129, %mul3A_821 : i32
        %get3A_823 = arith.constant 57 : i32
        %get3A_824 = arith.index_cast %get3A_823 : i32 to index
        %get3A_825 = arith.index_cast %mul3A_822 : i32 to index
        %get3A_826 = tpu.vector_load %arg4[%get3A_824, %get3A_825] {strides = array<i32>} : memref<64x256xf32, #tpu.memory_space<vmem>>, vector<16xf32>,
        tpu.vector_store_idx %arg6[%shift_right_logical3A_135, %and3A_820], %get3A_826 : memref<128x128xf32, #tpu.memory_space<vmem>>[vector<16xi32>, vector<16xi32>], vector<16xf32>,
        %add3A_827 = arith.constant 2 : i32
        %add3A_828 = vector.broadcast %add3A_827 : i32 to vector<16xi32>
        %add3A_829 = arith.addi %and3A_820, %add3A_828 : vector<16xi32>
        %and3A_830 = arith.constant 127 : i32
        %and3A_831 = vector.broadcast %and3A_830 : i32 to vector<16xi32>
        %and3A_832 = arith.andi %add3A_829, %and3A_831 : vector<16xi32>
        %mul3A_833 = arith.constant 16 : i32
        %mul3A_834 = arith.muli %scan3A_129, %mul3A_833 : i32
        %get3A_835 = arith.constant 58 : i32
        %get3A_836 = arith.index_cast %get3A_835 : i32 to index
        %get3A_837 = arith.index_cast %mul3A_834 : i32 to index
        %get3A_838 = tpu.vector_load %arg4[%get3A_836, %get3A_837] {strides = array<i32>} : memref<64x256xf32, #tpu.memory_space<vmem>>, vector<16xf32>,
        tpu.vector_store_idx %arg6[%shift_right_logical3A_135, %and3A_832], %get3A_838 : memref<128x128xf32, #tpu.memory_space<vmem>>[vector<16xi32>, vector<16xi32>], vector<16xf32>,
        %add3A_839 = arith.constant 2 : i32
        %add3A_840 = vector.broadcast %add3A_839 : i32 to vector<16xi32>
        %add3A_841 = arith.addi %and3A_832, %add3A_840 : vector<16xi32>
        %and3A_842 = arith.constant 127 : i32
        %and3A_843 = vector.broadcast %and3A_842 : i32 to vector<16xi32>
        %and3A_844 = arith.andi %add3A_841, %and3A_843 : vector<16xi32>
        %mul3A_845 = arith.constant 16 : i32
        %mul3A_846 = arith.muli %scan3A_129, %mul3A_845 : i32
        %get3A_847 = arith.constant 59 : i32
        %get3A_848 = arith.index_cast %get3A_847 : i32 to index
        %get3A_849 = arith.index_cast %mul3A_846 : i32 to index
        %get3A_850 = tpu.vector_load %arg4[%get3A_848, %get3A_849] {strides = array<i32>} : memref<64x256xf32, #tpu.memory_space<vmem>>, vector<16xf32>,
        tpu.vector_store_idx %arg6[%shift_right_logical3A_135, %and3A_844], %get3A_850 : memref<128x128xf32, #tpu.memory_space<vmem>>[vector<16xi32>, vector<16xi32>], vector<16xf32>,
        %add3A_851 = arith.constant 2 : i32
        %add3A_852 = vector.broadcast %add3A_851 : i32 to vector<16xi32>
        %add3A_853 = arith.addi %and3A_844, %add3A_852 : vector<16xi32>
        %and3A_854 = arith.constant 127 : i32
        %and3A_855 = vector.broadcast %and3A_854 : i32 to vector<16xi32>
        %and3A_856 = arith.andi %add3A_853, %and3A_855 : vector<16xi32>
        %mul3A_857 = arith.constant 16 : i32
        %mul3A_858 = arith.muli %scan3A_129, %mul3A_857 : i32
        %get3A_859 = arith.constant 60 : i32
        %get3A_860 = arith.index_cast %get3A_859 : i32 to index
        %get3A_861 = arith.index_cast %mul3A_858 : i32 to index
        %get3A_862 = tpu.vector_load %arg4[%get3A_860, %get3A_861] {strides = array<i32>} : memref<64x256xf32, #tpu.memory_space<vmem>>, vector<16xf32>,
        tpu.vector_store_idx %arg6[%shift_right_logical3A_135, %and3A_856], %get3A_862 : memref<128x128xf32, #tpu.memory_space<vmem>>[vector<16xi32>, vector<16xi32>], vector<16xf32>,
        %add3A_863 = arith.constant 2 : i32
        %add3A_864 = vector.broadcast %add3A_863 : i32 to vector<16xi32>
        %add3A_865 = arith.addi %and3A_856, %add3A_864 : vector<16xi32>
        %and3A_866 = arith.constant 127 : i32
        %and3A_867 = vector.broadcast %and3A_866 : i32 to vector<16xi32>
        %and3A_868 = arith.andi %add3A_865, %and3A_867 : vector<16xi32>
        %mul3A_869 = arith.constant 16 : i32
        %mul3A_870 = arith.muli %scan3A_129, %mul3A_869 : i32
        %get3A_871 = arith.constant 61 : i32
        %get3A_872 = arith.index_cast %get3A_871 : i32 to index
        %get3A_873 = arith.index_cast %mul3A_870 : i32 to index
        %get3A_874 = tpu.vector_load %arg4[%get3A_872, %get3A_873] {strides = array<i32>} : memref<64x256xf32, #tpu.memory_space<vmem>>, vector<16xf32>,
        tpu.vector_store_idx %arg6[%shift_right_logical3A_135, %and3A_868], %get3A_874 : memref<128x128xf32, #tpu.memory_space<vmem>>[vector<16xi32>, vector<16xi32>], vector<16xf32>,
        %add3A_875 = arith.constant 2 : i32
        %add3A_876 = vector.broadcast %add3A_875 : i32 to vector<16xi32>
        %add3A_877 = arith.addi %and3A_868, %add3A_876 : vector<16xi32>
        %and3A_878 = arith.constant 127 : i32
        %and3A_879 = vector.broadcast %and3A_878 : i32 to vector<16xi32>
        %and3A_880 = arith.andi %add3A_877, %and3A_879 : vector<16xi32>
        %mul3A_881 = arith.constant 16 : i32
        %mul3A_882 = arith.muli %scan3A_129, %mul3A_881 : i32
        %get3A_883 = arith.constant 62 : i32
        %get3A_884 = arith.index_cast %get3A_883 : i32 to index
        %get3A_885 = arith.index_cast %mul3A_882 : i32 to index
        %get3A_886 = tpu.vector_load %arg4[%get3A_884, %get3A_885] {strides = array<i32>} : memref<64x256xf32, #tpu.memory_space<vmem>>, vector<16xf32>,
        tpu.vector_store_idx %arg6[%shift_right_logical3A_135, %and3A_880], %get3A_886 : memref<128x128xf32, #tpu.memory_space<vmem>>[vector<16xi32>, vector<16xi32>], vector<16xf32>,
        %add3A_887 = arith.constant 2 : i32
        %add3A_888 = vector.broadcast %add3A_887 : i32 to vector<16xi32>
        %add3A_889 = arith.addi %and3A_880, %add3A_888 : vector<16xi32>
        %and3A_890 = arith.constant 127 : i32
        %and3A_891 = vector.broadcast %and3A_890 : i32 to vector<16xi32>
        %and3A_892 = arith.andi %add3A_889, %and3A_891 : vector<16xi32>
        %mul3A_893 = arith.constant 16 : i32
        %mul3A_894 = arith.muli %scan3A_129, %mul3A_893 : i32
        %get3A_895 = arith.constant 63 : i32
        %get3A_896 = arith.index_cast %get3A_895 : i32 to index
        %get3A_897 = arith.index_cast %mul3A_894 : i32 to index
        %get3A_898 = tpu.vector_load %arg4[%get3A_896, %get3A_897] {strides = array<i32>} : memref<64x256xf32, #tpu.memory_space<vmem>>, vector<16xf32>,
        tpu.vector_store_idx %arg6[%shift_right_logical3A_135, %and3A_892], %get3A_898 : memref<128x128xf32, #tpu.memory_space<vmem>>[vector<16xi32>, vector<16xi32>], vector<16xf32>,
        %add3A_899 = arith.constant 2 : i32
        %add3A_900 = vector.broadcast %add3A_899 : i32 to vector<16xi32>
        %add3A_901 = arith.addi %and3A_892, %add3A_900 : vector<16xi32>
        %and3A_902 = arith.constant 127 : i32
        %and3A_903 = vector.broadcast %and3A_902 : i32 to vector<16xi32>
        %and3A_904 = arith.andi %add3A_901, %and3A_903 : vector<16xi32>
      }
      %scan3A_65 = arith.constant 16 : i32
      %add3A_66 = arith.constant 4 : i32
      %add3A_67 = arith.addi %add3A_66, %add3A : i32
      %mul3A_68 = arith.constant 32 : i32
      %mul3A_69 = arith.muli %mul3A_35, %mul3A_68 : i32
      %add3A_70 = arith.addi %add3A_67, %mul3A_69 : i32
      %min3A_71 = arith.constant 3910 : i32
      %min3A_72 = arith.minsi %add3A_70, %min3A_71 : i32
      %mul3A_73 = arith.constant 128 : i32
      %mul3A_74 = arith.muli %min3A_72, %mul3A_73 : i32
      %multiple_of3A_75 = tpu.assume_multiple %mul3A_74, 128 : i32
      %dma_start3A_76 = arith.constant 0 : i32
      %dma_start3A_77 = tpu.memref_slice %arg3[%multiple_of3A_75, %dma_start3A_76] : memref<501024x128xf32, #tpu.memory_space<hbm>> -> memref<128x128xf32, #tpu.memory_space<hbm>>
      %dma_start3A_78 = arith.constant 0 : i32
      %dma_start3A_79 = tpu.memref_slice %arg3[%multiple_of3A_75, %dma_start3A_78] : memref<501024x128xf32, #tpu.memory_space<hbm>> -> memref<128x128xf32, #tpu.memory_space<hbm>>
      tpu.enqueue_dma source(%arg6 : memref<128x128xf32, #tpu.memory_space<vmem>>) target(%dma_start3A_79 : memref<128x128xf32, #tpu.memory_space<hbm>>) target_semaphore(%arg10 : memref<!tpu.dma_semaphore, #tpu.memory_space<semaphore_mem>>)
      %dma_wait3A_80 = arith.constant 0 : i32
      %dma_wait3A_81 = arith.constant 0 : i32
      %dma_wait3A_82 = tpu.memref_slice %arg2[%dma_wait3A_80, %dma_wait3A_81] : memref<64x1002048xf32, #tpu.memory_space<hbm>> -> memref<64x256xf32, #tpu.memory_space<hbm>>
      %dma_wait3A_83 = arith.constant 0 : i32
      %dma_wait3A_84 = arith.constant 0 : i32
      %dma_wait3A_85 = tpu.memref_slice %arg2[%dma_wait3A_83, %dma_wait3A_84] : memref<64x1002048xf32, #tpu.memory_space<hbm>> -> memref<64x256xf32, #tpu.memory_space<hbm>>
      tpu.wait_dma2 semaphore(%arg9 : memref<!tpu.dma_semaphore, #tpu.memory_space<semaphore_mem>>) src(%dma_wait3A_85 : memref<64x256xf32, #tpu.memory_space<hbm>>) dst(%arg5 : memref<64x256xf32, #tpu.memory_space<vmem>>)
      %add3A_86 = arith.constant 2 : i32
      %add3A_87 = arith.addi %mul3A_35, %add3A_86 : i32
      %add3A_88 = arith.constant 4 : i32
      %add3A_89 = arith.addi %add3A_88, %add3A : i32
      %mul3A_90 = arith.constant 32 : i32
      %mul3A_91 = arith.muli %add3A_87, %mul3A_90 : i32
      %add3A_92 = arith.addi %add3A_89, %mul3A_91 : i32
      %min3A_93 = arith.constant 3910 : i32
      %min3A_94 = arith.minsi %add3A_92, %min3A_93 : i32
      %mul3A_95 = arith.constant 256 : i32
      %mul3A_96 = arith.muli %min3A_94, %mul3A_95 : i32
      %multiple_of3A_97 = tpu.assume_multiple %mul3A_96, 128 : i32
      %dma_start3A_98 = arith.constant 0 : i32
      %dma_start3A_99 = tpu.memref_slice %arg2[%dma_start3A_98, %multiple_of3A_97] : memref<64x1002048xf32, #tpu.memory_space<hbm>> -> memref<64x256xf32, #tpu.memory_space<hbm>>
      %dma_start3A_100 = arith.constant 0 : i32
      %dma_start3A_101 = tpu.memref_slice %arg2[%dma_start3A_100, %multiple_of3A_97] : memref<64x1002048xf32, #tpu.memory_space<hbm>> -> memref<64x256xf32, #tpu.memory_space<hbm>>
      tpu.enqueue_dma source(%dma_start3A_101 : memref<64x256xf32, #tpu.memory_space<hbm>>) target(%arg4 : memref<64x256xf32, #tpu.memory_space<vmem>>) target_semaphore(%arg8 : memref<!tpu.dma_semaphore, #tpu.memory_space<semaphore_mem>>)
      %gt3A_102 = arith.constant 0 : i32
      %gt3A_103 = arith.cmpi sgt, %scan3A_33, %gt3A_102 : i32
      %convert_element_type3A_104 = arith.extui %gt3A_103 : i1 to i32
      %cond3A_105 = arith.constant 0 : i32
      %cond3A_106 = arith.cmpi ne, %convert_element_type3A_104, %cond3A_105 : i32
      scf.if %cond3A_106 {
        %dma_wait3A_129 = arith.constant 0 : i32
        %dma_wait3A_130 = arith.constant 0 : i32
        %dma_wait3A_131 = tpu.memref_slice %arg3[%dma_wait3A_129, %dma_wait3A_130] : memref<501024x128xf32, #tpu.memory_space<hbm>> -> memref<128x128xf32, #tpu.memory_space<hbm>>
        %dma_wait3A_132 = arith.constant 0 : i32
        %dma_wait3A_133 = arith.constant 0 : i32
        %dma_wait3A_134 = tpu.memref_slice %arg3[%dma_wait3A_132, %dma_wait3A_133] : memref<501024x128xf32, #tpu.memory_space<hbm>> -> memref<128x128xf32, #tpu.memory_space<hbm>>
        tpu.wait_dma2 semaphore(%arg11 : memref<!tpu.dma_semaphore, #tpu.memory_space<semaphore_mem>>) src(%arg7 : memref<128x128xf32, #tpu.memory_space<vmem>>) dst(%dma_wait3A_134 : memref<128x128xf32, #tpu.memory_space<hbm>>)
      } else {
      }
      %scan3A_107 = arith.constant 0 : i32
      %scan3A_108 = arith.constant 0 : i32
      %scan3A_109 = arith.constant 16 : i32
      %scan3A_110 = arith.addi %scan3A_108, %scan3A_109 : i32
      %scan3A_111 = arith.constant 1 : i32
      scf.for %scan3A_129 = %scan3A_108 to %scan3A_110 step %scan3A_111  : i32 {
        %mul3A_130 = arith.constant 16 : i32
        %mul3A_131 = arith.muli %scan3A_129, %mul3A_130 : i32
        %add3A_132 = vector.broadcast %mul3A_131 : i32 to vector<16xi32>
        %add3A_133 = arith.addi %add3A_132, %iota3A : vector<16xi32>
        %shift_right_logical3A = arith.constant 1 : i32
        %shift_right_logical3A_134 = vector.broadcast %shift_right_logical3A : i32 to vector<16xi32>
        %shift_right_logical3A_135 = arith.shrui %add3A_133, %shift_right_logical3A_134 : vector<16xi32>
        %and3A = arith.constant 127 : i32
        %and3A_136 = vector.broadcast %and3A : i32 to vector<16xi32>
        %and3A_137 = arith.andi %add3A_133, %and3A_136 : vector<16xi32>
        %mul3A_138 = arith.constant 16 : i32
        %mul3A_139 = arith.muli %scan3A_129, %mul3A_138 : i32
        %get3A = arith.constant 0 : i32
        %get3A_140 = arith.index_cast %get3A : i32 to index
        %get3A_141 = arith.index_cast %mul3A_139 : i32 to index
        %get3A_142 = tpu.vector_load %arg5[%get3A_140, %get3A_141] {strides = array<i32>} : memref<64x256xf32, #tpu.memory_space<vmem>>, vector<16xf32>,
        tpu.vector_store_idx %arg7[%shift_right_logical3A_135, %and3A_137], %get3A_142 : memref<128x128xf32, #tpu.memory_space<vmem>>[vector<16xi32>, vector<16xi32>], vector<16xf32>,
        %add3A_143 = arith.constant 2 : i32
        %add3A_144 = vector.broadcast %add3A_143 : i32 to vector<16xi32>
        %add3A_145 = arith.addi %and3A_137, %add3A_144 : vector<16xi32>
        %and3A_146 = arith.constant 127 : i32
        %and3A_147 = vector.broadcast %and3A_146 : i32 to vector<16xi32>
        %and3A_148 = arith.andi %add3A_145, %and3A_147 : vector<16xi32>
        %mul3A_149 = arith.constant 16 : i32
        %mul3A_150 = arith.muli %scan3A_129, %mul3A_149 : i32
        %get3A_151 = arith.constant 1 : i32
        %get3A_152 = arith.index_cast %get3A_151 : i32 to index
        %get3A_153 = arith.index_cast %mul3A_150 : i32 to index
        %get3A_154 = tpu.vector_load %arg5[%get3A_152, %get3A_153] {strides = array<i32>} : memref<64x256xf32, #tpu.memory_space<vmem>>, vector<16xf32>,
        tpu.vector_store_idx %arg7[%shift_right_logical3A_135, %and3A_148], %get3A_154 : memref<128x128xf32, #tpu.memory_space<vmem>>[vector<16xi32>, vector<16xi32>], vector<16xf32>,
        %add3A_155 = arith.constant 2 : i32
        %add3A_156 = vector.broadcast %add3A_155 : i32 to vector<16xi32>
        %add3A_157 = arith.addi %and3A_148, %add3A_156 : vector<16xi32>
        %and3A_158 = arith.constant 127 : i32
        %and3A_159 = vector.broadcast %and3A_158 : i32 to vector<16xi32>
        %and3A_160 = arith.andi %add3A_157, %and3A_159 : vector<16xi32>
        %mul3A_161 = arith.constant 16 : i32
        %mul3A_162 = arith.muli %scan3A_129, %mul3A_161 : i32
        %get3A_163 = arith.constant 2 : i32
        %get3A_164 = arith.index_cast %get3A_163 : i32 to index
        %get3A_165 = arith.index_cast %mul3A_162 : i32 to index
        %get3A_166 = tpu.vector_load %arg5[%get3A_164, %get3A_165] {strides = array<i32>} : memref<64x256xf32, #tpu.memory_space<vmem>>, vector<16xf32>,
        tpu.vector_store_idx %arg7[%shift_right_logical3A_135, %and3A_160], %get3A_166 : memref<128x128xf32, #tpu.memory_space<vmem>>[vector<16xi32>, vector<16xi32>], vector<16xf32>,
        %add3A_167 = arith.constant 2 : i32
        %add3A_168 = vector.broadcast %add3A_167 : i32 to vector<16xi32>
        %add3A_169 = arith.addi %and3A_160, %add3A_168 : vector<16xi32>
        %and3A_170 = arith.constant 127 : i32
        %and3A_171 = vector.broadcast %and3A_170 : i32 to vector<16xi32>
        %and3A_172 = arith.andi %add3A_169, %and3A_171 : vector<16xi32>
        %mul3A_173 = arith.constant 16 : i32
        %mul3A_174 = arith.muli %scan3A_129, %mul3A_173 : i32
        %get3A_175 = arith.constant 3 : i32
        %get3A_176 = arith.index_cast %get3A_175 : i32 to index
        %get3A_177 = arith.index_cast %mul3A_174 : i32 to index
        %get3A_178 = tpu.vector_load %arg5[%get3A_176, %get3A_177] {strides = array<i32>} : memref<64x256xf32, #tpu.memory_space<vmem>>, vector<16xf32>,
        tpu.vector_store_idx %arg7[%shift_right_logical3A_135, %and3A_172], %get3A_178 : memref<128x128xf32, #tpu.memory_space<vmem>>[vector<16xi32>, vector<16xi32>], vector<16xf32>,
        %add3A_179 = arith.constant 2 : i32
        %add3A_180 = vector.broadcast %add3A_179 : i32 to vector<16xi32>
        %add3A_181 = arith.addi %and3A_172, %add3A_180 : vector<16xi32>
        %and3A_182 = arith.constant 127 : i32
        %and3A_183 = vector.broadcast %and3A_182 : i32 to vector<16xi32>
        %and3A_184 = arith.andi %add3A_181, %and3A_183 : vector<16xi32>
        %mul3A_185 = arith.constant 16 : i32
        %mul3A_186 = arith.muli %scan3A_129, %mul3A_185 : i32
        %get3A_187 = arith.constant 4 : i32
        %get3A_188 = arith.index_cast %get3A_187 : i32 to index
        %get3A_189 = arith.index_cast %mul3A_186 : i32 to index
        %get3A_190 = tpu.vector_load %arg5[%get3A_188, %get3A_189] {strides = array<i32>} : memref<64x256xf32, #tpu.memory_space<vmem>>, vector<16xf32>,
        tpu.vector_store_idx %arg7[%shift_right_logical3A_135, %and3A_184], %get3A_190 : memref<128x128xf32, #tpu.memory_space<vmem>>[vector<16xi32>, vector<16xi32>], vector<16xf32>,
        %add3A_191 = arith.constant 2 : i32
        %add3A_192 = vector.broadcast %add3A_191 : i32 to vector<16xi32>
        %add3A_193 = arith.addi %and3A_184, %add3A_192 : vector<16xi32>
        %and3A_194 = arith.constant 127 : i32
        %and3A_195 = vector.broadcast %and3A_194 : i32 to vector<16xi32>
        %and3A_196 = arith.andi %add3A_193, %and3A_195 : vector<16xi32>
        %mul3A_197 = arith.constant 16 : i32
        %mul3A_198 = arith.muli %scan3A_129, %mul3A_197 : i32
        %get3A_199 = arith.constant 5 : i32
        %get3A_200 = arith.index_cast %get3A_199 : i32 to index
        %get3A_201 = arith.index_cast %mul3A_198 : i32 to index
        %get3A_202 = tpu.vector_load %arg5[%get3A_200, %get3A_201] {strides = array<i32>} : memref<64x256xf32, #tpu.memory_space<vmem>>, vector<16xf32>,
        tpu.vector_store_idx %arg7[%shift_right_logical3A_135, %and3A_196], %get3A_202 : memref<128x128xf32, #tpu.memory_space<vmem>>[vector<16xi32>, vector<16xi32>], vector<16xf32>,
        %add3A_203 = arith.constant 2 : i32
        %add3A_204 = vector.broadcast %add3A_203 : i32 to vector<16xi32>
        %add3A_205 = arith.addi %and3A_196, %add3A_204 : vector<16xi32>
        %and3A_206 = arith.constant 127 : i32
        %and3A_207 = vector.broadcast %and3A_206 : i32 to vector<16xi32>
        %and3A_208 = arith.andi %add3A_205, %and3A_207 : vector<16xi32>
        %mul3A_209 = arith.constant 16 : i32
        %mul3A_210 = arith.muli %scan3A_129, %mul3A_209 : i32
        %get3A_211 = arith.constant 6 : i32
        %get3A_212 = arith.index_cast %get3A_211 : i32 to index
        %get3A_213 = arith.index_cast %mul3A_210 : i32 to index
        %get3A_214 = tpu.vector_load %arg5[%get3A_212, %get3A_213] {strides = array<i32>} : memref<64x256xf32, #tpu.memory_space<vmem>>, vector<16xf32>,
        tpu.vector_store_idx %arg7[%shift_right_logical3A_135, %and3A_208], %get3A_214 : memref<128x128xf32, #tpu.memory_space<vmem>>[vector<16xi32>, vector<16xi32>], vector<16xf32>,
        %add3A_215 = arith.constant 2 : i32
        %add3A_216 = vector.broadcast %add3A_215 : i32 to vector<16xi32>
        %add3A_217 = arith.addi %and3A_208, %add3A_216 : vector<16xi32>
        %and3A_218 = arith.constant 127 : i32
        %and3A_219 = vector.broadcast %and3A_218 : i32 to vector<16xi32>
        %and3A_220 = arith.andi %add3A_217, %and3A_219 : vector<16xi32>
        %mul3A_221 = arith.constant 16 : i32
        %mul3A_222 = arith.muli %scan3A_129, %mul3A_221 : i32
        %get3A_223 = arith.constant 7 : i32
        %get3A_224 = arith.index_cast %get3A_223 : i32 to index
        %get3A_225 = arith.index_cast %mul3A_222 : i32 to index
        %get3A_226 = tpu.vector_load %arg5[%get3A_224, %get3A_225] {strides = array<i32>} : memref<64x256xf32, #tpu.memory_space<vmem>>, vector<16xf32>,
        tpu.vector_store_idx %arg7[%shift_right_logical3A_135, %and3A_220], %get3A_226 : memref<128x128xf32, #tpu.memory_space<vmem>>[vector<16xi32>, vector<16xi32>], vector<16xf32>,
        %add3A_227 = arith.constant 2 : i32
        %add3A_228 = vector.broadcast %add3A_227 : i32 to vector<16xi32>
        %add3A_229 = arith.addi %and3A_220, %add3A_228 : vector<16xi32>
        %and3A_230 = arith.constant 127 : i32
        %and3A_231 = vector.broadcast %and3A_230 : i32 to vector<16xi32>
        %and3A_232 = arith.andi %add3A_229, %and3A_231 : vector<16xi32>
        %mul3A_233 = arith.constant 16 : i32
        %mul3A_234 = arith.muli %scan3A_129, %mul3A_233 : i32
        %get3A_235 = arith.constant 8 : i32
        %get3A_236 = arith.index_cast %get3A_235 : i32 to index
        %get3A_237 = arith.index_cast %mul3A_234 : i32 to index
        %get3A_238 = tpu.vector_load %arg5[%get3A_236, %get3A_237] {strides = array<i32>} : memref<64x256xf32, #tpu.memory_space<vmem>>, vector<16xf32>,
        tpu.vector_store_idx %arg7[%shift_right_logical3A_135, %and3A_232], %get3A_238 : memref<128x128xf32, #tpu.memory_space<vmem>>[vector<16xi32>, vector<16xi32>], vector<16xf32>,
        %add3A_239 = arith.constant 2 : i32
        %add3A_240 = vector.broadcast %add3A_239 : i32 to vector<16xi32>
        %add3A_241 = arith.addi %and3A_232, %add3A_240 : vector<16xi32>
        %and3A_242 = arith.constant 127 : i32
        %and3A_243 = vector.broadcast %and3A_242 : i32 to vector<16xi32>
        %and3A_244 = arith.andi %add3A_241, %and3A_243 : vector<16xi32>
        %mul3A_245 = arith.constant 16 : i32
        %mul3A_246 = arith.muli %scan3A_129, %mul3A_245 : i32
        %get3A_247 = arith.constant 9 : i32
        %get3A_248 = arith.index_cast %get3A_247 : i32 to index
        %get3A_249 = arith.index_cast %mul3A_246 : i32 to index
        %get3A_250 = tpu.vector_load %arg5[%get3A_248, %get3A_249] {strides = array<i32>} : memref<64x256xf32, #tpu.memory_space<vmem>>, vector<16xf32>,
        tpu.vector_store_idx %arg7[%shift_right_logical3A_135, %and3A_244], %get3A_250 : memref<128x128xf32, #tpu.memory_space<vmem>>[vector<16xi32>, vector<16xi32>], vector<16xf32>,
        %add3A_251 = arith.constant 2 : i32
        %add3A_252 = vector.broadcast %add3A_251 : i32 to vector<16xi32>
        %add3A_253 = arith.addi %and3A_244, %add3A_252 : vector<16xi32>
        %and3A_254 = arith.constant 127 : i32
        %and3A_255 = vector.broadcast %and3A_254 : i32 to vector<16xi32>
        %and3A_256 = arith.andi %add3A_253, %and3A_255 : vector<16xi32>
        %mul3A_257 = arith.constant 16 : i32
        %mul3A_258 = arith.muli %scan3A_129, %mul3A_257 : i32
        %get3A_259 = arith.constant 10 : i32
        %get3A_260 = arith.index_cast %get3A_259 : i32 to index
        %get3A_261 = arith.index_cast %mul3A_258 : i32 to index
        %get3A_262 = tpu.vector_load %arg5[%get3A_260, %get3A_261] {strides = array<i32>} : memref<64x256xf32, #tpu.memory_space<vmem>>, vector<16xf32>,
        tpu.vector_store_idx %arg7[%shift_right_logical3A_135, %and3A_256], %get3A_262 : memref<128x128xf32, #tpu.memory_space<vmem>>[vector<16xi32>, vector<16xi32>], vector<16xf32>,
        %add3A_263 = arith.constant 2 : i32
        %add3A_264 = vector.broadcast %add3A_263 : i32 to vector<16xi32>
        %add3A_265 = arith.addi %and3A_256, %add3A_264 : vector<16xi32>
        %and3A_266 = arith.constant 127 : i32
        %and3A_267 = vector.broadcast %and3A_266 : i32 to vector<16xi32>
        %and3A_268 = arith.andi %add3A_265, %and3A_267 : vector<16xi32>
        %mul3A_269 = arith.constant 16 : i32
        %mul3A_270 = arith.muli %scan3A_129, %mul3A_269 : i32
        %get3A_271 = arith.constant 11 : i32
        %get3A_272 = arith.index_cast %get3A_271 : i32 to index
        %get3A_273 = arith.index_cast %mul3A_270 : i32 to index
        %get3A_274 = tpu.vector_load %arg5[%get3A_272, %get3A_273] {strides = array<i32>} : memref<64x256xf32, #tpu.memory_space<vmem>>, vector<16xf32>,
        tpu.vector_store_idx %arg7[%shift_right_logical3A_135, %and3A_268], %get3A_274 : memref<128x128xf32, #tpu.memory_space<vmem>>[vector<16xi32>, vector<16xi32>], vector<16xf32>,
        %add3A_275 = arith.constant 2 : i32
        %add3A_276 = vector.broadcast %add3A_275 : i32 to vector<16xi32>
        %add3A_277 = arith.addi %and3A_268, %add3A_276 : vector<16xi32>
        %and3A_278 = arith.constant 127 : i32
        %and3A_279 = vector.broadcast %and3A_278 : i32 to vector<16xi32>
        %and3A_280 = arith.andi %add3A_277, %and3A_279 : vector<16xi32>
        %mul3A_281 = arith.constant 16 : i32
        %mul3A_282 = arith.muli %scan3A_129, %mul3A_281 : i32
        %get3A_283 = arith.constant 12 : i32
        %get3A_284 = arith.index_cast %get3A_283 : i32 to index
        %get3A_285 = arith.index_cast %mul3A_282 : i32 to index
        %get3A_286 = tpu.vector_load %arg5[%get3A_284, %get3A_285] {strides = array<i32>} : memref<64x256xf32, #tpu.memory_space<vmem>>, vector<16xf32>,
        tpu.vector_store_idx %arg7[%shift_right_logical3A_135, %and3A_280], %get3A_286 : memref<128x128xf32, #tpu.memory_space<vmem>>[vector<16xi32>, vector<16xi32>], vector<16xf32>,
        %add3A_287 = arith.constant 2 : i32
        %add3A_288 = vector.broadcast %add3A_287 : i32 to vector<16xi32>
        %add3A_289 = arith.addi %and3A_280, %add3A_288 : vector<16xi32>
        %and3A_290 = arith.constant 127 : i32
        %and3A_291 = vector.broadcast %and3A_290 : i32 to vector<16xi32>
        %and3A_292 = arith.andi %add3A_289, %and3A_291 : vector<16xi32>
        %mul3A_293 = arith.constant 16 : i32
        %mul3A_294 = arith.muli %scan3A_129, %mul3A_293 : i32
        %get3A_295 = arith.constant 13 : i32
        %get3A_296 = arith.index_cast %get3A_295 : i32 to index
        %get3A_297 = arith.index_cast %mul3A_294 : i32 to index
        %get3A_298 = tpu.vector_load %arg5[%get3A_296, %get3A_297] {strides = array<i32>} : memref<64x256xf32, #tpu.memory_space<vmem>>, vector<16xf32>,
        tpu.vector_store_idx %arg7[%shift_right_logical3A_135, %and3A_292], %get3A_298 : memref<128x128xf32, #tpu.memory_space<vmem>>[vector<16xi32>, vector<16xi32>], vector<16xf32>,
        %add3A_299 = arith.constant 2 : i32
        %add3A_300 = vector.broadcast %add3A_299 : i32 to vector<16xi32>
        %add3A_301 = arith.addi %and3A_292, %add3A_300 : vector<16xi32>
        %and3A_302 = arith.constant 127 : i32
        %and3A_303 = vector.broadcast %and3A_302 : i32 to vector<16xi32>
        %and3A_304 = arith.andi %add3A_301, %and3A_303 : vector<16xi32>
        %mul3A_305 = arith.constant 16 : i32
        %mul3A_306 = arith.muli %scan3A_129, %mul3A_305 : i32
        %get3A_307 = arith.constant 14 : i32
        %get3A_308 = arith.index_cast %get3A_307 : i32 to index
        %get3A_309 = arith.index_cast %mul3A_306 : i32 to index
        %get3A_310 = tpu.vector_load %arg5[%get3A_308, %get3A_309] {strides = array<i32>} : memref<64x256xf32, #tpu.memory_space<vmem>>, vector<16xf32>,
        tpu.vector_store_idx %arg7[%shift_right_logical3A_135, %and3A_304], %get3A_310 : memref<128x128xf32, #tpu.memory_space<vmem>>[vector<16xi32>, vector<16xi32>], vector<16xf32>,
        %add3A_311 = arith.constant 2 : i32
        %add3A_312 = vector.broadcast %add3A_311 : i32 to vector<16xi32>
        %add3A_313 = arith.addi %and3A_304, %add3A_312 : vector<16xi32>
        %and3A_314 = arith.constant 127 : i32
        %and3A_315 = vector.broadcast %and3A_314 : i32 to vector<16xi32>
        %and3A_316 = arith.andi %add3A_313, %and3A_315 : vector<16xi32>
        %mul3A_317 = arith.constant 16 : i32
        %mul3A_318 = arith.muli %scan3A_129, %mul3A_317 : i32
        %get3A_319 = arith.constant 15 : i32
        %get3A_320 = arith.index_cast %get3A_319 : i32 to index
        %get3A_321 = arith.index_cast %mul3A_318 : i32 to index
        %get3A_322 = tpu.vector_load %arg5[%get3A_320, %get3A_321] {strides = array<i32>} : memref<64x256xf32, #tpu.memory_space<vmem>>, vector<16xf32>,
        tpu.vector_store_idx %arg7[%shift_right_logical3A_135, %and3A_316], %get3A_322 : memref<128x128xf32, #tpu.memory_space<vmem>>[vector<16xi32>, vector<16xi32>], vector<16xf32>,
        %add3A_323 = arith.constant 2 : i32
        %add3A_324 = vector.broadcast %add3A_323 : i32 to vector<16xi32>
        %add3A_325 = arith.addi %and3A_316, %add3A_324 : vector<16xi32>
        %and3A_326 = arith.constant 127 : i32
        %and3A_327 = vector.broadcast %and3A_326 : i32 to vector<16xi32>
        %and3A_328 = arith.andi %add3A_325, %and3A_327 : vector<16xi32>
        %mul3A_329 = arith.constant 16 : i32
        %mul3A_330 = arith.muli %scan3A_129, %mul3A_329 : i32
        %get3A_331 = arith.constant 16 : i32
        %get3A_332 = arith.index_cast %get3A_331 : i32 to index
        %get3A_333 = arith.index_cast %mul3A_330 : i32 to index
        %get3A_334 = tpu.vector_load %arg5[%get3A_332, %get3A_333] {strides = array<i32>} : memref<64x256xf32, #tpu.memory_space<vmem>>, vector<16xf32>,
        tpu.vector_store_idx %arg7[%shift_right_logical3A_135, %and3A_328], %get3A_334 : memref<128x128xf32, #tpu.memory_space<vmem>>[vector<16xi32>, vector<16xi32>], vector<16xf32>,
        %add3A_335 = arith.constant 2 : i32
        %add3A_336 = vector.broadcast %add3A_335 : i32 to vector<16xi32>
        %add3A_337 = arith.addi %and3A_328, %add3A_336 : vector<16xi32>
        %and3A_338 = arith.constant 127 : i32
        %and3A_339 = vector.broadcast %and3A_338 : i32 to vector<16xi32>
        %and3A_340 = arith.andi %add3A_337, %and3A_339 : vector<16xi32>
        %mul3A_341 = arith.constant 16 : i32
        %mul3A_342 = arith.muli %scan3A_129, %mul3A_341 : i32
        %get3A_343 = arith.constant 17 : i32
        %get3A_344 = arith.index_cast %get3A_343 : i32 to index
        %get3A_345 = arith.index_cast %mul3A_342 : i32 to index
        %get3A_346 = tpu.vector_load %arg5[%get3A_344, %get3A_345] {strides = array<i32>} : memref<64x256xf32, #tpu.memory_space<vmem>>, vector<16xf32>,
        tpu.vector_store_idx %arg7[%shift_right_logical3A_135, %and3A_340], %get3A_346 : memref<128x128xf32, #tpu.memory_space<vmem>>[vector<16xi32>, vector<16xi32>], vector<16xf32>,
        %add3A_347 = arith.constant 2 : i32
        %add3A_348 = vector.broadcast %add3A_347 : i32 to vector<16xi32>
        %add3A_349 = arith.addi %and3A_340, %add3A_348 : vector<16xi32>
        %and3A_350 = arith.constant 127 : i32
        %and3A_351 = vector.broadcast %and3A_350 : i32 to vector<16xi32>
        %and3A_352 = arith.andi %add3A_349, %and3A_351 : vector<16xi32>
        %mul3A_353 = arith.constant 16 : i32
        %mul3A_354 = arith.muli %scan3A_129, %mul3A_353 : i32
        %get3A_355 = arith.constant 18 : i32
        %get3A_356 = arith.index_cast %get3A_355 : i32 to index
        %get3A_357 = arith.index_cast %mul3A_354 : i32 to index
        %get3A_358 = tpu.vector_load %arg5[%get3A_356, %get3A_357] {strides = array<i32>} : memref<64x256xf32, #tpu.memory_space<vmem>>, vector<16xf32>,
        tpu.vector_store_idx %arg7[%shift_right_logical3A_135, %and3A_352], %get3A_358 : memref<128x128xf32, #tpu.memory_space<vmem>>[vector<16xi32>, vector<16xi32>], vector<16xf32>,
        %add3A_359 = arith.constant 2 : i32
        %add3A_360 = vector.broadcast %add3A_359 : i32 to vector<16xi32>
        %add3A_361 = arith.addi %and3A_352, %add3A_360 : vector<16xi32>
        %and3A_362 = arith.constant 127 : i32
        %and3A_363 = vector.broadcast %and3A_362 : i32 to vector<16xi32>
        %and3A_364 = arith.andi %add3A_361, %and3A_363 : vector<16xi32>
        %mul3A_365 = arith.constant 16 : i32
        %mul3A_366 = arith.muli %scan3A_129, %mul3A_365 : i32
        %get3A_367 = arith.constant 19 : i32
        %get3A_368 = arith.index_cast %get3A_367 : i32 to index
        %get3A_369 = arith.index_cast %mul3A_366 : i32 to index
        %get3A_370 = tpu.vector_load %arg5[%get3A_368, %get3A_369] {strides = array<i32>} : memref<64x256xf32, #tpu.memory_space<vmem>>, vector<16xf32>,
        tpu.vector_store_idx %arg7[%shift_right_logical3A_135, %and3A_364], %get3A_370 : memref<128x128xf32, #tpu.memory_space<vmem>>[vector<16xi32>, vector<16xi32>], vector<16xf32>,
        %add3A_371 = arith.constant 2 : i32
        %add3A_372 = vector.broadcast %add3A_371 : i32 to vector<16xi32>
        %add3A_373 = arith.addi %and3A_364, %add3A_372 : vector<16xi32>
        %and3A_374 = arith.constant 127 : i32
        %and3A_375 = vector.broadcast %and3A_374 : i32 to vector<16xi32>
        %and3A_376 = arith.andi %add3A_373, %and3A_375 : vector<16xi32>
        %mul3A_377 = arith.constant 16 : i32
        %mul3A_378 = arith.muli %scan3A_129, %mul3A_377 : i32
        %get3A_379 = arith.constant 20 : i32
        %get3A_380 = arith.index_cast %get3A_379 : i32 to index
        %get3A_381 = arith.index_cast %mul3A_378 : i32 to index
        %get3A_382 = tpu.vector_load %arg5[%get3A_380, %get3A_381] {strides = array<i32>} : memref<64x256xf32, #tpu.memory_space<vmem>>, vector<16xf32>,
        tpu.vector_store_idx %arg7[%shift_right_logical3A_135, %and3A_376], %get3A_382 : memref<128x128xf32, #tpu.memory_space<vmem>>[vector<16xi32>, vector<16xi32>], vector<16xf32>,
        %add3A_383 = arith.constant 2 : i32
        %add3A_384 = vector.broadcast %add3A_383 : i32 to vector<16xi32>
        %add3A_385 = arith.addi %and3A_376, %add3A_384 : vector<16xi32>
        %and3A_386 = arith.constant 127 : i32
        %and3A_387 = vector.broadcast %and3A_386 : i32 to vector<16xi32>
        %and3A_388 = arith.andi %add3A_385, %and3A_387 : vector<16xi32>
        %mul3A_389 = arith.constant 16 : i32
        %mul3A_390 = arith.muli %scan3A_129, %mul3A_389 : i32
        %get3A_391 = arith.constant 21 : i32
        %get3A_392 = arith.index_cast %get3A_391 : i32 to index
        %get3A_393 = arith.index_cast %mul3A_390 : i32 to index
        %get3A_394 = tpu.vector_load %arg5[%get3A_392, %get3A_393] {strides = array<i32>} : memref<64x256xf32, #tpu.memory_space<vmem>>, vector<16xf32>,
        tpu.vector_store_idx %arg7[%shift_right_logical3A_135, %and3A_388], %get3A_394 : memref<128x128xf32, #tpu.memory_space<vmem>>[vector<16xi32>, vector<16xi32>], vector<16xf32>,
        %add3A_395 = arith.constant 2 : i32
        %add3A_396 = vector.broadcast %add3A_395 : i32 to vector<16xi32>
        %add3A_397 = arith.addi %and3A_388, %add3A_396 : vector<16xi32>
        %and3A_398 = arith.constant 127 : i32
        %and3A_399 = vector.broadcast %and3A_398 : i32 to vector<16xi32>
        %and3A_400 = arith.andi %add3A_397, %and3A_399 : vector<16xi32>
        %mul3A_401 = arith.constant 16 : i32
        %mul3A_402 = arith.muli %scan3A_129, %mul3A_401 : i32
        %get3A_403 = arith.constant 22 : i32
        %get3A_404 = arith.index_cast %get3A_403 : i32 to index
        %get3A_405 = arith.index_cast %mul3A_402 : i32 to index
        %get3A_406 = tpu.vector_load %arg5[%get3A_404, %get3A_405] {strides = array<i32>} : memref<64x256xf32, #tpu.memory_space<vmem>>, vector<16xf32>,
        tpu.vector_store_idx %arg7[%shift_right_logical3A_135, %and3A_400], %get3A_406 : memref<128x128xf32, #tpu.memory_space<vmem>>[vector<16xi32>, vector<16xi32>], vector<16xf32>,
        %add3A_407 = arith.constant 2 : i32
        %add3A_408 = vector.broadcast %add3A_407 : i32 to vector<16xi32>
        %add3A_409 = arith.addi %and3A_400, %add3A_408 : vector<16xi32>
        %and3A_410 = arith.constant 127 : i32
        %and3A_411 = vector.broadcast %and3A_410 : i32 to vector<16xi32>
        %and3A_412 = arith.andi %add3A_409, %and3A_411 : vector<16xi32>
        %mul3A_413 = arith.constant 16 : i32
        %mul3A_414 = arith.muli %scan3A_129, %mul3A_413 : i32
        %get3A_415 = arith.constant 23 : i32
        %get3A_416 = arith.index_cast %get3A_415 : i32 to index
        %get3A_417 = arith.index_cast %mul3A_414 : i32 to index
        %get3A_418 = tpu.vector_load %arg5[%get3A_416, %get3A_417] {strides = array<i32>} : memref<64x256xf32, #tpu.memory_space<vmem>>, vector<16xf32>,
        tpu.vector_store_idx %arg7[%shift_right_logical3A_135, %and3A_412], %get3A_418 : memref<128x128xf32, #tpu.memory_space<vmem>>[vector<16xi32>, vector<16xi32>], vector<16xf32>,
        %add3A_419 = arith.constant 2 : i32
        %add3A_420 = vector.broadcast %add3A_419 : i32 to vector<16xi32>
        %add3A_421 = arith.addi %and3A_412, %add3A_420 : vector<16xi32>
        %and3A_422 = arith.constant 127 : i32
        %and3A_423 = vector.broadcast %and3A_422 : i32 to vector<16xi32>
        %and3A_424 = arith.andi %add3A_421, %and3A_423 : vector<16xi32>
        %mul3A_425 = arith.constant 16 : i32
        %mul3A_426 = arith.muli %scan3A_129, %mul3A_425 : i32
        %get3A_427 = arith.constant 24 : i32
        %get3A_428 = arith.index_cast %get3A_427 : i32 to index
        %get3A_429 = arith.index_cast %mul3A_426 : i32 to index
        %get3A_430 = tpu.vector_load %arg5[%get3A_428, %get3A_429] {strides = array<i32>} : memref<64x256xf32, #tpu.memory_space<vmem>>, vector<16xf32>,
        tpu.vector_store_idx %arg7[%shift_right_logical3A_135, %and3A_424], %get3A_430 : memref<128x128xf32, #tpu.memory_space<vmem>>[vector<16xi32>, vector<16xi32>], vector<16xf32>,
        %add3A_431 = arith.constant 2 : i32
        %add3A_432 = vector.broadcast %add3A_431 : i32 to vector<16xi32>
        %add3A_433 = arith.addi %and3A_424, %add3A_432 : vector<16xi32>
        %and3A_434 = arith.constant 127 : i32
        %and3A_435 = vector.broadcast %and3A_434 : i32 to vector<16xi32>
        %and3A_436 = arith.andi %add3A_433, %and3A_435 : vector<16xi32>
        %mul3A_437 = arith.constant 16 : i32
        %mul3A_438 = arith.muli %scan3A_129, %mul3A_437 : i32
        %get3A_439 = arith.constant 25 : i32
        %get3A_440 = arith.index_cast %get3A_439 : i32 to index
        %get3A_441 = arith.index_cast %mul3A_438 : i32 to index
        %get3A_442 = tpu.vector_load %arg5[%get3A_440, %get3A_441] {strides = array<i32>} : memref<64x256xf32, #tpu.memory_space<vmem>>, vector<16xf32>,
        tpu.vector_store_idx %arg7[%shift_right_logical3A_135, %and3A_436], %get3A_442 : memref<128x128xf32, #tpu.memory_space<vmem>>[vector<16xi32>, vector<16xi32>], vector<16xf32>,
        %add3A_443 = arith.constant 2 : i32
        %add3A_444 = vector.broadcast %add3A_443 : i32 to vector<16xi32>
        %add3A_445 = arith.addi %and3A_436, %add3A_444 : vector<16xi32>
        %and3A_446 = arith.constant 127 : i32
        %and3A_447 = vector.broadcast %and3A_446 : i32 to vector<16xi32>
        %and3A_448 = arith.andi %add3A_445, %and3A_447 : vector<16xi32>
        %mul3A_449 = arith.constant 16 : i32
        %mul3A_450 = arith.muli %scan3A_129, %mul3A_449 : i32
        %get3A_451 = arith.constant 26 : i32
        %get3A_452 = arith.index_cast %get3A_451 : i32 to index
        %get3A_453 = arith.index_cast %mul3A_450 : i32 to index
        %get3A_454 = tpu.vector_load %arg5[%get3A_452, %get3A_453] {strides = array<i32>} : memref<64x256xf32, #tpu.memory_space<vmem>>, vector<16xf32>,
        tpu.vector_store_idx %arg7[%shift_right_logical3A_135, %and3A_448], %get3A_454 : memref<128x128xf32, #tpu.memory_space<vmem>>[vector<16xi32>, vector<16xi32>], vector<16xf32>,
        %add3A_455 = arith.constant 2 : i32
        %add3A_456 = vector.broadcast %add3A_455 : i32 to vector<16xi32>
        %add3A_457 = arith.addi %and3A_448, %add3A_456 : vector<16xi32>
        %and3A_458 = arith.constant 127 : i32
        %and3A_459 = vector.broadcast %and3A_458 : i32 to vector<16xi32>
        %and3A_460 = arith.andi %add3A_457, %and3A_459 : vector<16xi32>
        %mul3A_461 = arith.constant 16 : i32
        %mul3A_462 = arith.muli %scan3A_129, %mul3A_461 : i32
        %get3A_463 = arith.constant 27 : i32
        %get3A_464 = arith.index_cast %get3A_463 : i32 to index
        %get3A_465 = arith.index_cast %mul3A_462 : i32 to index
        %get3A_466 = tpu.vector_load %arg5[%get3A_464, %get3A_465] {strides = array<i32>} : memref<64x256xf32, #tpu.memory_space<vmem>>, vector<16xf32>,
        tpu.vector_store_idx %arg7[%shift_right_logical3A_135, %and3A_460], %get3A_466 : memref<128x128xf32, #tpu.memory_space<vmem>>[vector<16xi32>, vector<16xi32>], vector<16xf32>,
        %add3A_467 = arith.constant 2 : i32
        %add3A_468 = vector.broadcast %add3A_467 : i32 to vector<16xi32>
        %add3A_469 = arith.addi %and3A_460, %add3A_468 : vector<16xi32>
        %and3A_470 = arith.constant 127 : i32
        %and3A_471 = vector.broadcast %and3A_470 : i32 to vector<16xi32>
        %and3A_472 = arith.andi %add3A_469, %and3A_471 : vector<16xi32>
        %mul3A_473 = arith.constant 16 : i32
        %mul3A_474 = arith.muli %scan3A_129, %mul3A_473 : i32
        %get3A_475 = arith.constant 28 : i32
        %get3A_476 = arith.index_cast %get3A_475 : i32 to index
        %get3A_477 = arith.index_cast %mul3A_474 : i32 to index
        %get3A_478 = tpu.vector_load %arg5[%get3A_476, %get3A_477] {strides = array<i32>} : memref<64x256xf32, #tpu.memory_space<vmem>>, vector<16xf32>,
        tpu.vector_store_idx %arg7[%shift_right_logical3A_135, %and3A_472], %get3A_478 : memref<128x128xf32, #tpu.memory_space<vmem>>[vector<16xi32>, vector<16xi32>], vector<16xf32>,
        %add3A_479 = arith.constant 2 : i32
        %add3A_480 = vector.broadcast %add3A_479 : i32 to vector<16xi32>
        %add3A_481 = arith.addi %and3A_472, %add3A_480 : vector<16xi32>
        %and3A_482 = arith.constant 127 : i32
        %and3A_483 = vector.broadcast %and3A_482 : i32 to vector<16xi32>
        %and3A_484 = arith.andi %add3A_481, %and3A_483 : vector<16xi32>
        %mul3A_485 = arith.constant 16 : i32
        %mul3A_486 = arith.muli %scan3A_129, %mul3A_485 : i32
        %get3A_487 = arith.constant 29 : i32
        %get3A_488 = arith.index_cast %get3A_487 : i32 to index
        %get3A_489 = arith.index_cast %mul3A_486 : i32 to index
        %get3A_490 = tpu.vector_load %arg5[%get3A_488, %get3A_489] {strides = array<i32>} : memref<64x256xf32, #tpu.memory_space<vmem>>, vector<16xf32>,
        tpu.vector_store_idx %arg7[%shift_right_logical3A_135, %and3A_484], %get3A_490 : memref<128x128xf32, #tpu.memory_space<vmem>>[vector<16xi32>, vector<16xi32>], vector<16xf32>,
        %add3A_491 = arith.constant 2 : i32
        %add3A_492 = vector.broadcast %add3A_491 : i32 to vector<16xi32>
        %add3A_493 = arith.addi %and3A_484, %add3A_492 : vector<16xi32>
        %and3A_494 = arith.constant 127 : i32
        %and3A_495 = vector.broadcast %and3A_494 : i32 to vector<16xi32>
        %and3A_496 = arith.andi %add3A_493, %and3A_495 : vector<16xi32>
        %mul3A_497 = arith.constant 16 : i32
        %mul3A_498 = arith.muli %scan3A_129, %mul3A_497 : i32
        %get3A_499 = arith.constant 30 : i32
        %get3A_500 = arith.index_cast %get3A_499 : i32 to index
        %get3A_501 = arith.index_cast %mul3A_498 : i32 to index
        %get3A_502 = tpu.vector_load %arg5[%get3A_500, %get3A_501] {strides = array<i32>} : memref<64x256xf32, #tpu.memory_space<vmem>>, vector<16xf32>,
        tpu.vector_store_idx %arg7[%shift_right_logical3A_135, %and3A_496], %get3A_502 : memref<128x128xf32, #tpu.memory_space<vmem>>[vector<16xi32>, vector<16xi32>], vector<16xf32>,
        %add3A_503 = arith.constant 2 : i32
        %add3A_504 = vector.broadcast %add3A_503 : i32 to vector<16xi32>
        %add3A_505 = arith.addi %and3A_496, %add3A_504 : vector<16xi32>
        %and3A_506 = arith.constant 127 : i32
        %and3A_507 = vector.broadcast %and3A_506 : i32 to vector<16xi32>
        %and3A_508 = arith.andi %add3A_505, %and3A_507 : vector<16xi32>
        %mul3A_509 = arith.constant 16 : i32
        %mul3A_510 = arith.muli %scan3A_129, %mul3A_509 : i32
        %get3A_511 = arith.constant 31 : i32
        %get3A_512 = arith.index_cast %get3A_511 : i32 to index
        %get3A_513 = arith.index_cast %mul3A_510 : i32 to index
        %get3A_514 = tpu.vector_load %arg5[%get3A_512, %get3A_513] {strides = array<i32>} : memref<64x256xf32, #tpu.memory_space<vmem>>, vector<16xf32>,
        tpu.vector_store_idx %arg7[%shift_right_logical3A_135, %and3A_508], %get3A_514 : memref<128x128xf32, #tpu.memory_space<vmem>>[vector<16xi32>, vector<16xi32>], vector<16xf32>,
        %add3A_515 = arith.constant 2 : i32
        %add3A_516 = vector.broadcast %add3A_515 : i32 to vector<16xi32>
        %add3A_517 = arith.addi %and3A_508, %add3A_516 : vector<16xi32>
        %and3A_518 = arith.constant 127 : i32
        %and3A_519 = vector.broadcast %and3A_518 : i32 to vector<16xi32>
        %and3A_520 = arith.andi %add3A_517, %and3A_519 : vector<16xi32>
        %mul3A_521 = arith.constant 16 : i32
        %mul3A_522 = arith.muli %scan3A_129, %mul3A_521 : i32
        %get3A_523 = arith.constant 32 : i32
        %get3A_524 = arith.index_cast %get3A_523 : i32 to index
        %get3A_525 = arith.index_cast %mul3A_522 : i32 to index
        %get3A_526 = tpu.vector_load %arg5[%get3A_524, %get3A_525] {strides = array<i32>} : memref<64x256xf32, #tpu.memory_space<vmem>>, vector<16xf32>,
        tpu.vector_store_idx %arg7[%shift_right_logical3A_135, %and3A_520], %get3A_526 : memref<128x128xf32, #tpu.memory_space<vmem>>[vector<16xi32>, vector<16xi32>], vector<16xf32>,
        %add3A_527 = arith.constant 2 : i32
        %add3A_528 = vector.broadcast %add3A_527 : i32 to vector<16xi32>
        %add3A_529 = arith.addi %and3A_520, %add3A_528 : vector<16xi32>
        %and3A_530 = arith.constant 127 : i32
        %and3A_531 = vector.broadcast %and3A_530 : i32 to vector<16xi32>
        %and3A_532 = arith.andi %add3A_529, %and3A_531 : vector<16xi32>
        %mul3A_533 = arith.constant 16 : i32
        %mul3A_534 = arith.muli %scan3A_129, %mul3A_533 : i32
        %get3A_535 = arith.constant 33 : i32
        %get3A_536 = arith.index_cast %get3A_535 : i32 to index
        %get3A_537 = arith.index_cast %mul3A_534 : i32 to index
        %get3A_538 = tpu.vector_load %arg5[%get3A_536, %get3A_537] {strides = array<i32>} : memref<64x256xf32, #tpu.memory_space<vmem>>, vector<16xf32>,
        tpu.vector_store_idx %arg7[%shift_right_logical3A_135, %and3A_532], %get3A_538 : memref<128x128xf32, #tpu.memory_space<vmem>>[vector<16xi32>, vector<16xi32>], vector<16xf32>,
        %add3A_539 = arith.constant 2 : i32
        %add3A_540 = vector.broadcast %add3A_539 : i32 to vector<16xi32>
        %add3A_541 = arith.addi %and3A_532, %add3A_540 : vector<16xi32>
        %and3A_542 = arith.constant 127 : i32
        %and3A_543 = vector.broadcast %and3A_542 : i32 to vector<16xi32>
        %and3A_544 = arith.andi %add3A_541, %and3A_543 : vector<16xi32>
        %mul3A_545 = arith.constant 16 : i32
        %mul3A_546 = arith.muli %scan3A_129, %mul3A_545 : i32
        %get3A_547 = arith.constant 34 : i32
        %get3A_548 = arith.index_cast %get3A_547 : i32 to index
        %get3A_549 = arith.index_cast %mul3A_546 : i32 to index
        %get3A_550 = tpu.vector_load %arg5[%get3A_548, %get3A_549] {strides = array<i32>} : memref<64x256xf32, #tpu.memory_space<vmem>>, vector<16xf32>,
        tpu.vector_store_idx %arg7[%shift_right_logical3A_135, %and3A_544], %get3A_550 : memref<128x128xf32, #tpu.memory_space<vmem>>[vector<16xi32>, vector<16xi32>], vector<16xf32>,
        %add3A_551 = arith.constant 2 : i32
        %add3A_552 = vector.broadcast %add3A_551 : i32 to vector<16xi32>
        %add3A_553 = arith.addi %and3A_544, %add3A_552 : vector<16xi32>
        %and3A_554 = arith.constant 127 : i32
        %and3A_555 = vector.broadcast %and3A_554 : i32 to vector<16xi32>
        %and3A_556 = arith.andi %add3A_553, %and3A_555 : vector<16xi32>
        %mul3A_557 = arith.constant 16 : i32
        %mul3A_558 = arith.muli %scan3A_129, %mul3A_557 : i32
        %get3A_559 = arith.constant 35 : i32
        %get3A_560 = arith.index_cast %get3A_559 : i32 to index
        %get3A_561 = arith.index_cast %mul3A_558 : i32 to index
        %get3A_562 = tpu.vector_load %arg5[%get3A_560, %get3A_561] {strides = array<i32>} : memref<64x256xf32, #tpu.memory_space<vmem>>, vector<16xf32>,
        tpu.vector_store_idx %arg7[%shift_right_logical3A_135, %and3A_556], %get3A_562 : memref<128x128xf32, #tpu.memory_space<vmem>>[vector<16xi32>, vector<16xi32>], vector<16xf32>,
        %add3A_563 = arith.constant 2 : i32
        %add3A_564 = vector.broadcast %add3A_563 : i32 to vector<16xi32>
        %add3A_565 = arith.addi %and3A_556, %add3A_564 : vector<16xi32>
        %and3A_566 = arith.constant 127 : i32
        %and3A_567 = vector.broadcast %and3A_566 : i32 to vector<16xi32>
        %and3A_568 = arith.andi %add3A_565, %and3A_567 : vector<16xi32>
        %mul3A_569 = arith.constant 16 : i32
        %mul3A_570 = arith.muli %scan3A_129, %mul3A_569 : i32
        %get3A_571 = arith.constant 36 : i32
        %get3A_572 = arith.index_cast %get3A_571 : i32 to index
        %get3A_573 = arith.index_cast %mul3A_570 : i32 to index
        %get3A_574 = tpu.vector_load %arg5[%get3A_572, %get3A_573] {strides = array<i32>} : memref<64x256xf32, #tpu.memory_space<vmem>>, vector<16xf32>,
        tpu.vector_store_idx %arg7[%shift_right_logical3A_135, %and3A_568], %get3A_574 : memref<128x128xf32, #tpu.memory_space<vmem>>[vector<16xi32>, vector<16xi32>], vector<16xf32>,
        %add3A_575 = arith.constant 2 : i32
        %add3A_576 = vector.broadcast %add3A_575 : i32 to vector<16xi32>
        %add3A_577 = arith.addi %and3A_568, %add3A_576 : vector<16xi32>
        %and3A_578 = arith.constant 127 : i32
        %and3A_579 = vector.broadcast %and3A_578 : i32 to vector<16xi32>
        %and3A_580 = arith.andi %add3A_577, %and3A_579 : vector<16xi32>
        %mul3A_581 = arith.constant 16 : i32
        %mul3A_582 = arith.muli %scan3A_129, %mul3A_581 : i32
        %get3A_583 = arith.constant 37 : i32
        %get3A_584 = arith.index_cast %get3A_583 : i32 to index
        %get3A_585 = arith.index_cast %mul3A_582 : i32 to index
        %get3A_586 = tpu.vector_load %arg5[%get3A_584, %get3A_585] {strides = array<i32>} : memref<64x256xf32, #tpu.memory_space<vmem>>, vector<16xf32>,
        tpu.vector_store_idx %arg7[%shift_right_logical3A_135, %and3A_580], %get3A_586 : memref<128x128xf32, #tpu.memory_space<vmem>>[vector<16xi32>, vector<16xi32>], vector<16xf32>,
        %add3A_587 = arith.constant 2 : i32
        %add3A_588 = vector.broadcast %add3A_587 : i32 to vector<16xi32>
        %add3A_589 = arith.addi %and3A_580, %add3A_588 : vector<16xi32>
        %and3A_590 = arith.constant 127 : i32
        %and3A_591 = vector.broadcast %and3A_590 : i32 to vector<16xi32>
        %and3A_592 = arith.andi %add3A_589, %and3A_591 : vector<16xi32>
        %mul3A_593 = arith.constant 16 : i32
        %mul3A_594 = arith.muli %scan3A_129, %mul3A_593 : i32
        %get3A_595 = arith.constant 38 : i32
        %get3A_596 = arith.index_cast %get3A_595 : i32 to index
        %get3A_597 = arith.index_cast %mul3A_594 : i32 to index
        %get3A_598 = tpu.vector_load %arg5[%get3A_596, %get3A_597] {strides = array<i32>} : memref<64x256xf32, #tpu.memory_space<vmem>>, vector<16xf32>,
        tpu.vector_store_idx %arg7[%shift_right_logical3A_135, %and3A_592], %get3A_598 : memref<128x128xf32, #tpu.memory_space<vmem>>[vector<16xi32>, vector<16xi32>], vector<16xf32>,
        %add3A_599 = arith.constant 2 : i32
        %add3A_600 = vector.broadcast %add3A_599 : i32 to vector<16xi32>
        %add3A_601 = arith.addi %and3A_592, %add3A_600 : vector<16xi32>
        %and3A_602 = arith.constant 127 : i32
        %and3A_603 = vector.broadcast %and3A_602 : i32 to vector<16xi32>
        %and3A_604 = arith.andi %add3A_601, %and3A_603 : vector<16xi32>
        %mul3A_605 = arith.constant 16 : i32
        %mul3A_606 = arith.muli %scan3A_129, %mul3A_605 : i32
        %get3A_607 = arith.constant 39 : i32
        %get3A_608 = arith.index_cast %get3A_607 : i32 to index
        %get3A_609 = arith.index_cast %mul3A_606 : i32 to index
        %get3A_610 = tpu.vector_load %arg5[%get3A_608, %get3A_609] {strides = array<i32>} : memref<64x256xf32, #tpu.memory_space<vmem>>, vector<16xf32>,
        tpu.vector_store_idx %arg7[%shift_right_logical3A_135, %and3A_604], %get3A_610 : memref<128x128xf32, #tpu.memory_space<vmem>>[vector<16xi32>, vector<16xi32>], vector<16xf32>,
        %add3A_611 = arith.constant 2 : i32
        %add3A_612 = vector.broadcast %add3A_611 : i32 to vector<16xi32>
        %add3A_613 = arith.addi %and3A_604, %add3A_612 : vector<16xi32>
        %and3A_614 = arith.constant 127 : i32
        %and3A_615 = vector.broadcast %and3A_614 : i32 to vector<16xi32>
        %and3A_616 = arith.andi %add3A_613, %and3A_615 : vector<16xi32>
        %mul3A_617 = arith.constant 16 : i32
        %mul3A_618 = arith.muli %scan3A_129, %mul3A_617 : i32
        %get3A_619 = arith.constant 40 : i32
        %get3A_620 = arith.index_cast %get3A_619 : i32 to index
        %get3A_621 = arith.index_cast %mul3A_618 : i32 to index
        %get3A_622 = tpu.vector_load %arg5[%get3A_620, %get3A_621] {strides = array<i32>} : memref<64x256xf32, #tpu.memory_space<vmem>>, vector<16xf32>,
        tpu.vector_store_idx %arg7[%shift_right_logical3A_135, %and3A_616], %get3A_622 : memref<128x128xf32, #tpu.memory_space<vmem>>[vector<16xi32>, vector<16xi32>], vector<16xf32>,
        %add3A_623 = arith.constant 2 : i32
        %add3A_624 = vector.broadcast %add3A_623 : i32 to vector<16xi32>
        %add3A_625 = arith.addi %and3A_616, %add3A_624 : vector<16xi32>
        %and3A_626 = arith.constant 127 : i32
        %and3A_627 = vector.broadcast %and3A_626 : i32 to vector<16xi32>
        %and3A_628 = arith.andi %add3A_625, %and3A_627 : vector<16xi32>
        %mul3A_629 = arith.constant 16 : i32
        %mul3A_630 = arith.muli %scan3A_129, %mul3A_629 : i32
        %get3A_631 = arith.constant 41 : i32
        %get3A_632 = arith.index_cast %get3A_631 : i32 to index
        %get3A_633 = arith.index_cast %mul3A_630 : i32 to index
        %get3A_634 = tpu.vector_load %arg5[%get3A_632, %get3A_633] {strides = array<i32>} : memref<64x256xf32, #tpu.memory_space<vmem>>, vector<16xf32>,
        tpu.vector_store_idx %arg7[%shift_right_logical3A_135, %and3A_628], %get3A_634 : memref<128x128xf32, #tpu.memory_space<vmem>>[vector<16xi32>, vector<16xi32>], vector<16xf32>,
        %add3A_635 = arith.constant 2 : i32
        %add3A_636 = vector.broadcast %add3A_635 : i32 to vector<16xi32>
        %add3A_637 = arith.addi %and3A_628, %add3A_636 : vector<16xi32>
        %and3A_638 = arith.constant 127 : i32
        %and3A_639 = vector.broadcast %and3A_638 : i32 to vector<16xi32>
        %and3A_640 = arith.andi %add3A_637, %and3A_639 : vector<16xi32>
        %mul3A_641 = arith.constant 16 : i32
        %mul3A_642 = arith.muli %scan3A_129, %mul3A_641 : i32
        %get3A_643 = arith.constant 42 : i32
        %get3A_644 = arith.index_cast %get3A_643 : i32 to index
        %get3A_645 = arith.index_cast %mul3A_642 : i32 to index
        %get3A_646 = tpu.vector_load %arg5[%get3A_644, %get3A_645] {strides = array<i32>} : memref<64x256xf32, #tpu.memory_space<vmem>>, vector<16xf32>,
        tpu.vector_store_idx %arg7[%shift_right_logical3A_135, %and3A_640], %get3A_646 : memref<128x128xf32, #tpu.memory_space<vmem>>[vector<16xi32>, vector<16xi32>], vector<16xf32>,
        %add3A_647 = arith.constant 2 : i32
        %add3A_648 = vector.broadcast %add3A_647 : i32 to vector<16xi32>
        %add3A_649 = arith.addi %and3A_640, %add3A_648 : vector<16xi32>
        %and3A_650 = arith.constant 127 : i32
        %and3A_651 = vector.broadcast %and3A_650 : i32 to vector<16xi32>
        %and3A_652 = arith.andi %add3A_649, %and3A_651 : vector<16xi32>
        %mul3A_653 = arith.constant 16 : i32
        %mul3A_654 = arith.muli %scan3A_129, %mul3A_653 : i32
        %get3A_655 = arith.constant 43 : i32
        %get3A_656 = arith.index_cast %get3A_655 : i32 to index
        %get3A_657 = arith.index_cast %mul3A_654 : i32 to index
        %get3A_658 = tpu.vector_load %arg5[%get3A_656, %get3A_657] {strides = array<i32>} : memref<64x256xf32, #tpu.memory_space<vmem>>, vector<16xf32>,
        tpu.vector_store_idx %arg7[%shift_right_logical3A_135, %and3A_652], %get3A_658 : memref<128x128xf32, #tpu.memory_space<vmem>>[vector<16xi32>, vector<16xi32>], vector<16xf32>,
        %add3A_659 = arith.constant 2 : i32
        %add3A_660 = vector.broadcast %add3A_659 : i32 to vector<16xi32>
        %add3A_661 = arith.addi %and3A_652, %add3A_660 : vector<16xi32>
        %and3A_662 = arith.constant 127 : i32
        %and3A_663 = vector.broadcast %and3A_662 : i32 to vector<16xi32>
        %and3A_664 = arith.andi %add3A_661, %and3A_663 : vector<16xi32>
        %mul3A_665 = arith.constant 16 : i32
        %mul3A_666 = arith.muli %scan3A_129, %mul3A_665 : i32
        %get3A_667 = arith.constant 44 : i32
        %get3A_668 = arith.index_cast %get3A_667 : i32 to index
        %get3A_669 = arith.index_cast %mul3A_666 : i32 to index
        %get3A_670 = tpu.vector_load %arg5[%get3A_668, %get3A_669] {strides = array<i32>} : memref<64x256xf32, #tpu.memory_space<vmem>>, vector<16xf32>,
        tpu.vector_store_idx %arg7[%shift_right_logical3A_135, %and3A_664], %get3A_670 : memref<128x128xf32, #tpu.memory_space<vmem>>[vector<16xi32>, vector<16xi32>], vector<16xf32>,
        %add3A_671 = arith.constant 2 : i32
        %add3A_672 = vector.broadcast %add3A_671 : i32 to vector<16xi32>
        %add3A_673 = arith.addi %and3A_664, %add3A_672 : vector<16xi32>
        %and3A_674 = arith.constant 127 : i32
        %and3A_675 = vector.broadcast %and3A_674 : i32 to vector<16xi32>
        %and3A_676 = arith.andi %add3A_673, %and3A_675 : vector<16xi32>
        %mul3A_677 = arith.constant 16 : i32
        %mul3A_678 = arith.muli %scan3A_129, %mul3A_677 : i32
        %get3A_679 = arith.constant 45 : i32
        %get3A_680 = arith.index_cast %get3A_679 : i32 to index
        %get3A_681 = arith.index_cast %mul3A_678 : i32 to index
        %get3A_682 = tpu.vector_load %arg5[%get3A_680, %get3A_681] {strides = array<i32>} : memref<64x256xf32, #tpu.memory_space<vmem>>, vector<16xf32>,
        tpu.vector_store_idx %arg7[%shift_right_logical3A_135, %and3A_676], %get3A_682 : memref<128x128xf32, #tpu.memory_space<vmem>>[vector<16xi32>, vector<16xi32>], vector<16xf32>,
        %add3A_683 = arith.constant 2 : i32
        %add3A_684 = vector.broadcast %add3A_683 : i32 to vector<16xi32>
        %add3A_685 = arith.addi %and3A_676, %add3A_684 : vector<16xi32>
        %and3A_686 = arith.constant 127 : i32
        %and3A_687 = vector.broadcast %and3A_686 : i32 to vector<16xi32>
        %and3A_688 = arith.andi %add3A_685, %and3A_687 : vector<16xi32>
        %mul3A_689 = arith.constant 16 : i32
        %mul3A_690 = arith.muli %scan3A_129, %mul3A_689 : i32
        %get3A_691 = arith.constant 46 : i32
        %get3A_692 = arith.index_cast %get3A_691 : i32 to index
        %get3A_693 = arith.index_cast %mul3A_690 : i32 to index
        %get3A_694 = tpu.vector_load %arg5[%get3A_692, %get3A_693] {strides = array<i32>} : memref<64x256xf32, #tpu.memory_space<vmem>>, vector<16xf32>,
        tpu.vector_store_idx %arg7[%shift_right_logical3A_135, %and3A_688], %get3A_694 : memref<128x128xf32, #tpu.memory_space<vmem>>[vector<16xi32>, vector<16xi32>], vector<16xf32>,
        %add3A_695 = arith.constant 2 : i32
        %add3A_696 = vector.broadcast %add3A_695 : i32 to vector<16xi32>
        %add3A_697 = arith.addi %and3A_688, %add3A_696 : vector<16xi32>
        %and3A_698 = arith.constant 127 : i32
        %and3A_699 = vector.broadcast %and3A_698 : i32 to vector<16xi32>
        %and3A_700 = arith.andi %add3A_697, %and3A_699 : vector<16xi32>
        %mul3A_701 = arith.constant 16 : i32
        %mul3A_702 = arith.muli %scan3A_129, %mul3A_701 : i32
        %get3A_703 = arith.constant 47 : i32
        %get3A_704 = arith.index_cast %get3A_703 : i32 to index
        %get3A_705 = arith.index_cast %mul3A_702 : i32 to index
        %get3A_706 = tpu.vector_load %arg5[%get3A_704, %get3A_705] {strides = array<i32>} : memref<64x256xf32, #tpu.memory_space<vmem>>, vector<16xf32>,
        tpu.vector_store_idx %arg7[%shift_right_logical3A_135, %and3A_700], %get3A_706 : memref<128x128xf32, #tpu.memory_space<vmem>>[vector<16xi32>, vector<16xi32>], vector<16xf32>,
        %add3A_707 = arith.constant 2 : i32
        %add3A_708 = vector.broadcast %add3A_707 : i32 to vector<16xi32>
        %add3A_709 = arith.addi %and3A_700, %add3A_708 : vector<16xi32>
        %and3A_710 = arith.constant 127 : i32
        %and3A_711 = vector.broadcast %and3A_710 : i32 to vector<16xi32>
        %and3A_712 = arith.andi %add3A_709, %and3A_711 : vector<16xi32>
        %mul3A_713 = arith.constant 16 : i32
        %mul3A_714 = arith.muli %scan3A_129, %mul3A_713 : i32
        %get3A_715 = arith.constant 48 : i32
        %get3A_716 = arith.index_cast %get3A_715 : i32 to index
        %get3A_717 = arith.index_cast %mul3A_714 : i32 to index
        %get3A_718 = tpu.vector_load %arg5[%get3A_716, %get3A_717] {strides = array<i32>} : memref<64x256xf32, #tpu.memory_space<vmem>>, vector<16xf32>,
        tpu.vector_store_idx %arg7[%shift_right_logical3A_135, %and3A_712], %get3A_718 : memref<128x128xf32, #tpu.memory_space<vmem>>[vector<16xi32>, vector<16xi32>], vector<16xf32>,
        %add3A_719 = arith.constant 2 : i32
        %add3A_720 = vector.broadcast %add3A_719 : i32 to vector<16xi32>
        %add3A_721 = arith.addi %and3A_712, %add3A_720 : vector<16xi32>
        %and3A_722 = arith.constant 127 : i32
        %and3A_723 = vector.broadcast %and3A_722 : i32 to vector<16xi32>
        %and3A_724 = arith.andi %add3A_721, %and3A_723 : vector<16xi32>
        %mul3A_725 = arith.constant 16 : i32
        %mul3A_726 = arith.muli %scan3A_129, %mul3A_725 : i32
        %get3A_727 = arith.constant 49 : i32
        %get3A_728 = arith.index_cast %get3A_727 : i32 to index
        %get3A_729 = arith.index_cast %mul3A_726 : i32 to index
        %get3A_730 = tpu.vector_load %arg5[%get3A_728, %get3A_729] {strides = array<i32>} : memref<64x256xf32, #tpu.memory_space<vmem>>, vector<16xf32>,
        tpu.vector_store_idx %arg7[%shift_right_logical3A_135, %and3A_724], %get3A_730 : memref<128x128xf32, #tpu.memory_space<vmem>>[vector<16xi32>, vector<16xi32>], vector<16xf32>,
        %add3A_731 = arith.constant 2 : i32
        %add3A_732 = vector.broadcast %add3A_731 : i32 to vector<16xi32>
        %add3A_733 = arith.addi %and3A_724, %add3A_732 : vector<16xi32>
        %and3A_734 = arith.constant 127 : i32
        %and3A_735 = vector.broadcast %and3A_734 : i32 to vector<16xi32>
        %and3A_736 = arith.andi %add3A_733, %and3A_735 : vector<16xi32>
        %mul3A_737 = arith.constant 16 : i32
        %mul3A_738 = arith.muli %scan3A_129, %mul3A_737 : i32
        %get3A_739 = arith.constant 50 : i32
        %get3A_740 = arith.index_cast %get3A_739 : i32 to index
        %get3A_741 = arith.index_cast %mul3A_738 : i32 to index
        %get3A_742 = tpu.vector_load %arg5[%get3A_740, %get3A_741] {strides = array<i32>} : memref<64x256xf32, #tpu.memory_space<vmem>>, vector<16xf32>,
        tpu.vector_store_idx %arg7[%shift_right_logical3A_135, %and3A_736], %get3A_742 : memref<128x128xf32, #tpu.memory_space<vmem>>[vector<16xi32>, vector<16xi32>], vector<16xf32>,
        %add3A_743 = arith.constant 2 : i32
        %add3A_744 = vector.broadcast %add3A_743 : i32 to vector<16xi32>
        %add3A_745 = arith.addi %and3A_736, %add3A_744 : vector<16xi32>
        %and3A_746 = arith.constant 127 : i32
        %and3A_747 = vector.broadcast %and3A_746 : i32 to vector<16xi32>
        %and3A_748 = arith.andi %add3A_745, %and3A_747 : vector<16xi32>
        %mul3A_749 = arith.constant 16 : i32
        %mul3A_750 = arith.muli %scan3A_129, %mul3A_749 : i32
        %get3A_751 = arith.constant 51 : i32
        %get3A_752 = arith.index_cast %get3A_751 : i32 to index
        %get3A_753 = arith.index_cast %mul3A_750 : i32 to index
        %get3A_754 = tpu.vector_load %arg5[%get3A_752, %get3A_753] {strides = array<i32>} : memref<64x256xf32, #tpu.memory_space<vmem>>, vector<16xf32>,
        tpu.vector_store_idx %arg7[%shift_right_logical3A_135, %and3A_748], %get3A_754 : memref<128x128xf32, #tpu.memory_space<vmem>>[vector<16xi32>, vector<16xi32>], vector<16xf32>,
        %add3A_755 = arith.constant 2 : i32
        %add3A_756 = vector.broadcast %add3A_755 : i32 to vector<16xi32>
        %add3A_757 = arith.addi %and3A_748, %add3A_756 : vector<16xi32>
        %and3A_758 = arith.constant 127 : i32
        %and3A_759 = vector.broadcast %and3A_758 : i32 to vector<16xi32>
        %and3A_760 = arith.andi %add3A_757, %and3A_759 : vector<16xi32>
        %mul3A_761 = arith.constant 16 : i32
        %mul3A_762 = arith.muli %scan3A_129, %mul3A_761 : i32
        %get3A_763 = arith.constant 52 : i32
        %get3A_764 = arith.index_cast %get3A_763 : i32 to index
        %get3A_765 = arith.index_cast %mul3A_762 : i32 to index
        %get3A_766 = tpu.vector_load %arg5[%get3A_764, %get3A_765] {strides = array<i32>} : memref<64x256xf32, #tpu.memory_space<vmem>>, vector<16xf32>,
        tpu.vector_store_idx %arg7[%shift_right_logical3A_135, %and3A_760], %get3A_766 : memref<128x128xf32, #tpu.memory_space<vmem>>[vector<16xi32>, vector<16xi32>], vector<16xf32>,
        %add3A_767 = arith.constant 2 : i32
        %add3A_768 = vector.broadcast %add3A_767 : i32 to vector<16xi32>
        %add3A_769 = arith.addi %and3A_760, %add3A_768 : vector<16xi32>
        %and3A_770 = arith.constant 127 : i32
        %and3A_771 = vector.broadcast %and3A_770 : i32 to vector<16xi32>
        %and3A_772 = arith.andi %add3A_769, %and3A_771 : vector<16xi32>
        %mul3A_773 = arith.constant 16 : i32
        %mul3A_774 = arith.muli %scan3A_129, %mul3A_773 : i32
        %get3A_775 = arith.constant 53 : i32
        %get3A_776 = arith.index_cast %get3A_775 : i32 to index
        %get3A_777 = arith.index_cast %mul3A_774 : i32 to index
        %get3A_778 = tpu.vector_load %arg5[%get3A_776, %get3A_777] {strides = array<i32>} : memref<64x256xf32, #tpu.memory_space<vmem>>, vector<16xf32>,
        tpu.vector_store_idx %arg7[%shift_right_logical3A_135, %and3A_772], %get3A_778 : memref<128x128xf32, #tpu.memory_space<vmem>>[vector<16xi32>, vector<16xi32>], vector<16xf32>,
        %add3A_779 = arith.constant 2 : i32
        %add3A_780 = vector.broadcast %add3A_779 : i32 to vector<16xi32>
        %add3A_781 = arith.addi %and3A_772, %add3A_780 : vector<16xi32>
        %and3A_782 = arith.constant 127 : i32
        %and3A_783 = vector.broadcast %and3A_782 : i32 to vector<16xi32>
        %and3A_784 = arith.andi %add3A_781, %and3A_783 : vector<16xi32>
        %mul3A_785 = arith.constant 16 : i32
        %mul3A_786 = arith.muli %scan3A_129, %mul3A_785 : i32
        %get3A_787 = arith.constant 54 : i32
        %get3A_788 = arith.index_cast %get3A_787 : i32 to index
        %get3A_789 = arith.index_cast %mul3A_786 : i32 to index
        %get3A_790 = tpu.vector_load %arg5[%get3A_788, %get3A_789] {strides = array<i32>} : memref<64x256xf32, #tpu.memory_space<vmem>>, vector<16xf32>,
        tpu.vector_store_idx %arg7[%shift_right_logical3A_135, %and3A_784], %get3A_790 : memref<128x128xf32, #tpu.memory_space<vmem>>[vector<16xi32>, vector<16xi32>], vector<16xf32>,
        %add3A_791 = arith.constant 2 : i32
        %add3A_792 = vector.broadcast %add3A_791 : i32 to vector<16xi32>
        %add3A_793 = arith.addi %and3A_784, %add3A_792 : vector<16xi32>
        %and3A_794 = arith.constant 127 : i32
        %and3A_795 = vector.broadcast %and3A_794 : i32 to vector<16xi32>
        %and3A_796 = arith.andi %add3A_793, %and3A_795 : vector<16xi32>
        %mul3A_797 = arith.constant 16 : i32
        %mul3A_798 = arith.muli %scan3A_129, %mul3A_797 : i32
        %get3A_799 = arith.constant 55 : i32
        %get3A_800 = arith.index_cast %get3A_799 : i32 to index
        %get3A_801 = arith.index_cast %mul3A_798 : i32 to index
        %get3A_802 = tpu.vector_load %arg5[%get3A_800, %get3A_801] {strides = array<i32>} : memref<64x256xf32, #tpu.memory_space<vmem>>, vector<16xf32>,
        tpu.vector_store_idx %arg7[%shift_right_logical3A_135, %and3A_796], %get3A_802 : memref<128x128xf32, #tpu.memory_space<vmem>>[vector<16xi32>, vector<16xi32>], vector<16xf32>,
        %add3A_803 = arith.constant 2 : i32
        %add3A_804 = vector.broadcast %add3A_803 : i32 to vector<16xi32>
        %add3A_805 = arith.addi %and3A_796, %add3A_804 : vector<16xi32>
        %and3A_806 = arith.constant 127 : i32
        %and3A_807 = vector.broadcast %and3A_806 : i32 to vector<16xi32>
        %and3A_808 = arith.andi %add3A_805, %and3A_807 : vector<16xi32>
        %mul3A_809 = arith.constant 16 : i32
        %mul3A_810 = arith.muli %scan3A_129, %mul3A_809 : i32
        %get3A_811 = arith.constant 56 : i32
        %get3A_812 = arith.index_cast %get3A_811 : i32 to index
        %get3A_813 = arith.index_cast %mul3A_810 : i32 to index
        %get3A_814 = tpu.vector_load %arg5[%get3A_812, %get3A_813] {strides = array<i32>} : memref<64x256xf32, #tpu.memory_space<vmem>>, vector<16xf32>,
        tpu.vector_store_idx %arg7[%shift_right_logical3A_135, %and3A_808], %get3A_814 : memref<128x128xf32, #tpu.memory_space<vmem>>[vector<16xi32>, vector<16xi32>], vector<16xf32>,
        %add3A_815 = arith.constant 2 : i32
        %add3A_816 = vector.broadcast %add3A_815 : i32 to vector<16xi32>
        %add3A_817 = arith.addi %and3A_808, %add3A_816 : vector<16xi32>
        %and3A_818 = arith.constant 127 : i32
        %and3A_819 = vector.broadcast %and3A_818 : i32 to vector<16xi32>
        %and3A_820 = arith.andi %add3A_817, %and3A_819 : vector<16xi32>
        %mul3A_821 = arith.constant 16 : i32
        %mul3A_822 = arith.muli %scan3A_129, %mul3A_821 : i32
        %get3A_823 = arith.constant 57 : i32
        %get3A_824 = arith.index_cast %get3A_823 : i32 to index
        %get3A_825 = arith.index_cast %mul3A_822 : i32 to index
        %get3A_826 = tpu.vector_load %arg5[%get3A_824, %get3A_825] {strides = array<i32>} : memref<64x256xf32, #tpu.memory_space<vmem>>, vector<16xf32>,
        tpu.vector_store_idx %arg7[%shift_right_logical3A_135, %and3A_820], %get3A_826 : memref<128x128xf32, #tpu.memory_space<vmem>>[vector<16xi32>, vector<16xi32>], vector<16xf32>,
        %add3A_827 = arith.constant 2 : i32
        %add3A_828 = vector.broadcast %add3A_827 : i32 to vector<16xi32>
        %add3A_829 = arith.addi %and3A_820, %add3A_828 : vector<16xi32>
        %and3A_830 = arith.constant 127 : i32
        %and3A_831 = vector.broadcast %and3A_830 : i32 to vector<16xi32>
        %and3A_832 = arith.andi %add3A_829, %and3A_831 : vector<16xi32>
        %mul3A_833 = arith.constant 16 : i32
        %mul3A_834 = arith.muli %scan3A_129, %mul3A_833 : i32
        %get3A_835 = arith.constant 58 : i32
        %get3A_836 = arith.index_cast %get3A_835 : i32 to index
        %get3A_837 = arith.index_cast %mul3A_834 : i32 to index
        %get3A_838 = tpu.vector_load %arg5[%get3A_836, %get3A_837] {strides = array<i32>} : memref<64x256xf32, #tpu.memory_space<vmem>>, vector<16xf32>,
        tpu.vector_store_idx %arg7[%shift_right_logical3A_135, %and3A_832], %get3A_838 : memref<128x128xf32, #tpu.memory_space<vmem>>[vector<16xi32>, vector<16xi32>], vector<16xf32>,
        %add3A_839 = arith.constant 2 : i32
        %add3A_840 = vector.broadcast %add3A_839 : i32 to vector<16xi32>
        %add3A_841 = arith.addi %and3A_832, %add3A_840 : vector<16xi32>
        %and3A_842 = arith.constant 127 : i32
        %and3A_843 = vector.broadcast %and3A_842 : i32 to vector<16xi32>
        %and3A_844 = arith.andi %add3A_841, %and3A_843 : vector<16xi32>
        %mul3A_845 = arith.constant 16 : i32
        %mul3A_846 = arith.muli %scan3A_129, %mul3A_845 : i32
        %get3A_847 = arith.constant 59 : i32
        %get3A_848 = arith.index_cast %get3A_847 : i32 to index
        %get3A_849 = arith.index_cast %mul3A_846 : i32 to index
        %get3A_850 = tpu.vector_load %arg5[%get3A_848, %get3A_849] {strides = array<i32>} : memref<64x256xf32, #tpu.memory_space<vmem>>, vector<16xf32>,
        tpu.vector_store_idx %arg7[%shift_right_logical3A_135, %and3A_844], %get3A_850 : memref<128x128xf32, #tpu.memory_space<vmem>>[vector<16xi32>, vector<16xi32>], vector<16xf32>,
        %add3A_851 = arith.constant 2 : i32
        %add3A_852 = vector.broadcast %add3A_851 : i32 to vector<16xi32>
        %add3A_853 = arith.addi %and3A_844, %add3A_852 : vector<16xi32>
        %and3A_854 = arith.constant 127 : i32
        %and3A_855 = vector.broadcast %and3A_854 : i32 to vector<16xi32>
        %and3A_856 = arith.andi %add3A_853, %and3A_855 : vector<16xi32>
        %mul3A_857 = arith.constant 16 : i32
        %mul3A_858 = arith.muli %scan3A_129, %mul3A_857 : i32
        %get3A_859 = arith.constant 60 : i32
        %get3A_860 = arith.index_cast %get3A_859 : i32 to index
        %get3A_861 = arith.index_cast %mul3A_858 : i32 to index
        %get3A_862 = tpu.vector_load %arg5[%get3A_860, %get3A_861] {strides = array<i32>} : memref<64x256xf32, #tpu.memory_space<vmem>>, vector<16xf32>,
        tpu.vector_store_idx %arg7[%shift_right_logical3A_135, %and3A_856], %get3A_862 : memref<128x128xf32, #tpu.memory_space<vmem>>[vector<16xi32>, vector<16xi32>], vector<16xf32>,
        %add3A_863 = arith.constant 2 : i32
        %add3A_864 = vector.broadcast %add3A_863 : i32 to vector<16xi32>
        %add3A_865 = arith.addi %and3A_856, %add3A_864 : vector<16xi32>
        %and3A_866 = arith.constant 127 : i32
        %and3A_867 = vector.broadcast %and3A_866 : i32 to vector<16xi32>
        %and3A_868 = arith.andi %add3A_865, %and3A_867 : vector<16xi32>
        %mul3A_869 = arith.constant 16 : i32
        %mul3A_870 = arith.muli %scan3A_129, %mul3A_869 : i32
        %get3A_871 = arith.constant 61 : i32
        %get3A_872 = arith.index_cast %get3A_871 : i32 to index
        %get3A_873 = arith.index_cast %mul3A_870 : i32 to index
        %get3A_874 = tpu.vector_load %arg5[%get3A_872, %get3A_873] {strides = array<i32>} : memref<64x256xf32, #tpu.memory_space<vmem>>, vector<16xf32>,
        tpu.vector_store_idx %arg7[%shift_right_logical3A_135, %and3A_868], %get3A_874 : memref<128x128xf32, #tpu.memory_space<vmem>>[vector<16xi32>, vector<16xi32>], vector<16xf32>,
        %add3A_875 = arith.constant 2 : i32
        %add3A_876 = vector.broadcast %add3A_875 : i32 to vector<16xi32>
        %add3A_877 = arith.addi %and3A_868, %add3A_876 : vector<16xi32>
        %and3A_878 = arith.constant 127 : i32
        %and3A_879 = vector.broadcast %and3A_878 : i32 to vector<16xi32>
        %and3A_880 = arith.andi %add3A_877, %and3A_879 : vector<16xi32>
        %mul3A_881 = arith.constant 16 : i32
        %mul3A_882 = arith.muli %scan3A_129, %mul3A_881 : i32
        %get3A_883 = arith.constant 62 : i32
        %get3A_884 = arith.index_cast %get3A_883 : i32 to index
        %get3A_885 = arith.index_cast %mul3A_882 : i32 to index
        %get3A_886 = tpu.vector_load %arg5[%get3A_884, %get3A_885] {strides = array<i32>} : memref<64x256xf32, #tpu.memory_space<vmem>>, vector<16xf32>,
        tpu.vector_store_idx %arg7[%shift_right_logical3A_135, %and3A_880], %get3A_886 : memref<128x128xf32, #tpu.memory_space<vmem>>[vector<16xi32>, vector<16xi32>], vector<16xf32>,
        %add3A_887 = arith.constant 2 : i32
        %add3A_888 = vector.broadcast %add3A_887 : i32 to vector<16xi32>
        %add3A_889 = arith.addi %and3A_880, %add3A_888 : vector<16xi32>
        %and3A_890 = arith.constant 127 : i32
        %and3A_891 = vector.broadcast %and3A_890 : i32 to vector<16xi32>
        %and3A_892 = arith.andi %add3A_889, %and3A_891 : vector<16xi32>
        %mul3A_893 = arith.constant 16 : i32
        %mul3A_894 = arith.muli %scan3A_129, %mul3A_893 : i32
        %get3A_895 = arith.constant 63 : i32
        %get3A_896 = arith.index_cast %get3A_895 : i32 to index
        %get3A_897 = arith.index_cast %mul3A_894 : i32 to index
        %get3A_898 = tpu.vector_load %arg5[%get3A_896, %get3A_897] {strides = array<i32>} : memref<64x256xf32, #tpu.memory_space<vmem>>, vector<16xf32>,
        tpu.vector_store_idx %arg7[%shift_right_logical3A_135, %and3A_892], %get3A_898 : memref<128x128xf32, #tpu.memory_space<vmem>>[vector<16xi32>, vector<16xi32>], vector<16xf32>,
        %add3A_899 = arith.constant 2 : i32
        %add3A_900 = vector.broadcast %add3A_899 : i32 to vector<16xi32>
        %add3A_901 = arith.addi %and3A_892, %add3A_900 : vector<16xi32>
        %and3A_902 = arith.constant 127 : i32
        %and3A_903 = vector.broadcast %and3A_902 : i32 to vector<16xi32>
        %and3A_904 = arith.andi %add3A_901, %and3A_903 : vector<16xi32>
      }
      %scan3A_112 = arith.constant 16 : i32
      %add3A_113 = arith.constant 1 : i32
      %add3A_114 = arith.addi %mul3A_35, %add3A_113 : i32
      %add3A_115 = arith.constant 4 : i32
      %add3A_116 = arith.addi %add3A_115, %add3A : i32
      %mul3A_117 = arith.constant 32 : i32
      %mul3A_118 = arith.muli %add3A_114, %mul3A_117 : i32
      %add3A_119 = arith.addi %add3A_116, %mul3A_118 : i32
      %min3A_120 = arith.constant 3910 : i32
      %min3A_121 = arith.minsi %add3A_119, %min3A_120 : i32
      %mul3A_122 = arith.constant 128 : i32
      %mul3A_123 = arith.muli %min3A_121, %mul3A_122 : i32
      %multiple_of3A_124 = tpu.assume_multiple %mul3A_123, 128 : i32
      %dma_start3A_125 = arith.constant 0 : i32
      %dma_start3A_126 = tpu.memref_slice %arg3[%multiple_of3A_124, %dma_start3A_125] : memref<501024x128xf32, #tpu.memory_space<hbm>> -> memref<128x128xf32, #tpu.memory_space<hbm>>
      %dma_start3A_127 = arith.constant 0 : i32
      %dma_start3A_128 = tpu.memref_slice %arg3[%multiple_of3A_124, %dma_start3A_127] : memref<501024x128xf32, #tpu.memory_space<hbm>> -> memref<128x128xf32, #tpu.memory_space<hbm>>
      tpu.enqueue_dma source(%arg7 : memref<128x128xf32, #tpu.memory_space<vmem>>) target(%dma_start3A_128 : memref<128x128xf32, #tpu.memory_space<hbm>>) target_semaphore(%arg11 : memref<!tpu.dma_semaphore, #tpu.memory_space<semaphore_mem>>)
    }
    %scan3A_15 = arith.constant 62 : i32
    %dma_wait3A = arith.constant 0 : i32
    %dma_wait3A_16 = arith.constant 0 : i32
    %dma_wait3A_17 = tpu.memref_slice %arg2[%dma_wait3A, %dma_wait3A_16] : memref<64x1002048xf32, #tpu.memory_space<hbm>> -> memref<64x256xf32, #tpu.memory_space<hbm>>
    %dma_wait3A_18 = arith.constant 0 : i32
    %dma_wait3A_19 = arith.constant 0 : i32
    %dma_wait3A_20 = tpu.memref_slice %arg2[%dma_wait3A_18, %dma_wait3A_19] : memref<64x1002048xf32, #tpu.memory_space<hbm>> -> memref<64x256xf32, #tpu.memory_space<hbm>>
    tpu.wait_dma2 semaphore(%arg8 : memref<!tpu.dma_semaphore, #tpu.memory_space<semaphore_mem>>) src(%dma_wait3A_20 : memref<64x256xf32, #tpu.memory_space<hbm>>) dst(%arg4 : memref<64x256xf32, #tpu.memory_space<vmem>>)
    %dma_wait3A_21 = arith.constant 0 : i32
    %dma_wait3A_22 = arith.constant 0 : i32
    %dma_wait3A_23 = tpu.memref_slice %arg3[%dma_wait3A_21, %dma_wait3A_22] : memref<501024x128xf32, #tpu.memory_space<hbm>> -> memref<128x128xf32, #tpu.memory_space<hbm>>
    %dma_wait3A_24 = arith.constant 0 : i32
    %dma_wait3A_25 = arith.constant 0 : i32
    %dma_wait3A_26 = tpu.memref_slice %arg3[%dma_wait3A_24, %dma_wait3A_25] : memref<501024x128xf32, #tpu.memory_space<hbm>> -> memref<128x128xf32, #tpu.memory_space<hbm>>
    tpu.wait_dma2 semaphore(%arg10 : memref<!tpu.dma_semaphore, #tpu.memory_space<semaphore_mem>>) src(%arg6 : memref<128x128xf32, #tpu.memory_space<vmem>>) dst(%dma_wait3A_26 : memref<128x128xf32, #tpu.memory_space<hbm>>)
    %dma_wait3A_27 = arith.constant 0 : i32
    %dma_wait3A_28 = arith.constant 0 : i32
    %dma_wait3A_29 = tpu.memref_slice %arg3[%dma_wait3A_27, %dma_wait3A_28] : memref<501024x128xf32, #tpu.memory_space<hbm>> -> memref<128x128xf32, #tpu.memory_space<hbm>>
    %dma_wait3A_30 = arith.constant 0 : i32
    %dma_wait3A_31 = arith.constant 0 : i32
    %dma_wait3A_32 = tpu.memref_slice %arg3[%dma_wait3A_30, %dma_wait3A_31] : memref<501024x128xf32, #tpu.memory_space<hbm>> -> memref<128x128xf32, #tpu.memory_space<hbm>>
    tpu.wait_dma2 semaphore(%arg11 : memref<!tpu.dma_semaphore, #tpu.memory_space<semaphore_mem>>) src(%arg7 : memref<128x128xf32, #tpu.memory_space<vmem>>) dst(%dma_wait3A_32 : memref<128x128xf32, #tpu.memory_space<hbm>>)
    return
  }
}

#map = affine_map<(d0, d1) -> (0, 0)>
#map1 = affine_map<(d0, d1) -> (0, 0, 0, 0, 0)>
module attributes {stable_mosaic.version = 14 : i64} {
  func.func @_gather_kernel(%arg0: i32, %arg1: i32, %arg2: memref<501024x128xf32, #tpu.memory_space<hbm>>, %arg3: memref<50x4096xi32, #tpu.memory_space<hbm>>, %arg4: memref<50x8x32x8x128xf32, #tpu.memory_space<hbm>>, %arg5: memref<50x128xi32, #tpu.memory_space<vmem>>, %arg6: memref<128xi32, #tpu.memory_space<vmem>>, %arg7: memref<128xi32, #tpu.memory_space<vmem>>, %arg8: memref<128x128xf32, #tpu.memory_space<vmem>>, %arg9: memref<128x128xf32, #tpu.memory_space<vmem>>, %arg10: memref<8x8x128xf32, #tpu.memory_space<vmem>>, %arg11: memref<8x8x128xf32, #tpu.memory_space<vmem>>, %arg12: memref<!tpu.dma_semaphore, #tpu.memory_space<semaphore_mem>>, %arg13: memref<!tpu.dma_semaphore, #tpu.memory_space<semaphore_mem>>, %arg14: memref<!tpu.dma_semaphore, #tpu.memory_space<semaphore_mem>>, %arg15: memref<!tpu.dma_semaphore, #tpu.memory_space<semaphore_mem>>) attributes {dimension_semantics = [#tpu.dimension_semantics<core_parallel>, #tpu.dimension_semantics<subcore_parallel>], iteration_bounds = array<i64: 2, 16>, scalar_prefetch = 0 : i64, scratch_operands = 11 : i64, tpu.core_type = #tpu.core_type<sc_vector_subcore>, window_params = [{transform_indices = #map}, {transform_indices = #map}, {transform_indices = #map1}]} {
    %mul3A = arith.constant 2 : i32
    %mul3A_0 = arith.muli %arg1, %mul3A : i32
    %add3A = arith.addi %mul3A_0, %arg0 : i32
    %iota3A = tpu.iota {dimensions = array<i32: 0>} : vector<16xi32>
    %mul3A_1 = arith.constant 128 : i32
    %mul3A_2 = arith.muli %add3A, %mul3A_1 : i32
    %multiple_of3A = tpu.assume_multiple %mul3A_2, 128 : i32
    "tpu.region"() ({
      %run_scoped3A = tpu.sem_alloc : memref<!tpu.dma_semaphore, #tpu.memory_space<semaphore_mem>>
      %dma_start3A_155 = arith.constant 0 : i32
      %dma_start3A_156 = tpu.memref_slice %arg3[%dma_start3A_155, %multiple_of3A] : memref<50x4096xi32, #tpu.memory_space<hbm>> -> memref<50x128xi32, #tpu.memory_space<hbm>>
      %dma_start3A_157 = arith.constant 0 : i32
      %dma_start3A_158 = tpu.memref_slice %arg3[%dma_start3A_157, %multiple_of3A] : memref<50x4096xi32, #tpu.memory_space<hbm>> -> memref<50x128xi32, #tpu.memory_space<hbm>>
      tpu.enqueue_dma source(%dma_start3A_158 : memref<50x128xi32, #tpu.memory_space<hbm>>) target(%arg5 : memref<50x128xi32, #tpu.memory_space<vmem>>) target_semaphore(%run_scoped3A : memref<!tpu.dma_semaphore, #tpu.memory_space<semaphore_mem>>)
      %dma_wait3A_159 = arith.constant 0 : i32
      %dma_wait3A_160 = tpu.memref_slice %arg3[%dma_wait3A_159, %multiple_of3A] : memref<50x4096xi32, #tpu.memory_space<hbm>> -> memref<50x128xi32, #tpu.memory_space<hbm>>
      %dma_wait3A_161 = arith.constant 0 : i32
      %dma_wait3A_162 = tpu.memref_slice %arg3[%dma_wait3A_161, %multiple_of3A] : memref<50x4096xi32, #tpu.memory_space<hbm>> -> memref<50x128xi32, #tpu.memory_space<hbm>>
      tpu.wait_dma2 semaphore(%run_scoped3A : memref<!tpu.dma_semaphore, #tpu.memory_space<semaphore_mem>>) src(%dma_wait3A_162 : memref<50x128xi32, #tpu.memory_space<hbm>>) dst(%arg5 : memref<50x128xi32, #tpu.memory_space<vmem>>)
      tpu.yield
    }) : () -> ()
    %scan3A = arith.constant 0 : i32
    %scan3A_3 = arith.constant 0 : i32
    %mul3A_4 = arith.constant 16 : i32
    %mul3A_5 = arith.muli %scan3A_3, %mul3A_4 : i32
    %get3A = arith.constant 0 : i32
    %get3A_6 = arith.index_cast %get3A : i32 to index
    %get3A_7 = arith.index_cast %mul3A_5 : i32 to index
    %get3A_8 = tpu.vector_load %arg5[%get3A_6, %get3A_7] {strides = array<i32>} : memref<50x128xi32, #tpu.memory_space<vmem>>, vector<16xi32>,
    %add3A_9 = arith.constant 1024 : i32
    %add3A_10 = vector.broadcast %add3A_9 : i32 to vector<16xi32>
    %add3A_11 = arith.addi %get3A_8, %add3A_10 : vector<16xi32>
    %shift_right_logical3A = arith.constant 1 : i32
    %shift_right_logical3A_12 = vector.broadcast %shift_right_logical3A : i32 to vector<16xi32>
    %shift_right_logical3A_13 = arith.shrui %add3A_11, %shift_right_logical3A_12 : vector<16xi32>
    %swap3A = arith.index_cast %mul3A_5 : i32 to index
    %swap3A_14 = tpu.vector_load %arg6[%swap3A] {strides = array<i32>} : memref<128xi32, #tpu.memory_space<vmem>>, vector<16xi32>,
    tpu.vector_store %arg6[%swap3A], %shift_right_logical3A_13 {strides = array<i32>} : memref<128xi32, #tpu.memory_space<vmem>>, vector<16xi32>,
    %scan3A_15 = arith.constant 1 : i32
    %mul3A_16 = arith.constant 16 : i32
    %mul3A_17 = arith.muli %scan3A_15, %mul3A_16 : i32
    %get3A_18 = arith.constant 0 : i32
    %get3A_19 = arith.index_cast %get3A_18 : i32 to index
    %get3A_20 = arith.index_cast %mul3A_17 : i32 to index
    %get3A_21 = tpu.vector_load %arg5[%get3A_19, %get3A_20] {strides = array<i32>} : memref<50x128xi32, #tpu.memory_space<vmem>>, vector<16xi32>,
    %add3A_22 = arith.constant 1024 : i32
    %add3A_23 = vector.broadcast %add3A_22 : i32 to vector<16xi32>
    %add3A_24 = arith.addi %get3A_21, %add3A_23 : vector<16xi32>
    %shift_right_logical3A_25 = arith.constant 1 : i32
    %shift_right_logical3A_26 = vector.broadcast %shift_right_logical3A_25 : i32 to vector<16xi32>
    %shift_right_logical3A_27 = arith.shrui %add3A_24, %shift_right_logical3A_26 : vector<16xi32>
    %swap3A_28 = arith.index_cast %mul3A_17 : i32 to index
    %swap3A_29 = tpu.vector_load %arg6[%swap3A_28] {strides = array<i32>} : memref<128xi32, #tpu.memory_space<vmem>>, vector<16xi32>,
    tpu.vector_store %arg6[%swap3A_28], %shift_right_logical3A_27 {strides = array<i32>} : memref<128xi32, #tpu.memory_space<vmem>>, vector<16xi32>,
    %scan3A_30 = arith.constant 2 : i32
    %mul3A_31 = arith.constant 16 : i32
    %mul3A_32 = arith.muli %scan3A_30, %mul3A_31 : i32
    %get3A_33 = arith.constant 0 : i32
    %get3A_34 = arith.index_cast %get3A_33 : i32 to index
    %get3A_35 = arith.index_cast %mul3A_32 : i32 to index
    %get3A_36 = tpu.vector_load %arg5[%get3A_34, %get3A_35] {strides = array<i32>} : memref<50x128xi32, #tpu.memory_space<vmem>>, vector<16xi32>,
    %add3A_37 = arith.constant 1024 : i32
    %add3A_38 = vector.broadcast %add3A_37 : i32 to vector<16xi32>
    %add3A_39 = arith.addi %get3A_36, %add3A_38 : vector<16xi32>
    %shift_right_logical3A_40 = arith.constant 1 : i32
    %shift_right_logical3A_41 = vector.broadcast %shift_right_logical3A_40 : i32 to vector<16xi32>
    %shift_right_logical3A_42 = arith.shrui %add3A_39, %shift_right_logical3A_41 : vector<16xi32>
    %swap3A_43 = arith.index_cast %mul3A_32 : i32 to index
    %swap3A_44 = tpu.vector_load %arg6[%swap3A_43] {strides = array<i32>} : memref<128xi32, #tpu.memory_space<vmem>>, vector<16xi32>,
    tpu.vector_store %arg6[%swap3A_43], %shift_right_logical3A_42 {strides = array<i32>} : memref<128xi32, #tpu.memory_space<vmem>>, vector<16xi32>,
    %scan3A_45 = arith.constant 3 : i32
    %mul3A_46 = arith.constant 16 : i32
    %mul3A_47 = arith.muli %scan3A_45, %mul3A_46 : i32
    %get3A_48 = arith.constant 0 : i32
    %get3A_49 = arith.index_cast %get3A_48 : i32 to index
    %get3A_50 = arith.index_cast %mul3A_47 : i32 to index
    %get3A_51 = tpu.vector_load %arg5[%get3A_49, %get3A_50] {strides = array<i32>} : memref<50x128xi32, #tpu.memory_space<vmem>>, vector<16xi32>,
    %add3A_52 = arith.constant 1024 : i32
    %add3A_53 = vector.broadcast %add3A_52 : i32 to vector<16xi32>
    %add3A_54 = arith.addi %get3A_51, %add3A_53 : vector<16xi32>
    %shift_right_logical3A_55 = arith.constant 1 : i32
    %shift_right_logical3A_56 = vector.broadcast %shift_right_logical3A_55 : i32 to vector<16xi32>
    %shift_right_logical3A_57 = arith.shrui %add3A_54, %shift_right_logical3A_56 : vector<16xi32>
    %swap3A_58 = arith.index_cast %mul3A_47 : i32 to index
    %swap3A_59 = tpu.vector_load %arg6[%swap3A_58] {strides = array<i32>} : memref<128xi32, #tpu.memory_space<vmem>>, vector<16xi32>,
    tpu.vector_store %arg6[%swap3A_58], %shift_right_logical3A_57 {strides = array<i32>} : memref<128xi32, #tpu.memory_space<vmem>>, vector<16xi32>,
    %scan3A_60 = arith.constant 4 : i32
    %mul3A_61 = arith.constant 16 : i32
    %mul3A_62 = arith.muli %scan3A_60, %mul3A_61 : i32
    %get3A_63 = arith.constant 0 : i32
    %get3A_64 = arith.index_cast %get3A_63 : i32 to index
    %get3A_65 = arith.index_cast %mul3A_62 : i32 to index
    %get3A_66 = tpu.vector_load %arg5[%get3A_64, %get3A_65] {strides = array<i32>} : memref<50x128xi32, #tpu.memory_space<vmem>>, vector<16xi32>,
    %add3A_67 = arith.constant 1024 : i32
    %add3A_68 = vector.broadcast %add3A_67 : i32 to vector<16xi32>
    %add3A_69 = arith.addi %get3A_66, %add3A_68 : vector<16xi32>
    %shift_right_logical3A_70 = arith.constant 1 : i32
    %shift_right_logical3A_71 = vector.broadcast %shift_right_logical3A_70 : i32 to vector<16xi32>
    %shift_right_logical3A_72 = arith.shrui %add3A_69, %shift_right_logical3A_71 : vector<16xi32>
    %swap3A_73 = arith.index_cast %mul3A_62 : i32 to index
    %swap3A_74 = tpu.vector_load %arg6[%swap3A_73] {strides = array<i32>} : memref<128xi32, #tpu.memory_space<vmem>>, vector<16xi32>,
    tpu.vector_store %arg6[%swap3A_73], %shift_right_logical3A_72 {strides = array<i32>} : memref<128xi32, #tpu.memory_space<vmem>>, vector<16xi32>,
    %scan3A_75 = arith.constant 5 : i32
    %mul3A_76 = arith.constant 16 : i32
    %mul3A_77 = arith.muli %scan3A_75, %mul3A_76 : i32
    %get3A_78 = arith.constant 0 : i32
    %get3A_79 = arith.index_cast %get3A_78 : i32 to index
    %get3A_80 = arith.index_cast %mul3A_77 : i32 to index
    %get3A_81 = tpu.vector_load %arg5[%get3A_79, %get3A_80] {strides = array<i32>} : memref<50x128xi32, #tpu.memory_space<vmem>>, vector<16xi32>,
    %add3A_82 = arith.constant 1024 : i32
    %add3A_83 = vector.broadcast %add3A_82 : i32 to vector<16xi32>
    %add3A_84 = arith.addi %get3A_81, %add3A_83 : vector<16xi32>
    %shift_right_logical3A_85 = arith.constant 1 : i32
    %shift_right_logical3A_86 = vector.broadcast %shift_right_logical3A_85 : i32 to vector<16xi32>
    %shift_right_logical3A_87 = arith.shrui %add3A_84, %shift_right_logical3A_86 : vector<16xi32>
    %swap3A_88 = arith.index_cast %mul3A_77 : i32 to index
    %swap3A_89 = tpu.vector_load %arg6[%swap3A_88] {strides = array<i32>} : memref<128xi32, #tpu.memory_space<vmem>>, vector<16xi32>,
    tpu.vector_store %arg6[%swap3A_88], %shift_right_logical3A_87 {strides = array<i32>} : memref<128xi32, #tpu.memory_space<vmem>>, vector<16xi32>,
    %scan3A_90 = arith.constant 6 : i32
    %mul3A_91 = arith.constant 16 : i32
    %mul3A_92 = arith.muli %scan3A_90, %mul3A_91 : i32
    %get3A_93 = arith.constant 0 : i32
    %get3A_94 = arith.index_cast %get3A_93 : i32 to index
    %get3A_95 = arith.index_cast %mul3A_92 : i32 to index
    %get3A_96 = tpu.vector_load %arg5[%get3A_94, %get3A_95] {strides = array<i32>} : memref<50x128xi32, #tpu.memory_space<vmem>>, vector<16xi32>,
    %add3A_97 = arith.constant 1024 : i32
    %add3A_98 = vector.broadcast %add3A_97 : i32 to vector<16xi32>
    %add3A_99 = arith.addi %get3A_96, %add3A_98 : vector<16xi32>
    %shift_right_logical3A_100 = arith.constant 1 : i32
    %shift_right_logical3A_101 = vector.broadcast %shift_right_logical3A_100 : i32 to vector<16xi32>
    %shift_right_logical3A_102 = arith.shrui %add3A_99, %shift_right_logical3A_101 : vector<16xi32>
    %swap3A_103 = arith.index_cast %mul3A_92 : i32 to index
    %swap3A_104 = tpu.vector_load %arg6[%swap3A_103] {strides = array<i32>} : memref<128xi32, #tpu.memory_space<vmem>>, vector<16xi32>,
    tpu.vector_store %arg6[%swap3A_103], %shift_right_logical3A_102 {strides = array<i32>} : memref<128xi32, #tpu.memory_space<vmem>>, vector<16xi32>,
    %scan3A_105 = arith.constant 7 : i32
    %mul3A_106 = arith.constant 16 : i32
    %mul3A_107 = arith.muli %scan3A_105, %mul3A_106 : i32
    %get3A_108 = arith.constant 0 : i32
    %get3A_109 = arith.index_cast %get3A_108 : i32 to index
    %get3A_110 = arith.index_cast %mul3A_107 : i32 to index
    %get3A_111 = tpu.vector_load %arg5[%get3A_109, %get3A_110] {strides = array<i32>} : memref<50x128xi32, #tpu.memory_space<vmem>>, vector<16xi32>,
    %add3A_112 = arith.constant 1024 : i32
    %add3A_113 = vector.broadcast %add3A_112 : i32 to vector<16xi32>
    %add3A_114 = arith.addi %get3A_111, %add3A_113 : vector<16xi32>
    %shift_right_logical3A_115 = arith.constant 1 : i32
    %shift_right_logical3A_116 = vector.broadcast %shift_right_logical3A_115 : i32 to vector<16xi32>
    %shift_right_logical3A_117 = arith.shrui %add3A_114, %shift_right_logical3A_116 : vector<16xi32>
    %swap3A_118 = arith.index_cast %mul3A_107 : i32 to index
    %swap3A_119 = tpu.vector_load %arg6[%swap3A_118] {strides = array<i32>} : memref<128xi32, #tpu.memory_space<vmem>>, vector<16xi32>,
    tpu.vector_store %arg6[%swap3A_118], %shift_right_logical3A_117 {strides = array<i32>} : memref<128xi32, #tpu.memory_space<vmem>>, vector<16xi32>,
    %scan3A_120 = arith.constant 8 : i32
    %dma_start3A = arith.constant 0 : i32
    %dma_start3A_121 = arith.constant 0 : i32
    %dma_start3A_122 = tpu.memref_slice %arg2[%dma_start3A, %dma_start3A_121] : memref<501024x128xf32, #tpu.memory_space<hbm>> -> memref<501024x128xf32, #tpu.memory_space<hbm>>
    tpu.enqueue_indirect_dma source(%dma_start3A_122 : memref<501024x128xf32, #tpu.memory_space<hbm>>) target(%arg8 : memref<128x128xf32, #tpu.memory_space<vmem>>) offsets(%arg6 : memref<128xi32, #tpu.memory_space<vmem>>) semaphore(%arg12 : memref<!tpu.dma_semaphore, #tpu.memory_space<semaphore_mem>>)
    %scan3A_123 = arith.constant 0 : i32
    %scan3A_124 = arith.constant 0 : i32
    %scan3A_125 = arith.constant 25 : i32
    %scan3A_126 = arith.addi %scan3A_124, %scan3A_125 : i32
    %scan3A_127 = arith.constant 1 : i32
    scf.for %scan3A_155 = %scan3A_124 to %scan3A_126 step %scan3A_127  : i32 {
      %mul3A_156 = arith.constant 2 : i32
      %mul3A_157 = arith.muli %mul3A_156, %scan3A_155 : i32
      %add3A_158 = arith.constant 1 : i32
      %add3A_159 = arith.addi %mul3A_157, %add3A_158 : i32
      %add3A_160 = arith.constant 2 : i32
      %add3A_161 = arith.addi %mul3A_157, %add3A_160 : i32
      %min3A = arith.constant 49 : i32
      %min3A_162 = arith.minsi %add3A_161, %min3A : i32
      %scan3A_163 = arith.constant 0 : i32
      %scan3A_164 = arith.constant 0 : i32
      %mul3A_165 = arith.constant 16 : i32
      %mul3A_166 = arith.muli %scan3A_164, %mul3A_165 : i32
      %get3A_167 = arith.index_cast %add3A_159 : i32 to index
      %get3A_168 = arith.index_cast %mul3A_166 : i32 to index
      %get3A_169 = tpu.vector_load %arg5[%get3A_167, %get3A_168] {strides = array<i32>} : memref<50x128xi32, #tpu.memory_space<vmem>>, vector<16xi32>,
      %add3A_170 = arith.constant 1024 : i32
      %add3A_171 = vector.broadcast %add3A_170 : i32 to vector<16xi32>
      %add3A_172 = arith.addi %get3A_169, %add3A_171 : vector<16xi32>
      %shift_right_logical3A_173 = arith.constant 1 : i32
      %shift_right_logical3A_174 = vector.broadcast %shift_right_logical3A_173 : i32 to vector<16xi32>
      %shift_right_logical3A_175 = arith.shrui %add3A_172, %shift_right_logical3A_174 : vector<16xi32>
      %swap3A_176 = arith.index_cast %mul3A_166 : i32 to index
      %swap3A_177 = tpu.vector_load %arg7[%swap3A_176] {strides = array<i32>} : memref<128xi32, #tpu.memory_space<vmem>>, vector<16xi32>,
      tpu.vector_store %arg7[%swap3A_176], %shift_right_logical3A_175 {strides = array<i32>} : memref<128xi32, #tpu.memory_space<vmem>>, vector<16xi32>,
      %scan3A_178 = arith.constant 1 : i32
      %mul3A_179 = arith.constant 16 : i32
      %mul3A_180 = arith.muli %scan3A_178, %mul3A_179 : i32
      %get3A_181 = arith.index_cast %add3A_159 : i32 to index
      %get3A_182 = arith.index_cast %mul3A_180 : i32 to index
      %get3A_183 = tpu.vector_load %arg5[%get3A_181, %get3A_182] {strides = array<i32>} : memref<50x128xi32, #tpu.memory_space<vmem>>, vector<16xi32>,
      %add3A_184 = arith.constant 1024 : i32
      %add3A_185 = vector.broadcast %add3A_184 : i32 to vector<16xi32>
      %add3A_186 = arith.addi %get3A_183, %add3A_185 : vector<16xi32>
      %shift_right_logical3A_187 = arith.constant 1 : i32
      %shift_right_logical3A_188 = vector.broadcast %shift_right_logical3A_187 : i32 to vector<16xi32>
      %shift_right_logical3A_189 = arith.shrui %add3A_186, %shift_right_logical3A_188 : vector<16xi32>
      %swap3A_190 = arith.index_cast %mul3A_180 : i32 to index
      %swap3A_191 = tpu.vector_load %arg7[%swap3A_190] {strides = array<i32>} : memref<128xi32, #tpu.memory_space<vmem>>, vector<16xi32>,
      tpu.vector_store %arg7[%swap3A_190], %shift_right_logical3A_189 {strides = array<i32>} : memref<128xi32, #tpu.memory_space<vmem>>, vector<16xi32>,
      %scan3A_192 = arith.constant 2 : i32
      %mul3A_193 = arith.constant 16 : i32
      %mul3A_194 = arith.muli %scan3A_192, %mul3A_193 : i32
      %get3A_195 = arith.index_cast %add3A_159 : i32 to index
      %get3A_196 = arith.index_cast %mul3A_194 : i32 to index
      %get3A_197 = tpu.vector_load %arg5[%get3A_195, %get3A_196] {strides = array<i32>} : memref<50x128xi32, #tpu.memory_space<vmem>>, vector<16xi32>,
      %add3A_198 = arith.constant 1024 : i32
      %add3A_199 = vector.broadcast %add3A_198 : i32 to vector<16xi32>
      %add3A_200 = arith.addi %get3A_197, %add3A_199 : vector<16xi32>
      %shift_right_logical3A_201 = arith.constant 1 : i32
      %shift_right_logical3A_202 = vector.broadcast %shift_right_logical3A_201 : i32 to vector<16xi32>
      %shift_right_logical3A_203 = arith.shrui %add3A_200, %shift_right_logical3A_202 : vector<16xi32>
      %swap3A_204 = arith.index_cast %mul3A_194 : i32 to index
      %swap3A_205 = tpu.vector_load %arg7[%swap3A_204] {strides = array<i32>} : memref<128xi32, #tpu.memory_space<vmem>>, vector<16xi32>,
      tpu.vector_store %arg7[%swap3A_204], %shift_right_logical3A_203 {strides = array<i32>} : memref<128xi32, #tpu.memory_space<vmem>>, vector<16xi32>,
      %scan3A_206 = arith.constant 3 : i32
      %mul3A_207 = arith.constant 16 : i32
      %mul3A_208 = arith.muli %scan3A_206, %mul3A_207 : i32
      %get3A_209 = arith.index_cast %add3A_159 : i32 to index
      %get3A_210 = arith.index_cast %mul3A_208 : i32 to index
      %get3A_211 = tpu.vector_load %arg5[%get3A_209, %get3A_210] {strides = array<i32>} : memref<50x128xi32, #tpu.memory_space<vmem>>, vector<16xi32>,
      %add3A_212 = arith.constant 1024 : i32
      %add3A_213 = vector.broadcast %add3A_212 : i32 to vector<16xi32>
      %add3A_214 = arith.addi %get3A_211, %add3A_213 : vector<16xi32>
      %shift_right_logical3A_215 = arith.constant 1 : i32
      %shift_right_logical3A_216 = vector.broadcast %shift_right_logical3A_215 : i32 to vector<16xi32>
      %shift_right_logical3A_217 = arith.shrui %add3A_214, %shift_right_logical3A_216 : vector<16xi32>
      %swap3A_218 = arith.index_cast %mul3A_208 : i32 to index
      %swap3A_219 = tpu.vector_load %arg7[%swap3A_218] {strides = array<i32>} : memref<128xi32, #tpu.memory_space<vmem>>, vector<16xi32>,
      tpu.vector_store %arg7[%swap3A_218], %shift_right_logical3A_217 {strides = array<i32>} : memref<128xi32, #tpu.memory_space<vmem>>, vector<16xi32>,
      %scan3A_220 = arith.constant 4 : i32
      %mul3A_221 = arith.constant 16 : i32
      %mul3A_222 = arith.muli %scan3A_220, %mul3A_221 : i32
      %get3A_223 = arith.index_cast %add3A_159 : i32 to index
      %get3A_224 = arith.index_cast %mul3A_222 : i32 to index
      %get3A_225 = tpu.vector_load %arg5[%get3A_223, %get3A_224] {strides = array<i32>} : memref<50x128xi32, #tpu.memory_space<vmem>>, vector<16xi32>,
      %add3A_226 = arith.constant 1024 : i32
      %add3A_227 = vector.broadcast %add3A_226 : i32 to vector<16xi32>
      %add3A_228 = arith.addi %get3A_225, %add3A_227 : vector<16xi32>
      %shift_right_logical3A_229 = arith.constant 1 : i32
      %shift_right_logical3A_230 = vector.broadcast %shift_right_logical3A_229 : i32 to vector<16xi32>
      %shift_right_logical3A_231 = arith.shrui %add3A_228, %shift_right_logical3A_230 : vector<16xi32>
      %swap3A_232 = arith.index_cast %mul3A_222 : i32 to index
      %swap3A_233 = tpu.vector_load %arg7[%swap3A_232] {strides = array<i32>} : memref<128xi32, #tpu.memory_space<vmem>>, vector<16xi32>,
      tpu.vector_store %arg7[%swap3A_232], %shift_right_logical3A_231 {strides = array<i32>} : memref<128xi32, #tpu.memory_space<vmem>>, vector<16xi32>,
      %scan3A_234 = arith.constant 5 : i32
      %mul3A_235 = arith.constant 16 : i32
      %mul3A_236 = arith.muli %scan3A_234, %mul3A_235 : i32
      %get3A_237 = arith.index_cast %add3A_159 : i32 to index
      %get3A_238 = arith.index_cast %mul3A_236 : i32 to index
      %get3A_239 = tpu.vector_load %arg5[%get3A_237, %get3A_238] {strides = array<i32>} : memref<50x128xi32, #tpu.memory_space<vmem>>, vector<16xi32>,
      %add3A_240 = arith.constant 1024 : i32
      %add3A_241 = vector.broadcast %add3A_240 : i32 to vector<16xi32>
      %add3A_242 = arith.addi %get3A_239, %add3A_241 : vector<16xi32>
      %shift_right_logical3A_243 = arith.constant 1 : i32
      %shift_right_logical3A_244 = vector.broadcast %shift_right_logical3A_243 : i32 to vector<16xi32>
      %shift_right_logical3A_245 = arith.shrui %add3A_242, %shift_right_logical3A_244 : vector<16xi32>
      %swap3A_246 = arith.index_cast %mul3A_236 : i32 to index
      %swap3A_247 = tpu.vector_load %arg7[%swap3A_246] {strides = array<i32>} : memref<128xi32, #tpu.memory_space<vmem>>, vector<16xi32>,
      tpu.vector_store %arg7[%swap3A_246], %shift_right_logical3A_245 {strides = array<i32>} : memref<128xi32, #tpu.memory_space<vmem>>, vector<16xi32>,
      %scan3A_248 = arith.constant 6 : i32
      %mul3A_249 = arith.constant 16 : i32
      %mul3A_250 = arith.muli %scan3A_248, %mul3A_249 : i32
      %get3A_251 = arith.index_cast %add3A_159 : i32 to index
      %get3A_252 = arith.index_cast %mul3A_250 : i32 to index
      %get3A_253 = tpu.vector_load %arg5[%get3A_251, %get3A_252] {strides = array<i32>} : memref<50x128xi32, #tpu.memory_space<vmem>>, vector<16xi32>,
      %add3A_254 = arith.constant 1024 : i32
      %add3A_255 = vector.broadcast %add3A_254 : i32 to vector<16xi32>
      %add3A_256 = arith.addi %get3A_253, %add3A_255 : vector<16xi32>
      %shift_right_logical3A_257 = arith.constant 1 : i32
      %shift_right_logical3A_258 = vector.broadcast %shift_right_logical3A_257 : i32 to vector<16xi32>
      %shift_right_logical3A_259 = arith.shrui %add3A_256, %shift_right_logical3A_258 : vector<16xi32>
      %swap3A_260 = arith.index_cast %mul3A_250 : i32 to index
      %swap3A_261 = tpu.vector_load %arg7[%swap3A_260] {strides = array<i32>} : memref<128xi32, #tpu.memory_space<vmem>>, vector<16xi32>,
      tpu.vector_store %arg7[%swap3A_260], %shift_right_logical3A_259 {strides = array<i32>} : memref<128xi32, #tpu.memory_space<vmem>>, vector<16xi32>,
      %scan3A_262 = arith.constant 7 : i32
      %mul3A_263 = arith.constant 16 : i32
      %mul3A_264 = arith.muli %scan3A_262, %mul3A_263 : i32
      %get3A_265 = arith.index_cast %add3A_159 : i32 to index
      %get3A_266 = arith.index_cast %mul3A_264 : i32 to index
      %get3A_267 = tpu.vector_load %arg5[%get3A_265, %get3A_266] {strides = array<i32>} : memref<50x128xi32, #tpu.memory_space<vmem>>, vector<16xi32>,
      %add3A_268 = arith.constant 1024 : i32
      %add3A_269 = vector.broadcast %add3A_268 : i32 to vector<16xi32>
      %add3A_270 = arith.addi %get3A_267, %add3A_269 : vector<16xi32>
      %shift_right_logical3A_271 = arith.constant 1 : i32
      %shift_right_logical3A_272 = vector.broadcast %shift_right_logical3A_271 : i32 to vector<16xi32>
      %shift_right_logical3A_273 = arith.shrui %add3A_270, %shift_right_logical3A_272 : vector<16xi32>
      %swap3A_274 = arith.index_cast %mul3A_264 : i32 to index
      %swap3A_275 = tpu.vector_load %arg7[%swap3A_274] {strides = array<i32>} : memref<128xi32, #tpu.memory_space<vmem>>, vector<16xi32>,
      tpu.vector_store %arg7[%swap3A_274], %shift_right_logical3A_273 {strides = array<i32>} : memref<128xi32, #tpu.memory_space<vmem>>, vector<16xi32>,
      %scan3A_276 = arith.constant 8 : i32
      %dma_wait3A_277 = arith.constant 0 : i32
      %dma_wait3A_278 = arith.constant 0 : i32
      %dma_wait3A_279 = tpu.memref_slice %arg2[%dma_wait3A_277, %dma_wait3A_278] : memref<501024x128xf32, #tpu.memory_space<hbm>> -> memref<501024x128xf32, #tpu.memory_space<hbm>>
      tpu.wait_indirect_dma semaphore(%arg12 : memref<!tpu.dma_semaphore, #tpu.memory_space<semaphore_mem>>) src(%dma_wait3A_279 : memref<501024x128xf32, #tpu.memory_space<hbm>>) dst(%arg8 : memref<128x128xf32, #tpu.memory_space<vmem>>)
      %dma_start3A_280 = arith.constant 0 : i32
      %dma_start3A_281 = arith.constant 0 : i32
      %dma_start3A_282 = tpu.memref_slice %arg2[%dma_start3A_280, %dma_start3A_281] : memref<501024x128xf32, #tpu.memory_space<hbm>> -> memref<501024x128xf32, #tpu.memory_space<hbm>>
      tpu.enqueue_indirect_dma source(%dma_start3A_282 : memref<501024x128xf32, #tpu.memory_space<hbm>>) target(%arg9 : memref<128x128xf32, #tpu.memory_space<vmem>>) offsets(%arg7 : memref<128xi32, #tpu.memory_space<vmem>>) semaphore(%arg13 : memref<!tpu.dma_semaphore, #tpu.memory_space<semaphore_mem>>)
      %gt3A = arith.constant 0 : i32
      %gt3A_283 = arith.cmpi sgt, %scan3A_155, %gt3A : i32
      %convert_element_type3A = arith.extui %gt3A_283 : i1 to i32
      %cond3A = arith.constant 0 : i32
      %cond3A_284 = arith.cmpi ne, %convert_element_type3A, %cond3A : i32
      scf.if %cond3A_284 {
        %dma_wait3A_442 = arith.constant 0 : i32
        %dma_wait3A_443 = arith.constant 0 : i32
        %dma_wait3A_444 = arith.constant 0 : i32
        %dma_wait3A_445 = arith.constant 0 : i32
        %dma_wait3A_446 = arith.constant 0 : i32
        %dma_wait3A_447 = tpu.memref_slice %arg4[%dma_wait3A_442, %dma_wait3A_444, %dma_wait3A_443, %dma_wait3A_445, %dma_wait3A_446] : memref<50x8x32x8x128xf32, #tpu.memory_space<hbm>> -> memref<1x8x1x8x128xf32, #tpu.memory_space<hbm>>
        %dma_wait3A_448 = tpu.memref_squeeze %dma_wait3A_447 : memref<1x8x1x8x128xf32, #tpu.memory_space<hbm>> -> memref<8x8x128xf32, #tpu.memory_space<hbm>>
        %dma_wait3A_449 = arith.constant 0 : i32
        %dma_wait3A_450 = arith.constant 0 : i32
        %dma_wait3A_451 = arith.constant 0 : i32
        %dma_wait3A_452 = tpu.memref_slice %arg4[%dma_wait3A_442, %dma_wait3A_449, %dma_wait3A_443, %dma_wait3A_450, %dma_wait3A_451] : memref<50x8x32x8x128xf32, #tpu.memory_space<hbm>> -> memref<1x8x1x8x128xf32, #tpu.memory_space<hbm>>
        %dma_wait3A_453 = tpu.memref_squeeze %dma_wait3A_452 : memref<1x8x1x8x128xf32, #tpu.memory_space<hbm>> -> memref<8x8x128xf32, #tpu.memory_space<hbm>>
        tpu.wait_dma2 semaphore(%arg14 : memref<!tpu.dma_semaphore, #tpu.memory_space<semaphore_mem>>) src(%arg10 : memref<8x8x128xf32, #tpu.memory_space<vmem>>) dst(%dma_wait3A_453 : memref<8x8x128xf32, #tpu.memory_space<hbm>>)
      } else {
      }
      %scan3A_285 = arith.constant 0 : i32
      %scan3A_286 = arith.constant 0 : i32
      %scan3A_287 = arith.constant 8 : i32
      %scan3A_288 = arith.addi %scan3A_286, %scan3A_287 : i32
      %scan3A_289 = arith.constant 1 : i32
      scf.for %scan3A_442 = %scan3A_286 to %scan3A_288 step %scan3A_289  : i32 {
        %mul3A_443 = arith.constant 16 : i32
        %mul3A_444 = arith.muli %scan3A_442, %mul3A_443 : i32
        %mul3A_445 = arith.constant 16 : i32
        %mul3A_446 = arith.muli %scan3A_442, %mul3A_445 : i32
        %add3A_447 = vector.broadcast %mul3A_446 : i32 to vector<16xi32>
        %add3A_448 = arith.addi %add3A_447, %iota3A : vector<16xi32>
        %get3A_449 = arith.index_cast %mul3A_157 : i32 to index
        %get3A_450 = arith.index_cast %mul3A_444 : i32 to index
        %get3A_451 = tpu.vector_load %arg5[%get3A_449, %get3A_450] {strides = array<i32>} : memref<50x128xi32, #tpu.memory_space<vmem>>, vector<16xi32>,
        %and3A = arith.constant 127 : i32
        %and3A_452 = vector.broadcast %and3A : i32 to vector<16xi32>
        %and3A_453 = arith.andi %get3A_451, %and3A_452 : vector<16xi32>
        %gather3A = tpu.vector_load_idx %arg8[%add3A_448, %and3A_453] : memref<128x128xf32, #tpu.memory_space<vmem>>[vector<16xi32>, vector<16xi32>], vector<16xf32>,
        %swap3A_454 = arith.constant 0 : i32
        %swap3A_455 = arith.constant 0 : i32
        %swap3A_456 = arith.index_cast %swap3A_454 : i32 to index
        %swap3A_457 = arith.index_cast %swap3A_455 : i32 to index
        %swap3A_458 = arith.index_cast %mul3A_444 : i32 to index
        %swap3A_459 = tpu.vector_load %arg10[%swap3A_456, %swap3A_457, %swap3A_458] {strides = array<i32>} : memref<8x8x128xf32, #tpu.memory_space<vmem>>, vector<16xf32>,
        tpu.vector_store %arg10[%swap3A_456, %swap3A_457, %swap3A_458], %gather3A {strides = array<i32>} : memref<8x8x128xf32, #tpu.memory_space<vmem>>, vector<16xf32>,
        %add3A_460 = arith.constant 2 : i32
        %add3A_461 = vector.broadcast %add3A_460 : i32 to vector<16xi32>
        %add3A_462 = arith.addi %and3A_453, %add3A_461 : vector<16xi32>
        %and3A_463 = arith.constant 127 : i32
        %and3A_464 = vector.broadcast %and3A_463 : i32 to vector<16xi32>
        %and3A_465 = arith.andi %add3A_462, %and3A_464 : vector<16xi32>
        %gather3A_466 = tpu.vector_load_idx %arg8[%add3A_448, %and3A_465] : memref<128x128xf32, #tpu.memory_space<vmem>>[vector<16xi32>, vector<16xi32>], vector<16xf32>,
        %swap3A_467 = arith.constant 0 : i32
        %swap3A_468 = arith.constant 1 : i32
        %swap3A_469 = arith.index_cast %swap3A_467 : i32 to index
        %swap3A_470 = arith.index_cast %swap3A_468 : i32 to index
        %swap3A_471 = arith.index_cast %mul3A_444 : i32 to index
        %swap3A_472 = tpu.vector_load %arg10[%swap3A_469, %swap3A_470, %swap3A_471] {strides = array<i32>} : memref<8x8x128xf32, #tpu.memory_space<vmem>>, vector<16xf32>,
        tpu.vector_store %arg10[%swap3A_469, %swap3A_470, %swap3A_471], %gather3A_466 {strides = array<i32>} : memref<8x8x128xf32, #tpu.memory_space<vmem>>, vector<16xf32>,
        %add3A_473 = arith.constant 2 : i32
        %add3A_474 = vector.broadcast %add3A_473 : i32 to vector<16xi32>
        %add3A_475 = arith.addi %and3A_465, %add3A_474 : vector<16xi32>
        %and3A_476 = arith.constant 127 : i32
        %and3A_477 = vector.broadcast %and3A_476 : i32 to vector<16xi32>
        %and3A_478 = arith.andi %add3A_475, %and3A_477 : vector<16xi32>
        %gather3A_479 = tpu.vector_load_idx %arg8[%add3A_448, %and3A_478] : memref<128x128xf32, #tpu.memory_space<vmem>>[vector<16xi32>, vector<16xi32>], vector<16xf32>,
        %swap3A_480 = arith.constant 0 : i32
        %swap3A_481 = arith.constant 2 : i32
        %swap3A_482 = arith.index_cast %swap3A_480 : i32 to index
        %swap3A_483 = arith.index_cast %swap3A_481 : i32 to index
        %swap3A_484 = arith.index_cast %mul3A_444 : i32 to index
        %swap3A_485 = tpu.vector_load %arg10[%swap3A_482, %swap3A_483, %swap3A_484] {strides = array<i32>} : memref<8x8x128xf32, #tpu.memory_space<vmem>>, vector<16xf32>,
        tpu.vector_store %arg10[%swap3A_482, %swap3A_483, %swap3A_484], %gather3A_479 {strides = array<i32>} : memref<8x8x128xf32, #tpu.memory_space<vmem>>, vector<16xf32>,
        %add3A_486 = arith.constant 2 : i32
        %add3A_487 = vector.broadcast %add3A_486 : i32 to vector<16xi32>
        %add3A_488 = arith.addi %and3A_478, %add3A_487 : vector<16xi32>
        %and3A_489 = arith.constant 127 : i32
        %and3A_490 = vector.broadcast %and3A_489 : i32 to vector<16xi32>
        %and3A_491 = arith.andi %add3A_488, %and3A_490 : vector<16xi32>
        %gather3A_492 = tpu.vector_load_idx %arg8[%add3A_448, %and3A_491] : memref<128x128xf32, #tpu.memory_space<vmem>>[vector<16xi32>, vector<16xi32>], vector<16xf32>,
        %swap3A_493 = arith.constant 0 : i32
        %swap3A_494 = arith.constant 3 : i32
        %swap3A_495 = arith.index_cast %swap3A_493 : i32 to index
        %swap3A_496 = arith.index_cast %swap3A_494 : i32 to index
        %swap3A_497 = arith.index_cast %mul3A_444 : i32 to index
        %swap3A_498 = tpu.vector_load %arg10[%swap3A_495, %swap3A_496, %swap3A_497] {strides = array<i32>} : memref<8x8x128xf32, #tpu.memory_space<vmem>>, vector<16xf32>,
        tpu.vector_store %arg10[%swap3A_495, %swap3A_496, %swap3A_497], %gather3A_492 {strides = array<i32>} : memref<8x8x128xf32, #tpu.memory_space<vmem>>, vector<16xf32>,
        %add3A_499 = arith.constant 2 : i32
        %add3A_500 = vector.broadcast %add3A_499 : i32 to vector<16xi32>
        %add3A_501 = arith.addi %and3A_491, %add3A_500 : vector<16xi32>
        %and3A_502 = arith.constant 127 : i32
        %and3A_503 = vector.broadcast %and3A_502 : i32 to vector<16xi32>
        %and3A_504 = arith.andi %add3A_501, %and3A_503 : vector<16xi32>
        %gather3A_505 = tpu.vector_load_idx %arg8[%add3A_448, %and3A_504] : memref<128x128xf32, #tpu.memory_space<vmem>>[vector<16xi32>, vector<16xi32>], vector<16xf32>,
        %swap3A_506 = arith.constant 0 : i32
        %swap3A_507 = arith.constant 4 : i32
        %swap3A_508 = arith.index_cast %swap3A_506 : i32 to index
        %swap3A_509 = arith.index_cast %swap3A_507 : i32 to index
        %swap3A_510 = arith.index_cast %mul3A_444 : i32 to index
        %swap3A_511 = tpu.vector_load %arg10[%swap3A_508, %swap3A_509, %swap3A_510] {strides = array<i32>} : memref<8x8x128xf32, #tpu.memory_space<vmem>>, vector<16xf32>,
        tpu.vector_store %arg10[%swap3A_508, %swap3A_509, %swap3A_510], %gather3A_505 {strides = array<i32>} : memref<8x8x128xf32, #tpu.memory_space<vmem>>, vector<16xf32>,
        %add3A_512 = arith.constant 2 : i32
        %add3A_513 = vector.broadcast %add3A_512 : i32 to vector<16xi32>
        %add3A_514 = arith.addi %and3A_504, %add3A_513 : vector<16xi32>
        %and3A_515 = arith.constant 127 : i32
        %and3A_516 = vector.broadcast %and3A_515 : i32 to vector<16xi32>
        %and3A_517 = arith.andi %add3A_514, %and3A_516 : vector<16xi32>
        %gather3A_518 = tpu.vector_load_idx %arg8[%add3A_448, %and3A_517] : memref<128x128xf32, #tpu.memory_space<vmem>>[vector<16xi32>, vector<16xi32>], vector<16xf32>,
        %swap3A_519 = arith.constant 0 : i32
        %swap3A_520 = arith.constant 5 : i32
        %swap3A_521 = arith.index_cast %swap3A_519 : i32 to index
        %swap3A_522 = arith.index_cast %swap3A_520 : i32 to index
        %swap3A_523 = arith.index_cast %mul3A_444 : i32 to index
        %swap3A_524 = tpu.vector_load %arg10[%swap3A_521, %swap3A_522, %swap3A_523] {strides = array<i32>} : memref<8x8x128xf32, #tpu.memory_space<vmem>>, vector<16xf32>,
        tpu.vector_store %arg10[%swap3A_521, %swap3A_522, %swap3A_523], %gather3A_518 {strides = array<i32>} : memref<8x8x128xf32, #tpu.memory_space<vmem>>, vector<16xf32>,
        %add3A_525 = arith.constant 2 : i32
        %add3A_526 = vector.broadcast %add3A_525 : i32 to vector<16xi32>
        %add3A_527 = arith.addi %and3A_517, %add3A_526 : vector<16xi32>
        %and3A_528 = arith.constant 127 : i32
        %and3A_529 = vector.broadcast %and3A_528 : i32 to vector<16xi32>
        %and3A_530 = arith.andi %add3A_527, %and3A_529 : vector<16xi32>
        %gather3A_531 = tpu.vector_load_idx %arg8[%add3A_448, %and3A_530] : memref<128x128xf32, #tpu.memory_space<vmem>>[vector<16xi32>, vector<16xi32>], vector<16xf32>,
        %swap3A_532 = arith.constant 0 : i32
        %swap3A_533 = arith.constant 6 : i32
        %swap3A_534 = arith.index_cast %swap3A_532 : i32 to index
        %swap3A_535 = arith.index_cast %swap3A_533 : i32 to index
        %swap3A_536 = arith.index_cast %mul3A_444 : i32 to index
        %swap3A_537 = tpu.vector_load %arg10[%swap3A_534, %swap3A_535, %swap3A_536] {strides = array<i32>} : memref<8x8x128xf32, #tpu.memory_space<vmem>>, vector<16xf32>,
        tpu.vector_store %arg10[%swap3A_534, %swap3A_535, %swap3A_536], %gather3A_531 {strides = array<i32>} : memref<8x8x128xf32, #tpu.memory_space<vmem>>, vector<16xf32>,
        %add3A_538 = arith.constant 2 : i32
        %add3A_539 = vector.broadcast %add3A_538 : i32 to vector<16xi32>
        %add3A_540 = arith.addi %and3A_530, %add3A_539 : vector<16xi32>
        %and3A_541 = arith.constant 127 : i32
        %and3A_542 = vector.broadcast %and3A_541 : i32 to vector<16xi32>
        %and3A_543 = arith.andi %add3A_540, %and3A_542 : vector<16xi32>
        %gather3A_544 = tpu.vector_load_idx %arg8[%add3A_448, %and3A_543] : memref<128x128xf32, #tpu.memory_space<vmem>>[vector<16xi32>, vector<16xi32>], vector<16xf32>,
        %swap3A_545 = arith.constant 0 : i32
        %swap3A_546 = arith.constant 7 : i32
        %swap3A_547 = arith.index_cast %swap3A_545 : i32 to index
        %swap3A_548 = arith.index_cast %swap3A_546 : i32 to index
        %swap3A_549 = arith.index_cast %mul3A_444 : i32 to index
        %swap3A_550 = tpu.vector_load %arg10[%swap3A_547, %swap3A_548, %swap3A_549] {strides = array<i32>} : memref<8x8x128xf32, #tpu.memory_space<vmem>>, vector<16xf32>,
        tpu.vector_store %arg10[%swap3A_547, %swap3A_548, %swap3A_549], %gather3A_544 {strides = array<i32>} : memref<8x8x128xf32, #tpu.memory_space<vmem>>, vector<16xf32>,
        %add3A_551 = arith.constant 2 : i32
        %add3A_552 = vector.broadcast %add3A_551 : i32 to vector<16xi32>
        %add3A_553 = arith.addi %and3A_543, %add3A_552 : vector<16xi32>
        %and3A_554 = arith.constant 127 : i32
        %and3A_555 = vector.broadcast %and3A_554 : i32 to vector<16xi32>
        %and3A_556 = arith.andi %add3A_553, %and3A_555 : vector<16xi32>
        %gather3A_557 = tpu.vector_load_idx %arg8[%add3A_448, %and3A_556] : memref<128x128xf32, #tpu.memory_space<vmem>>[vector<16xi32>, vector<16xi32>], vector<16xf32>,
        %swap3A_558 = arith.constant 1 : i32
        %swap3A_559 = arith.constant 0 : i32
        %swap3A_560 = arith.index_cast %swap3A_558 : i32 to index
        %swap3A_561 = arith.index_cast %swap3A_559 : i32 to index
        %swap3A_562 = arith.index_cast %mul3A_444 : i32 to index
        %swap3A_563 = tpu.vector_load %arg10[%swap3A_560, %swap3A_561, %swap3A_562] {strides = array<i32>} : memref<8x8x128xf32, #tpu.memory_space<vmem>>, vector<16xf32>,
        tpu.vector_store %arg10[%swap3A_560, %swap3A_561, %swap3A_562], %gather3A_557 {strides = array<i32>} : memref<8x8x128xf32, #tpu.memory_space<vmem>>, vector<16xf32>,
        %add3A_564 = arith.constant 2 : i32
        %add3A_565 = vector.broadcast %add3A_564 : i32 to vector<16xi32>
        %add3A_566 = arith.addi %and3A_556, %add3A_565 : vector<16xi32>
        %and3A_567 = arith.constant 127 : i32
        %and3A_568 = vector.broadcast %and3A_567 : i32 to vector<16xi32>
        %and3A_569 = arith.andi %add3A_566, %and3A_568 : vector<16xi32>
        %gather3A_570 = tpu.vector_load_idx %arg8[%add3A_448, %and3A_569] : memref<128x128xf32, #tpu.memory_space<vmem>>[vector<16xi32>, vector<16xi32>], vector<16xf32>,
        %swap3A_571 = arith.constant 1 : i32
        %swap3A_572 = arith.constant 1 : i32
        %swap3A_573 = arith.index_cast %swap3A_571 : i32 to index
        %swap3A_574 = arith.index_cast %swap3A_572 : i32 to index
        %swap3A_575 = arith.index_cast %mul3A_444 : i32 to index
        %swap3A_576 = tpu.vector_load %arg10[%swap3A_573, %swap3A_574, %swap3A_575] {strides = array<i32>} : memref<8x8x128xf32, #tpu.memory_space<vmem>>, vector<16xf32>,
        tpu.vector_store %arg10[%swap3A_573, %swap3A_574, %swap3A_575], %gather3A_570 {strides = array<i32>} : memref<8x8x128xf32, #tpu.memory_space<vmem>>, vector<16xf32>,
        %add3A_577 = arith.constant 2 : i32
        %add3A_578 = vector.broadcast %add3A_577 : i32 to vector<16xi32>
        %add3A_579 = arith.addi %and3A_569, %add3A_578 : vector<16xi32>
        %and3A_580 = arith.constant 127 : i32
        %and3A_581 = vector.broadcast %and3A_580 : i32 to vector<16xi32>
        %and3A_582 = arith.andi %add3A_579, %and3A_581 : vector<16xi32>
        %gather3A_583 = tpu.vector_load_idx %arg8[%add3A_448, %and3A_582] : memref<128x128xf32, #tpu.memory_space<vmem>>[vector<16xi32>, vector<16xi32>], vector<16xf32>,
        %swap3A_584 = arith.constant 1 : i32
        %swap3A_585 = arith.constant 2 : i32
        %swap3A_586 = arith.index_cast %swap3A_584 : i32 to index
        %swap3A_587 = arith.index_cast %swap3A_585 : i32 to index
        %swap3A_588 = arith.index_cast %mul3A_444 : i32 to index
        %swap3A_589 = tpu.vector_load %arg10[%swap3A_586, %swap3A_587, %swap3A_588] {strides = array<i32>} : memref<8x8x128xf32, #tpu.memory_space<vmem>>, vector<16xf32>,
        tpu.vector_store %arg10[%swap3A_586, %swap3A_587, %swap3A_588], %gather3A_583 {strides = array<i32>} : memref<8x8x128xf32, #tpu.memory_space<vmem>>, vector<16xf32>,
        %add3A_590 = arith.constant 2 : i32
        %add3A_591 = vector.broadcast %add3A_590 : i32 to vector<16xi32>
        %add3A_592 = arith.addi %and3A_582, %add3A_591 : vector<16xi32>
        %and3A_593 = arith.constant 127 : i32
        %and3A_594 = vector.broadcast %and3A_593 : i32 to vector<16xi32>
        %and3A_595 = arith.andi %add3A_592, %and3A_594 : vector<16xi32>
        %gather3A_596 = tpu.vector_load_idx %arg8[%add3A_448, %and3A_595] : memref<128x128xf32, #tpu.memory_space<vmem>>[vector<16xi32>, vector<16xi32>], vector<16xf32>,
        %swap3A_597 = arith.constant 1 : i32
        %swap3A_598 = arith.constant 3 : i32
        %swap3A_599 = arith.index_cast %swap3A_597 : i32 to index
        %swap3A_600 = arith.index_cast %swap3A_598 : i32 to index
        %swap3A_601 = arith.index_cast %mul3A_444 : i32 to index
        %swap3A_602 = tpu.vector_load %arg10[%swap3A_599, %swap3A_600, %swap3A_601] {strides = array<i32>} : memref<8x8x128xf32, #tpu.memory_space<vmem>>, vector<16xf32>,
        tpu.vector_store %arg10[%swap3A_599, %swap3A_600, %swap3A_601], %gather3A_596 {strides = array<i32>} : memref<8x8x128xf32, #tpu.memory_space<vmem>>, vector<16xf32>,
        %add3A_603 = arith.constant 2 : i32
        %add3A_604 = vector.broadcast %add3A_603 : i32 to vector<16xi32>
        %add3A_605 = arith.addi %and3A_595, %add3A_604 : vector<16xi32>
        %and3A_606 = arith.constant 127 : i32
        %and3A_607 = vector.broadcast %and3A_606 : i32 to vector<16xi32>
        %and3A_608 = arith.andi %add3A_605, %and3A_607 : vector<16xi32>
        %gather3A_609 = tpu.vector_load_idx %arg8[%add3A_448, %and3A_608] : memref<128x128xf32, #tpu.memory_space<vmem>>[vector<16xi32>, vector<16xi32>], vector<16xf32>,
        %swap3A_610 = arith.constant 1 : i32
        %swap3A_611 = arith.constant 4 : i32
        %swap3A_612 = arith.index_cast %swap3A_610 : i32 to index
        %swap3A_613 = arith.index_cast %swap3A_611 : i32 to index
        %swap3A_614 = arith.index_cast %mul3A_444 : i32 to index
        %swap3A_615 = tpu.vector_load %arg10[%swap3A_612, %swap3A_613, %swap3A_614] {strides = array<i32>} : memref<8x8x128xf32, #tpu.memory_space<vmem>>, vector<16xf32>,
        tpu.vector_store %arg10[%swap3A_612, %swap3A_613, %swap3A_614], %gather3A_609 {strides = array<i32>} : memref<8x8x128xf32, #tpu.memory_space<vmem>>, vector<16xf32>,
        %add3A_616 = arith.constant 2 : i32
        %add3A_617 = vector.broadcast %add3A_616 : i32 to vector<16xi32>
        %add3A_618 = arith.addi %and3A_608, %add3A_617 : vector<16xi32>
        %and3A_619 = arith.constant 127 : i32
        %and3A_620 = vector.broadcast %and3A_619 : i32 to vector<16xi32>
        %and3A_621 = arith.andi %add3A_618, %and3A_620 : vector<16xi32>
        %gather3A_622 = tpu.vector_load_idx %arg8[%add3A_448, %and3A_621] : memref<128x128xf32, #tpu.memory_space<vmem>>[vector<16xi32>, vector<16xi32>], vector<16xf32>,
        %swap3A_623 = arith.constant 1 : i32
        %swap3A_624 = arith.constant 5 : i32
        %swap3A_625 = arith.index_cast %swap3A_623 : i32 to index
        %swap3A_626 = arith.index_cast %swap3A_624 : i32 to index
        %swap3A_627 = arith.index_cast %mul3A_444 : i32 to index
        %swap3A_628 = tpu.vector_load %arg10[%swap3A_625, %swap3A_626, %swap3A_627] {strides = array<i32>} : memref<8x8x128xf32, #tpu.memory_space<vmem>>, vector<16xf32>,
        tpu.vector_store %arg10[%swap3A_625, %swap3A_626, %swap3A_627], %gather3A_622 {strides = array<i32>} : memref<8x8x128xf32, #tpu.memory_space<vmem>>, vector<16xf32>,
        %add3A_629 = arith.constant 2 : i32
        %add3A_630 = vector.broadcast %add3A_629 : i32 to vector<16xi32>
        %add3A_631 = arith.addi %and3A_621, %add3A_630 : vector<16xi32>
        %and3A_632 = arith.constant 127 : i32
        %and3A_633 = vector.broadcast %and3A_632 : i32 to vector<16xi32>
        %and3A_634 = arith.andi %add3A_631, %and3A_633 : vector<16xi32>
        %gather3A_635 = tpu.vector_load_idx %arg8[%add3A_448, %and3A_634] : memref<128x128xf32, #tpu.memory_space<vmem>>[vector<16xi32>, vector<16xi32>], vector<16xf32>,
        %swap3A_636 = arith.constant 1 : i32
        %swap3A_637 = arith.constant 6 : i32
        %swap3A_638 = arith.index_cast %swap3A_636 : i32 to index
        %swap3A_639 = arith.index_cast %swap3A_637 : i32 to index
        %swap3A_640 = arith.index_cast %mul3A_444 : i32 to index
        %swap3A_641 = tpu.vector_load %arg10[%swap3A_638, %swap3A_639, %swap3A_640] {strides = array<i32>} : memref<8x8x128xf32, #tpu.memory_space<vmem>>, vector<16xf32>,
        tpu.vector_store %arg10[%swap3A_638, %swap3A_639, %swap3A_640], %gather3A_635 {strides = array<i32>} : memref<8x8x128xf32, #tpu.memory_space<vmem>>, vector<16xf32>,
        %add3A_642 = arith.constant 2 : i32
        %add3A_643 = vector.broadcast %add3A_642 : i32 to vector<16xi32>
        %add3A_644 = arith.addi %and3A_634, %add3A_643 : vector<16xi32>
        %and3A_645 = arith.constant 127 : i32
        %and3A_646 = vector.broadcast %and3A_645 : i32 to vector<16xi32>
        %and3A_647 = arith.andi %add3A_644, %and3A_646 : vector<16xi32>
        %gather3A_648 = tpu.vector_load_idx %arg8[%add3A_448, %and3A_647] : memref<128x128xf32, #tpu.memory_space<vmem>>[vector<16xi32>, vector<16xi32>], vector<16xf32>,
        %swap3A_649 = arith.constant 1 : i32
        %swap3A_650 = arith.constant 7 : i32
        %swap3A_651 = arith.index_cast %swap3A_649 : i32 to index
        %swap3A_652 = arith.index_cast %swap3A_650 : i32 to index
        %swap3A_653 = arith.index_cast %mul3A_444 : i32 to index
        %swap3A_654 = tpu.vector_load %arg10[%swap3A_651, %swap3A_652, %swap3A_653] {strides = array<i32>} : memref<8x8x128xf32, #tpu.memory_space<vmem>>, vector<16xf32>,
        tpu.vector_store %arg10[%swap3A_651, %swap3A_652, %swap3A_653], %gather3A_648 {strides = array<i32>} : memref<8x8x128xf32, #tpu.memory_space<vmem>>, vector<16xf32>,
        %add3A_655 = arith.constant 2 : i32
        %add3A_656 = vector.broadcast %add3A_655 : i32 to vector<16xi32>
        %add3A_657 = arith.addi %and3A_647, %add3A_656 : vector<16xi32>
        %and3A_658 = arith.constant 127 : i32
        %and3A_659 = vector.broadcast %and3A_658 : i32 to vector<16xi32>
        %and3A_660 = arith.andi %add3A_657, %and3A_659 : vector<16xi32>
        %gather3A_661 = tpu.vector_load_idx %arg8[%add3A_448, %and3A_660] : memref<128x128xf32, #tpu.memory_space<vmem>>[vector<16xi32>, vector<16xi32>], vector<16xf32>,
        %swap3A_662 = arith.constant 2 : i32
        %swap3A_663 = arith.constant 0 : i32
        %swap3A_664 = arith.index_cast %swap3A_662 : i32 to index
        %swap3A_665 = arith.index_cast %swap3A_663 : i32 to index
        %swap3A_666 = arith.index_cast %mul3A_444 : i32 to index
        %swap3A_667 = tpu.vector_load %arg10[%swap3A_664, %swap3A_665, %swap3A_666] {strides = array<i32>} : memref<8x8x128xf32, #tpu.memory_space<vmem>>, vector<16xf32>,
        tpu.vector_store %arg10[%swap3A_664, %swap3A_665, %swap3A_666], %gather3A_661 {strides = array<i32>} : memref<8x8x128xf32, #tpu.memory_space<vmem>>, vector<16xf32>,
        %add3A_668 = arith.constant 2 : i32
        %add3A_669 = vector.broadcast %add3A_668 : i32 to vector<16xi32>
        %add3A_670 = arith.addi %and3A_660, %add3A_669 : vector<16xi32>
        %and3A_671 = arith.constant 127 : i32
        %and3A_672 = vector.broadcast %and3A_671 : i32 to vector<16xi32>
        %and3A_673 = arith.andi %add3A_670, %and3A_672 : vector<16xi32>
        %gather3A_674 = tpu.vector_load_idx %arg8[%add3A_448, %and3A_673] : memref<128x128xf32, #tpu.memory_space<vmem>>[vector<16xi32>, vector<16xi32>], vector<16xf32>,
        %swap3A_675 = arith.constant 2 : i32
        %swap3A_676 = arith.constant 1 : i32
        %swap3A_677 = arith.index_cast %swap3A_675 : i32 to index
        %swap3A_678 = arith.index_cast %swap3A_676 : i32 to index
        %swap3A_679 = arith.index_cast %mul3A_444 : i32 to index
        %swap3A_680 = tpu.vector_load %arg10[%swap3A_677, %swap3A_678, %swap3A_679] {strides = array<i32>} : memref<8x8x128xf32, #tpu.memory_space<vmem>>, vector<16xf32>,
        tpu.vector_store %arg10[%swap3A_677, %swap3A_678, %swap3A_679], %gather3A_674 {strides = array<i32>} : memref<8x8x128xf32, #tpu.memory_space<vmem>>, vector<16xf32>,
        %add3A_681 = arith.constant 2 : i32
        %add3A_682 = vector.broadcast %add3A_681 : i32 to vector<16xi32>
        %add3A_683 = arith.addi %and3A_673, %add3A_682 : vector<16xi32>
        %and3A_684 = arith.constant 127 : i32
        %and3A_685 = vector.broadcast %and3A_684 : i32 to vector<16xi32>
        %and3A_686 = arith.andi %add3A_683, %and3A_685 : vector<16xi32>
        %gather3A_687 = tpu.vector_load_idx %arg8[%add3A_448, %and3A_686] : memref<128x128xf32, #tpu.memory_space<vmem>>[vector<16xi32>, vector<16xi32>], vector<16xf32>,
        %swap3A_688 = arith.constant 2 : i32
        %swap3A_689 = arith.constant 2 : i32
        %swap3A_690 = arith.index_cast %swap3A_688 : i32 to index
        %swap3A_691 = arith.index_cast %swap3A_689 : i32 to index
        %swap3A_692 = arith.index_cast %mul3A_444 : i32 to index
        %swap3A_693 = tpu.vector_load %arg10[%swap3A_690, %swap3A_691, %swap3A_692] {strides = array<i32>} : memref<8x8x128xf32, #tpu.memory_space<vmem>>, vector<16xf32>,
        tpu.vector_store %arg10[%swap3A_690, %swap3A_691, %swap3A_692], %gather3A_687 {strides = array<i32>} : memref<8x8x128xf32, #tpu.memory_space<vmem>>, vector<16xf32>,
        %add3A_694 = arith.constant 2 : i32
        %add3A_695 = vector.broadcast %add3A_694 : i32 to vector<16xi32>
        %add3A_696 = arith.addi %and3A_686, %add3A_695 : vector<16xi32>
        %and3A_697 = arith.constant 127 : i32
        %and3A_698 = vector.broadcast %and3A_697 : i32 to vector<16xi32>
        %and3A_699 = arith.andi %add3A_696, %and3A_698 : vector<16xi32>
        %gather3A_700 = tpu.vector_load_idx %arg8[%add3A_448, %and3A_699] : memref<128x128xf32, #tpu.memory_space<vmem>>[vector<16xi32>, vector<16xi32>], vector<16xf32>,
        %swap3A_701 = arith.constant 2 : i32
        %swap3A_702 = arith.constant 3 : i32
        %swap3A_703 = arith.index_cast %swap3A_701 : i32 to index
        %swap3A_704 = arith.index_cast %swap3A_702 : i32 to index
        %swap3A_705 = arith.index_cast %mul3A_444 : i32 to index
        %swap3A_706 = tpu.vector_load %arg10[%swap3A_703, %swap3A_704, %swap3A_705] {strides = array<i32>} : memref<8x8x128xf32, #tpu.memory_space<vmem>>, vector<16xf32>,
        tpu.vector_store %arg10[%swap3A_703, %swap3A_704, %swap3A_705], %gather3A_700 {strides = array<i32>} : memref<8x8x128xf32, #tpu.memory_space<vmem>>, vector<16xf32>,
        %add3A_707 = arith.constant 2 : i32
        %add3A_708 = vector.broadcast %add3A_707 : i32 to vector<16xi32>
        %add3A_709 = arith.addi %and3A_699, %add3A_708 : vector<16xi32>
        %and3A_710 = arith.constant 127 : i32
        %and3A_711 = vector.broadcast %and3A_710 : i32 to vector<16xi32>
        %and3A_712 = arith.andi %add3A_709, %and3A_711 : vector<16xi32>
        %gather3A_713 = tpu.vector_load_idx %arg8[%add3A_448, %and3A_712] : memref<128x128xf32, #tpu.memory_space<vmem>>[vector<16xi32>, vector<16xi32>], vector<16xf32>,
        %swap3A_714 = arith.constant 2 : i32
        %swap3A_715 = arith.constant 4 : i32
        %swap3A_716 = arith.index_cast %swap3A_714 : i32 to index
        %swap3A_717 = arith.index_cast %swap3A_715 : i32 to index
        %swap3A_718 = arith.index_cast %mul3A_444 : i32 to index
        %swap3A_719 = tpu.vector_load %arg10[%swap3A_716, %swap3A_717, %swap3A_718] {strides = array<i32>} : memref<8x8x128xf32, #tpu.memory_space<vmem>>, vector<16xf32>,
        tpu.vector_store %arg10[%swap3A_716, %swap3A_717, %swap3A_718], %gather3A_713 {strides = array<i32>} : memref<8x8x128xf32, #tpu.memory_space<vmem>>, vector<16xf32>,
        %add3A_720 = arith.constant 2 : i32
        %add3A_721 = vector.broadcast %add3A_720 : i32 to vector<16xi32>
        %add3A_722 = arith.addi %and3A_712, %add3A_721 : vector<16xi32>
        %and3A_723 = arith.constant 127 : i32
        %and3A_724 = vector.broadcast %and3A_723 : i32 to vector<16xi32>
        %and3A_725 = arith.andi %add3A_722, %and3A_724 : vector<16xi32>
        %gather3A_726 = tpu.vector_load_idx %arg8[%add3A_448, %and3A_725] : memref<128x128xf32, #tpu.memory_space<vmem>>[vector<16xi32>, vector<16xi32>], vector<16xf32>,
        %swap3A_727 = arith.constant 2 : i32
        %swap3A_728 = arith.constant 5 : i32
        %swap3A_729 = arith.index_cast %swap3A_727 : i32 to index
        %swap3A_730 = arith.index_cast %swap3A_728 : i32 to index
        %swap3A_731 = arith.index_cast %mul3A_444 : i32 to index
        %swap3A_732 = tpu.vector_load %arg10[%swap3A_729, %swap3A_730, %swap3A_731] {strides = array<i32>} : memref<8x8x128xf32, #tpu.memory_space<vmem>>, vector<16xf32>,
        tpu.vector_store %arg10[%swap3A_729, %swap3A_730, %swap3A_731], %gather3A_726 {strides = array<i32>} : memref<8x8x128xf32, #tpu.memory_space<vmem>>, vector<16xf32>,
        %add3A_733 = arith.constant 2 : i32
        %add3A_734 = vector.broadcast %add3A_733 : i32 to vector<16xi32>
        %add3A_735 = arith.addi %and3A_725, %add3A_734 : vector<16xi32>
        %and3A_736 = arith.constant 127 : i32
        %and3A_737 = vector.broadcast %and3A_736 : i32 to vector<16xi32>
        %and3A_738 = arith.andi %add3A_735, %and3A_737 : vector<16xi32>
        %gather3A_739 = tpu.vector_load_idx %arg8[%add3A_448, %and3A_738] : memref<128x128xf32, #tpu.memory_space<vmem>>[vector<16xi32>, vector<16xi32>], vector<16xf32>,
        %swap3A_740 = arith.constant 2 : i32
        %swap3A_741 = arith.constant 6 : i32
        %swap3A_742 = arith.index_cast %swap3A_740 : i32 to index
        %swap3A_743 = arith.index_cast %swap3A_741 : i32 to index
        %swap3A_744 = arith.index_cast %mul3A_444 : i32 to index
        %swap3A_745 = tpu.vector_load %arg10[%swap3A_742, %swap3A_743, %swap3A_744] {strides = array<i32>} : memref<8x8x128xf32, #tpu.memory_space<vmem>>, vector<16xf32>,
        tpu.vector_store %arg10[%swap3A_742, %swap3A_743, %swap3A_744], %gather3A_739 {strides = array<i32>} : memref<8x8x128xf32, #tpu.memory_space<vmem>>, vector<16xf32>,
        %add3A_746 = arith.constant 2 : i32
        %add3A_747 = vector.broadcast %add3A_746 : i32 to vector<16xi32>
        %add3A_748 = arith.addi %and3A_738, %add3A_747 : vector<16xi32>
        %and3A_749 = arith.constant 127 : i32
        %and3A_750 = vector.broadcast %and3A_749 : i32 to vector<16xi32>
        %and3A_751 = arith.andi %add3A_748, %and3A_750 : vector<16xi32>
        %gather3A_752 = tpu.vector_load_idx %arg8[%add3A_448, %and3A_751] : memref<128x128xf32, #tpu.memory_space<vmem>>[vector<16xi32>, vector<16xi32>], vector<16xf32>,
        %swap3A_753 = arith.constant 2 : i32
        %swap3A_754 = arith.constant 7 : i32
        %swap3A_755 = arith.index_cast %swap3A_753 : i32 to index
        %swap3A_756 = arith.index_cast %swap3A_754 : i32 to index
        %swap3A_757 = arith.index_cast %mul3A_444 : i32 to index
        %swap3A_758 = tpu.vector_load %arg10[%swap3A_755, %swap3A_756, %swap3A_757] {strides = array<i32>} : memref<8x8x128xf32, #tpu.memory_space<vmem>>, vector<16xf32>,
        tpu.vector_store %arg10[%swap3A_755, %swap3A_756, %swap3A_757], %gather3A_752 {strides = array<i32>} : memref<8x8x128xf32, #tpu.memory_space<vmem>>, vector<16xf32>,
        %add3A_759 = arith.constant 2 : i32
        %add3A_760 = vector.broadcast %add3A_759 : i32 to vector<16xi32>
        %add3A_761 = arith.addi %and3A_751, %add3A_760 : vector<16xi32>
        %and3A_762 = arith.constant 127 : i32
        %and3A_763 = vector.broadcast %and3A_762 : i32 to vector<16xi32>
        %and3A_764 = arith.andi %add3A_761, %and3A_763 : vector<16xi32>
        %gather3A_765 = tpu.vector_load_idx %arg8[%add3A_448, %and3A_764] : memref<128x128xf32, #tpu.memory_space<vmem>>[vector<16xi32>, vector<16xi32>], vector<16xf32>,
        %swap3A_766 = arith.constant 3 : i32
        %swap3A_767 = arith.constant 0 : i32
        %swap3A_768 = arith.index_cast %swap3A_766 : i32 to index
        %swap3A_769 = arith.index_cast %swap3A_767 : i32 to index
        %swap3A_770 = arith.index_cast %mul3A_444 : i32 to index
        %swap3A_771 = tpu.vector_load %arg10[%swap3A_768, %swap3A_769, %swap3A_770] {strides = array<i32>} : memref<8x8x128xf32, #tpu.memory_space<vmem>>, vector<16xf32>,
        tpu.vector_store %arg10[%swap3A_768, %swap3A_769, %swap3A_770], %gather3A_765 {strides = array<i32>} : memref<8x8x128xf32, #tpu.memory_space<vmem>>, vector<16xf32>,
        %add3A_772 = arith.constant 2 : i32
        %add3A_773 = vector.broadcast %add3A_772 : i32 to vector<16xi32>
        %add3A_774 = arith.addi %and3A_764, %add3A_773 : vector<16xi32>
        %and3A_775 = arith.constant 127 : i32
        %and3A_776 = vector.broadcast %and3A_775 : i32 to vector<16xi32>
        %and3A_777 = arith.andi %add3A_774, %and3A_776 : vector<16xi32>
        %gather3A_778 = tpu.vector_load_idx %arg8[%add3A_448, %and3A_777] : memref<128x128xf32, #tpu.memory_space<vmem>>[vector<16xi32>, vector<16xi32>], vector<16xf32>,
        %swap3A_779 = arith.constant 3 : i32
        %swap3A_780 = arith.constant 1 : i32
        %swap3A_781 = arith.index_cast %swap3A_779 : i32 to index
        %swap3A_782 = arith.index_cast %swap3A_780 : i32 to index
        %swap3A_783 = arith.index_cast %mul3A_444 : i32 to index
        %swap3A_784 = tpu.vector_load %arg10[%swap3A_781, %swap3A_782, %swap3A_783] {strides = array<i32>} : memref<8x8x128xf32, #tpu.memory_space<vmem>>, vector<16xf32>,
        tpu.vector_store %arg10[%swap3A_781, %swap3A_782, %swap3A_783], %gather3A_778 {strides = array<i32>} : memref<8x8x128xf32, #tpu.memory_space<vmem>>, vector<16xf32>,
        %add3A_785 = arith.constant 2 : i32
        %add3A_786 = vector.broadcast %add3A_785 : i32 to vector<16xi32>
        %add3A_787 = arith.addi %and3A_777, %add3A_786 : vector<16xi32>
        %and3A_788 = arith.constant 127 : i32
        %and3A_789 = vector.broadcast %and3A_788 : i32 to vector<16xi32>
        %and3A_790 = arith.andi %add3A_787, %and3A_789 : vector<16xi32>
        %gather3A_791 = tpu.vector_load_idx %arg8[%add3A_448, %and3A_790] : memref<128x128xf32, #tpu.memory_space<vmem>>[vector<16xi32>, vector<16xi32>], vector<16xf32>,
        %swap3A_792 = arith.constant 3 : i32
        %swap3A_793 = arith.constant 2 : i32
        %swap3A_794 = arith.index_cast %swap3A_792 : i32 to index
        %swap3A_795 = arith.index_cast %swap3A_793 : i32 to index
        %swap3A_796 = arith.index_cast %mul3A_444 : i32 to index
        %swap3A_797 = tpu.vector_load %arg10[%swap3A_794, %swap3A_795, %swap3A_796] {strides = array<i32>} : memref<8x8x128xf32, #tpu.memory_space<vmem>>, vector<16xf32>,
        tpu.vector_store %arg10[%swap3A_794, %swap3A_795, %swap3A_796], %gather3A_791 {strides = array<i32>} : memref<8x8x128xf32, #tpu.memory_space<vmem>>, vector<16xf32>,
        %add3A_798 = arith.constant 2 : i32
        %add3A_799 = vector.broadcast %add3A_798 : i32 to vector<16xi32>
        %add3A_800 = arith.addi %and3A_790, %add3A_799 : vector<16xi32>
        %and3A_801 = arith.constant 127 : i32
        %and3A_802 = vector.broadcast %and3A_801 : i32 to vector<16xi32>
        %and3A_803 = arith.andi %add3A_800, %and3A_802 : vector<16xi32>
        %gather3A_804 = tpu.vector_load_idx %arg8[%add3A_448, %and3A_803] : memref<128x128xf32, #tpu.memory_space<vmem>>[vector<16xi32>, vector<16xi32>], vector<16xf32>,
        %swap3A_805 = arith.constant 3 : i32
        %swap3A_806 = arith.constant 3 : i32
        %swap3A_807 = arith.index_cast %swap3A_805 : i32 to index
        %swap3A_808 = arith.index_cast %swap3A_806 : i32 to index
        %swap3A_809 = arith.index_cast %mul3A_444 : i32 to index
        %swap3A_810 = tpu.vector_load %arg10[%swap3A_807, %swap3A_808, %swap3A_809] {strides = array<i32>} : memref<8x8x128xf32, #tpu.memory_space<vmem>>, vector<16xf32>,
        tpu.vector_store %arg10[%swap3A_807, %swap3A_808, %swap3A_809], %gather3A_804 {strides = array<i32>} : memref<8x8x128xf32, #tpu.memory_space<vmem>>, vector<16xf32>,
        %add3A_811 = arith.constant 2 : i32
        %add3A_812 = vector.broadcast %add3A_811 : i32 to vector<16xi32>
        %add3A_813 = arith.addi %and3A_803, %add3A_812 : vector<16xi32>
        %and3A_814 = arith.constant 127 : i32
        %and3A_815 = vector.broadcast %and3A_814 : i32 to vector<16xi32>
        %and3A_816 = arith.andi %add3A_813, %and3A_815 : vector<16xi32>
        %gather3A_817 = tpu.vector_load_idx %arg8[%add3A_448, %and3A_816] : memref<128x128xf32, #tpu.memory_space<vmem>>[vector<16xi32>, vector<16xi32>], vector<16xf32>,
        %swap3A_818 = arith.constant 3 : i32
        %swap3A_819 = arith.constant 4 : i32
        %swap3A_820 = arith.index_cast %swap3A_818 : i32 to index
        %swap3A_821 = arith.index_cast %swap3A_819 : i32 to index
        %swap3A_822 = arith.index_cast %mul3A_444 : i32 to index
        %swap3A_823 = tpu.vector_load %arg10[%swap3A_820, %swap3A_821, %swap3A_822] {strides = array<i32>} : memref<8x8x128xf32, #tpu.memory_space<vmem>>, vector<16xf32>,
        tpu.vector_store %arg10[%swap3A_820, %swap3A_821, %swap3A_822], %gather3A_817 {strides = array<i32>} : memref<8x8x128xf32, #tpu.memory_space<vmem>>, vector<16xf32>,
        %add3A_824 = arith.constant 2 : i32
        %add3A_825 = vector.broadcast %add3A_824 : i32 to vector<16xi32>
        %add3A_826 = arith.addi %and3A_816, %add3A_825 : vector<16xi32>
        %and3A_827 = arith.constant 127 : i32
        %and3A_828 = vector.broadcast %and3A_827 : i32 to vector<16xi32>
        %and3A_829 = arith.andi %add3A_826, %and3A_828 : vector<16xi32>
        %gather3A_830 = tpu.vector_load_idx %arg8[%add3A_448, %and3A_829] : memref<128x128xf32, #tpu.memory_space<vmem>>[vector<16xi32>, vector<16xi32>], vector<16xf32>,
        %swap3A_831 = arith.constant 3 : i32
        %swap3A_832 = arith.constant 5 : i32
        %swap3A_833 = arith.index_cast %swap3A_831 : i32 to index
        %swap3A_834 = arith.index_cast %swap3A_832 : i32 to index
        %swap3A_835 = arith.index_cast %mul3A_444 : i32 to index
        %swap3A_836 = tpu.vector_load %arg10[%swap3A_833, %swap3A_834, %swap3A_835] {strides = array<i32>} : memref<8x8x128xf32, #tpu.memory_space<vmem>>, vector<16xf32>,
        tpu.vector_store %arg10[%swap3A_833, %swap3A_834, %swap3A_835], %gather3A_830 {strides = array<i32>} : memref<8x8x128xf32, #tpu.memory_space<vmem>>, vector<16xf32>,
        %add3A_837 = arith.constant 2 : i32
        %add3A_838 = vector.broadcast %add3A_837 : i32 to vector<16xi32>
        %add3A_839 = arith.addi %and3A_829, %add3A_838 : vector<16xi32>
        %and3A_840 = arith.constant 127 : i32
        %and3A_841 = vector.broadcast %and3A_840 : i32 to vector<16xi32>
        %and3A_842 = arith.andi %add3A_839, %and3A_841 : vector<16xi32>
        %gather3A_843 = tpu.vector_load_idx %arg8[%add3A_448, %and3A_842] : memref<128x128xf32, #tpu.memory_space<vmem>>[vector<16xi32>, vector<16xi32>], vector<16xf32>,
        %swap3A_844 = arith.constant 3 : i32
        %swap3A_845 = arith.constant 6 : i32
        %swap3A_846 = arith.index_cast %swap3A_844 : i32 to index
        %swap3A_847 = arith.index_cast %swap3A_845 : i32 to index
        %swap3A_848 = arith.index_cast %mul3A_444 : i32 to index
        %swap3A_849 = tpu.vector_load %arg10[%swap3A_846, %swap3A_847, %swap3A_848] {strides = array<i32>} : memref<8x8x128xf32, #tpu.memory_space<vmem>>, vector<16xf32>,
        tpu.vector_store %arg10[%swap3A_846, %swap3A_847, %swap3A_848], %gather3A_843 {strides = array<i32>} : memref<8x8x128xf32, #tpu.memory_space<vmem>>, vector<16xf32>,
        %add3A_850 = arith.constant 2 : i32
        %add3A_851 = vector.broadcast %add3A_850 : i32 to vector<16xi32>
        %add3A_852 = arith.addi %and3A_842, %add3A_851 : vector<16xi32>
        %and3A_853 = arith.constant 127 : i32
        %and3A_854 = vector.broadcast %and3A_853 : i32 to vector<16xi32>
        %and3A_855 = arith.andi %add3A_852, %and3A_854 : vector<16xi32>
        %gather3A_856 = tpu.vector_load_idx %arg8[%add3A_448, %and3A_855] : memref<128x128xf32, #tpu.memory_space<vmem>>[vector<16xi32>, vector<16xi32>], vector<16xf32>,
        %swap3A_857 = arith.constant 3 : i32
        %swap3A_858 = arith.constant 7 : i32
        %swap3A_859 = arith.index_cast %swap3A_857 : i32 to index
        %swap3A_860 = arith.index_cast %swap3A_858 : i32 to index
        %swap3A_861 = arith.index_cast %mul3A_444 : i32 to index
        %swap3A_862 = tpu.vector_load %arg10[%swap3A_859, %swap3A_860, %swap3A_861] {strides = array<i32>} : memref<8x8x128xf32, #tpu.memory_space<vmem>>, vector<16xf32>,
        tpu.vector_store %arg10[%swap3A_859, %swap3A_860, %swap3A_861], %gather3A_856 {strides = array<i32>} : memref<8x8x128xf32, #tpu.memory_space<vmem>>, vector<16xf32>,
        %add3A_863 = arith.constant 2 : i32
        %add3A_864 = vector.broadcast %add3A_863 : i32 to vector<16xi32>
        %add3A_865 = arith.addi %and3A_855, %add3A_864 : vector<16xi32>
        %and3A_866 = arith.constant 127 : i32
        %and3A_867 = vector.broadcast %and3A_866 : i32 to vector<16xi32>
        %and3A_868 = arith.andi %add3A_865, %and3A_867 : vector<16xi32>
        %gather3A_869 = tpu.vector_load_idx %arg8[%add3A_448, %and3A_868] : memref<128x128xf32, #tpu.memory_space<vmem>>[vector<16xi32>, vector<16xi32>], vector<16xf32>,
        %swap3A_870 = arith.constant 4 : i32
        %swap3A_871 = arith.constant 0 : i32
        %swap3A_872 = arith.index_cast %swap3A_870 : i32 to index
        %swap3A_873 = arith.index_cast %swap3A_871 : i32 to index
        %swap3A_874 = arith.index_cast %mul3A_444 : i32 to index
        %swap3A_875 = tpu.vector_load %arg10[%swap3A_872, %swap3A_873, %swap3A_874] {strides = array<i32>} : memref<8x8x128xf32, #tpu.memory_space<vmem>>, vector<16xf32>,
        tpu.vector_store %arg10[%swap3A_872, %swap3A_873, %swap3A_874], %gather3A_869 {strides = array<i32>} : memref<8x8x128xf32, #tpu.memory_space<vmem>>, vector<16xf32>,
        %add3A_876 = arith.constant 2 : i32
        %add3A_877 = vector.broadcast %add3A_876 : i32 to vector<16xi32>
        %add3A_878 = arith.addi %and3A_868, %add3A_877 : vector<16xi32>
        %and3A_879 = arith.constant 127 : i32
        %and3A_880 = vector.broadcast %and3A_879 : i32 to vector<16xi32>
        %and3A_881 = arith.andi %add3A_878, %and3A_880 : vector<16xi32>
        %gather3A_882 = tpu.vector_load_idx %arg8[%add3A_448, %and3A_881] : memref<128x128xf32, #tpu.memory_space<vmem>>[vector<16xi32>, vector<16xi32>], vector<16xf32>,
        %swap3A_883 = arith.constant 4 : i32
        %swap3A_884 = arith.constant 1 : i32
        %swap3A_885 = arith.index_cast %swap3A_883 : i32 to index
        %swap3A_886 = arith.index_cast %swap3A_884 : i32 to index
        %swap3A_887 = arith.index_cast %mul3A_444 : i32 to index
        %swap3A_888 = tpu.vector_load %arg10[%swap3A_885, %swap3A_886, %swap3A_887] {strides = array<i32>} : memref<8x8x128xf32, #tpu.memory_space<vmem>>, vector<16xf32>,
        tpu.vector_store %arg10[%swap3A_885, %swap3A_886, %swap3A_887], %gather3A_882 {strides = array<i32>} : memref<8x8x128xf32, #tpu.memory_space<vmem>>, vector<16xf32>,
        %add3A_889 = arith.constant 2 : i32
        %add3A_890 = vector.broadcast %add3A_889 : i32 to vector<16xi32>
        %add3A_891 = arith.addi %and3A_881, %add3A_890 : vector<16xi32>
        %and3A_892 = arith.constant 127 : i32
        %and3A_893 = vector.broadcast %and3A_892 : i32 to vector<16xi32>
        %and3A_894 = arith.andi %add3A_891, %and3A_893 : vector<16xi32>
        %gather3A_895 = tpu.vector_load_idx %arg8[%add3A_448, %and3A_894] : memref<128x128xf32, #tpu.memory_space<vmem>>[vector<16xi32>, vector<16xi32>], vector<16xf32>,
        %swap3A_896 = arith.constant 4 : i32
        %swap3A_897 = arith.constant 2 : i32
        %swap3A_898 = arith.index_cast %swap3A_896 : i32 to index
        %swap3A_899 = arith.index_cast %swap3A_897 : i32 to index
        %swap3A_900 = arith.index_cast %mul3A_444 : i32 to index
        %swap3A_901 = tpu.vector_load %arg10[%swap3A_898, %swap3A_899, %swap3A_900] {strides = array<i32>} : memref<8x8x128xf32, #tpu.memory_space<vmem>>, vector<16xf32>,
        tpu.vector_store %arg10[%swap3A_898, %swap3A_899, %swap3A_900], %gather3A_895 {strides = array<i32>} : memref<8x8x128xf32, #tpu.memory_space<vmem>>, vector<16xf32>,
        %add3A_902 = arith.constant 2 : i32
        %add3A_903 = vector.broadcast %add3A_902 : i32 to vector<16xi32>
        %add3A_904 = arith.addi %and3A_894, %add3A_903 : vector<16xi32>
        %and3A_905 = arith.constant 127 : i32
        %and3A_906 = vector.broadcast %and3A_905 : i32 to vector<16xi32>
        %and3A_907 = arith.andi %add3A_904, %and3A_906 : vector<16xi32>
        %gather3A_908 = tpu.vector_load_idx %arg8[%add3A_448, %and3A_907] : memref<128x128xf32, #tpu.memory_space<vmem>>[vector<16xi32>, vector<16xi32>], vector<16xf32>,
        %swap3A_909 = arith.constant 4 : i32
        %swap3A_910 = arith.constant 3 : i32
        %swap3A_911 = arith.index_cast %swap3A_909 : i32 to index
        %swap3A_912 = arith.index_cast %swap3A_910 : i32 to index
        %swap3A_913 = arith.index_cast %mul3A_444 : i32 to index
        %swap3A_914 = tpu.vector_load %arg10[%swap3A_911, %swap3A_912, %swap3A_913] {strides = array<i32>} : memref<8x8x128xf32, #tpu.memory_space<vmem>>, vector<16xf32>,
        tpu.vector_store %arg10[%swap3A_911, %swap3A_912, %swap3A_913], %gather3A_908 {strides = array<i32>} : memref<8x8x128xf32, #tpu.memory_space<vmem>>, vector<16xf32>,
        %add3A_915 = arith.constant 2 : i32
        %add3A_916 = vector.broadcast %add3A_915 : i32 to vector<16xi32>
        %add3A_917 = arith.addi %and3A_907, %add3A_916 : vector<16xi32>
        %and3A_918 = arith.constant 127 : i32
        %and3A_919 = vector.broadcast %and3A_918 : i32 to vector<16xi32>
        %and3A_920 = arith.andi %add3A_917, %and3A_919 : vector<16xi32>
        %gather3A_921 = tpu.vector_load_idx %arg8[%add3A_448, %and3A_920] : memref<128x128xf32, #tpu.memory_space<vmem>>[vector<16xi32>, vector<16xi32>], vector<16xf32>,
        %swap3A_922 = arith.constant 4 : i32
        %swap3A_923 = arith.constant 4 : i32
        %swap3A_924 = arith.index_cast %swap3A_922 : i32 to index
        %swap3A_925 = arith.index_cast %swap3A_923 : i32 to index
        %swap3A_926 = arith.index_cast %mul3A_444 : i32 to index
        %swap3A_927 = tpu.vector_load %arg10[%swap3A_924, %swap3A_925, %swap3A_926] {strides = array<i32>} : memref<8x8x128xf32, #tpu.memory_space<vmem>>, vector<16xf32>,
        tpu.vector_store %arg10[%swap3A_924, %swap3A_925, %swap3A_926], %gather3A_921 {strides = array<i32>} : memref<8x8x128xf32, #tpu.memory_space<vmem>>, vector<16xf32>,
        %add3A_928 = arith.constant 2 : i32
        %add3A_929 = vector.broadcast %add3A_928 : i32 to vector<16xi32>
        %add3A_930 = arith.addi %and3A_920, %add3A_929 : vector<16xi32>
        %and3A_931 = arith.constant 127 : i32
        %and3A_932 = vector.broadcast %and3A_931 : i32 to vector<16xi32>
        %and3A_933 = arith.andi %add3A_930, %and3A_932 : vector<16xi32>
        %gather3A_934 = tpu.vector_load_idx %arg8[%add3A_448, %and3A_933] : memref<128x128xf32, #tpu.memory_space<vmem>>[vector<16xi32>, vector<16xi32>], vector<16xf32>,
        %swap3A_935 = arith.constant 4 : i32
        %swap3A_936 = arith.constant 5 : i32
        %swap3A_937 = arith.index_cast %swap3A_935 : i32 to index
        %swap3A_938 = arith.index_cast %swap3A_936 : i32 to index
        %swap3A_939 = arith.index_cast %mul3A_444 : i32 to index
        %swap3A_940 = tpu.vector_load %arg10[%swap3A_937, %swap3A_938, %swap3A_939] {strides = array<i32>} : memref<8x8x128xf32, #tpu.memory_space<vmem>>, vector<16xf32>,
        tpu.vector_store %arg10[%swap3A_937, %swap3A_938, %swap3A_939], %gather3A_934 {strides = array<i32>} : memref<8x8x128xf32, #tpu.memory_space<vmem>>, vector<16xf32>,
        %add3A_941 = arith.constant 2 : i32
        %add3A_942 = vector.broadcast %add3A_941 : i32 to vector<16xi32>
        %add3A_943 = arith.addi %and3A_933, %add3A_942 : vector<16xi32>
        %and3A_944 = arith.constant 127 : i32
        %and3A_945 = vector.broadcast %and3A_944 : i32 to vector<16xi32>
        %and3A_946 = arith.andi %add3A_943, %and3A_945 : vector<16xi32>
        %gather3A_947 = tpu.vector_load_idx %arg8[%add3A_448, %and3A_946] : memref<128x128xf32, #tpu.memory_space<vmem>>[vector<16xi32>, vector<16xi32>], vector<16xf32>,
        %swap3A_948 = arith.constant 4 : i32
        %swap3A_949 = arith.constant 6 : i32
        %swap3A_950 = arith.index_cast %swap3A_948 : i32 to index
        %swap3A_951 = arith.index_cast %swap3A_949 : i32 to index
        %swap3A_952 = arith.index_cast %mul3A_444 : i32 to index
        %swap3A_953 = tpu.vector_load %arg10[%swap3A_950, %swap3A_951, %swap3A_952] {strides = array<i32>} : memref<8x8x128xf32, #tpu.memory_space<vmem>>, vector<16xf32>,
        tpu.vector_store %arg10[%swap3A_950, %swap3A_951, %swap3A_952], %gather3A_947 {strides = array<i32>} : memref<8x8x128xf32, #tpu.memory_space<vmem>>, vector<16xf32>,
        %add3A_954 = arith.constant 2 : i32
        %add3A_955 = vector.broadcast %add3A_954 : i32 to vector<16xi32>
        %add3A_956 = arith.addi %and3A_946, %add3A_955 : vector<16xi32>
        %and3A_957 = arith.constant 127 : i32
        %and3A_958 = vector.broadcast %and3A_957 : i32 to vector<16xi32>
        %and3A_959 = arith.andi %add3A_956, %and3A_958 : vector<16xi32>
        %gather3A_960 = tpu.vector_load_idx %arg8[%add3A_448, %and3A_959] : memref<128x128xf32, #tpu.memory_space<vmem>>[vector<16xi32>, vector<16xi32>], vector<16xf32>,
        %swap3A_961 = arith.constant 4 : i32
        %swap3A_962 = arith.constant 7 : i32
        %swap3A_963 = arith.index_cast %swap3A_961 : i32 to index
        %swap3A_964 = arith.index_cast %swap3A_962 : i32 to index
        %swap3A_965 = arith.index_cast %mul3A_444 : i32 to index
        %swap3A_966 = tpu.vector_load %arg10[%swap3A_963, %swap3A_964, %swap3A_965] {strides = array<i32>} : memref<8x8x128xf32, #tpu.memory_space<vmem>>, vector<16xf32>,
        tpu.vector_store %arg10[%swap3A_963, %swap3A_964, %swap3A_965], %gather3A_960 {strides = array<i32>} : memref<8x8x128xf32, #tpu.memory_space<vmem>>, vector<16xf32>,
        %add3A_967 = arith.constant 2 : i32
        %add3A_968 = vector.broadcast %add3A_967 : i32 to vector<16xi32>
        %add3A_969 = arith.addi %and3A_959, %add3A_968 : vector<16xi32>
        %and3A_970 = arith.constant 127 : i32
        %and3A_971 = vector.broadcast %and3A_970 : i32 to vector<16xi32>
        %and3A_972 = arith.andi %add3A_969, %and3A_971 : vector<16xi32>
        %gather3A_973 = tpu.vector_load_idx %arg8[%add3A_448, %and3A_972] : memref<128x128xf32, #tpu.memory_space<vmem>>[vector<16xi32>, vector<16xi32>], vector<16xf32>,
        %swap3A_974 = arith.constant 5 : i32
        %swap3A_975 = arith.constant 0 : i32
        %swap3A_976 = arith.index_cast %swap3A_974 : i32 to index
        %swap3A_977 = arith.index_cast %swap3A_975 : i32 to index
        %swap3A_978 = arith.index_cast %mul3A_444 : i32 to index
        %swap3A_979 = tpu.vector_load %arg10[%swap3A_976, %swap3A_977, %swap3A_978] {strides = array<i32>} : memref<8x8x128xf32, #tpu.memory_space<vmem>>, vector<16xf32>,
        tpu.vector_store %arg10[%swap3A_976, %swap3A_977, %swap3A_978], %gather3A_973 {strides = array<i32>} : memref<8x8x128xf32, #tpu.memory_space<vmem>>, vector<16xf32>,
        %add3A_980 = arith.constant 2 : i32
        %add3A_981 = vector.broadcast %add3A_980 : i32 to vector<16xi32>
        %add3A_982 = arith.addi %and3A_972, %add3A_981 : vector<16xi32>
        %and3A_983 = arith.constant 127 : i32
        %and3A_984 = vector.broadcast %and3A_983 : i32 to vector<16xi32>
        %and3A_985 = arith.andi %add3A_982, %and3A_984 : vector<16xi32>
        %gather3A_986 = tpu.vector_load_idx %arg8[%add3A_448, %and3A_985] : memref<128x128xf32, #tpu.memory_space<vmem>>[vector<16xi32>, vector<16xi32>], vector<16xf32>,
        %swap3A_987 = arith.constant 5 : i32
        %swap3A_988 = arith.constant 1 : i32
        %swap3A_989 = arith.index_cast %swap3A_987 : i32 to index
        %swap3A_990 = arith.index_cast %swap3A_988 : i32 to index
        %swap3A_991 = arith.index_cast %mul3A_444 : i32 to index
        %swap3A_992 = tpu.vector_load %arg10[%swap3A_989, %swap3A_990, %swap3A_991] {strides = array<i32>} : memref<8x8x128xf32, #tpu.memory_space<vmem>>, vector<16xf32>,
        tpu.vector_store %arg10[%swap3A_989, %swap3A_990, %swap3A_991], %gather3A_986 {strides = array<i32>} : memref<8x8x128xf32, #tpu.memory_space<vmem>>, vector<16xf32>,
        %add3A_993 = arith.constant 2 : i32
        %add3A_994 = vector.broadcast %add3A_993 : i32 to vector<16xi32>
        %add3A_995 = arith.addi %and3A_985, %add3A_994 : vector<16xi32>
        %and3A_996 = arith.constant 127 : i32
        %and3A_997 = vector.broadcast %and3A_996 : i32 to vector<16xi32>
        %and3A_998 = arith.andi %add3A_995, %and3A_997 : vector<16xi32>
        %gather3A_999 = tpu.vector_load_idx %arg8[%add3A_448, %and3A_998] : memref<128x128xf32, #tpu.memory_space<vmem>>[vector<16xi32>, vector<16xi32>], vector<16xf32>,
        %swap3A_1000 = arith.constant 5 : i32
        %swap3A_1001 = arith.constant 2 : i32
        %swap3A_1002 = arith.index_cast %swap3A_1000 : i32 to index
        %swap3A_1003 = arith.index_cast %swap3A_1001 : i32 to index
        %swap3A_1004 = arith.index_cast %mul3A_444 : i32 to index
        %swap3A_1005 = tpu.vector_load %arg10[%swap3A_1002, %swap3A_1003, %swap3A_1004] {strides = array<i32>} : memref<8x8x128xf32, #tpu.memory_space<vmem>>, vector<16xf32>,
        tpu.vector_store %arg10[%swap3A_1002, %swap3A_1003, %swap3A_1004], %gather3A_999 {strides = array<i32>} : memref<8x8x128xf32, #tpu.memory_space<vmem>>, vector<16xf32>,
        %add3A_1006 = arith.constant 2 : i32
        %add3A_1007 = vector.broadcast %add3A_1006 : i32 to vector<16xi32>
        %add3A_1008 = arith.addi %and3A_998, %add3A_1007 : vector<16xi32>
        %and3A_1009 = arith.constant 127 : i32
        %and3A_1010 = vector.broadcast %and3A_1009 : i32 to vector<16xi32>
        %and3A_1011 = arith.andi %add3A_1008, %and3A_1010 : vector<16xi32>
        %gather3A_1012 = tpu.vector_load_idx %arg8[%add3A_448, %and3A_1011] : memref<128x128xf32, #tpu.memory_space<vmem>>[vector<16xi32>, vector<16xi32>], vector<16xf32>,
        %swap3A_1013 = arith.constant 5 : i32
        %swap3A_1014 = arith.constant 3 : i32
        %swap3A_1015 = arith.index_cast %swap3A_1013 : i32 to index
        %swap3A_1016 = arith.index_cast %swap3A_1014 : i32 to index
        %swap3A_1017 = arith.index_cast %mul3A_444 : i32 to index
        %swap3A_1018 = tpu.vector_load %arg10[%swap3A_1015, %swap3A_1016, %swap3A_1017] {strides = array<i32>} : memref<8x8x128xf32, #tpu.memory_space<vmem>>, vector<16xf32>,
        tpu.vector_store %arg10[%swap3A_1015, %swap3A_1016, %swap3A_1017], %gather3A_1012 {strides = array<i32>} : memref<8x8x128xf32, #tpu.memory_space<vmem>>, vector<16xf32>,
        %add3A_1019 = arith.constant 2 : i32
        %add3A_1020 = vector.broadcast %add3A_1019 : i32 to vector<16xi32>
        %add3A_1021 = arith.addi %and3A_1011, %add3A_1020 : vector<16xi32>
        %and3A_1022 = arith.constant 127 : i32
        %and3A_1023 = vector.broadcast %and3A_1022 : i32 to vector<16xi32>
        %and3A_1024 = arith.andi %add3A_1021, %and3A_1023 : vector<16xi32>
        %gather3A_1025 = tpu.vector_load_idx %arg8[%add3A_448, %and3A_1024] : memref<128x128xf32, #tpu.memory_space<vmem>>[vector<16xi32>, vector<16xi32>], vector<16xf32>,
        %swap3A_1026 = arith.constant 5 : i32
        %swap3A_1027 = arith.constant 4 : i32
        %swap3A_1028 = arith.index_cast %swap3A_1026 : i32 to index
        %swap3A_1029 = arith.index_cast %swap3A_1027 : i32 to index
        %swap3A_1030 = arith.index_cast %mul3A_444 : i32 to index
        %swap3A_1031 = tpu.vector_load %arg10[%swap3A_1028, %swap3A_1029, %swap3A_1030] {strides = array<i32>} : memref<8x8x128xf32, #tpu.memory_space<vmem>>, vector<16xf32>,
        tpu.vector_store %arg10[%swap3A_1028, %swap3A_1029, %swap3A_1030], %gather3A_1025 {strides = array<i32>} : memref<8x8x128xf32, #tpu.memory_space<vmem>>, vector<16xf32>,
        %add3A_1032 = arith.constant 2 : i32
        %add3A_1033 = vector.broadcast %add3A_1032 : i32 to vector<16xi32>
        %add3A_1034 = arith.addi %and3A_1024, %add3A_1033 : vector<16xi32>
        %and3A_1035 = arith.constant 127 : i32
        %and3A_1036 = vector.broadcast %and3A_1035 : i32 to vector<16xi32>
        %and3A_1037 = arith.andi %add3A_1034, %and3A_1036 : vector<16xi32>
        %gather3A_1038 = tpu.vector_load_idx %arg8[%add3A_448, %and3A_1037] : memref<128x128xf32, #tpu.memory_space<vmem>>[vector<16xi32>, vector<16xi32>], vector<16xf32>,
        %swap3A_1039 = arith.constant 5 : i32
        %swap3A_1040 = arith.constant 5 : i32
        %swap3A_1041 = arith.index_cast %swap3A_1039 : i32 to index
        %swap3A_1042 = arith.index_cast %swap3A_1040 : i32 to index
        %swap3A_1043 = arith.index_cast %mul3A_444 : i32 to index
        %swap3A_1044 = tpu.vector_load %arg10[%swap3A_1041, %swap3A_1042, %swap3A_1043] {strides = array<i32>} : memref<8x8x128xf32, #tpu.memory_space<vmem>>, vector<16xf32>,
        tpu.vector_store %arg10[%swap3A_1041, %swap3A_1042, %swap3A_1043], %gather3A_1038 {strides = array<i32>} : memref<8x8x128xf32, #tpu.memory_space<vmem>>, vector<16xf32>,
        %add3A_1045 = arith.constant 2 : i32
        %add3A_1046 = vector.broadcast %add3A_1045 : i32 to vector<16xi32>
        %add3A_1047 = arith.addi %and3A_1037, %add3A_1046 : vector<16xi32>
        %and3A_1048 = arith.constant 127 : i32
        %and3A_1049 = vector.broadcast %and3A_1048 : i32 to vector<16xi32>
        %and3A_1050 = arith.andi %add3A_1047, %and3A_1049 : vector<16xi32>
        %gather3A_1051 = tpu.vector_load_idx %arg8[%add3A_448, %and3A_1050] : memref<128x128xf32, #tpu.memory_space<vmem>>[vector<16xi32>, vector<16xi32>], vector<16xf32>,
        %swap3A_1052 = arith.constant 5 : i32
        %swap3A_1053 = arith.constant 6 : i32
        %swap3A_1054 = arith.index_cast %swap3A_1052 : i32 to index
        %swap3A_1055 = arith.index_cast %swap3A_1053 : i32 to index
        %swap3A_1056 = arith.index_cast %mul3A_444 : i32 to index
        %swap3A_1057 = tpu.vector_load %arg10[%swap3A_1054, %swap3A_1055, %swap3A_1056] {strides = array<i32>} : memref<8x8x128xf32, #tpu.memory_space<vmem>>, vector<16xf32>,
        tpu.vector_store %arg10[%swap3A_1054, %swap3A_1055, %swap3A_1056], %gather3A_1051 {strides = array<i32>} : memref<8x8x128xf32, #tpu.memory_space<vmem>>, vector<16xf32>,
        %add3A_1058 = arith.constant 2 : i32
        %add3A_1059 = vector.broadcast %add3A_1058 : i32 to vector<16xi32>
        %add3A_1060 = arith.addi %and3A_1050, %add3A_1059 : vector<16xi32>
        %and3A_1061 = arith.constant 127 : i32
        %and3A_1062 = vector.broadcast %and3A_1061 : i32 to vector<16xi32>
        %and3A_1063 = arith.andi %add3A_1060, %and3A_1062 : vector<16xi32>
        %gather3A_1064 = tpu.vector_load_idx %arg8[%add3A_448, %and3A_1063] : memref<128x128xf32, #tpu.memory_space<vmem>>[vector<16xi32>, vector<16xi32>], vector<16xf32>,
        %swap3A_1065 = arith.constant 5 : i32
        %swap3A_1066 = arith.constant 7 : i32
        %swap3A_1067 = arith.index_cast %swap3A_1065 : i32 to index
        %swap3A_1068 = arith.index_cast %swap3A_1066 : i32 to index
        %swap3A_1069 = arith.index_cast %mul3A_444 : i32 to index
        %swap3A_1070 = tpu.vector_load %arg10[%swap3A_1067, %swap3A_1068, %swap3A_1069] {strides = array<i32>} : memref<8x8x128xf32, #tpu.memory_space<vmem>>, vector<16xf32>,
        tpu.vector_store %arg10[%swap3A_1067, %swap3A_1068, %swap3A_1069], %gather3A_1064 {strides = array<i32>} : memref<8x8x128xf32, #tpu.memory_space<vmem>>, vector<16xf32>,
        %add3A_1071 = arith.constant 2 : i32
        %add3A_1072 = vector.broadcast %add3A_1071 : i32 to vector<16xi32>
        %add3A_1073 = arith.addi %and3A_1063, %add3A_1072 : vector<16xi32>
        %and3A_1074 = arith.constant 127 : i32
        %and3A_1075 = vector.broadcast %and3A_1074 : i32 to vector<16xi32>
        %and3A_1076 = arith.andi %add3A_1073, %and3A_1075 : vector<16xi32>
        %gather3A_1077 = tpu.vector_load_idx %arg8[%add3A_448, %and3A_1076] : memref<128x128xf32, #tpu.memory_space<vmem>>[vector<16xi32>, vector<16xi32>], vector<16xf32>,
        %swap3A_1078 = arith.constant 6 : i32
        %swap3A_1079 = arith.constant 0 : i32
        %swap3A_1080 = arith.index_cast %swap3A_1078 : i32 to index
        %swap3A_1081 = arith.index_cast %swap3A_1079 : i32 to index
        %swap3A_1082 = arith.index_cast %mul3A_444 : i32 to index
        %swap3A_1083 = tpu.vector_load %arg10[%swap3A_1080, %swap3A_1081, %swap3A_1082] {strides = array<i32>} : memref<8x8x128xf32, #tpu.memory_space<vmem>>, vector<16xf32>,
        tpu.vector_store %arg10[%swap3A_1080, %swap3A_1081, %swap3A_1082], %gather3A_1077 {strides = array<i32>} : memref<8x8x128xf32, #tpu.memory_space<vmem>>, vector<16xf32>,
        %add3A_1084 = arith.constant 2 : i32
        %add3A_1085 = vector.broadcast %add3A_1084 : i32 to vector<16xi32>
        %add3A_1086 = arith.addi %and3A_1076, %add3A_1085 : vector<16xi32>
        %and3A_1087 = arith.constant 127 : i32
        %and3A_1088 = vector.broadcast %and3A_1087 : i32 to vector<16xi32>
        %and3A_1089 = arith.andi %add3A_1086, %and3A_1088 : vector<16xi32>
        %gather3A_1090 = tpu.vector_load_idx %arg8[%add3A_448, %and3A_1089] : memref<128x128xf32, #tpu.memory_space<vmem>>[vector<16xi32>, vector<16xi32>], vector<16xf32>,
        %swap3A_1091 = arith.constant 6 : i32
        %swap3A_1092 = arith.constant 1 : i32
        %swap3A_1093 = arith.index_cast %swap3A_1091 : i32 to index
        %swap3A_1094 = arith.index_cast %swap3A_1092 : i32 to index
        %swap3A_1095 = arith.index_cast %mul3A_444 : i32 to index
        %swap3A_1096 = tpu.vector_load %arg10[%swap3A_1093, %swap3A_1094, %swap3A_1095] {strides = array<i32>} : memref<8x8x128xf32, #tpu.memory_space<vmem>>, vector<16xf32>,
        tpu.vector_store %arg10[%swap3A_1093, %swap3A_1094, %swap3A_1095], %gather3A_1090 {strides = array<i32>} : memref<8x8x128xf32, #tpu.memory_space<vmem>>, vector<16xf32>,
        %add3A_1097 = arith.constant 2 : i32
        %add3A_1098 = vector.broadcast %add3A_1097 : i32 to vector<16xi32>
        %add3A_1099 = arith.addi %and3A_1089, %add3A_1098 : vector<16xi32>
        %and3A_1100 = arith.constant 127 : i32
        %and3A_1101 = vector.broadcast %and3A_1100 : i32 to vector<16xi32>
        %and3A_1102 = arith.andi %add3A_1099, %and3A_1101 : vector<16xi32>
        %gather3A_1103 = tpu.vector_load_idx %arg8[%add3A_448, %and3A_1102] : memref<128x128xf32, #tpu.memory_space<vmem>>[vector<16xi32>, vector<16xi32>], vector<16xf32>,
        %swap3A_1104 = arith.constant 6 : i32
        %swap3A_1105 = arith.constant 2 : i32
        %swap3A_1106 = arith.index_cast %swap3A_1104 : i32 to index
        %swap3A_1107 = arith.index_cast %swap3A_1105 : i32 to index
        %swap3A_1108 = arith.index_cast %mul3A_444 : i32 to index
        %swap3A_1109 = tpu.vector_load %arg10[%swap3A_1106, %swap3A_1107, %swap3A_1108] {strides = array<i32>} : memref<8x8x128xf32, #tpu.memory_space<vmem>>, vector<16xf32>,
        tpu.vector_store %arg10[%swap3A_1106, %swap3A_1107, %swap3A_1108], %gather3A_1103 {strides = array<i32>} : memref<8x8x128xf32, #tpu.memory_space<vmem>>, vector<16xf32>,
        %add3A_1110 = arith.constant 2 : i32
        %add3A_1111 = vector.broadcast %add3A_1110 : i32 to vector<16xi32>
        %add3A_1112 = arith.addi %and3A_1102, %add3A_1111 : vector<16xi32>
        %and3A_1113 = arith.constant 127 : i32
        %and3A_1114 = vector.broadcast %and3A_1113 : i32 to vector<16xi32>
        %and3A_1115 = arith.andi %add3A_1112, %and3A_1114 : vector<16xi32>
        %gather3A_1116 = tpu.vector_load_idx %arg8[%add3A_448, %and3A_1115] : memref<128x128xf32, #tpu.memory_space<vmem>>[vector<16xi32>, vector<16xi32>], vector<16xf32>,
        %swap3A_1117 = arith.constant 6 : i32
        %swap3A_1118 = arith.constant 3 : i32
        %swap3A_1119 = arith.index_cast %swap3A_1117 : i32 to index
        %swap3A_1120 = arith.index_cast %swap3A_1118 : i32 to index
        %swap3A_1121 = arith.index_cast %mul3A_444 : i32 to index
        %swap3A_1122 = tpu.vector_load %arg10[%swap3A_1119, %swap3A_1120, %swap3A_1121] {strides = array<i32>} : memref<8x8x128xf32, #tpu.memory_space<vmem>>, vector<16xf32>,
        tpu.vector_store %arg10[%swap3A_1119, %swap3A_1120, %swap3A_1121], %gather3A_1116 {strides = array<i32>} : memref<8x8x128xf32, #tpu.memory_space<vmem>>, vector<16xf32>,
        %add3A_1123 = arith.constant 2 : i32
        %add3A_1124 = vector.broadcast %add3A_1123 : i32 to vector<16xi32>
        %add3A_1125 = arith.addi %and3A_1115, %add3A_1124 : vector<16xi32>
        %and3A_1126 = arith.constant 127 : i32
        %and3A_1127 = vector.broadcast %and3A_1126 : i32 to vector<16xi32>
        %and3A_1128 = arith.andi %add3A_1125, %and3A_1127 : vector<16xi32>
        %gather3A_1129 = tpu.vector_load_idx %arg8[%add3A_448, %and3A_1128] : memref<128x128xf32, #tpu.memory_space<vmem>>[vector<16xi32>, vector<16xi32>], vector<16xf32>,
        %swap3A_1130 = arith.constant 6 : i32
        %swap3A_1131 = arith.constant 4 : i32
        %swap3A_1132 = arith.index_cast %swap3A_1130 : i32 to index
        %swap3A_1133 = arith.index_cast %swap3A_1131 : i32 to index
        %swap3A_1134 = arith.index_cast %mul3A_444 : i32 to index
        %swap3A_1135 = tpu.vector_load %arg10[%swap3A_1132, %swap3A_1133, %swap3A_1134] {strides = array<i32>} : memref<8x8x128xf32, #tpu.memory_space<vmem>>, vector<16xf32>,
        tpu.vector_store %arg10[%swap3A_1132, %swap3A_1133, %swap3A_1134], %gather3A_1129 {strides = array<i32>} : memref<8x8x128xf32, #tpu.memory_space<vmem>>, vector<16xf32>,
        %add3A_1136 = arith.constant 2 : i32
        %add3A_1137 = vector.broadcast %add3A_1136 : i32 to vector<16xi32>
        %add3A_1138 = arith.addi %and3A_1128, %add3A_1137 : vector<16xi32>
        %and3A_1139 = arith.constant 127 : i32
        %and3A_1140 = vector.broadcast %and3A_1139 : i32 to vector<16xi32>
        %and3A_1141 = arith.andi %add3A_1138, %and3A_1140 : vector<16xi32>
        %gather3A_1142 = tpu.vector_load_idx %arg8[%add3A_448, %and3A_1141] : memref<128x128xf32, #tpu.memory_space<vmem>>[vector<16xi32>, vector<16xi32>], vector<16xf32>,
        %swap3A_1143 = arith.constant 6 : i32
        %swap3A_1144 = arith.constant 5 : i32
        %swap3A_1145 = arith.index_cast %swap3A_1143 : i32 to index
        %swap3A_1146 = arith.index_cast %swap3A_1144 : i32 to index
        %swap3A_1147 = arith.index_cast %mul3A_444 : i32 to index
        %swap3A_1148 = tpu.vector_load %arg10[%swap3A_1145, %swap3A_1146, %swap3A_1147] {strides = array<i32>} : memref<8x8x128xf32, #tpu.memory_space<vmem>>, vector<16xf32>,
        tpu.vector_store %arg10[%swap3A_1145, %swap3A_1146, %swap3A_1147], %gather3A_1142 {strides = array<i32>} : memref<8x8x128xf32, #tpu.memory_space<vmem>>, vector<16xf32>,
        %add3A_1149 = arith.constant 2 : i32
        %add3A_1150 = vector.broadcast %add3A_1149 : i32 to vector<16xi32>
        %add3A_1151 = arith.addi %and3A_1141, %add3A_1150 : vector<16xi32>
        %and3A_1152 = arith.constant 127 : i32
        %and3A_1153 = vector.broadcast %and3A_1152 : i32 to vector<16xi32>
        %and3A_1154 = arith.andi %add3A_1151, %and3A_1153 : vector<16xi32>
        %gather3A_1155 = tpu.vector_load_idx %arg8[%add3A_448, %and3A_1154] : memref<128x128xf32, #tpu.memory_space<vmem>>[vector<16xi32>, vector<16xi32>], vector<16xf32>,
        %swap3A_1156 = arith.constant 6 : i32
        %swap3A_1157 = arith.constant 6 : i32
        %swap3A_1158 = arith.index_cast %swap3A_1156 : i32 to index
        %swap3A_1159 = arith.index_cast %swap3A_1157 : i32 to index
        %swap3A_1160 = arith.index_cast %mul3A_444 : i32 to index
        %swap3A_1161 = tpu.vector_load %arg10[%swap3A_1158, %swap3A_1159, %swap3A_1160] {strides = array<i32>} : memref<8x8x128xf32, #tpu.memory_space<vmem>>, vector<16xf32>,
        tpu.vector_store %arg10[%swap3A_1158, %swap3A_1159, %swap3A_1160], %gather3A_1155 {strides = array<i32>} : memref<8x8x128xf32, #tpu.memory_space<vmem>>, vector<16xf32>,
        %add3A_1162 = arith.constant 2 : i32
        %add3A_1163 = vector.broadcast %add3A_1162 : i32 to vector<16xi32>
        %add3A_1164 = arith.addi %and3A_1154, %add3A_1163 : vector<16xi32>
        %and3A_1165 = arith.constant 127 : i32
        %and3A_1166 = vector.broadcast %and3A_1165 : i32 to vector<16xi32>
        %and3A_1167 = arith.andi %add3A_1164, %and3A_1166 : vector<16xi32>
        %gather3A_1168 = tpu.vector_load_idx %arg8[%add3A_448, %and3A_1167] : memref<128x128xf32, #tpu.memory_space<vmem>>[vector<16xi32>, vector<16xi32>], vector<16xf32>,
        %swap3A_1169 = arith.constant 6 : i32
        %swap3A_1170 = arith.constant 7 : i32
        %swap3A_1171 = arith.index_cast %swap3A_1169 : i32 to index
        %swap3A_1172 = arith.index_cast %swap3A_1170 : i32 to index
        %swap3A_1173 = arith.index_cast %mul3A_444 : i32 to index
        %swap3A_1174 = tpu.vector_load %arg10[%swap3A_1171, %swap3A_1172, %swap3A_1173] {strides = array<i32>} : memref<8x8x128xf32, #tpu.memory_space<vmem>>, vector<16xf32>,
        tpu.vector_store %arg10[%swap3A_1171, %swap3A_1172, %swap3A_1173], %gather3A_1168 {strides = array<i32>} : memref<8x8x128xf32, #tpu.memory_space<vmem>>, vector<16xf32>,
        %add3A_1175 = arith.constant 2 : i32
        %add3A_1176 = vector.broadcast %add3A_1175 : i32 to vector<16xi32>
        %add3A_1177 = arith.addi %and3A_1167, %add3A_1176 : vector<16xi32>
        %and3A_1178 = arith.constant 127 : i32
        %and3A_1179 = vector.broadcast %and3A_1178 : i32 to vector<16xi32>
        %and3A_1180 = arith.andi %add3A_1177, %and3A_1179 : vector<16xi32>
        %gather3A_1181 = tpu.vector_load_idx %arg8[%add3A_448, %and3A_1180] : memref<128x128xf32, #tpu.memory_space<vmem>>[vector<16xi32>, vector<16xi32>], vector<16xf32>,
        %swap3A_1182 = arith.constant 7 : i32
        %swap3A_1183 = arith.constant 0 : i32
        %swap3A_1184 = arith.index_cast %swap3A_1182 : i32 to index
        %swap3A_1185 = arith.index_cast %swap3A_1183 : i32 to index
        %swap3A_1186 = arith.index_cast %mul3A_444 : i32 to index
        %swap3A_1187 = tpu.vector_load %arg10[%swap3A_1184, %swap3A_1185, %swap3A_1186] {strides = array<i32>} : memref<8x8x128xf32, #tpu.memory_space<vmem>>, vector<16xf32>,
        tpu.vector_store %arg10[%swap3A_1184, %swap3A_1185, %swap3A_1186], %gather3A_1181 {strides = array<i32>} : memref<8x8x128xf32, #tpu.memory_space<vmem>>, vector<16xf32>,
        %add3A_1188 = arith.constant 2 : i32
        %add3A_1189 = vector.broadcast %add3A_1188 : i32 to vector<16xi32>
        %add3A_1190 = arith.addi %and3A_1180, %add3A_1189 : vector<16xi32>
        %and3A_1191 = arith.constant 127 : i32
        %and3A_1192 = vector.broadcast %and3A_1191 : i32 to vector<16xi32>
        %and3A_1193 = arith.andi %add3A_1190, %and3A_1192 : vector<16xi32>
        %gather3A_1194 = tpu.vector_load_idx %arg8[%add3A_448, %and3A_1193] : memref<128x128xf32, #tpu.memory_space<vmem>>[vector<16xi32>, vector<16xi32>], vector<16xf32>,
        %swap3A_1195 = arith.constant 7 : i32
        %swap3A_1196 = arith.constant 1 : i32
        %swap3A_1197 = arith.index_cast %swap3A_1195 : i32 to index
        %swap3A_1198 = arith.index_cast %swap3A_1196 : i32 to index
        %swap3A_1199 = arith.index_cast %mul3A_444 : i32 to index
        %swap3A_1200 = tpu.vector_load %arg10[%swap3A_1197, %swap3A_1198, %swap3A_1199] {strides = array<i32>} : memref<8x8x128xf32, #tpu.memory_space<vmem>>, vector<16xf32>,
        tpu.vector_store %arg10[%swap3A_1197, %swap3A_1198, %swap3A_1199], %gather3A_1194 {strides = array<i32>} : memref<8x8x128xf32, #tpu.memory_space<vmem>>, vector<16xf32>,
        %add3A_1201 = arith.constant 2 : i32
        %add3A_1202 = vector.broadcast %add3A_1201 : i32 to vector<16xi32>
        %add3A_1203 = arith.addi %and3A_1193, %add3A_1202 : vector<16xi32>
        %and3A_1204 = arith.constant 127 : i32
        %and3A_1205 = vector.broadcast %and3A_1204 : i32 to vector<16xi32>
        %and3A_1206 = arith.andi %add3A_1203, %and3A_1205 : vector<16xi32>
        %gather3A_1207 = tpu.vector_load_idx %arg8[%add3A_448, %and3A_1206] : memref<128x128xf32, #tpu.memory_space<vmem>>[vector<16xi32>, vector<16xi32>], vector<16xf32>,
        %swap3A_1208 = arith.constant 7 : i32
        %swap3A_1209 = arith.constant 2 : i32
        %swap3A_1210 = arith.index_cast %swap3A_1208 : i32 to index
        %swap3A_1211 = arith.index_cast %swap3A_1209 : i32 to index
        %swap3A_1212 = arith.index_cast %mul3A_444 : i32 to index
        %swap3A_1213 = tpu.vector_load %arg10[%swap3A_1210, %swap3A_1211, %swap3A_1212] {strides = array<i32>} : memref<8x8x128xf32, #tpu.memory_space<vmem>>, vector<16xf32>,
        tpu.vector_store %arg10[%swap3A_1210, %swap3A_1211, %swap3A_1212], %gather3A_1207 {strides = array<i32>} : memref<8x8x128xf32, #tpu.memory_space<vmem>>, vector<16xf32>,
        %add3A_1214 = arith.constant 2 : i32
        %add3A_1215 = vector.broadcast %add3A_1214 : i32 to vector<16xi32>
        %add3A_1216 = arith.addi %and3A_1206, %add3A_1215 : vector<16xi32>
        %and3A_1217 = arith.constant 127 : i32
        %and3A_1218 = vector.broadcast %and3A_1217 : i32 to vector<16xi32>
        %and3A_1219 = arith.andi %add3A_1216, %and3A_1218 : vector<16xi32>
        %gather3A_1220 = tpu.vector_load_idx %arg8[%add3A_448, %and3A_1219] : memref<128x128xf32, #tpu.memory_space<vmem>>[vector<16xi32>, vector<16xi32>], vector<16xf32>,
        %swap3A_1221 = arith.constant 7 : i32
        %swap3A_1222 = arith.constant 3 : i32
        %swap3A_1223 = arith.index_cast %swap3A_1221 : i32 to index
        %swap3A_1224 = arith.index_cast %swap3A_1222 : i32 to index
        %swap3A_1225 = arith.index_cast %mul3A_444 : i32 to index
        %swap3A_1226 = tpu.vector_load %arg10[%swap3A_1223, %swap3A_1224, %swap3A_1225] {strides = array<i32>} : memref<8x8x128xf32, #tpu.memory_space<vmem>>, vector<16xf32>,
        tpu.vector_store %arg10[%swap3A_1223, %swap3A_1224, %swap3A_1225], %gather3A_1220 {strides = array<i32>} : memref<8x8x128xf32, #tpu.memory_space<vmem>>, vector<16xf32>,
        %add3A_1227 = arith.constant 2 : i32
        %add3A_1228 = vector.broadcast %add3A_1227 : i32 to vector<16xi32>
        %add3A_1229 = arith.addi %and3A_1219, %add3A_1228 : vector<16xi32>
        %and3A_1230 = arith.constant 127 : i32
        %and3A_1231 = vector.broadcast %and3A_1230 : i32 to vector<16xi32>
        %and3A_1232 = arith.andi %add3A_1229, %and3A_1231 : vector<16xi32>
        %gather3A_1233 = tpu.vector_load_idx %arg8[%add3A_448, %and3A_1232] : memref<128x128xf32, #tpu.memory_space<vmem>>[vector<16xi32>, vector<16xi32>], vector<16xf32>,
        %swap3A_1234 = arith.constant 7 : i32
        %swap3A_1235 = arith.constant 4 : i32
        %swap3A_1236 = arith.index_cast %swap3A_1234 : i32 to index
        %swap3A_1237 = arith.index_cast %swap3A_1235 : i32 to index
        %swap3A_1238 = arith.index_cast %mul3A_444 : i32 to index
        %swap3A_1239 = tpu.vector_load %arg10[%swap3A_1236, %swap3A_1237, %swap3A_1238] {strides = array<i32>} : memref<8x8x128xf32, #tpu.memory_space<vmem>>, vector<16xf32>,
        tpu.vector_store %arg10[%swap3A_1236, %swap3A_1237, %swap3A_1238], %gather3A_1233 {strides = array<i32>} : memref<8x8x128xf32, #tpu.memory_space<vmem>>, vector<16xf32>,
        %add3A_1240 = arith.constant 2 : i32
        %add3A_1241 = vector.broadcast %add3A_1240 : i32 to vector<16xi32>
        %add3A_1242 = arith.addi %and3A_1232, %add3A_1241 : vector<16xi32>
        %and3A_1243 = arith.constant 127 : i32
        %and3A_1244 = vector.broadcast %and3A_1243 : i32 to vector<16xi32>
        %and3A_1245 = arith.andi %add3A_1242, %and3A_1244 : vector<16xi32>
        %gather3A_1246 = tpu.vector_load_idx %arg8[%add3A_448, %and3A_1245] : memref<128x128xf32, #tpu.memory_space<vmem>>[vector<16xi32>, vector<16xi32>], vector<16xf32>,
        %swap3A_1247 = arith.constant 7 : i32
        %swap3A_1248 = arith.constant 5 : i32
        %swap3A_1249 = arith.index_cast %swap3A_1247 : i32 to index
        %swap3A_1250 = arith.index_cast %swap3A_1248 : i32 to index
        %swap3A_1251 = arith.index_cast %mul3A_444 : i32 to index
        %swap3A_1252 = tpu.vector_load %arg10[%swap3A_1249, %swap3A_1250, %swap3A_1251] {strides = array<i32>} : memref<8x8x128xf32, #tpu.memory_space<vmem>>, vector<16xf32>,
        tpu.vector_store %arg10[%swap3A_1249, %swap3A_1250, %swap3A_1251], %gather3A_1246 {strides = array<i32>} : memref<8x8x128xf32, #tpu.memory_space<vmem>>, vector<16xf32>,
        %add3A_1253 = arith.constant 2 : i32
        %add3A_1254 = vector.broadcast %add3A_1253 : i32 to vector<16xi32>
        %add3A_1255 = arith.addi %and3A_1245, %add3A_1254 : vector<16xi32>
        %and3A_1256 = arith.constant 127 : i32
        %and3A_1257 = vector.broadcast %and3A_1256 : i32 to vector<16xi32>
        %and3A_1258 = arith.andi %add3A_1255, %and3A_1257 : vector<16xi32>
        %gather3A_1259 = tpu.vector_load_idx %arg8[%add3A_448, %and3A_1258] : memref<128x128xf32, #tpu.memory_space<vmem>>[vector<16xi32>, vector<16xi32>], vector<16xf32>,
        %swap3A_1260 = arith.constant 7 : i32
        %swap3A_1261 = arith.constant 6 : i32
        %swap3A_1262 = arith.index_cast %swap3A_1260 : i32 to index
        %swap3A_1263 = arith.index_cast %swap3A_1261 : i32 to index
        %swap3A_1264 = arith.index_cast %mul3A_444 : i32 to index
        %swap3A_1265 = tpu.vector_load %arg10[%swap3A_1262, %swap3A_1263, %swap3A_1264] {strides = array<i32>} : memref<8x8x128xf32, #tpu.memory_space<vmem>>, vector<16xf32>,
        tpu.vector_store %arg10[%swap3A_1262, %swap3A_1263, %swap3A_1264], %gather3A_1259 {strides = array<i32>} : memref<8x8x128xf32, #tpu.memory_space<vmem>>, vector<16xf32>,
        %add3A_1266 = arith.constant 2 : i32
        %add3A_1267 = vector.broadcast %add3A_1266 : i32 to vector<16xi32>
        %add3A_1268 = arith.addi %and3A_1258, %add3A_1267 : vector<16xi32>
        %and3A_1269 = arith.constant 127 : i32
        %and3A_1270 = vector.broadcast %and3A_1269 : i32 to vector<16xi32>
        %and3A_1271 = arith.andi %add3A_1268, %and3A_1270 : vector<16xi32>
        %gather3A_1272 = tpu.vector_load_idx %arg8[%add3A_448, %and3A_1271] : memref<128x128xf32, #tpu.memory_space<vmem>>[vector<16xi32>, vector<16xi32>], vector<16xf32>,
        %swap3A_1273 = arith.constant 7 : i32
        %swap3A_1274 = arith.constant 7 : i32
        %swap3A_1275 = arith.index_cast %swap3A_1273 : i32 to index
        %swap3A_1276 = arith.index_cast %swap3A_1274 : i32 to index
        %swap3A_1277 = arith.index_cast %mul3A_444 : i32 to index
        %swap3A_1278 = tpu.vector_load %arg10[%swap3A_1275, %swap3A_1276, %swap3A_1277] {strides = array<i32>} : memref<8x8x128xf32, #tpu.memory_space<vmem>>, vector<16xf32>,
        tpu.vector_store %arg10[%swap3A_1275, %swap3A_1276, %swap3A_1277], %gather3A_1272 {strides = array<i32>} : memref<8x8x128xf32, #tpu.memory_space<vmem>>, vector<16xf32>,
        %add3A_1279 = arith.constant 2 : i32
        %add3A_1280 = vector.broadcast %add3A_1279 : i32 to vector<16xi32>
        %add3A_1281 = arith.addi %and3A_1271, %add3A_1280 : vector<16xi32>
        %and3A_1282 = arith.constant 127 : i32
        %and3A_1283 = vector.broadcast %and3A_1282 : i32 to vector<16xi32>
        %and3A_1284 = arith.andi %add3A_1281, %and3A_1283 : vector<16xi32>
      }
      %scan3A_290 = arith.constant 8 : i32
      %dma_start3A_291 = arith.constant 0 : i32
      %dma_start3A_292 = arith.constant 0 : i32
      %dma_start3A_293 = arith.constant 0 : i32
      %dma_start3A_294 = tpu.memref_slice %arg4[%mul3A_157, %dma_start3A_291, %add3A, %dma_start3A_292, %dma_start3A_293] : memref<50x8x32x8x128xf32, #tpu.memory_space<hbm>> -> memref<1x8x1x8x128xf32, #tpu.memory_space<hbm>>
      %dma_start3A_295 = tpu.memref_squeeze %dma_start3A_294 : memref<1x8x1x8x128xf32, #tpu.memory_space<hbm>> -> memref<8x8x128xf32, #tpu.memory_space<hbm>>
      %dma_start3A_296 = arith.constant 0 : i32
      %dma_start3A_297 = arith.constant 0 : i32
      %dma_start3A_298 = arith.constant 0 : i32
      %dma_start3A_299 = tpu.memref_slice %arg4[%mul3A_157, %dma_start3A_296, %add3A, %dma_start3A_297, %dma_start3A_298] : memref<50x8x32x8x128xf32, #tpu.memory_space<hbm>> -> memref<1x8x1x8x128xf32, #tpu.memory_space<hbm>>
      %dma_start3A_300 = tpu.memref_squeeze %dma_start3A_299 : memref<1x8x1x8x128xf32, #tpu.memory_space<hbm>> -> memref<8x8x128xf32, #tpu.memory_space<hbm>>
      tpu.enqueue_dma source(%arg10 : memref<8x8x128xf32, #tpu.memory_space<vmem>>) target(%dma_start3A_300 : memref<8x8x128xf32, #tpu.memory_space<hbm>>) target_semaphore(%arg14 : memref<!tpu.dma_semaphore, #tpu.memory_space<semaphore_mem>>)
      %scan3A_301 = arith.constant 0 : i32
      %scan3A_302 = arith.constant 0 : i32
      %mul3A_303 = arith.constant 16 : i32
      %mul3A_304 = arith.muli %scan3A_302, %mul3A_303 : i32
      %get3A_305 = arith.index_cast %min3A_162 : i32 to index
      %get3A_306 = arith.index_cast %mul3A_304 : i32 to index
      %get3A_307 = tpu.vector_load %arg5[%get3A_305, %get3A_306] {strides = array<i32>} : memref<50x128xi32, #tpu.memory_space<vmem>>, vector<16xi32>,
      %add3A_308 = arith.constant 1024 : i32
      %add3A_309 = vector.broadcast %add3A_308 : i32 to vector<16xi32>
      %add3A_310 = arith.addi %get3A_307, %add3A_309 : vector<16xi32>
      %shift_right_logical3A_311 = arith.constant 1 : i32
      %shift_right_logical3A_312 = vector.broadcast %shift_right_logical3A_311 : i32 to vector<16xi32>
      %shift_right_logical3A_313 = arith.shrui %add3A_310, %shift_right_logical3A_312 : vector<16xi32>
      %swap3A_314 = arith.index_cast %mul3A_304 : i32 to index
      %swap3A_315 = tpu.vector_load %arg6[%swap3A_314] {strides = array<i32>} : memref<128xi32, #tpu.memory_space<vmem>>, vector<16xi32>,
      tpu.vector_store %arg6[%swap3A_314], %shift_right_logical3A_313 {strides = array<i32>} : memref<128xi32, #tpu.memory_space<vmem>>, vector<16xi32>,
      %scan3A_316 = arith.constant 1 : i32
      %mul3A_317 = arith.constant 16 : i32
      %mul3A_318 = arith.muli %scan3A_316, %mul3A_317 : i32
      %get3A_319 = arith.index_cast %min3A_162 : i32 to index
      %get3A_320 = arith.index_cast %mul3A_318 : i32 to index
      %get3A_321 = tpu.vector_load %arg5[%get3A_319, %get3A_320] {strides = array<i32>} : memref<50x128xi32, #tpu.memory_space<vmem>>, vector<16xi32>,
      %add3A_322 = arith.constant 1024 : i32
      %add3A_323 = vector.broadcast %add3A_322 : i32 to vector<16xi32>
      %add3A_324 = arith.addi %get3A_321, %add3A_323 : vector<16xi32>
      %shift_right_logical3A_325 = arith.constant 1 : i32
      %shift_right_logical3A_326 = vector.broadcast %shift_right_logical3A_325 : i32 to vector<16xi32>
      %shift_right_logical3A_327 = arith.shrui %add3A_324, %shift_right_logical3A_326 : vector<16xi32>
      %swap3A_328 = arith.index_cast %mul3A_318 : i32 to index
      %swap3A_329 = tpu.vector_load %arg6[%swap3A_328] {strides = array<i32>} : memref<128xi32, #tpu.memory_space<vmem>>, vector<16xi32>,
      tpu.vector_store %arg6[%swap3A_328], %shift_right_logical3A_327 {strides = array<i32>} : memref<128xi32, #tpu.memory_space<vmem>>, vector<16xi32>,
      %scan3A_330 = arith.constant 2 : i32
      %mul3A_331 = arith.constant 16 : i32
      %mul3A_332 = arith.muli %scan3A_330, %mul3A_331 : i32
      %get3A_333 = arith.index_cast %min3A_162 : i32 to index
      %get3A_334 = arith.index_cast %mul3A_332 : i32 to index
      %get3A_335 = tpu.vector_load %arg5[%get3A_333, %get3A_334] {strides = array<i32>} : memref<50x128xi32, #tpu.memory_space<vmem>>, vector<16xi32>,
      %add3A_336 = arith.constant 1024 : i32
      %add3A_337 = vector.broadcast %add3A_336 : i32 to vector<16xi32>
      %add3A_338 = arith.addi %get3A_335, %add3A_337 : vector<16xi32>
      %shift_right_logical3A_339 = arith.constant 1 : i32
      %shift_right_logical3A_340 = vector.broadcast %shift_right_logical3A_339 : i32 to vector<16xi32>
      %shift_right_logical3A_341 = arith.shrui %add3A_338, %shift_right_logical3A_340 : vector<16xi32>
      %swap3A_342 = arith.index_cast %mul3A_332 : i32 to index
      %swap3A_343 = tpu.vector_load %arg6[%swap3A_342] {strides = array<i32>} : memref<128xi32, #tpu.memory_space<vmem>>, vector<16xi32>,
      tpu.vector_store %arg6[%swap3A_342], %shift_right_logical3A_341 {strides = array<i32>} : memref<128xi32, #tpu.memory_space<vmem>>, vector<16xi32>,
      %scan3A_344 = arith.constant 3 : i32
      %mul3A_345 = arith.constant 16 : i32
      %mul3A_346 = arith.muli %scan3A_344, %mul3A_345 : i32
      %get3A_347 = arith.index_cast %min3A_162 : i32 to index
      %get3A_348 = arith.index_cast %mul3A_346 : i32 to index
      %get3A_349 = tpu.vector_load %arg5[%get3A_347, %get3A_348] {strides = array<i32>} : memref<50x128xi32, #tpu.memory_space<vmem>>, vector<16xi32>,
      %add3A_350 = arith.constant 1024 : i32
      %add3A_351 = vector.broadcast %add3A_350 : i32 to vector<16xi32>
      %add3A_352 = arith.addi %get3A_349, %add3A_351 : vector<16xi32>
      %shift_right_logical3A_353 = arith.constant 1 : i32
      %shift_right_logical3A_354 = vector.broadcast %shift_right_logical3A_353 : i32 to vector<16xi32>
      %shift_right_logical3A_355 = arith.shrui %add3A_352, %shift_right_logical3A_354 : vector<16xi32>
      %swap3A_356 = arith.index_cast %mul3A_346 : i32 to index
      %swap3A_357 = tpu.vector_load %arg6[%swap3A_356] {strides = array<i32>} : memref<128xi32, #tpu.memory_space<vmem>>, vector<16xi32>,
      tpu.vector_store %arg6[%swap3A_356], %shift_right_logical3A_355 {strides = array<i32>} : memref<128xi32, #tpu.memory_space<vmem>>, vector<16xi32>,
      %scan3A_358 = arith.constant 4 : i32
      %mul3A_359 = arith.constant 16 : i32
      %mul3A_360 = arith.muli %scan3A_358, %mul3A_359 : i32
      %get3A_361 = arith.index_cast %min3A_162 : i32 to index
      %get3A_362 = arith.index_cast %mul3A_360 : i32 to index
      %get3A_363 = tpu.vector_load %arg5[%get3A_361, %get3A_362] {strides = array<i32>} : memref<50x128xi32, #tpu.memory_space<vmem>>, vector<16xi32>,
      %add3A_364 = arith.constant 1024 : i32
      %add3A_365 = vector.broadcast %add3A_364 : i32 to vector<16xi32>
      %add3A_366 = arith.addi %get3A_363, %add3A_365 : vector<16xi32>
      %shift_right_logical3A_367 = arith.constant 1 : i32
      %shift_right_logical3A_368 = vector.broadcast %shift_right_logical3A_367 : i32 to vector<16xi32>
      %shift_right_logical3A_369 = arith.shrui %add3A_366, %shift_right_logical3A_368 : vector<16xi32>
      %swap3A_370 = arith.index_cast %mul3A_360 : i32 to index
      %swap3A_371 = tpu.vector_load %arg6[%swap3A_370] {strides = array<i32>} : memref<128xi32, #tpu.memory_space<vmem>>, vector<16xi32>,
      tpu.vector_store %arg6[%swap3A_370], %shift_right_logical3A_369 {strides = array<i32>} : memref<128xi32, #tpu.memory_space<vmem>>, vector<16xi32>,
      %scan3A_372 = arith.constant 5 : i32
      %mul3A_373 = arith.constant 16 : i32
      %mul3A_374 = arith.muli %scan3A_372, %mul3A_373 : i32
      %get3A_375 = arith.index_cast %min3A_162 : i32 to index
      %get3A_376 = arith.index_cast %mul3A_374 : i32 to index
      %get3A_377 = tpu.vector_load %arg5[%get3A_375, %get3A_376] {strides = array<i32>} : memref<50x128xi32, #tpu.memory_space<vmem>>, vector<16xi32>,
      %add3A_378 = arith.constant 1024 : i32
      %add3A_379 = vector.broadcast %add3A_378 : i32 to vector<16xi32>
      %add3A_380 = arith.addi %get3A_377, %add3A_379 : vector<16xi32>
      %shift_right_logical3A_381 = arith.constant 1 : i32
      %shift_right_logical3A_382 = vector.broadcast %shift_right_logical3A_381 : i32 to vector<16xi32>
      %shift_right_logical3A_383 = arith.shrui %add3A_380, %shift_right_logical3A_382 : vector<16xi32>
      %swap3A_384 = arith.index_cast %mul3A_374 : i32 to index
      %swap3A_385 = tpu.vector_load %arg6[%swap3A_384] {strides = array<i32>} : memref<128xi32, #tpu.memory_space<vmem>>, vector<16xi32>,
      tpu.vector_store %arg6[%swap3A_384], %shift_right_logical3A_383 {strides = array<i32>} : memref<128xi32, #tpu.memory_space<vmem>>, vector<16xi32>,
      %scan3A_386 = arith.constant 6 : i32
      %mul3A_387 = arith.constant 16 : i32
      %mul3A_388 = arith.muli %scan3A_386, %mul3A_387 : i32
      %get3A_389 = arith.index_cast %min3A_162 : i32 to index
      %get3A_390 = arith.index_cast %mul3A_388 : i32 to index
      %get3A_391 = tpu.vector_load %arg5[%get3A_389, %get3A_390] {strides = array<i32>} : memref<50x128xi32, #tpu.memory_space<vmem>>, vector<16xi32>,
      %add3A_392 = arith.constant 1024 : i32
      %add3A_393 = vector.broadcast %add3A_392 : i32 to vector<16xi32>
      %add3A_394 = arith.addi %get3A_391, %add3A_393 : vector<16xi32>
      %shift_right_logical3A_395 = arith.constant 1 : i32
      %shift_right_logical3A_396 = vector.broadcast %shift_right_logical3A_395 : i32 to vector<16xi32>
      %shift_right_logical3A_397 = arith.shrui %add3A_394, %shift_right_logical3A_396 : vector<16xi32>
      %swap3A_398 = arith.index_cast %mul3A_388 : i32 to index
      %swap3A_399 = tpu.vector_load %arg6[%swap3A_398] {strides = array<i32>} : memref<128xi32, #tpu.memory_space<vmem>>, vector<16xi32>,
      tpu.vector_store %arg6[%swap3A_398], %shift_right_logical3A_397 {strides = array<i32>} : memref<128xi32, #tpu.memory_space<vmem>>, vector<16xi32>,
      %scan3A_400 = arith.constant 7 : i32
      %mul3A_401 = arith.constant 16 : i32
      %mul3A_402 = arith.muli %scan3A_400, %mul3A_401 : i32
      %get3A_403 = arith.index_cast %min3A_162 : i32 to index
      %get3A_404 = arith.index_cast %mul3A_402 : i32 to index
      %get3A_405 = tpu.vector_load %arg5[%get3A_403, %get3A_404] {strides = array<i32>} : memref<50x128xi32, #tpu.memory_space<vmem>>, vector<16xi32>,
      %add3A_406 = arith.constant 1024 : i32
      %add3A_407 = vector.broadcast %add3A_406 : i32 to vector<16xi32>
      %add3A_408 = arith.addi %get3A_405, %add3A_407 : vector<16xi32>
      %shift_right_logical3A_409 = arith.constant 1 : i32
      %shift_right_logical3A_410 = vector.broadcast %shift_right_logical3A_409 : i32 to vector<16xi32>
      %shift_right_logical3A_411 = arith.shrui %add3A_408, %shift_right_logical3A_410 : vector<16xi32>
      %swap3A_412 = arith.index_cast %mul3A_402 : i32 to index
      %swap3A_413 = tpu.vector_load %arg6[%swap3A_412] {strides = array<i32>} : memref<128xi32, #tpu.memory_space<vmem>>, vector<16xi32>,
      tpu.vector_store %arg6[%swap3A_412], %shift_right_logical3A_411 {strides = array<i32>} : memref<128xi32, #tpu.memory_space<vmem>>, vector<16xi32>,
      %scan3A_414 = arith.constant 8 : i32
      %dma_wait3A_415 = arith.constant 0 : i32
      %dma_wait3A_416 = arith.constant 0 : i32
      %dma_wait3A_417 = tpu.memref_slice %arg2[%dma_wait3A_415, %dma_wait3A_416] : memref<501024x128xf32, #tpu.memory_space<hbm>> -> memref<501024x128xf32, #tpu.memory_space<hbm>>
      tpu.wait_indirect_dma semaphore(%arg13 : memref<!tpu.dma_semaphore, #tpu.memory_space<semaphore_mem>>) src(%dma_wait3A_417 : memref<501024x128xf32, #tpu.memory_space<hbm>>) dst(%arg9 : memref<128x128xf32, #tpu.memory_space<vmem>>)
      %dma_start3A_418 = arith.constant 0 : i32
      %dma_start3A_419 = arith.constant 0 : i32
      %dma_start3A_420 = tpu.memref_slice %arg2[%dma_start3A_418, %dma_start3A_419] : memref<501024x128xf32, #tpu.memory_space<hbm>> -> memref<501024x128xf32, #tpu.memory_space<hbm>>
      tpu.enqueue_indirect_dma source(%dma_start3A_420 : memref<501024x128xf32, #tpu.memory_space<hbm>>) target(%arg8 : memref<128x128xf32, #tpu.memory_space<vmem>>) offsets(%arg6 : memref<128xi32, #tpu.memory_space<vmem>>) semaphore(%arg12 : memref<!tpu.dma_semaphore, #tpu.memory_space<semaphore_mem>>)
      %gt3A_421 = arith.constant 0 : i32
      %gt3A_422 = arith.cmpi sgt, %scan3A_155, %gt3A_421 : i32
      %convert_element_type3A_423 = arith.extui %gt3A_422 : i1 to i32
      %cond3A_424 = arith.constant 0 : i32
      %cond3A_425 = arith.cmpi ne, %convert_element_type3A_423, %cond3A_424 : i32
      scf.if %cond3A_425 {
        %dma_wait3A_442 = arith.constant 0 : i32
        %dma_wait3A_443 = arith.constant 0 : i32
        %dma_wait3A_444 = arith.constant 0 : i32
        %dma_wait3A_445 = arith.constant 0 : i32
        %dma_wait3A_446 = arith.constant 0 : i32
        %dma_wait3A_447 = tpu.memref_slice %arg4[%dma_wait3A_442, %dma_wait3A_444, %dma_wait3A_443, %dma_wait3A_445, %dma_wait3A_446] : memref<50x8x32x8x128xf32, #tpu.memory_space<hbm>> -> memref<1x8x1x8x128xf32, #tpu.memory_space<hbm>>
        %dma_wait3A_448 = tpu.memref_squeeze %dma_wait3A_447 : memref<1x8x1x8x128xf32, #tpu.memory_space<hbm>> -> memref<8x8x128xf32, #tpu.memory_space<hbm>>
        %dma_wait3A_449 = arith.constant 0 : i32
        %dma_wait3A_450 = arith.constant 0 : i32
        %dma_wait3A_451 = arith.constant 0 : i32
        %dma_wait3A_452 = tpu.memref_slice %arg4[%dma_wait3A_442, %dma_wait3A_449, %dma_wait3A_443, %dma_wait3A_450, %dma_wait3A_451] : memref<50x8x32x8x128xf32, #tpu.memory_space<hbm>> -> memref<1x8x1x8x128xf32, #tpu.memory_space<hbm>>
        %dma_wait3A_453 = tpu.memref_squeeze %dma_wait3A_452 : memref<1x8x1x8x128xf32, #tpu.memory_space<hbm>> -> memref<8x8x128xf32, #tpu.memory_space<hbm>>
        tpu.wait_dma2 semaphore(%arg15 : memref<!tpu.dma_semaphore, #tpu.memory_space<semaphore_mem>>) src(%arg11 : memref<8x8x128xf32, #tpu.memory_space<vmem>>) dst(%dma_wait3A_453 : memref<8x8x128xf32, #tpu.memory_space<hbm>>)
      } else {
      }
      %scan3A_426 = arith.constant 0 : i32
      %scan3A_427 = arith.constant 0 : i32
      %scan3A_428 = arith.constant 8 : i32
      %scan3A_429 = arith.addi %scan3A_427, %scan3A_428 : i32
      %scan3A_430 = arith.constant 1 : i32
      scf.for %scan3A_442 = %scan3A_427 to %scan3A_429 step %scan3A_430  : i32 {
        %mul3A_443 = arith.constant 16 : i32
        %mul3A_444 = arith.muli %scan3A_442, %mul3A_443 : i32
        %mul3A_445 = arith.constant 16 : i32
        %mul3A_446 = arith.muli %scan3A_442, %mul3A_445 : i32
        %add3A_447 = vector.broadcast %mul3A_446 : i32 to vector<16xi32>
        %add3A_448 = arith.addi %add3A_447, %iota3A : vector<16xi32>
        %get3A_449 = arith.index_cast %add3A_159 : i32 to index
        %get3A_450 = arith.index_cast %mul3A_444 : i32 to index
        %get3A_451 = tpu.vector_load %arg5[%get3A_449, %get3A_450] {strides = array<i32>} : memref<50x128xi32, #tpu.memory_space<vmem>>, vector<16xi32>,
        %and3A = arith.constant 127 : i32
        %and3A_452 = vector.broadcast %and3A : i32 to vector<16xi32>
        %and3A_453 = arith.andi %get3A_451, %and3A_452 : vector<16xi32>
        %gather3A = tpu.vector_load_idx %arg9[%add3A_448, %and3A_453] : memref<128x128xf32, #tpu.memory_space<vmem>>[vector<16xi32>, vector<16xi32>], vector<16xf32>,
        %swap3A_454 = arith.constant 0 : i32
        %swap3A_455 = arith.constant 0 : i32
        %swap3A_456 = arith.index_cast %swap3A_454 : i32 to index
        %swap3A_457 = arith.index_cast %swap3A_455 : i32 to index
        %swap3A_458 = arith.index_cast %mul3A_444 : i32 to index
        %swap3A_459 = tpu.vector_load %arg11[%swap3A_456, %swap3A_457, %swap3A_458] {strides = array<i32>} : memref<8x8x128xf32, #tpu.memory_space<vmem>>, vector<16xf32>,
        tpu.vector_store %arg11[%swap3A_456, %swap3A_457, %swap3A_458], %gather3A {strides = array<i32>} : memref<8x8x128xf32, #tpu.memory_space<vmem>>, vector<16xf32>,
        %add3A_460 = arith.constant 2 : i32
        %add3A_461 = vector.broadcast %add3A_460 : i32 to vector<16xi32>
        %add3A_462 = arith.addi %and3A_453, %add3A_461 : vector<16xi32>
        %and3A_463 = arith.constant 127 : i32
        %and3A_464 = vector.broadcast %and3A_463 : i32 to vector<16xi32>
        %and3A_465 = arith.andi %add3A_462, %and3A_464 : vector<16xi32>
        %gather3A_466 = tpu.vector_load_idx %arg9[%add3A_448, %and3A_465] : memref<128x128xf32, #tpu.memory_space<vmem>>[vector<16xi32>, vector<16xi32>], vector<16xf32>,
        %swap3A_467 = arith.constant 0 : i32
        %swap3A_468 = arith.constant 1 : i32
        %swap3A_469 = arith.index_cast %swap3A_467 : i32 to index
        %swap3A_470 = arith.index_cast %swap3A_468 : i32 to index
        %swap3A_471 = arith.index_cast %mul3A_444 : i32 to index
        %swap3A_472 = tpu.vector_load %arg11[%swap3A_469, %swap3A_470, %swap3A_471] {strides = array<i32>} : memref<8x8x128xf32, #tpu.memory_space<vmem>>, vector<16xf32>,
        tpu.vector_store %arg11[%swap3A_469, %swap3A_470, %swap3A_471], %gather3A_466 {strides = array<i32>} : memref<8x8x128xf32, #tpu.memory_space<vmem>>, vector<16xf32>,
        %add3A_473 = arith.constant 2 : i32
        %add3A_474 = vector.broadcast %add3A_473 : i32 to vector<16xi32>
        %add3A_475 = arith.addi %and3A_465, %add3A_474 : vector<16xi32>
        %and3A_476 = arith.constant 127 : i32
        %and3A_477 = vector.broadcast %and3A_476 : i32 to vector<16xi32>
        %and3A_478 = arith.andi %add3A_475, %and3A_477 : vector<16xi32>
        %gather3A_479 = tpu.vector_load_idx %arg9[%add3A_448, %and3A_478] : memref<128x128xf32, #tpu.memory_space<vmem>>[vector<16xi32>, vector<16xi32>], vector<16xf32>,
        %swap3A_480 = arith.constant 0 : i32
        %swap3A_481 = arith.constant 2 : i32
        %swap3A_482 = arith.index_cast %swap3A_480 : i32 to index
        %swap3A_483 = arith.index_cast %swap3A_481 : i32 to index
        %swap3A_484 = arith.index_cast %mul3A_444 : i32 to index
        %swap3A_485 = tpu.vector_load %arg11[%swap3A_482, %swap3A_483, %swap3A_484] {strides = array<i32>} : memref<8x8x128xf32, #tpu.memory_space<vmem>>, vector<16xf32>,
        tpu.vector_store %arg11[%swap3A_482, %swap3A_483, %swap3A_484], %gather3A_479 {strides = array<i32>} : memref<8x8x128xf32, #tpu.memory_space<vmem>>, vector<16xf32>,
        %add3A_486 = arith.constant 2 : i32
        %add3A_487 = vector.broadcast %add3A_486 : i32 to vector<16xi32>
        %add3A_488 = arith.addi %and3A_478, %add3A_487 : vector<16xi32>
        %and3A_489 = arith.constant 127 : i32
        %and3A_490 = vector.broadcast %and3A_489 : i32 to vector<16xi32>
        %and3A_491 = arith.andi %add3A_488, %and3A_490 : vector<16xi32>
        %gather3A_492 = tpu.vector_load_idx %arg9[%add3A_448, %and3A_491] : memref<128x128xf32, #tpu.memory_space<vmem>>[vector<16xi32>, vector<16xi32>], vector<16xf32>,
        %swap3A_493 = arith.constant 0 : i32
        %swap3A_494 = arith.constant 3 : i32
        %swap3A_495 = arith.index_cast %swap3A_493 : i32 to index
        %swap3A_496 = arith.index_cast %swap3A_494 : i32 to index
        %swap3A_497 = arith.index_cast %mul3A_444 : i32 to index
        %swap3A_498 = tpu.vector_load %arg11[%swap3A_495, %swap3A_496, %swap3A_497] {strides = array<i32>} : memref<8x8x128xf32, #tpu.memory_space<vmem>>, vector<16xf32>,
        tpu.vector_store %arg11[%swap3A_495, %swap3A_496, %swap3A_497], %gather3A_492 {strides = array<i32>} : memref<8x8x128xf32, #tpu.memory_space<vmem>>, vector<16xf32>,
        %add3A_499 = arith.constant 2 : i32
        %add3A_500 = vector.broadcast %add3A_499 : i32 to vector<16xi32>
        %add3A_501 = arith.addi %and3A_491, %add3A_500 : vector<16xi32>
        %and3A_502 = arith.constant 127 : i32
        %and3A_503 = vector.broadcast %and3A_502 : i32 to vector<16xi32>
        %and3A_504 = arith.andi %add3A_501, %and3A_503 : vector<16xi32>
        %gather3A_505 = tpu.vector_load_idx %arg9[%add3A_448, %and3A_504] : memref<128x128xf32, #tpu.memory_space<vmem>>[vector<16xi32>, vector<16xi32>], vector<16xf32>,
        %swap3A_506 = arith.constant 0 : i32
        %swap3A_507 = arith.constant 4 : i32
        %swap3A_508 = arith.index_cast %swap3A_506 : i32 to index
        %swap3A_509 = arith.index_cast %swap3A_507 : i32 to index
        %swap3A_510 = arith.index_cast %mul3A_444 : i32 to index
        %swap3A_511 = tpu.vector_load %arg11[%swap3A_508, %swap3A_509, %swap3A_510] {strides = array<i32>} : memref<8x8x128xf32, #tpu.memory_space<vmem>>, vector<16xf32>,
        tpu.vector_store %arg11[%swap3A_508, %swap3A_509, %swap3A_510], %gather3A_505 {strides = array<i32>} : memref<8x8x128xf32, #tpu.memory_space<vmem>>, vector<16xf32>,
        %add3A_512 = arith.constant 2 : i32
        %add3A_513 = vector.broadcast %add3A_512 : i32 to vector<16xi32>
        %add3A_514 = arith.addi %and3A_504, %add3A_513 : vector<16xi32>
        %and3A_515 = arith.constant 127 : i32
        %and3A_516 = vector.broadcast %and3A_515 : i32 to vector<16xi32>
        %and3A_517 = arith.andi %add3A_514, %and3A_516 : vector<16xi32>
        %gather3A_518 = tpu.vector_load_idx %arg9[%add3A_448, %and3A_517] : memref<128x128xf32, #tpu.memory_space<vmem>>[vector<16xi32>, vector<16xi32>], vector<16xf32>,
        %swap3A_519 = arith.constant 0 : i32
        %swap3A_520 = arith.constant 5 : i32
        %swap3A_521 = arith.index_cast %swap3A_519 : i32 to index
        %swap3A_522 = arith.index_cast %swap3A_520 : i32 to index
        %swap3A_523 = arith.index_cast %mul3A_444 : i32 to index
        %swap3A_524 = tpu.vector_load %arg11[%swap3A_521, %swap3A_522, %swap3A_523] {strides = array<i32>} : memref<8x8x128xf32, #tpu.memory_space<vmem>>, vector<16xf32>,
        tpu.vector_store %arg11[%swap3A_521, %swap3A_522, %swap3A_523], %gather3A_518 {strides = array<i32>} : memref<8x8x128xf32, #tpu.memory_space<vmem>>, vector<16xf32>,
        %add3A_525 = arith.constant 2 : i32
        %add3A_526 = vector.broadcast %add3A_525 : i32 to vector<16xi32>
        %add3A_527 = arith.addi %and3A_517, %add3A_526 : vector<16xi32>
        %and3A_528 = arith.constant 127 : i32
        %and3A_529 = vector.broadcast %and3A_528 : i32 to vector<16xi32>
        %and3A_530 = arith.andi %add3A_527, %and3A_529 : vector<16xi32>
        %gather3A_531 = tpu.vector_load_idx %arg9[%add3A_448, %and3A_530] : memref<128x128xf32, #tpu.memory_space<vmem>>[vector<16xi32>, vector<16xi32>], vector<16xf32>,
        %swap3A_532 = arith.constant 0 : i32
        %swap3A_533 = arith.constant 6 : i32
        %swap3A_534 = arith.index_cast %swap3A_532 : i32 to index
        %swap3A_535 = arith.index_cast %swap3A_533 : i32 to index
        %swap3A_536 = arith.index_cast %mul3A_444 : i32 to index
        %swap3A_537 = tpu.vector_load %arg11[%swap3A_534, %swap3A_535, %swap3A_536] {strides = array<i32>} : memref<8x8x128xf32, #tpu.memory_space<vmem>>, vector<16xf32>,
        tpu.vector_store %arg11[%swap3A_534, %swap3A_535, %swap3A_536], %gather3A_531 {strides = array<i32>} : memref<8x8x128xf32, #tpu.memory_space<vmem>>, vector<16xf32>,
        %add3A_538 = arith.constant 2 : i32
        %add3A_539 = vector.broadcast %add3A_538 : i32 to vector<16xi32>
        %add3A_540 = arith.addi %and3A_530, %add3A_539 : vector<16xi32>
        %and3A_541 = arith.constant 127 : i32
        %and3A_542 = vector.broadcast %and3A_541 : i32 to vector<16xi32>
        %and3A_543 = arith.andi %add3A_540, %and3A_542 : vector<16xi32>
        %gather3A_544 = tpu.vector_load_idx %arg9[%add3A_448, %and3A_543] : memref<128x128xf32, #tpu.memory_space<vmem>>[vector<16xi32>, vector<16xi32>], vector<16xf32>,
        %swap3A_545 = arith.constant 0 : i32
        %swap3A_546 = arith.constant 7 : i32
        %swap3A_547 = arith.index_cast %swap3A_545 : i32 to index
        %swap3A_548 = arith.index_cast %swap3A_546 : i32 to index
        %swap3A_549 = arith.index_cast %mul3A_444 : i32 to index
        %swap3A_550 = tpu.vector_load %arg11[%swap3A_547, %swap3A_548, %swap3A_549] {strides = array<i32>} : memref<8x8x128xf32, #tpu.memory_space<vmem>>, vector<16xf32>,
        tpu.vector_store %arg11[%swap3A_547, %swap3A_548, %swap3A_549], %gather3A_544 {strides = array<i32>} : memref<8x8x128xf32, #tpu.memory_space<vmem>>, vector<16xf32>,
        %add3A_551 = arith.constant 2 : i32
        %add3A_552 = vector.broadcast %add3A_551 : i32 to vector<16xi32>
        %add3A_553 = arith.addi %and3A_543, %add3A_552 : vector<16xi32>
        %and3A_554 = arith.constant 127 : i32
        %and3A_555 = vector.broadcast %and3A_554 : i32 to vector<16xi32>
        %and3A_556 = arith.andi %add3A_553, %and3A_555 : vector<16xi32>
        %gather3A_557 = tpu.vector_load_idx %arg9[%add3A_448, %and3A_556] : memref<128x128xf32, #tpu.memory_space<vmem>>[vector<16xi32>, vector<16xi32>], vector<16xf32>,
        %swap3A_558 = arith.constant 1 : i32
        %swap3A_559 = arith.constant 0 : i32
        %swap3A_560 = arith.index_cast %swap3A_558 : i32 to index
        %swap3A_561 = arith.index_cast %swap3A_559 : i32 to index
        %swap3A_562 = arith.index_cast %mul3A_444 : i32 to index
        %swap3A_563 = tpu.vector_load %arg11[%swap3A_560, %swap3A_561, %swap3A_562] {strides = array<i32>} : memref<8x8x128xf32, #tpu.memory_space<vmem>>, vector<16xf32>,
        tpu.vector_store %arg11[%swap3A_560, %swap3A_561, %swap3A_562], %gather3A_557 {strides = array<i32>} : memref<8x8x128xf32, #tpu.memory_space<vmem>>, vector<16xf32>,
        %add3A_564 = arith.constant 2 : i32
        %add3A_565 = vector.broadcast %add3A_564 : i32 to vector<16xi32>
        %add3A_566 = arith.addi %and3A_556, %add3A_565 : vector<16xi32>
        %and3A_567 = arith.constant 127 : i32
        %and3A_568 = vector.broadcast %and3A_567 : i32 to vector<16xi32>
        %and3A_569 = arith.andi %add3A_566, %and3A_568 : vector<16xi32>
        %gather3A_570 = tpu.vector_load_idx %arg9[%add3A_448, %and3A_569] : memref<128x128xf32, #tpu.memory_space<vmem>>[vector<16xi32>, vector<16xi32>], vector<16xf32>,
        %swap3A_571 = arith.constant 1 : i32
        %swap3A_572 = arith.constant 1 : i32
        %swap3A_573 = arith.index_cast %swap3A_571 : i32 to index
        %swap3A_574 = arith.index_cast %swap3A_572 : i32 to index
        %swap3A_575 = arith.index_cast %mul3A_444 : i32 to index
        %swap3A_576 = tpu.vector_load %arg11[%swap3A_573, %swap3A_574, %swap3A_575] {strides = array<i32>} : memref<8x8x128xf32, #tpu.memory_space<vmem>>, vector<16xf32>,
        tpu.vector_store %arg11[%swap3A_573, %swap3A_574, %swap3A_575], %gather3A_570 {strides = array<i32>} : memref<8x8x128xf32, #tpu.memory_space<vmem>>, vector<16xf32>,
        %add3A_577 = arith.constant 2 : i32
        %add3A_578 = vector.broadcast %add3A_577 : i32 to vector<16xi32>
        %add3A_579 = arith.addi %and3A_569, %add3A_578 : vector<16xi32>
        %and3A_580 = arith.constant 127 : i32
        %and3A_581 = vector.broadcast %and3A_580 : i32 to vector<16xi32>
        %and3A_582 = arith.andi %add3A_579, %and3A_581 : vector<16xi32>
        %gather3A_583 = tpu.vector_load_idx %arg9[%add3A_448, %and3A_582] : memref<128x128xf32, #tpu.memory_space<vmem>>[vector<16xi32>, vector<16xi32>], vector<16xf32>,
        %swap3A_584 = arith.constant 1 : i32
        %swap3A_585 = arith.constant 2 : i32
        %swap3A_586 = arith.index_cast %swap3A_584 : i32 to index
        %swap3A_587 = arith.index_cast %swap3A_585 : i32 to index
        %swap3A_588 = arith.index_cast %mul3A_444 : i32 to index
        %swap3A_589 = tpu.vector_load %arg11[%swap3A_586, %swap3A_587, %swap3A_588] {strides = array<i32>} : memref<8x8x128xf32, #tpu.memory_space<vmem>>, vector<16xf32>,
        tpu.vector_store %arg11[%swap3A_586, %swap3A_587, %swap3A_588], %gather3A_583 {strides = array<i32>} : memref<8x8x128xf32, #tpu.memory_space<vmem>>, vector<16xf32>,
        %add3A_590 = arith.constant 2 : i32
        %add3A_591 = vector.broadcast %add3A_590 : i32 to vector<16xi32>
        %add3A_592 = arith.addi %and3A_582, %add3A_591 : vector<16xi32>
        %and3A_593 = arith.constant 127 : i32
        %and3A_594 = vector.broadcast %and3A_593 : i32 to vector<16xi32>
        %and3A_595 = arith.andi %add3A_592, %and3A_594 : vector<16xi32>
        %gather3A_596 = tpu.vector_load_idx %arg9[%add3A_448, %and3A_595] : memref<128x128xf32, #tpu.memory_space<vmem>>[vector<16xi32>, vector<16xi32>], vector<16xf32>,
        %swap3A_597 = arith.constant 1 : i32
        %swap3A_598 = arith.constant 3 : i32
        %swap3A_599 = arith.index_cast %swap3A_597 : i32 to index
        %swap3A_600 = arith.index_cast %swap3A_598 : i32 to index
        %swap3A_601 = arith.index_cast %mul3A_444 : i32 to index
        %swap3A_602 = tpu.vector_load %arg11[%swap3A_599, %swap3A_600, %swap3A_601] {strides = array<i32>} : memref<8x8x128xf32, #tpu.memory_space<vmem>>, vector<16xf32>,
        tpu.vector_store %arg11[%swap3A_599, %swap3A_600, %swap3A_601], %gather3A_596 {strides = array<i32>} : memref<8x8x128xf32, #tpu.memory_space<vmem>>, vector<16xf32>,
        %add3A_603 = arith.constant 2 : i32
        %add3A_604 = vector.broadcast %add3A_603 : i32 to vector<16xi32>
        %add3A_605 = arith.addi %and3A_595, %add3A_604 : vector<16xi32>
        %and3A_606 = arith.constant 127 : i32
        %and3A_607 = vector.broadcast %and3A_606 : i32 to vector<16xi32>
        %and3A_608 = arith.andi %add3A_605, %and3A_607 : vector<16xi32>
        %gather3A_609 = tpu.vector_load_idx %arg9[%add3A_448, %and3A_608] : memref<128x128xf32, #tpu.memory_space<vmem>>[vector<16xi32>, vector<16xi32>], vector<16xf32>,
        %swap3A_610 = arith.constant 1 : i32
        %swap3A_611 = arith.constant 4 : i32
        %swap3A_612 = arith.index_cast %swap3A_610 : i32 to index
        %swap3A_613 = arith.index_cast %swap3A_611 : i32 to index
        %swap3A_614 = arith.index_cast %mul3A_444 : i32 to index
        %swap3A_615 = tpu.vector_load %arg11[%swap3A_612, %swap3A_613, %swap3A_614] {strides = array<i32>} : memref<8x8x128xf32, #tpu.memory_space<vmem>>, vector<16xf32>,
        tpu.vector_store %arg11[%swap3A_612, %swap3A_613, %swap3A_614], %gather3A_609 {strides = array<i32>} : memref<8x8x128xf32, #tpu.memory_space<vmem>>, vector<16xf32>,
        %add3A_616 = arith.constant 2 : i32
        %add3A_617 = vector.broadcast %add3A_616 : i32 to vector<16xi32>
        %add3A_618 = arith.addi %and3A_608, %add3A_617 : vector<16xi32>
        %and3A_619 = arith.constant 127 : i32
        %and3A_620 = vector.broadcast %and3A_619 : i32 to vector<16xi32>
        %and3A_621 = arith.andi %add3A_618, %and3A_620 : vector<16xi32>
        %gather3A_622 = tpu.vector_load_idx %arg9[%add3A_448, %and3A_621] : memref<128x128xf32, #tpu.memory_space<vmem>>[vector<16xi32>, vector<16xi32>], vector<16xf32>,
        %swap3A_623 = arith.constant 1 : i32
        %swap3A_624 = arith.constant 5 : i32
        %swap3A_625 = arith.index_cast %swap3A_623 : i32 to index
        %swap3A_626 = arith.index_cast %swap3A_624 : i32 to index
        %swap3A_627 = arith.index_cast %mul3A_444 : i32 to index
        %swap3A_628 = tpu.vector_load %arg11[%swap3A_625, %swap3A_626, %swap3A_627] {strides = array<i32>} : memref<8x8x128xf32, #tpu.memory_space<vmem>>, vector<16xf32>,
        tpu.vector_store %arg11[%swap3A_625, %swap3A_626, %swap3A_627], %gather3A_622 {strides = array<i32>} : memref<8x8x128xf32, #tpu.memory_space<vmem>>, vector<16xf32>,
        %add3A_629 = arith.constant 2 : i32
        %add3A_630 = vector.broadcast %add3A_629 : i32 to vector<16xi32>
        %add3A_631 = arith.addi %and3A_621, %add3A_630 : vector<16xi32>
        %and3A_632 = arith.constant 127 : i32
        %and3A_633 = vector.broadcast %and3A_632 : i32 to vector<16xi32>
        %and3A_634 = arith.andi %add3A_631, %and3A_633 : vector<16xi32>
        %gather3A_635 = tpu.vector_load_idx %arg9[%add3A_448, %and3A_634] : memref<128x128xf32, #tpu.memory_space<vmem>>[vector<16xi32>, vector<16xi32>], vector<16xf32>,
        %swap3A_636 = arith.constant 1 : i32
        %swap3A_637 = arith.constant 6 : i32
        %swap3A_638 = arith.index_cast %swap3A_636 : i32 to index
        %swap3A_639 = arith.index_cast %swap3A_637 : i32 to index
        %swap3A_640 = arith.index_cast %mul3A_444 : i32 to index
        %swap3A_641 = tpu.vector_load %arg11[%swap3A_638, %swap3A_639, %swap3A_640] {strides = array<i32>} : memref<8x8x128xf32, #tpu.memory_space<vmem>>, vector<16xf32>,
        tpu.vector_store %arg11[%swap3A_638, %swap3A_639, %swap3A_640], %gather3A_635 {strides = array<i32>} : memref<8x8x128xf32, #tpu.memory_space<vmem>>, vector<16xf32>,
        %add3A_642 = arith.constant 2 : i32
        %add3A_643 = vector.broadcast %add3A_642 : i32 to vector<16xi32>
        %add3A_644 = arith.addi %and3A_634, %add3A_643 : vector<16xi32>
        %and3A_645 = arith.constant 127 : i32
        %and3A_646 = vector.broadcast %and3A_645 : i32 to vector<16xi32>
        %and3A_647 = arith.andi %add3A_644, %and3A_646 : vector<16xi32>
        %gather3A_648 = tpu.vector_load_idx %arg9[%add3A_448, %and3A_647] : memref<128x128xf32, #tpu.memory_space<vmem>>[vector<16xi32>, vector<16xi32>], vector<16xf32>,
        %swap3A_649 = arith.constant 1 : i32
        %swap3A_650 = arith.constant 7 : i32
        %swap3A_651 = arith.index_cast %swap3A_649 : i32 to index
        %swap3A_652 = arith.index_cast %swap3A_650 : i32 to index
        %swap3A_653 = arith.index_cast %mul3A_444 : i32 to index
        %swap3A_654 = tpu.vector_load %arg11[%swap3A_651, %swap3A_652, %swap3A_653] {strides = array<i32>} : memref<8x8x128xf32, #tpu.memory_space<vmem>>, vector<16xf32>,
        tpu.vector_store %arg11[%swap3A_651, %swap3A_652, %swap3A_653], %gather3A_648 {strides = array<i32>} : memref<8x8x128xf32, #tpu.memory_space<vmem>>, vector<16xf32>,
        %add3A_655 = arith.constant 2 : i32
        %add3A_656 = vector.broadcast %add3A_655 : i32 to vector<16xi32>
        %add3A_657 = arith.addi %and3A_647, %add3A_656 : vector<16xi32>
        %and3A_658 = arith.constant 127 : i32
        %and3A_659 = vector.broadcast %and3A_658 : i32 to vector<16xi32>
        %and3A_660 = arith.andi %add3A_657, %and3A_659 : vector<16xi32>
        %gather3A_661 = tpu.vector_load_idx %arg9[%add3A_448, %and3A_660] : memref<128x128xf32, #tpu.memory_space<vmem>>[vector<16xi32>, vector<16xi32>], vector<16xf32>,
        %swap3A_662 = arith.constant 2 : i32
        %swap3A_663 = arith.constant 0 : i32
        %swap3A_664 = arith.index_cast %swap3A_662 : i32 to index
        %swap3A_665 = arith.index_cast %swap3A_663 : i32 to index
        %swap3A_666 = arith.index_cast %mul3A_444 : i32 to index
        %swap3A_667 = tpu.vector_load %arg11[%swap3A_664, %swap3A_665, %swap3A_666] {strides = array<i32>} : memref<8x8x128xf32, #tpu.memory_space<vmem>>, vector<16xf32>,
        tpu.vector_store %arg11[%swap3A_664, %swap3A_665, %swap3A_666], %gather3A_661 {strides = array<i32>} : memref<8x8x128xf32, #tpu.memory_space<vmem>>, vector<16xf32>,
        %add3A_668 = arith.constant 2 : i32
        %add3A_669 = vector.broadcast %add3A_668 : i32 to vector<16xi32>
        %add3A_670 = arith.addi %and3A_660, %add3A_669 : vector<16xi32>
        %and3A_671 = arith.constant 127 : i32
        %and3A_672 = vector.broadcast %and3A_671 : i32 to vector<16xi32>
        %and3A_673 = arith.andi %add3A_670, %and3A_672 : vector<16xi32>
        %gather3A_674 = tpu.vector_load_idx %arg9[%add3A_448, %and3A_673] : memref<128x128xf32, #tpu.memory_space<vmem>>[vector<16xi32>, vector<16xi32>], vector<16xf32>,
        %swap3A_675 = arith.constant 2 : i32
        %swap3A_676 = arith.constant 1 : i32
        %swap3A_677 = arith.index_cast %swap3A_675 : i32 to index
        %swap3A_678 = arith.index_cast %swap3A_676 : i32 to index
        %swap3A_679 = arith.index_cast %mul3A_444 : i32 to index
        %swap3A_680 = tpu.vector_load %arg11[%swap3A_677, %swap3A_678, %swap3A_679] {strides = array<i32>} : memref<8x8x128xf32, #tpu.memory_space<vmem>>, vector<16xf32>,
        tpu.vector_store %arg11[%swap3A_677, %swap3A_678, %swap3A_679], %gather3A_674 {strides = array<i32>} : memref<8x8x128xf32, #tpu.memory_space<vmem>>, vector<16xf32>,
        %add3A_681 = arith.constant 2 : i32
        %add3A_682 = vector.broadcast %add3A_681 : i32 to vector<16xi32>
        %add3A_683 = arith.addi %and3A_673, %add3A_682 : vector<16xi32>
        %and3A_684 = arith.constant 127 : i32
        %and3A_685 = vector.broadcast %and3A_684 : i32 to vector<16xi32>
        %and3A_686 = arith.andi %add3A_683, %and3A_685 : vector<16xi32>
        %gather3A_687 = tpu.vector_load_idx %arg9[%add3A_448, %and3A_686] : memref<128x128xf32, #tpu.memory_space<vmem>>[vector<16xi32>, vector<16xi32>], vector<16xf32>,
        %swap3A_688 = arith.constant 2 : i32
        %swap3A_689 = arith.constant 2 : i32
        %swap3A_690 = arith.index_cast %swap3A_688 : i32 to index
        %swap3A_691 = arith.index_cast %swap3A_689 : i32 to index
        %swap3A_692 = arith.index_cast %mul3A_444 : i32 to index
        %swap3A_693 = tpu.vector_load %arg11[%swap3A_690, %swap3A_691, %swap3A_692] {strides = array<i32>} : memref<8x8x128xf32, #tpu.memory_space<vmem>>, vector<16xf32>,
        tpu.vector_store %arg11[%swap3A_690, %swap3A_691, %swap3A_692], %gather3A_687 {strides = array<i32>} : memref<8x8x128xf32, #tpu.memory_space<vmem>>, vector<16xf32>,
        %add3A_694 = arith.constant 2 : i32
        %add3A_695 = vector.broadcast %add3A_694 : i32 to vector<16xi32>
        %add3A_696 = arith.addi %and3A_686, %add3A_695 : vector<16xi32>
        %and3A_697 = arith.constant 127 : i32
        %and3A_698 = vector.broadcast %and3A_697 : i32 to vector<16xi32>
        %and3A_699 = arith.andi %add3A_696, %and3A_698 : vector<16xi32>
        %gather3A_700 = tpu.vector_load_idx %arg9[%add3A_448, %and3A_699] : memref<128x128xf32, #tpu.memory_space<vmem>>[vector<16xi32>, vector<16xi32>], vector<16xf32>,
        %swap3A_701 = arith.constant 2 : i32
        %swap3A_702 = arith.constant 3 : i32
        %swap3A_703 = arith.index_cast %swap3A_701 : i32 to index
        %swap3A_704 = arith.index_cast %swap3A_702 : i32 to index
        %swap3A_705 = arith.index_cast %mul3A_444 : i32 to index
        %swap3A_706 = tpu.vector_load %arg11[%swap3A_703, %swap3A_704, %swap3A_705] {strides = array<i32>} : memref<8x8x128xf32, #tpu.memory_space<vmem>>, vector<16xf32>,
        tpu.vector_store %arg11[%swap3A_703, %swap3A_704, %swap3A_705], %gather3A_700 {strides = array<i32>} : memref<8x8x128xf32, #tpu.memory_space<vmem>>, vector<16xf32>,
        %add3A_707 = arith.constant 2 : i32
        %add3A_708 = vector.broadcast %add3A_707 : i32 to vector<16xi32>
        %add3A_709 = arith.addi %and3A_699, %add3A_708 : vector<16xi32>
        %and3A_710 = arith.constant 127 : i32
        %and3A_711 = vector.broadcast %and3A_710 : i32 to vector<16xi32>
        %and3A_712 = arith.andi %add3A_709, %and3A_711 : vector<16xi32>
        %gather3A_713 = tpu.vector_load_idx %arg9[%add3A_448, %and3A_712] : memref<128x128xf32, #tpu.memory_space<vmem>>[vector<16xi32>, vector<16xi32>], vector<16xf32>,
        %swap3A_714 = arith.constant 2 : i32
        %swap3A_715 = arith.constant 4 : i32
        %swap3A_716 = arith.index_cast %swap3A_714 : i32 to index
        %swap3A_717 = arith.index_cast %swap3A_715 : i32 to index
        %swap3A_718 = arith.index_cast %mul3A_444 : i32 to index
        %swap3A_719 = tpu.vector_load %arg11[%swap3A_716, %swap3A_717, %swap3A_718] {strides = array<i32>} : memref<8x8x128xf32, #tpu.memory_space<vmem>>, vector<16xf32>,
        tpu.vector_store %arg11[%swap3A_716, %swap3A_717, %swap3A_718], %gather3A_713 {strides = array<i32>} : memref<8x8x128xf32, #tpu.memory_space<vmem>>, vector<16xf32>,
        %add3A_720 = arith.constant 2 : i32
        %add3A_721 = vector.broadcast %add3A_720 : i32 to vector<16xi32>
        %add3A_722 = arith.addi %and3A_712, %add3A_721 : vector<16xi32>
        %and3A_723 = arith.constant 127 : i32
        %and3A_724 = vector.broadcast %and3A_723 : i32 to vector<16xi32>
        %and3A_725 = arith.andi %add3A_722, %and3A_724 : vector<16xi32>
        %gather3A_726 = tpu.vector_load_idx %arg9[%add3A_448, %and3A_725] : memref<128x128xf32, #tpu.memory_space<vmem>>[vector<16xi32>, vector<16xi32>], vector<16xf32>,
        %swap3A_727 = arith.constant 2 : i32
        %swap3A_728 = arith.constant 5 : i32
        %swap3A_729 = arith.index_cast %swap3A_727 : i32 to index
        %swap3A_730 = arith.index_cast %swap3A_728 : i32 to index
        %swap3A_731 = arith.index_cast %mul3A_444 : i32 to index
        %swap3A_732 = tpu.vector_load %arg11[%swap3A_729, %swap3A_730, %swap3A_731] {strides = array<i32>} : memref<8x8x128xf32, #tpu.memory_space<vmem>>, vector<16xf32>,
        tpu.vector_store %arg11[%swap3A_729, %swap3A_730, %swap3A_731], %gather3A_726 {strides = array<i32>} : memref<8x8x128xf32, #tpu.memory_space<vmem>>, vector<16xf32>,
        %add3A_733 = arith.constant 2 : i32
        %add3A_734 = vector.broadcast %add3A_733 : i32 to vector<16xi32>
        %add3A_735 = arith.addi %and3A_725, %add3A_734 : vector<16xi32>
        %and3A_736 = arith.constant 127 : i32
        %and3A_737 = vector.broadcast %and3A_736 : i32 to vector<16xi32>
        %and3A_738 = arith.andi %add3A_735, %and3A_737 : vector<16xi32>
        %gather3A_739 = tpu.vector_load_idx %arg9[%add3A_448, %and3A_738] : memref<128x128xf32, #tpu.memory_space<vmem>>[vector<16xi32>, vector<16xi32>], vector<16xf32>,
        %swap3A_740 = arith.constant 2 : i32
        %swap3A_741 = arith.constant 6 : i32
        %swap3A_742 = arith.index_cast %swap3A_740 : i32 to index
        %swap3A_743 = arith.index_cast %swap3A_741 : i32 to index
        %swap3A_744 = arith.index_cast %mul3A_444 : i32 to index
        %swap3A_745 = tpu.vector_load %arg11[%swap3A_742, %swap3A_743, %swap3A_744] {strides = array<i32>} : memref<8x8x128xf32, #tpu.memory_space<vmem>>, vector<16xf32>,
        tpu.vector_store %arg11[%swap3A_742, %swap3A_743, %swap3A_744], %gather3A_739 {strides = array<i32>} : memref<8x8x128xf32, #tpu.memory_space<vmem>>, vector<16xf32>,
        %add3A_746 = arith.constant 2 : i32
        %add3A_747 = vector.broadcast %add3A_746 : i32 to vector<16xi32>
        %add3A_748 = arith.addi %and3A_738, %add3A_747 : vector<16xi32>
        %and3A_749 = arith.constant 127 : i32
        %and3A_750 = vector.broadcast %and3A_749 : i32 to vector<16xi32>
        %and3A_751 = arith.andi %add3A_748, %and3A_750 : vector<16xi32>
        %gather3A_752 = tpu.vector_load_idx %arg9[%add3A_448, %and3A_751] : memref<128x128xf32, #tpu.memory_space<vmem>>[vector<16xi32>, vector<16xi32>], vector<16xf32>,
        %swap3A_753 = arith.constant 2 : i32
        %swap3A_754 = arith.constant 7 : i32
        %swap3A_755 = arith.index_cast %swap3A_753 : i32 to index
        %swap3A_756 = arith.index_cast %swap3A_754 : i32 to index
        %swap3A_757 = arith.index_cast %mul3A_444 : i32 to index
        %swap3A_758 = tpu.vector_load %arg11[%swap3A_755, %swap3A_756, %swap3A_757] {strides = array<i32>} : memref<8x8x128xf32, #tpu.memory_space<vmem>>, vector<16xf32>,
        tpu.vector_store %arg11[%swap3A_755, %swap3A_756, %swap3A_757], %gather3A_752 {strides = array<i32>} : memref<8x8x128xf32, #tpu.memory_space<vmem>>, vector<16xf32>,
        %add3A_759 = arith.constant 2 : i32
        %add3A_760 = vector.broadcast %add3A_759 : i32 to vector<16xi32>
        %add3A_761 = arith.addi %and3A_751, %add3A_760 : vector<16xi32>
        %and3A_762 = arith.constant 127 : i32
        %and3A_763 = vector.broadcast %and3A_762 : i32 to vector<16xi32>
        %and3A_764 = arith.andi %add3A_761, %and3A_763 : vector<16xi32>
        %gather3A_765 = tpu.vector_load_idx %arg9[%add3A_448, %and3A_764] : memref<128x128xf32, #tpu.memory_space<vmem>>[vector<16xi32>, vector<16xi32>], vector<16xf32>,
        %swap3A_766 = arith.constant 3 : i32
        %swap3A_767 = arith.constant 0 : i32
        %swap3A_768 = arith.index_cast %swap3A_766 : i32 to index
        %swap3A_769 = arith.index_cast %swap3A_767 : i32 to index
        %swap3A_770 = arith.index_cast %mul3A_444 : i32 to index
        %swap3A_771 = tpu.vector_load %arg11[%swap3A_768, %swap3A_769, %swap3A_770] {strides = array<i32>} : memref<8x8x128xf32, #tpu.memory_space<vmem>>, vector<16xf32>,
        tpu.vector_store %arg11[%swap3A_768, %swap3A_769, %swap3A_770], %gather3A_765 {strides = array<i32>} : memref<8x8x128xf32, #tpu.memory_space<vmem>>, vector<16xf32>,
        %add3A_772 = arith.constant 2 : i32
        %add3A_773 = vector.broadcast %add3A_772 : i32 to vector<16xi32>
        %add3A_774 = arith.addi %and3A_764, %add3A_773 : vector<16xi32>
        %and3A_775 = arith.constant 127 : i32
        %and3A_776 = vector.broadcast %and3A_775 : i32 to vector<16xi32>
        %and3A_777 = arith.andi %add3A_774, %and3A_776 : vector<16xi32>
        %gather3A_778 = tpu.vector_load_idx %arg9[%add3A_448, %and3A_777] : memref<128x128xf32, #tpu.memory_space<vmem>>[vector<16xi32>, vector<16xi32>], vector<16xf32>,
        %swap3A_779 = arith.constant 3 : i32
        %swap3A_780 = arith.constant 1 : i32
        %swap3A_781 = arith.index_cast %swap3A_779 : i32 to index
        %swap3A_782 = arith.index_cast %swap3A_780 : i32 to index
        %swap3A_783 = arith.index_cast %mul3A_444 : i32 to index
        %swap3A_784 = tpu.vector_load %arg11[%swap3A_781, %swap3A_782, %swap3A_783] {strides = array<i32>} : memref<8x8x128xf32, #tpu.memory_space<vmem>>, vector<16xf32>,
        tpu.vector_store %arg11[%swap3A_781, %swap3A_782, %swap3A_783], %gather3A_778 {strides = array<i32>} : memref<8x8x128xf32, #tpu.memory_space<vmem>>, vector<16xf32>,
        %add3A_785 = arith.constant 2 : i32
        %add3A_786 = vector.broadcast %add3A_785 : i32 to vector<16xi32>
        %add3A_787 = arith.addi %and3A_777, %add3A_786 : vector<16xi32>
        %and3A_788 = arith.constant 127 : i32
        %and3A_789 = vector.broadcast %and3A_788 : i32 to vector<16xi32>
        %and3A_790 = arith.andi %add3A_787, %and3A_789 : vector<16xi32>
        %gather3A_791 = tpu.vector_load_idx %arg9[%add3A_448, %and3A_790] : memref<128x128xf32, #tpu.memory_space<vmem>>[vector<16xi32>, vector<16xi32>], vector<16xf32>,
        %swap3A_792 = arith.constant 3 : i32
        %swap3A_793 = arith.constant 2 : i32
        %swap3A_794 = arith.index_cast %swap3A_792 : i32 to index
        %swap3A_795 = arith.index_cast %swap3A_793 : i32 to index
        %swap3A_796 = arith.index_cast %mul3A_444 : i32 to index
        %swap3A_797 = tpu.vector_load %arg11[%swap3A_794, %swap3A_795, %swap3A_796] {strides = array<i32>} : memref<8x8x128xf32, #tpu.memory_space<vmem>>, vector<16xf32>,
        tpu.vector_store %arg11[%swap3A_794, %swap3A_795, %swap3A_796], %gather3A_791 {strides = array<i32>} : memref<8x8x128xf32, #tpu.memory_space<vmem>>, vector<16xf32>,
        %add3A_798 = arith.constant 2 : i32
        %add3A_799 = vector.broadcast %add3A_798 : i32 to vector<16xi32>
        %add3A_800 = arith.addi %and3A_790, %add3A_799 : vector<16xi32>
        %and3A_801 = arith.constant 127 : i32
        %and3A_802 = vector.broadcast %and3A_801 : i32 to vector<16xi32>
        %and3A_803 = arith.andi %add3A_800, %and3A_802 : vector<16xi32>
        %gather3A_804 = tpu.vector_load_idx %arg9[%add3A_448, %and3A_803] : memref<128x128xf32, #tpu.memory_space<vmem>>[vector<16xi32>, vector<16xi32>], vector<16xf32>,
        %swap3A_805 = arith.constant 3 : i32
        %swap3A_806 = arith.constant 3 : i32
        %swap3A_807 = arith.index_cast %swap3A_805 : i32 to index
        %swap3A_808 = arith.index_cast %swap3A_806 : i32 to index
        %swap3A_809 = arith.index_cast %mul3A_444 : i32 to index
        %swap3A_810 = tpu.vector_load %arg11[%swap3A_807, %swap3A_808, %swap3A_809] {strides = array<i32>} : memref<8x8x128xf32, #tpu.memory_space<vmem>>, vector<16xf32>,
        tpu.vector_store %arg11[%swap3A_807, %swap3A_808, %swap3A_809], %gather3A_804 {strides = array<i32>} : memref<8x8x128xf32, #tpu.memory_space<vmem>>, vector<16xf32>,
        %add3A_811 = arith.constant 2 : i32
        %add3A_812 = vector.broadcast %add3A_811 : i32 to vector<16xi32>
        %add3A_813 = arith.addi %and3A_803, %add3A_812 : vector<16xi32>
        %and3A_814 = arith.constant 127 : i32
        %and3A_815 = vector.broadcast %and3A_814 : i32 to vector<16xi32>
        %and3A_816 = arith.andi %add3A_813, %and3A_815 : vector<16xi32>
        %gather3A_817 = tpu.vector_load_idx %arg9[%add3A_448, %and3A_816] : memref<128x128xf32, #tpu.memory_space<vmem>>[vector<16xi32>, vector<16xi32>], vector<16xf32>,
        %swap3A_818 = arith.constant 3 : i32
        %swap3A_819 = arith.constant 4 : i32
        %swap3A_820 = arith.index_cast %swap3A_818 : i32 to index
        %swap3A_821 = arith.index_cast %swap3A_819 : i32 to index
        %swap3A_822 = arith.index_cast %mul3A_444 : i32 to index
        %swap3A_823 = tpu.vector_load %arg11[%swap3A_820, %swap3A_821, %swap3A_822] {strides = array<i32>} : memref<8x8x128xf32, #tpu.memory_space<vmem>>, vector<16xf32>,
        tpu.vector_store %arg11[%swap3A_820, %swap3A_821, %swap3A_822], %gather3A_817 {strides = array<i32>} : memref<8x8x128xf32, #tpu.memory_space<vmem>>, vector<16xf32>,
        %add3A_824 = arith.constant 2 : i32
        %add3A_825 = vector.broadcast %add3A_824 : i32 to vector<16xi32>
        %add3A_826 = arith.addi %and3A_816, %add3A_825 : vector<16xi32>
        %and3A_827 = arith.constant 127 : i32
        %and3A_828 = vector.broadcast %and3A_827 : i32 to vector<16xi32>
        %and3A_829 = arith.andi %add3A_826, %and3A_828 : vector<16xi32>
        %gather3A_830 = tpu.vector_load_idx %arg9[%add3A_448, %and3A_829] : memref<128x128xf32, #tpu.memory_space<vmem>>[vector<16xi32>, vector<16xi32>], vector<16xf32>,
        %swap3A_831 = arith.constant 3 : i32
        %swap3A_832 = arith.constant 5 : i32
        %swap3A_833 = arith.index_cast %swap3A_831 : i32 to index
        %swap3A_834 = arith.index_cast %swap3A_832 : i32 to index
        %swap3A_835 = arith.index_cast %mul3A_444 : i32 to index
        %swap3A_836 = tpu.vector_load %arg11[%swap3A_833, %swap3A_834, %swap3A_835] {strides = array<i32>} : memref<8x8x128xf32, #tpu.memory_space<vmem>>, vector<16xf32>,
        tpu.vector_store %arg11[%swap3A_833, %swap3A_834, %swap3A_835], %gather3A_830 {strides = array<i32>} : memref<8x8x128xf32, #tpu.memory_space<vmem>>, vector<16xf32>,
        %add3A_837 = arith.constant 2 : i32
        %add3A_838 = vector.broadcast %add3A_837 : i32 to vector<16xi32>
        %add3A_839 = arith.addi %and3A_829, %add3A_838 : vector<16xi32>
        %and3A_840 = arith.constant 127 : i32
        %and3A_841 = vector.broadcast %and3A_840 : i32 to vector<16xi32>
        %and3A_842 = arith.andi %add3A_839, %and3A_841 : vector<16xi32>
        %gather3A_843 = tpu.vector_load_idx %arg9[%add3A_448, %and3A_842] : memref<128x128xf32, #tpu.memory_space<vmem>>[vector<16xi32>, vector<16xi32>], vector<16xf32>,
        %swap3A_844 = arith.constant 3 : i32
        %swap3A_845 = arith.constant 6 : i32
        %swap3A_846 = arith.index_cast %swap3A_844 : i32 to index
        %swap3A_847 = arith.index_cast %swap3A_845 : i32 to index
        %swap3A_848 = arith.index_cast %mul3A_444 : i32 to index
        %swap3A_849 = tpu.vector_load %arg11[%swap3A_846, %swap3A_847, %swap3A_848] {strides = array<i32>} : memref<8x8x128xf32, #tpu.memory_space<vmem>>, vector<16xf32>,
        tpu.vector_store %arg11[%swap3A_846, %swap3A_847, %swap3A_848], %gather3A_843 {strides = array<i32>} : memref<8x8x128xf32, #tpu.memory_space<vmem>>, vector<16xf32>,
        %add3A_850 = arith.constant 2 : i32
        %add3A_851 = vector.broadcast %add3A_850 : i32 to vector<16xi32>
        %add3A_852 = arith.addi %and3A_842, %add3A_851 : vector<16xi32>
        %and3A_853 = arith.constant 127 : i32
        %and3A_854 = vector.broadcast %and3A_853 : i32 to vector<16xi32>
        %and3A_855 = arith.andi %add3A_852, %and3A_854 : vector<16xi32>
        %gather3A_856 = tpu.vector_load_idx %arg9[%add3A_448, %and3A_855] : memref<128x128xf32, #tpu.memory_space<vmem>>[vector<16xi32>, vector<16xi32>], vector<16xf32>,
        %swap3A_857 = arith.constant 3 : i32
        %swap3A_858 = arith.constant 7 : i32
        %swap3A_859 = arith.index_cast %swap3A_857 : i32 to index
        %swap3A_860 = arith.index_cast %swap3A_858 : i32 to index
        %swap3A_861 = arith.index_cast %mul3A_444 : i32 to index
        %swap3A_862 = tpu.vector_load %arg11[%swap3A_859, %swap3A_860, %swap3A_861] {strides = array<i32>} : memref<8x8x128xf32, #tpu.memory_space<vmem>>, vector<16xf32>,
        tpu.vector_store %arg11[%swap3A_859, %swap3A_860, %swap3A_861], %gather3A_856 {strides = array<i32>} : memref<8x8x128xf32, #tpu.memory_space<vmem>>, vector<16xf32>,
        %add3A_863 = arith.constant 2 : i32
        %add3A_864 = vector.broadcast %add3A_863 : i32 to vector<16xi32>
        %add3A_865 = arith.addi %and3A_855, %add3A_864 : vector<16xi32>
        %and3A_866 = arith.constant 127 : i32
        %and3A_867 = vector.broadcast %and3A_866 : i32 to vector<16xi32>
        %and3A_868 = arith.andi %add3A_865, %and3A_867 : vector<16xi32>
        %gather3A_869 = tpu.vector_load_idx %arg9[%add3A_448, %and3A_868] : memref<128x128xf32, #tpu.memory_space<vmem>>[vector<16xi32>, vector<16xi32>], vector<16xf32>,
        %swap3A_870 = arith.constant 4 : i32
        %swap3A_871 = arith.constant 0 : i32
        %swap3A_872 = arith.index_cast %swap3A_870 : i32 to index
        %swap3A_873 = arith.index_cast %swap3A_871 : i32 to index
        %swap3A_874 = arith.index_cast %mul3A_444 : i32 to index
        %swap3A_875 = tpu.vector_load %arg11[%swap3A_872, %swap3A_873, %swap3A_874] {strides = array<i32>} : memref<8x8x128xf32, #tpu.memory_space<vmem>>, vector<16xf32>,
        tpu.vector_store %arg11[%swap3A_872, %swap3A_873, %swap3A_874], %gather3A_869 {strides = array<i32>} : memref<8x8x128xf32, #tpu.memory_space<vmem>>, vector<16xf32>,
        %add3A_876 = arith.constant 2 : i32
        %add3A_877 = vector.broadcast %add3A_876 : i32 to vector<16xi32>
        %add3A_878 = arith.addi %and3A_868, %add3A_877 : vector<16xi32>
        %and3A_879 = arith.constant 127 : i32
        %and3A_880 = vector.broadcast %and3A_879 : i32 to vector<16xi32>
        %and3A_881 = arith.andi %add3A_878, %and3A_880 : vector<16xi32>
        %gather3A_882 = tpu.vector_load_idx %arg9[%add3A_448, %and3A_881] : memref<128x128xf32, #tpu.memory_space<vmem>>[vector<16xi32>, vector<16xi32>], vector<16xf32>,
        %swap3A_883 = arith.constant 4 : i32
        %swap3A_884 = arith.constant 1 : i32
        %swap3A_885 = arith.index_cast %swap3A_883 : i32 to index
        %swap3A_886 = arith.index_cast %swap3A_884 : i32 to index
        %swap3A_887 = arith.index_cast %mul3A_444 : i32 to index
        %swap3A_888 = tpu.vector_load %arg11[%swap3A_885, %swap3A_886, %swap3A_887] {strides = array<i32>} : memref<8x8x128xf32, #tpu.memory_space<vmem>>, vector<16xf32>,
        tpu.vector_store %arg11[%swap3A_885, %swap3A_886, %swap3A_887], %gather3A_882 {strides = array<i32>} : memref<8x8x128xf32, #tpu.memory_space<vmem>>, vector<16xf32>,
        %add3A_889 = arith.constant 2 : i32
        %add3A_890 = vector.broadcast %add3A_889 : i32 to vector<16xi32>
        %add3A_891 = arith.addi %and3A_881, %add3A_890 : vector<16xi32>
        %and3A_892 = arith.constant 127 : i32
        %and3A_893 = vector.broadcast %and3A_892 : i32 to vector<16xi32>
        %and3A_894 = arith.andi %add3A_891, %and3A_893 : vector<16xi32>
        %gather3A_895 = tpu.vector_load_idx %arg9[%add3A_448, %and3A_894] : memref<128x128xf32, #tpu.memory_space<vmem>>[vector<16xi32>, vector<16xi32>], vector<16xf32>,
        %swap3A_896 = arith.constant 4 : i32
        %swap3A_897 = arith.constant 2 : i32
        %swap3A_898 = arith.index_cast %swap3A_896 : i32 to index
        %swap3A_899 = arith.index_cast %swap3A_897 : i32 to index
        %swap3A_900 = arith.index_cast %mul3A_444 : i32 to index
        %swap3A_901 = tpu.vector_load %arg11[%swap3A_898, %swap3A_899, %swap3A_900] {strides = array<i32>} : memref<8x8x128xf32, #tpu.memory_space<vmem>>, vector<16xf32>,
        tpu.vector_store %arg11[%swap3A_898, %swap3A_899, %swap3A_900], %gather3A_895 {strides = array<i32>} : memref<8x8x128xf32, #tpu.memory_space<vmem>>, vector<16xf32>,
        %add3A_902 = arith.constant 2 : i32
        %add3A_903 = vector.broadcast %add3A_902 : i32 to vector<16xi32>
        %add3A_904 = arith.addi %and3A_894, %add3A_903 : vector<16xi32>
        %and3A_905 = arith.constant 127 : i32
        %and3A_906 = vector.broadcast %and3A_905 : i32 to vector<16xi32>
        %and3A_907 = arith.andi %add3A_904, %and3A_906 : vector<16xi32>
        %gather3A_908 = tpu.vector_load_idx %arg9[%add3A_448, %and3A_907] : memref<128x128xf32, #tpu.memory_space<vmem>>[vector<16xi32>, vector<16xi32>], vector<16xf32>,
        %swap3A_909 = arith.constant 4 : i32
        %swap3A_910 = arith.constant 3 : i32
        %swap3A_911 = arith.index_cast %swap3A_909 : i32 to index
        %swap3A_912 = arith.index_cast %swap3A_910 : i32 to index
        %swap3A_913 = arith.index_cast %mul3A_444 : i32 to index
        %swap3A_914 = tpu.vector_load %arg11[%swap3A_911, %swap3A_912, %swap3A_913] {strides = array<i32>} : memref<8x8x128xf32, #tpu.memory_space<vmem>>, vector<16xf32>,
        tpu.vector_store %arg11[%swap3A_911, %swap3A_912, %swap3A_913], %gather3A_908 {strides = array<i32>} : memref<8x8x128xf32, #tpu.memory_space<vmem>>, vector<16xf32>,
        %add3A_915 = arith.constant 2 : i32
        %add3A_916 = vector.broadcast %add3A_915 : i32 to vector<16xi32>
        %add3A_917 = arith.addi %and3A_907, %add3A_916 : vector<16xi32>
        %and3A_918 = arith.constant 127 : i32
        %and3A_919 = vector.broadcast %and3A_918 : i32 to vector<16xi32>
        %and3A_920 = arith.andi %add3A_917, %and3A_919 : vector<16xi32>
        %gather3A_921 = tpu.vector_load_idx %arg9[%add3A_448, %and3A_920] : memref<128x128xf32, #tpu.memory_space<vmem>>[vector<16xi32>, vector<16xi32>], vector<16xf32>,
        %swap3A_922 = arith.constant 4 : i32
        %swap3A_923 = arith.constant 4 : i32
        %swap3A_924 = arith.index_cast %swap3A_922 : i32 to index
        %swap3A_925 = arith.index_cast %swap3A_923 : i32 to index
        %swap3A_926 = arith.index_cast %mul3A_444 : i32 to index
        %swap3A_927 = tpu.vector_load %arg11[%swap3A_924, %swap3A_925, %swap3A_926] {strides = array<i32>} : memref<8x8x128xf32, #tpu.memory_space<vmem>>, vector<16xf32>,
        tpu.vector_store %arg11[%swap3A_924, %swap3A_925, %swap3A_926], %gather3A_921 {strides = array<i32>} : memref<8x8x128xf32, #tpu.memory_space<vmem>>, vector<16xf32>,
        %add3A_928 = arith.constant 2 : i32
        %add3A_929 = vector.broadcast %add3A_928 : i32 to vector<16xi32>
        %add3A_930 = arith.addi %and3A_920, %add3A_929 : vector<16xi32>
        %and3A_931 = arith.constant 127 : i32
        %and3A_932 = vector.broadcast %and3A_931 : i32 to vector<16xi32>
        %and3A_933 = arith.andi %add3A_930, %and3A_932 : vector<16xi32>
        %gather3A_934 = tpu.vector_load_idx %arg9[%add3A_448, %and3A_933] : memref<128x128xf32, #tpu.memory_space<vmem>>[vector<16xi32>, vector<16xi32>], vector<16xf32>,
        %swap3A_935 = arith.constant 4 : i32
        %swap3A_936 = arith.constant 5 : i32
        %swap3A_937 = arith.index_cast %swap3A_935 : i32 to index
        %swap3A_938 = arith.index_cast %swap3A_936 : i32 to index
        %swap3A_939 = arith.index_cast %mul3A_444 : i32 to index
        %swap3A_940 = tpu.vector_load %arg11[%swap3A_937, %swap3A_938, %swap3A_939] {strides = array<i32>} : memref<8x8x128xf32, #tpu.memory_space<vmem>>, vector<16xf32>,
        tpu.vector_store %arg11[%swap3A_937, %swap3A_938, %swap3A_939], %gather3A_934 {strides = array<i32>} : memref<8x8x128xf32, #tpu.memory_space<vmem>>, vector<16xf32>,
        %add3A_941 = arith.constant 2 : i32
        %add3A_942 = vector.broadcast %add3A_941 : i32 to vector<16xi32>
        %add3A_943 = arith.addi %and3A_933, %add3A_942 : vector<16xi32>
        %and3A_944 = arith.constant 127 : i32
        %and3A_945 = vector.broadcast %and3A_944 : i32 to vector<16xi32>
        %and3A_946 = arith.andi %add3A_943, %and3A_945 : vector<16xi32>
        %gather3A_947 = tpu.vector_load_idx %arg9[%add3A_448, %and3A_946] : memref<128x128xf32, #tpu.memory_space<vmem>>[vector<16xi32>, vector<16xi32>], vector<16xf32>,
        %swap3A_948 = arith.constant 4 : i32
        %swap3A_949 = arith.constant 6 : i32
        %swap3A_950 = arith.index_cast %swap3A_948 : i32 to index
        %swap3A_951 = arith.index_cast %swap3A_949 : i32 to index
        %swap3A_952 = arith.index_cast %mul3A_444 : i32 to index
        %swap3A_953 = tpu.vector_load %arg11[%swap3A_950, %swap3A_951, %swap3A_952] {strides = array<i32>} : memref<8x8x128xf32, #tpu.memory_space<vmem>>, vector<16xf32>,
        tpu.vector_store %arg11[%swap3A_950, %swap3A_951, %swap3A_952], %gather3A_947 {strides = array<i32>} : memref<8x8x128xf32, #tpu.memory_space<vmem>>, vector<16xf32>,
        %add3A_954 = arith.constant 2 : i32
        %add3A_955 = vector.broadcast %add3A_954 : i32 to vector<16xi32>
        %add3A_956 = arith.addi %and3A_946, %add3A_955 : vector<16xi32>
        %and3A_957 = arith.constant 127 : i32
        %and3A_958 = vector.broadcast %and3A_957 : i32 to vector<16xi32>
        %and3A_959 = arith.andi %add3A_956, %and3A_958 : vector<16xi32>
        %gather3A_960 = tpu.vector_load_idx %arg9[%add3A_448, %and3A_959] : memref<128x128xf32, #tpu.memory_space<vmem>>[vector<16xi32>, vector<16xi32>], vector<16xf32>,
        %swap3A_961 = arith.constant 4 : i32
        %swap3A_962 = arith.constant 7 : i32
        %swap3A_963 = arith.index_cast %swap3A_961 : i32 to index
        %swap3A_964 = arith.index_cast %swap3A_962 : i32 to index
        %swap3A_965 = arith.index_cast %mul3A_444 : i32 to index
        %swap3A_966 = tpu.vector_load %arg11[%swap3A_963, %swap3A_964, %swap3A_965] {strides = array<i32>} : memref<8x8x128xf32, #tpu.memory_space<vmem>>, vector<16xf32>,
        tpu.vector_store %arg11[%swap3A_963, %swap3A_964, %swap3A_965], %gather3A_960 {strides = array<i32>} : memref<8x8x128xf32, #tpu.memory_space<vmem>>, vector<16xf32>,
        %add3A_967 = arith.constant 2 : i32
        %add3A_968 = vector.broadcast %add3A_967 : i32 to vector<16xi32>
        %add3A_969 = arith.addi %and3A_959, %add3A_968 : vector<16xi32>
        %and3A_970 = arith.constant 127 : i32
        %and3A_971 = vector.broadcast %and3A_970 : i32 to vector<16xi32>
        %and3A_972 = arith.andi %add3A_969, %and3A_971 : vector<16xi32>
        %gather3A_973 = tpu.vector_load_idx %arg9[%add3A_448, %and3A_972] : memref<128x128xf32, #tpu.memory_space<vmem>>[vector<16xi32>, vector<16xi32>], vector<16xf32>,
        %swap3A_974 = arith.constant 5 : i32
        %swap3A_975 = arith.constant 0 : i32
        %swap3A_976 = arith.index_cast %swap3A_974 : i32 to index
        %swap3A_977 = arith.index_cast %swap3A_975 : i32 to index
        %swap3A_978 = arith.index_cast %mul3A_444 : i32 to index
        %swap3A_979 = tpu.vector_load %arg11[%swap3A_976, %swap3A_977, %swap3A_978] {strides = array<i32>} : memref<8x8x128xf32, #tpu.memory_space<vmem>>, vector<16xf32>,
        tpu.vector_store %arg11[%swap3A_976, %swap3A_977, %swap3A_978], %gather3A_973 {strides = array<i32>} : memref<8x8x128xf32, #tpu.memory_space<vmem>>, vector<16xf32>,
        %add3A_980 = arith.constant 2 : i32
        %add3A_981 = vector.broadcast %add3A_980 : i32 to vector<16xi32>
        %add3A_982 = arith.addi %and3A_972, %add3A_981 : vector<16xi32>
        %and3A_983 = arith.constant 127 : i32
        %and3A_984 = vector.broadcast %and3A_983 : i32 to vector<16xi32>
        %and3A_985 = arith.andi %add3A_982, %and3A_984 : vector<16xi32>
        %gather3A_986 = tpu.vector_load_idx %arg9[%add3A_448, %and3A_985] : memref<128x128xf32, #tpu.memory_space<vmem>>[vector<16xi32>, vector<16xi32>], vector<16xf32>,
        %swap3A_987 = arith.constant 5 : i32
        %swap3A_988 = arith.constant 1 : i32
        %swap3A_989 = arith.index_cast %swap3A_987 : i32 to index
        %swap3A_990 = arith.index_cast %swap3A_988 : i32 to index
        %swap3A_991 = arith.index_cast %mul3A_444 : i32 to index
        %swap3A_992 = tpu.vector_load %arg11[%swap3A_989, %swap3A_990, %swap3A_991] {strides = array<i32>} : memref<8x8x128xf32, #tpu.memory_space<vmem>>, vector<16xf32>,
        tpu.vector_store %arg11[%swap3A_989, %swap3A_990, %swap3A_991], %gather3A_986 {strides = array<i32>} : memref<8x8x128xf32, #tpu.memory_space<vmem>>, vector<16xf32>,
        %add3A_993 = arith.constant 2 : i32
        %add3A_994 = vector.broadcast %add3A_993 : i32 to vector<16xi32>
        %add3A_995 = arith.addi %and3A_985, %add3A_994 : vector<16xi32>
        %and3A_996 = arith.constant 127 : i32
        %and3A_997 = vector.broadcast %and3A_996 : i32 to vector<16xi32>
        %and3A_998 = arith.andi %add3A_995, %and3A_997 : vector<16xi32>
        %gather3A_999 = tpu.vector_load_idx %arg9[%add3A_448, %and3A_998] : memref<128x128xf32, #tpu.memory_space<vmem>>[vector<16xi32>, vector<16xi32>], vector<16xf32>,
        %swap3A_1000 = arith.constant 5 : i32
        %swap3A_1001 = arith.constant 2 : i32
        %swap3A_1002 = arith.index_cast %swap3A_1000 : i32 to index
        %swap3A_1003 = arith.index_cast %swap3A_1001 : i32 to index
        %swap3A_1004 = arith.index_cast %mul3A_444 : i32 to index
        %swap3A_1005 = tpu.vector_load %arg11[%swap3A_1002, %swap3A_1003, %swap3A_1004] {strides = array<i32>} : memref<8x8x128xf32, #tpu.memory_space<vmem>>, vector<16xf32>,
        tpu.vector_store %arg11[%swap3A_1002, %swap3A_1003, %swap3A_1004], %gather3A_999 {strides = array<i32>} : memref<8x8x128xf32, #tpu.memory_space<vmem>>, vector<16xf32>,
        %add3A_1006 = arith.constant 2 : i32
        %add3A_1007 = vector.broadcast %add3A_1006 : i32 to vector<16xi32>
        %add3A_1008 = arith.addi %and3A_998, %add3A_1007 : vector<16xi32>
        %and3A_1009 = arith.constant 127 : i32
        %and3A_1010 = vector.broadcast %and3A_1009 : i32 to vector<16xi32>
        %and3A_1011 = arith.andi %add3A_1008, %and3A_1010 : vector<16xi32>
        %gather3A_1012 = tpu.vector_load_idx %arg9[%add3A_448, %and3A_1011] : memref<128x128xf32, #tpu.memory_space<vmem>>[vector<16xi32>, vector<16xi32>], vector<16xf32>,
        %swap3A_1013 = arith.constant 5 : i32
        %swap3A_1014 = arith.constant 3 : i32
        %swap3A_1015 = arith.index_cast %swap3A_1013 : i32 to index
        %swap3A_1016 = arith.index_cast %swap3A_1014 : i32 to index
        %swap3A_1017 = arith.index_cast %mul3A_444 : i32 to index
        %swap3A_1018 = tpu.vector_load %arg11[%swap3A_1015, %swap3A_1016, %swap3A_1017] {strides = array<i32>} : memref<8x8x128xf32, #tpu.memory_space<vmem>>, vector<16xf32>,
        tpu.vector_store %arg11[%swap3A_1015, %swap3A_1016, %swap3A_1017], %gather3A_1012 {strides = array<i32>} : memref<8x8x128xf32, #tpu.memory_space<vmem>>, vector<16xf32>,
        %add3A_1019 = arith.constant 2 : i32
        %add3A_1020 = vector.broadcast %add3A_1019 : i32 to vector<16xi32>
        %add3A_1021 = arith.addi %and3A_1011, %add3A_1020 : vector<16xi32>
        %and3A_1022 = arith.constant 127 : i32
        %and3A_1023 = vector.broadcast %and3A_1022 : i32 to vector<16xi32>
        %and3A_1024 = arith.andi %add3A_1021, %and3A_1023 : vector<16xi32>
        %gather3A_1025 = tpu.vector_load_idx %arg9[%add3A_448, %and3A_1024] : memref<128x128xf32, #tpu.memory_space<vmem>>[vector<16xi32>, vector<16xi32>], vector<16xf32>,
        %swap3A_1026 = arith.constant 5 : i32
        %swap3A_1027 = arith.constant 4 : i32
        %swap3A_1028 = arith.index_cast %swap3A_1026 : i32 to index
        %swap3A_1029 = arith.index_cast %swap3A_1027 : i32 to index
        %swap3A_1030 = arith.index_cast %mul3A_444 : i32 to index
        %swap3A_1031 = tpu.vector_load %arg11[%swap3A_1028, %swap3A_1029, %swap3A_1030] {strides = array<i32>} : memref<8x8x128xf32, #tpu.memory_space<vmem>>, vector<16xf32>,
        tpu.vector_store %arg11[%swap3A_1028, %swap3A_1029, %swap3A_1030], %gather3A_1025 {strides = array<i32>} : memref<8x8x128xf32, #tpu.memory_space<vmem>>, vector<16xf32>,
        %add3A_1032 = arith.constant 2 : i32
        %add3A_1033 = vector.broadcast %add3A_1032 : i32 to vector<16xi32>
        %add3A_1034 = arith.addi %and3A_1024, %add3A_1033 : vector<16xi32>
        %and3A_1035 = arith.constant 127 : i32
        %and3A_1036 = vector.broadcast %and3A_1035 : i32 to vector<16xi32>
        %and3A_1037 = arith.andi %add3A_1034, %and3A_1036 : vector<16xi32>
        %gather3A_1038 = tpu.vector_load_idx %arg9[%add3A_448, %and3A_1037] : memref<128x128xf32, #tpu.memory_space<vmem>>[vector<16xi32>, vector<16xi32>], vector<16xf32>,
        %swap3A_1039 = arith.constant 5 : i32
        %swap3A_1040 = arith.constant 5 : i32
        %swap3A_1041 = arith.index_cast %swap3A_1039 : i32 to index
        %swap3A_1042 = arith.index_cast %swap3A_1040 : i32 to index
        %swap3A_1043 = arith.index_cast %mul3A_444 : i32 to index
        %swap3A_1044 = tpu.vector_load %arg11[%swap3A_1041, %swap3A_1042, %swap3A_1043] {strides = array<i32>} : memref<8x8x128xf32, #tpu.memory_space<vmem>>, vector<16xf32>,
        tpu.vector_store %arg11[%swap3A_1041, %swap3A_1042, %swap3A_1043], %gather3A_1038 {strides = array<i32>} : memref<8x8x128xf32, #tpu.memory_space<vmem>>, vector<16xf32>,
        %add3A_1045 = arith.constant 2 : i32
        %add3A_1046 = vector.broadcast %add3A_1045 : i32 to vector<16xi32>
        %add3A_1047 = arith.addi %and3A_1037, %add3A_1046 : vector<16xi32>
        %and3A_1048 = arith.constant 127 : i32
        %and3A_1049 = vector.broadcast %and3A_1048 : i32 to vector<16xi32>
        %and3A_1050 = arith.andi %add3A_1047, %and3A_1049 : vector<16xi32>
        %gather3A_1051 = tpu.vector_load_idx %arg9[%add3A_448, %and3A_1050] : memref<128x128xf32, #tpu.memory_space<vmem>>[vector<16xi32>, vector<16xi32>], vector<16xf32>,
        %swap3A_1052 = arith.constant 5 : i32
        %swap3A_1053 = arith.constant 6 : i32
        %swap3A_1054 = arith.index_cast %swap3A_1052 : i32 to index
        %swap3A_1055 = arith.index_cast %swap3A_1053 : i32 to index
        %swap3A_1056 = arith.index_cast %mul3A_444 : i32 to index
        %swap3A_1057 = tpu.vector_load %arg11[%swap3A_1054, %swap3A_1055, %swap3A_1056] {strides = array<i32>} : memref<8x8x128xf32, #tpu.memory_space<vmem>>, vector<16xf32>,
        tpu.vector_store %arg11[%swap3A_1054, %swap3A_1055, %swap3A_1056], %gather3A_1051 {strides = array<i32>} : memref<8x8x128xf32, #tpu.memory_space<vmem>>, vector<16xf32>,
        %add3A_1058 = arith.constant 2 : i32
        %add3A_1059 = vector.broadcast %add3A_1058 : i32 to vector<16xi32>
        %add3A_1060 = arith.addi %and3A_1050, %add3A_1059 : vector<16xi32>
        %and3A_1061 = arith.constant 127 : i32
        %and3A_1062 = vector.broadcast %and3A_1061 : i32 to vector<16xi32>
        %and3A_1063 = arith.andi %add3A_1060, %and3A_1062 : vector<16xi32>
        %gather3A_1064 = tpu.vector_load_idx %arg9[%add3A_448, %and3A_1063] : memref<128x128xf32, #tpu.memory_space<vmem>>[vector<16xi32>, vector<16xi32>], vector<16xf32>,
        %swap3A_1065 = arith.constant 5 : i32
        %swap3A_1066 = arith.constant 7 : i32
        %swap3A_1067 = arith.index_cast %swap3A_1065 : i32 to index
        %swap3A_1068 = arith.index_cast %swap3A_1066 : i32 to index
        %swap3A_1069 = arith.index_cast %mul3A_444 : i32 to index
        %swap3A_1070 = tpu.vector_load %arg11[%swap3A_1067, %swap3A_1068, %swap3A_1069] {strides = array<i32>} : memref<8x8x128xf32, #tpu.memory_space<vmem>>, vector<16xf32>,
        tpu.vector_store %arg11[%swap3A_1067, %swap3A_1068, %swap3A_1069], %gather3A_1064 {strides = array<i32>} : memref<8x8x128xf32, #tpu.memory_space<vmem>>, vector<16xf32>,
        %add3A_1071 = arith.constant 2 : i32
        %add3A_1072 = vector.broadcast %add3A_1071 : i32 to vector<16xi32>
        %add3A_1073 = arith.addi %and3A_1063, %add3A_1072 : vector<16xi32>
        %and3A_1074 = arith.constant 127 : i32
        %and3A_1075 = vector.broadcast %and3A_1074 : i32 to vector<16xi32>
        %and3A_1076 = arith.andi %add3A_1073, %and3A_1075 : vector<16xi32>
        %gather3A_1077 = tpu.vector_load_idx %arg9[%add3A_448, %and3A_1076] : memref<128x128xf32, #tpu.memory_space<vmem>>[vector<16xi32>, vector<16xi32>], vector<16xf32>,
        %swap3A_1078 = arith.constant 6 : i32
        %swap3A_1079 = arith.constant 0 : i32
        %swap3A_1080 = arith.index_cast %swap3A_1078 : i32 to index
        %swap3A_1081 = arith.index_cast %swap3A_1079 : i32 to index
        %swap3A_1082 = arith.index_cast %mul3A_444 : i32 to index
        %swap3A_1083 = tpu.vector_load %arg11[%swap3A_1080, %swap3A_1081, %swap3A_1082] {strides = array<i32>} : memref<8x8x128xf32, #tpu.memory_space<vmem>>, vector<16xf32>,
        tpu.vector_store %arg11[%swap3A_1080, %swap3A_1081, %swap3A_1082], %gather3A_1077 {strides = array<i32>} : memref<8x8x128xf32, #tpu.memory_space<vmem>>, vector<16xf32>,
        %add3A_1084 = arith.constant 2 : i32
        %add3A_1085 = vector.broadcast %add3A_1084 : i32 to vector<16xi32>
        %add3A_1086 = arith.addi %and3A_1076, %add3A_1085 : vector<16xi32>
        %and3A_1087 = arith.constant 127 : i32
        %and3A_1088 = vector.broadcast %and3A_1087 : i32 to vector<16xi32>
        %and3A_1089 = arith.andi %add3A_1086, %and3A_1088 : vector<16xi32>
        %gather3A_1090 = tpu.vector_load_idx %arg9[%add3A_448, %and3A_1089] : memref<128x128xf32, #tpu.memory_space<vmem>>[vector<16xi32>, vector<16xi32>], vector<16xf32>,
        %swap3A_1091 = arith.constant 6 : i32
        %swap3A_1092 = arith.constant 1 : i32
        %swap3A_1093 = arith.index_cast %swap3A_1091 : i32 to index
        %swap3A_1094 = arith.index_cast %swap3A_1092 : i32 to index
        %swap3A_1095 = arith.index_cast %mul3A_444 : i32 to index
        %swap3A_1096 = tpu.vector_load %arg11[%swap3A_1093, %swap3A_1094, %swap3A_1095] {strides = array<i32>} : memref<8x8x128xf32, #tpu.memory_space<vmem>>, vector<16xf32>,
        tpu.vector_store %arg11[%swap3A_1093, %swap3A_1094, %swap3A_1095], %gather3A_1090 {strides = array<i32>} : memref<8x8x128xf32, #tpu.memory_space<vmem>>, vector<16xf32>,
        %add3A_1097 = arith.constant 2 : i32
        %add3A_1098 = vector.broadcast %add3A_1097 : i32 to vector<16xi32>
        %add3A_1099 = arith.addi %and3A_1089, %add3A_1098 : vector<16xi32>
        %and3A_1100 = arith.constant 127 : i32
        %and3A_1101 = vector.broadcast %and3A_1100 : i32 to vector<16xi32>
        %and3A_1102 = arith.andi %add3A_1099, %and3A_1101 : vector<16xi32>
        %gather3A_1103 = tpu.vector_load_idx %arg9[%add3A_448, %and3A_1102] : memref<128x128xf32, #tpu.memory_space<vmem>>[vector<16xi32>, vector<16xi32>], vector<16xf32>,
        %swap3A_1104 = arith.constant 6 : i32
        %swap3A_1105 = arith.constant 2 : i32
        %swap3A_1106 = arith.index_cast %swap3A_1104 : i32 to index
        %swap3A_1107 = arith.index_cast %swap3A_1105 : i32 to index
        %swap3A_1108 = arith.index_cast %mul3A_444 : i32 to index
        %swap3A_1109 = tpu.vector_load %arg11[%swap3A_1106, %swap3A_1107, %swap3A_1108] {strides = array<i32>} : memref<8x8x128xf32, #tpu.memory_space<vmem>>, vector<16xf32>,
        tpu.vector_store %arg11[%swap3A_1106, %swap3A_1107, %swap3A_1108], %gather3A_1103 {strides = array<i32>} : memref<8x8x128xf32, #tpu.memory_space<vmem>>, vector<16xf32>,
        %add3A_1110 = arith.constant 2 : i32
        %add3A_1111 = vector.broadcast %add3A_1110 : i32 to vector<16xi32>
        %add3A_1112 = arith.addi %and3A_1102, %add3A_1111 : vector<16xi32>
        %and3A_1113 = arith.constant 127 : i32
        %and3A_1114 = vector.broadcast %and3A_1113 : i32 to vector<16xi32>
        %and3A_1115 = arith.andi %add3A_1112, %and3A_1114 : vector<16xi32>
        %gather3A_1116 = tpu.vector_load_idx %arg9[%add3A_448, %and3A_1115] : memref<128x128xf32, #tpu.memory_space<vmem>>[vector<16xi32>, vector<16xi32>], vector<16xf32>,
        %swap3A_1117 = arith.constant 6 : i32
        %swap3A_1118 = arith.constant 3 : i32
        %swap3A_1119 = arith.index_cast %swap3A_1117 : i32 to index
        %swap3A_1120 = arith.index_cast %swap3A_1118 : i32 to index
        %swap3A_1121 = arith.index_cast %mul3A_444 : i32 to index
        %swap3A_1122 = tpu.vector_load %arg11[%swap3A_1119, %swap3A_1120, %swap3A_1121] {strides = array<i32>} : memref<8x8x128xf32, #tpu.memory_space<vmem>>, vector<16xf32>,
        tpu.vector_store %arg11[%swap3A_1119, %swap3A_1120, %swap3A_1121], %gather3A_1116 {strides = array<i32>} : memref<8x8x128xf32, #tpu.memory_space<vmem>>, vector<16xf32>,
        %add3A_1123 = arith.constant 2 : i32
        %add3A_1124 = vector.broadcast %add3A_1123 : i32 to vector<16xi32>
        %add3A_1125 = arith.addi %and3A_1115, %add3A_1124 : vector<16xi32>
        %and3A_1126 = arith.constant 127 : i32
        %and3A_1127 = vector.broadcast %and3A_1126 : i32 to vector<16xi32>
        %and3A_1128 = arith.andi %add3A_1125, %and3A_1127 : vector<16xi32>
        %gather3A_1129 = tpu.vector_load_idx %arg9[%add3A_448, %and3A_1128] : memref<128x128xf32, #tpu.memory_space<vmem>>[vector<16xi32>, vector<16xi32>], vector<16xf32>,
        %swap3A_1130 = arith.constant 6 : i32
        %swap3A_1131 = arith.constant 4 : i32
        %swap3A_1132 = arith.index_cast %swap3A_1130 : i32 to index
        %swap3A_1133 = arith.index_cast %swap3A_1131 : i32 to index
        %swap3A_1134 = arith.index_cast %mul3A_444 : i32 to index
        %swap3A_1135 = tpu.vector_load %arg11[%swap3A_1132, %swap3A_1133, %swap3A_1134] {strides = array<i32>} : memref<8x8x128xf32, #tpu.memory_space<vmem>>, vector<16xf32>,
        tpu.vector_store %arg11[%swap3A_1132, %swap3A_1133, %swap3A_1134], %gather3A_1129 {strides = array<i32>} : memref<8x8x128xf32, #tpu.memory_space<vmem>>, vector<16xf32>,
        %add3A_1136 = arith.constant 2 : i32
        %add3A_1137 = vector.broadcast %add3A_1136 : i32 to vector<16xi32>
        %add3A_1138 = arith.addi %and3A_1128, %add3A_1137 : vector<16xi32>
        %and3A_1139 = arith.constant 127 : i32
        %and3A_1140 = vector.broadcast %and3A_1139 : i32 to vector<16xi32>
        %and3A_1141 = arith.andi %add3A_1138, %and3A_1140 : vector<16xi32>
        %gather3A_1142 = tpu.vector_load_idx %arg9[%add3A_448, %and3A_1141] : memref<128x128xf32, #tpu.memory_space<vmem>>[vector<16xi32>, vector<16xi32>], vector<16xf32>,
        %swap3A_1143 = arith.constant 6 : i32
        %swap3A_1144 = arith.constant 5 : i32
        %swap3A_1145 = arith.index_cast %swap3A_1143 : i32 to index
        %swap3A_1146 = arith.index_cast %swap3A_1144 : i32 to index
        %swap3A_1147 = arith.index_cast %mul3A_444 : i32 to index
        %swap3A_1148 = tpu.vector_load %arg11[%swap3A_1145, %swap3A_1146, %swap3A_1147] {strides = array<i32>} : memref<8x8x128xf32, #tpu.memory_space<vmem>>, vector<16xf32>,
        tpu.vector_store %arg11[%swap3A_1145, %swap3A_1146, %swap3A_1147], %gather3A_1142 {strides = array<i32>} : memref<8x8x128xf32, #tpu.memory_space<vmem>>, vector<16xf32>,
        %add3A_1149 = arith.constant 2 : i32
        %add3A_1150 = vector.broadcast %add3A_1149 : i32 to vector<16xi32>
        %add3A_1151 = arith.addi %and3A_1141, %add3A_1150 : vector<16xi32>
        %and3A_1152 = arith.constant 127 : i32
        %and3A_1153 = vector.broadcast %and3A_1152 : i32 to vector<16xi32>
        %and3A_1154 = arith.andi %add3A_1151, %and3A_1153 : vector<16xi32>
        %gather3A_1155 = tpu.vector_load_idx %arg9[%add3A_448, %and3A_1154] : memref<128x128xf32, #tpu.memory_space<vmem>>[vector<16xi32>, vector<16xi32>], vector<16xf32>,
        %swap3A_1156 = arith.constant 6 : i32
        %swap3A_1157 = arith.constant 6 : i32
        %swap3A_1158 = arith.index_cast %swap3A_1156 : i32 to index
        %swap3A_1159 = arith.index_cast %swap3A_1157 : i32 to index
        %swap3A_1160 = arith.index_cast %mul3A_444 : i32 to index
        %swap3A_1161 = tpu.vector_load %arg11[%swap3A_1158, %swap3A_1159, %swap3A_1160] {strides = array<i32>} : memref<8x8x128xf32, #tpu.memory_space<vmem>>, vector<16xf32>,
        tpu.vector_store %arg11[%swap3A_1158, %swap3A_1159, %swap3A_1160], %gather3A_1155 {strides = array<i32>} : memref<8x8x128xf32, #tpu.memory_space<vmem>>, vector<16xf32>,
        %add3A_1162 = arith.constant 2 : i32
        %add3A_1163 = vector.broadcast %add3A_1162 : i32 to vector<16xi32>
        %add3A_1164 = arith.addi %and3A_1154, %add3A_1163 : vector<16xi32>
        %and3A_1165 = arith.constant 127 : i32
        %and3A_1166 = vector.broadcast %and3A_1165 : i32 to vector<16xi32>
        %and3A_1167 = arith.andi %add3A_1164, %and3A_1166 : vector<16xi32>
        %gather3A_1168 = tpu.vector_load_idx %arg9[%add3A_448, %and3A_1167] : memref<128x128xf32, #tpu.memory_space<vmem>>[vector<16xi32>, vector<16xi32>], vector<16xf32>,
        %swap3A_1169 = arith.constant 6 : i32
        %swap3A_1170 = arith.constant 7 : i32
        %swap3A_1171 = arith.index_cast %swap3A_1169 : i32 to index
        %swap3A_1172 = arith.index_cast %swap3A_1170 : i32 to index
        %swap3A_1173 = arith.index_cast %mul3A_444 : i32 to index
        %swap3A_1174 = tpu.vector_load %arg11[%swap3A_1171, %swap3A_1172, %swap3A_1173] {strides = array<i32>} : memref<8x8x128xf32, #tpu.memory_space<vmem>>, vector<16xf32>,
        tpu.vector_store %arg11[%swap3A_1171, %swap3A_1172, %swap3A_1173], %gather3A_1168 {strides = array<i32>} : memref<8x8x128xf32, #tpu.memory_space<vmem>>, vector<16xf32>,
        %add3A_1175 = arith.constant 2 : i32
        %add3A_1176 = vector.broadcast %add3A_1175 : i32 to vector<16xi32>
        %add3A_1177 = arith.addi %and3A_1167, %add3A_1176 : vector<16xi32>
        %and3A_1178 = arith.constant 127 : i32
        %and3A_1179 = vector.broadcast %and3A_1178 : i32 to vector<16xi32>
        %and3A_1180 = arith.andi %add3A_1177, %and3A_1179 : vector<16xi32>
        %gather3A_1181 = tpu.vector_load_idx %arg9[%add3A_448, %and3A_1180] : memref<128x128xf32, #tpu.memory_space<vmem>>[vector<16xi32>, vector<16xi32>], vector<16xf32>,
        %swap3A_1182 = arith.constant 7 : i32
        %swap3A_1183 = arith.constant 0 : i32
        %swap3A_1184 = arith.index_cast %swap3A_1182 : i32 to index
        %swap3A_1185 = arith.index_cast %swap3A_1183 : i32 to index
        %swap3A_1186 = arith.index_cast %mul3A_444 : i32 to index
        %swap3A_1187 = tpu.vector_load %arg11[%swap3A_1184, %swap3A_1185, %swap3A_1186] {strides = array<i32>} : memref<8x8x128xf32, #tpu.memory_space<vmem>>, vector<16xf32>,
        tpu.vector_store %arg11[%swap3A_1184, %swap3A_1185, %swap3A_1186], %gather3A_1181 {strides = array<i32>} : memref<8x8x128xf32, #tpu.memory_space<vmem>>, vector<16xf32>,
        %add3A_1188 = arith.constant 2 : i32
        %add3A_1189 = vector.broadcast %add3A_1188 : i32 to vector<16xi32>
        %add3A_1190 = arith.addi %and3A_1180, %add3A_1189 : vector<16xi32>
        %and3A_1191 = arith.constant 127 : i32
        %and3A_1192 = vector.broadcast %and3A_1191 : i32 to vector<16xi32>
        %and3A_1193 = arith.andi %add3A_1190, %and3A_1192 : vector<16xi32>
        %gather3A_1194 = tpu.vector_load_idx %arg9[%add3A_448, %and3A_1193] : memref<128x128xf32, #tpu.memory_space<vmem>>[vector<16xi32>, vector<16xi32>], vector<16xf32>,
        %swap3A_1195 = arith.constant 7 : i32
        %swap3A_1196 = arith.constant 1 : i32
        %swap3A_1197 = arith.index_cast %swap3A_1195 : i32 to index
        %swap3A_1198 = arith.index_cast %swap3A_1196 : i32 to index
        %swap3A_1199 = arith.index_cast %mul3A_444 : i32 to index
        %swap3A_1200 = tpu.vector_load %arg11[%swap3A_1197, %swap3A_1198, %swap3A_1199] {strides = array<i32>} : memref<8x8x128xf32, #tpu.memory_space<vmem>>, vector<16xf32>,
        tpu.vector_store %arg11[%swap3A_1197, %swap3A_1198, %swap3A_1199], %gather3A_1194 {strides = array<i32>} : memref<8x8x128xf32, #tpu.memory_space<vmem>>, vector<16xf32>,
        %add3A_1201 = arith.constant 2 : i32
        %add3A_1202 = vector.broadcast %add3A_1201 : i32 to vector<16xi32>
        %add3A_1203 = arith.addi %and3A_1193, %add3A_1202 : vector<16xi32>
        %and3A_1204 = arith.constant 127 : i32
        %and3A_1205 = vector.broadcast %and3A_1204 : i32 to vector<16xi32>
        %and3A_1206 = arith.andi %add3A_1203, %and3A_1205 : vector<16xi32>
        %gather3A_1207 = tpu.vector_load_idx %arg9[%add3A_448, %and3A_1206] : memref<128x128xf32, #tpu.memory_space<vmem>>[vector<16xi32>, vector<16xi32>], vector<16xf32>,
        %swap3A_1208 = arith.constant 7 : i32
        %swap3A_1209 = arith.constant 2 : i32
        %swap3A_1210 = arith.index_cast %swap3A_1208 : i32 to index
        %swap3A_1211 = arith.index_cast %swap3A_1209 : i32 to index
        %swap3A_1212 = arith.index_cast %mul3A_444 : i32 to index
        %swap3A_1213 = tpu.vector_load %arg11[%swap3A_1210, %swap3A_1211, %swap3A_1212] {strides = array<i32>} : memref<8x8x128xf32, #tpu.memory_space<vmem>>, vector<16xf32>,
        tpu.vector_store %arg11[%swap3A_1210, %swap3A_1211, %swap3A_1212], %gather3A_1207 {strides = array<i32>} : memref<8x8x128xf32, #tpu.memory_space<vmem>>, vector<16xf32>,
        %add3A_1214 = arith.constant 2 : i32
        %add3A_1215 = vector.broadcast %add3A_1214 : i32 to vector<16xi32>
        %add3A_1216 = arith.addi %and3A_1206, %add3A_1215 : vector<16xi32>
        %and3A_1217 = arith.constant 127 : i32
        %and3A_1218 = vector.broadcast %and3A_1217 : i32 to vector<16xi32>
        %and3A_1219 = arith.andi %add3A_1216, %and3A_1218 : vector<16xi32>
        %gather3A_1220 = tpu.vector_load_idx %arg9[%add3A_448, %and3A_1219] : memref<128x128xf32, #tpu.memory_space<vmem>>[vector<16xi32>, vector<16xi32>], vector<16xf32>,
        %swap3A_1221 = arith.constant 7 : i32
        %swap3A_1222 = arith.constant 3 : i32
        %swap3A_1223 = arith.index_cast %swap3A_1221 : i32 to index
        %swap3A_1224 = arith.index_cast %swap3A_1222 : i32 to index
        %swap3A_1225 = arith.index_cast %mul3A_444 : i32 to index
        %swap3A_1226 = tpu.vector_load %arg11[%swap3A_1223, %swap3A_1224, %swap3A_1225] {strides = array<i32>} : memref<8x8x128xf32, #tpu.memory_space<vmem>>, vector<16xf32>,
        tpu.vector_store %arg11[%swap3A_1223, %swap3A_1224, %swap3A_1225], %gather3A_1220 {strides = array<i32>} : memref<8x8x128xf32, #tpu.memory_space<vmem>>, vector<16xf32>,
        %add3A_1227 = arith.constant 2 : i32
        %add3A_1228 = vector.broadcast %add3A_1227 : i32 to vector<16xi32>
        %add3A_1229 = arith.addi %and3A_1219, %add3A_1228 : vector<16xi32>
        %and3A_1230 = arith.constant 127 : i32
        %and3A_1231 = vector.broadcast %and3A_1230 : i32 to vector<16xi32>
        %and3A_1232 = arith.andi %add3A_1229, %and3A_1231 : vector<16xi32>
        %gather3A_1233 = tpu.vector_load_idx %arg9[%add3A_448, %and3A_1232] : memref<128x128xf32, #tpu.memory_space<vmem>>[vector<16xi32>, vector<16xi32>], vector<16xf32>,
        %swap3A_1234 = arith.constant 7 : i32
        %swap3A_1235 = arith.constant 4 : i32
        %swap3A_1236 = arith.index_cast %swap3A_1234 : i32 to index
        %swap3A_1237 = arith.index_cast %swap3A_1235 : i32 to index
        %swap3A_1238 = arith.index_cast %mul3A_444 : i32 to index
        %swap3A_1239 = tpu.vector_load %arg11[%swap3A_1236, %swap3A_1237, %swap3A_1238] {strides = array<i32>} : memref<8x8x128xf32, #tpu.memory_space<vmem>>, vector<16xf32>,
        tpu.vector_store %arg11[%swap3A_1236, %swap3A_1237, %swap3A_1238], %gather3A_1233 {strides = array<i32>} : memref<8x8x128xf32, #tpu.memory_space<vmem>>, vector<16xf32>,
        %add3A_1240 = arith.constant 2 : i32
        %add3A_1241 = vector.broadcast %add3A_1240 : i32 to vector<16xi32>
        %add3A_1242 = arith.addi %and3A_1232, %add3A_1241 : vector<16xi32>
        %and3A_1243 = arith.constant 127 : i32
        %and3A_1244 = vector.broadcast %and3A_1243 : i32 to vector<16xi32>
        %and3A_1245 = arith.andi %add3A_1242, %and3A_1244 : vector<16xi32>
        %gather3A_1246 = tpu.vector_load_idx %arg9[%add3A_448, %and3A_1245] : memref<128x128xf32, #tpu.memory_space<vmem>>[vector<16xi32>, vector<16xi32>], vector<16xf32>,
        %swap3A_1247 = arith.constant 7 : i32
        %swap3A_1248 = arith.constant 5 : i32
        %swap3A_1249 = arith.index_cast %swap3A_1247 : i32 to index
        %swap3A_1250 = arith.index_cast %swap3A_1248 : i32 to index
        %swap3A_1251 = arith.index_cast %mul3A_444 : i32 to index
        %swap3A_1252 = tpu.vector_load %arg11[%swap3A_1249, %swap3A_1250, %swap3A_1251] {strides = array<i32>} : memref<8x8x128xf32, #tpu.memory_space<vmem>>, vector<16xf32>,
        tpu.vector_store %arg11[%swap3A_1249, %swap3A_1250, %swap3A_1251], %gather3A_1246 {strides = array<i32>} : memref<8x8x128xf32, #tpu.memory_space<vmem>>, vector<16xf32>,
        %add3A_1253 = arith.constant 2 : i32
        %add3A_1254 = vector.broadcast %add3A_1253 : i32 to vector<16xi32>
        %add3A_1255 = arith.addi %and3A_1245, %add3A_1254 : vector<16xi32>
        %and3A_1256 = arith.constant 127 : i32
        %and3A_1257 = vector.broadcast %and3A_1256 : i32 to vector<16xi32>
        %and3A_1258 = arith.andi %add3A_1255, %and3A_1257 : vector<16xi32>
        %gather3A_1259 = tpu.vector_load_idx %arg9[%add3A_448, %and3A_1258] : memref<128x128xf32, #tpu.memory_space<vmem>>[vector<16xi32>, vector<16xi32>], vector<16xf32>,
        %swap3A_1260 = arith.constant 7 : i32
        %swap3A_1261 = arith.constant 6 : i32
        %swap3A_1262 = arith.index_cast %swap3A_1260 : i32 to index
        %swap3A_1263 = arith.index_cast %swap3A_1261 : i32 to index
        %swap3A_1264 = arith.index_cast %mul3A_444 : i32 to index
        %swap3A_1265 = tpu.vector_load %arg11[%swap3A_1262, %swap3A_1263, %swap3A_1264] {strides = array<i32>} : memref<8x8x128xf32, #tpu.memory_space<vmem>>, vector<16xf32>,
        tpu.vector_store %arg11[%swap3A_1262, %swap3A_1263, %swap3A_1264], %gather3A_1259 {strides = array<i32>} : memref<8x8x128xf32, #tpu.memory_space<vmem>>, vector<16xf32>,
        %add3A_1266 = arith.constant 2 : i32
        %add3A_1267 = vector.broadcast %add3A_1266 : i32 to vector<16xi32>
        %add3A_1268 = arith.addi %and3A_1258, %add3A_1267 : vector<16xi32>
        %and3A_1269 = arith.constant 127 : i32
        %and3A_1270 = vector.broadcast %and3A_1269 : i32 to vector<16xi32>
        %and3A_1271 = arith.andi %add3A_1268, %and3A_1270 : vector<16xi32>
        %gather3A_1272 = tpu.vector_load_idx %arg9[%add3A_448, %and3A_1271] : memref<128x128xf32, #tpu.memory_space<vmem>>[vector<16xi32>, vector<16xi32>], vector<16xf32>,
        %swap3A_1273 = arith.constant 7 : i32
        %swap3A_1274 = arith.constant 7 : i32
        %swap3A_1275 = arith.index_cast %swap3A_1273 : i32 to index
        %swap3A_1276 = arith.index_cast %swap3A_1274 : i32 to index
        %swap3A_1277 = arith.index_cast %mul3A_444 : i32 to index
        %swap3A_1278 = tpu.vector_load %arg11[%swap3A_1275, %swap3A_1276, %swap3A_1277] {strides = array<i32>} : memref<8x8x128xf32, #tpu.memory_space<vmem>>, vector<16xf32>,
        tpu.vector_store %arg11[%swap3A_1275, %swap3A_1276, %swap3A_1277], %gather3A_1272 {strides = array<i32>} : memref<8x8x128xf32, #tpu.memory_space<vmem>>, vector<16xf32>,
        %add3A_1279 = arith.constant 2 : i32
        %add3A_1280 = vector.broadcast %add3A_1279 : i32 to vector<16xi32>
        %add3A_1281 = arith.addi %and3A_1271, %add3A_1280 : vector<16xi32>
        %and3A_1282 = arith.constant 127 : i32
        %and3A_1283 = vector.broadcast %and3A_1282 : i32 to vector<16xi32>
        %and3A_1284 = arith.andi %add3A_1281, %and3A_1283 : vector<16xi32>
      }
      %scan3A_431 = arith.constant 8 : i32
      %dma_start3A_432 = arith.constant 0 : i32
      %dma_start3A_433 = arith.constant 0 : i32
      %dma_start3A_434 = arith.constant 0 : i32
      %dma_start3A_435 = tpu.memref_slice %arg4[%add3A_159, %dma_start3A_432, %add3A, %dma_start3A_433, %dma_start3A_434] : memref<50x8x32x8x128xf32, #tpu.memory_space<hbm>> -> memref<1x8x1x8x128xf32, #tpu.memory_space<hbm>>
      %dma_start3A_436 = tpu.memref_squeeze %dma_start3A_435 : memref<1x8x1x8x128xf32, #tpu.memory_space<hbm>> -> memref<8x8x128xf32, #tpu.memory_space<hbm>>
      %dma_start3A_437 = arith.constant 0 : i32
      %dma_start3A_438 = arith.constant 0 : i32
      %dma_start3A_439 = arith.constant 0 : i32
      %dma_start3A_440 = tpu.memref_slice %arg4[%add3A_159, %dma_start3A_437, %add3A, %dma_start3A_438, %dma_start3A_439] : memref<50x8x32x8x128xf32, #tpu.memory_space<hbm>> -> memref<1x8x1x8x128xf32, #tpu.memory_space<hbm>>
      %dma_start3A_441 = tpu.memref_squeeze %dma_start3A_440 : memref<1x8x1x8x128xf32, #tpu.memory_space<hbm>> -> memref<8x8x128xf32, #tpu.memory_space<hbm>>
      tpu.enqueue_dma source(%arg11 : memref<8x8x128xf32, #tpu.memory_space<vmem>>) target(%dma_start3A_441 : memref<8x8x128xf32, #tpu.memory_space<hbm>>) target_semaphore(%arg15 : memref<!tpu.dma_semaphore, #tpu.memory_space<semaphore_mem>>)
    }
    %scan3A_128 = arith.constant 25 : i32
    %dma_wait3A = arith.constant 0 : i32
    %dma_wait3A_129 = arith.constant 0 : i32
    %dma_wait3A_130 = tpu.memref_slice %arg2[%dma_wait3A, %dma_wait3A_129] : memref<501024x128xf32, #tpu.memory_space<hbm>> -> memref<501024x128xf32, #tpu.memory_space<hbm>>
    tpu.wait_indirect_dma semaphore(%arg12 : memref<!tpu.dma_semaphore, #tpu.memory_space<semaphore_mem>>) src(%dma_wait3A_130 : memref<501024x128xf32, #tpu.memory_space<hbm>>) dst(%arg8 : memref<128x128xf32, #tpu.memory_space<vmem>>)
    %dma_wait3A_131 = arith.constant 0 : i32
    %dma_wait3A_132 = arith.constant 0 : i32
    %dma_wait3A_133 = arith.constant 0 : i32
    %dma_wait3A_134 = arith.constant 0 : i32
    %dma_wait3A_135 = arith.constant 0 : i32
    %dma_wait3A_136 = tpu.memref_slice %arg4[%dma_wait3A_131, %dma_wait3A_133, %dma_wait3A_132, %dma_wait3A_134, %dma_wait3A_135] : memref<50x8x32x8x128xf32, #tpu.memory_space<hbm>> -> memref<1x8x1x8x128xf32, #tpu.memory_space<hbm>>
    %dma_wait3A_137 = tpu.memref_squeeze %dma_wait3A_136 : memref<1x8x1x8x128xf32, #tpu.memory_space<hbm>> -> memref<8x8x128xf32, #tpu.memory_space<hbm>>
    %dma_wait3A_138 = arith.constant 0 : i32
    %dma_wait3A_139 = arith.constant 0 : i32
    %dma_wait3A_140 = arith.constant 0 : i32
    %dma_wait3A_141 = tpu.memref_slice %arg4[%dma_wait3A_131, %dma_wait3A_138, %dma_wait3A_132, %dma_wait3A_139, %dma_wait3A_140] : memref<50x8x32x8x128xf32, #tpu.memory_space<hbm>> -> memref<1x8x1x8x128xf32, #tpu.memory_space<hbm>>
    %dma_wait3A_142 = tpu.memref_squeeze %dma_wait3A_141 : memref<1x8x1x8x128xf32, #tpu.memory_space<hbm>> -> memref<8x8x128xf32, #tpu.memory_space<hbm>>
    tpu.wait_dma2 semaphore(%arg14 : memref<!tpu.dma_semaphore, #tpu.memory_space<semaphore_mem>>) src(%arg10 : memref<8x8x128xf32, #tpu.memory_space<vmem>>) dst(%dma_wait3A_142 : memref<8x8x128xf32, #tpu.memory_space<hbm>>)
    %dma_wait3A_143 = arith.constant 0 : i32
    %dma_wait3A_144 = arith.constant 0 : i32
    %dma_wait3A_145 = arith.constant 0 : i32
    %dma_wait3A_146 = arith.constant 0 : i32
    %dma_wait3A_147 = arith.constant 0 : i32
    %dma_wait3A_148 = tpu.memref_slice %arg4[%dma_wait3A_143, %dma_wait3A_145, %dma_wait3A_144, %dma_wait3A_146, %dma_wait3A_147] : memref<50x8x32x8x128xf32, #tpu.memory_space<hbm>> -> memref<1x8x1x8x128xf32, #tpu.memory_space<hbm>>
    %dma_wait3A_149 = tpu.memref_squeeze %dma_wait3A_148 : memref<1x8x1x8x128xf32, #tpu.memory_space<hbm>> -> memref<8x8x128xf32, #tpu.memory_space<hbm>>
    %dma_wait3A_150 = arith.constant 0 : i32
    %dma_wait3A_151 = arith.constant 0 : i32
    %dma_wait3A_152 = arith.constant 0 : i32
    %dma_wait3A_153 = tpu.memref_slice %arg4[%dma_wait3A_143, %dma_wait3A_150, %dma_wait3A_144, %dma_wait3A_151, %dma_wait3A_152] : memref<50x8x32x8x128xf32, #tpu.memory_space<hbm>> -> memref<1x8x1x8x128xf32, #tpu.memory_space<hbm>>
    %dma_wait3A_154 = tpu.memref_squeeze %dma_wait3A_153 : memref<1x8x1x8x128xf32, #tpu.memory_space<hbm>> -> memref<8x8x128xf32, #tpu.memory_space<hbm>>
    tpu.wait_dma2 semaphore(%arg15 : memref<!tpu.dma_semaphore, #tpu.memory_space<semaphore_mem>>) src(%arg11 : memref<8x8x128xf32, #tpu.memory_space<vmem>>) dst(%dma_wait3A_154 : memref<8x8x128xf32, #tpu.memory_space<hbm>>)
    return
  }
}

</mosaic_0001>

<sc_bundles>
// kernel: _lookup.4.cloned.1.call-start
scs
__scs_entry_jumppad:
0x0: {  	(pc) =	sbr.rel $0x88, $3  }
0x1: {  	(tag) =	ssettag $0x0;
	lr =	simm.s32 $0x1  }
0x2: {  	[smem:$0x3F9F] =	sst lr;
	_ =	strace $0xD0000000  }
0x3: {  	_ = 	snop  }
0x4: {  	_ = 	snop  }
0x5: {  	_ = 	snop  }
0x6: {  	_ = 	snop  }
0x7: {  	_ = 	snop  }
__scs_overlays_trampoline_lowered:
0x8: {  	[smem:$0x3FAE] =	sst s0  }
0x9: {  	[smem:$0x3FAF] =	sst s1  }
0xa: {  	[smem:$0x3FB0] =	sst s2  }
0xb: {  	[smem:$0x3FB1] =	sst s3  }
0xc: {  	[smem:$0x3FB2] =	sst s4  }
0xd: {  	[smem:$0x3FB3] =	sst s5  }
0xe: {  	[smem:$0x3FB4] =	sst s6  }
0xf: {  	[smem:$0x3FB5] =	sst s7  }
0x10: {  	[smem:$0x3FB6] =	sst s8  }
0x11: {  	[smem:$0x3FB7] =	sst s9;
	s0 =	simm.s32 @!p0 $0x0  }
0x12: {  	s1 =	sld [smem:$0x3F9D];
	s0 =	simm.s32 @p0 $0x1  }
0x13: {  	[smem:$0x3FB8] =	sst s0;
	s0 =	simm.s32 @!p1 $0x0  }
0x14: {  	s2 =	sld [smem:$0x3F9C];
	s0 =	simm.s32 @p1 $0x1  }
0x15: {  	[smem:$0x3FB9] =	sst s0;
	s0 =	simm.s32 @!p2 $0x0  }
0x16: {  	s3 =	sld [smem:$0x3FDB];
	s0 =	simm.s32 @p2 $0x1  }
0x17: {  	s4 =	simm.s32 $0x1BF5;
	[smem:$0x3FBB] =	sst s0  }
0x18: {  	s0 =	sld [smem:$0x3F9E];
	_ =	swait.ge [sflag:s4], $0x0  }
0x19: {  	s7 =	sld [smem:$0x3F9F]  }
0x1a: {  	s8 =	sadd.s32 $0xFFFFE003, lr  }
0x1b: {  	s9 =	sadd.s32 $0xFFFFFEF7, lr;
	s5 =	simm.s32 $0xFFFFFFFF;
	p2 =	slt.u32 s8, $0xFFFFF086  }
0x1c: {  	p1 =	slt.u32 s9, $0xF7A;
	s5 =	simm.s32 @!p2 $0x0  }
0x1d: {  	s5 =	simm.s32 @p1 $0x1;
	p0 =	seq.s32 s7, s2  }
0x1e: {  	s7 =	smul.u32 @!p0 $0xF7A, s2;
	p2 =	seq.s32 @!p0 s5, $0x0  }
0x1f: {  	s9 =	smul.u32 $0xF7A, s1;
	s8 =	simm.s32 @!p0 $0x1BF5;
	p2 =	por !p2, p0  }
0x20: {  	[sflag:s8] =	ssyncset.s32 @!p0 $0xFFFFF086;
	s6 =	sadd.s32 @!p0 s3, s7;
	s7 =	simm.s32 @!p0 $0x108  }
0x21: {  	s3 =	sadd.s32 s3, s9;
	s6 =	sadd.s32 @!p0 $0x88, s6;
	s7 =	simm.s32 @p2 $0x1082  }
0x22: {  	[simem:s7], [sflag:s8] =	dma.local @!p0 [hbm:s6], $0xF7A  }
0x23: {  	s9 =	sor.u32 $0xD0000000, s2;
	s6 =	simm.s32 $0x108;
	_ =	swait.ge @!p0 [sflag:s8], $0x0  }
0x24: {  	s3 =	sadd.s32 $0x88, s3;
	s6 =	simm.s32 @!p1 $0x1082;
	[sflag:s4] =	ssyncset.s32 $0xFFFFF086  }
0x25: {  	[simem:s6], [sflag:s4] =	dma.local [hbm:s3], $0xF7A  }
0x26: {  	[smem:$0x3F9F] =	sst s1;
	(tag) =	ssettag s2;
	_ =	strace s9  }
0x27: {  	s1 =	sld [smem:$0x3FAF]  }
0x28: {  	s2 =	sld [smem:$0x3FB0]  }
0x29: {  	s4 =	sld [smem:$0x3FB2]  }
0x2a: {  	p0 =	seq.s32 s5, $0x0;
	s5 =	sld [smem:$0x3FB3]  }
0x2b: {  	s6 =	sld [smem:$0x3FB4]  }
0x2c: {  	s7 =	sld [smem:$0x3FB5]  }
0x2d: {  	s3 =	simm.s32 $0x108;
	s8 =	sld [smem:$0x3FB6]  }
0x2e: {  	s3 =	simm.s32 @!p0 $0x1082;
	s9 =	sld [smem:$0x3FB7]  }
0x2f: {  	lr =	sadd.s32 s0, s3;
	s0 =	sld [smem:$0x3FAE]  }
0x30: {  	s3 =	sld [smem:$0x3FB1]  }
0x31: {  	[smem:$0x3FBA] =	sst s10  }
0x32: {  	s10 =	sld [smem:$0x3FB8];
	_ =	sdelay $0x3  }
0x33: {  	p0 =	seq.s32 s10, $0x1;
	s10 =	sld [smem:$0x3FBA];
	_ =	sdelay $0x3  }
0x34: {  	[smem:$0x3FBA] =	sst s10  }
0x35: {  	s10 =	sld [smem:$0x3FB9];
	_ =	sdelay $0x3  }
0x36: {  	p1 =	seq.s32 s10, $0x1;
	s10 =	sld [smem:$0x3FBA];
	_ =	sdelay $0x3  }
0x37: {  	[smem:$0x3FBA] =	sst s10  }
0x38: {  	s10 =	sld [smem:$0x3FBB]  }
0x39: {  	_ = 	snop;
	(pc) =	sbr.ind lr, $3  }
0x3a: {  	_ = 	snop  }
0x3b: {  	_ = 	snop  }
0x3c: {  	p2 =	seq.s32 s10, $0x1;
	s10 =	sld [smem:$0x3FBA]  }
0x3d: {  	_ =	shalt  }
0x3e: {  	_ =	shalt  }
0x3f: {  	_ =	shalt  }
0x40: {  	_ =	shalt  }
0x41: {  	_ =	shalt  }
0x42: {  	_ =	shalt  }
0x43: {  	_ =	shalt  }
0x44: {  	_ =	shalt  }
0x45: {  	_ =	shalt  }
0x46: {  	_ =	shalt  }
0x47: {  	_ =	shalt  }
0x48: {  	_ =	shalt  }
0x49: {  	_ =	shalt  }
0x4a: {  	_ =	shalt  }
0x4b: {  	_ =	shalt  }
0x4c: {  	_ =	shalt  }
0x4d: {  	_ =	shalt  }
0x4e: {  	_ =	shalt  }
0x4f: {  	_ =	shalt  }
0x50: {  	_ =	shalt  }
0x51: {  	_ =	shalt  }
0x52: {  	_ =	shalt  }
0x53: {  	_ =	shalt  }
0x54: {  	_ =	shalt  }
0x55: {  	_ =	shalt  }
0x56: {  	_ =	shalt  }
0x57: {  	_ =	shalt  }
0x58: {  	_ =	shalt  }
0x59: {  	_ =	shalt  }
0x5a: {  	_ =	shalt  }
0x5b: {  	_ =	shalt  }
0x5c: {  	_ =	shalt  }
0x5d: {  	_ =	shalt  }
0x5e: {  	_ =	shalt  }
0x5f: {  	_ =	shalt  }
0x60: {  	_ =	shalt  }
0x61: {  	_ =	shalt  }
0x62: {  	_ =	shalt  }
0x63: {  	_ =	shalt  }
0x64: {  	_ =	shalt  }
0x65: {  	_ =	shalt  }
0x66: {  	_ =	shalt  }
0x67: {  	_ =	shalt  }
0x68: {  	_ =	shalt  }
0x69: {  	_ =	shalt  }
0x6a: {  	_ =	shalt  }
0x6b: {  	_ =	shalt  }
0x6c: {  	_ =	shalt  }
0x6d: {  	_ =	shalt  }
0x6e: {  	_ =	shalt  }
0x6f: {  	_ =	shalt  }
0x70: {  	_ =	shalt  }
0x71: {  	_ =	shalt  }
0x72: {  	_ =	shalt  }
0x73: {  	_ =	shalt  }
0x74: {  	_ =	shalt  }
0x75: {  	_ =	shalt  }
0x76: {  	_ =	shalt  }
0x77: {  	_ =	shalt  }
0x78: {  	_ =	shalt  }
0x79: {  	_ =	shalt  }
0x7a: {  	_ =	shalt  }
0x7b: {  	_ =	shalt  }
0x7c: {  	_ =	shalt  }
0x7d: {  	_ =	shalt  }
0x7e: {  	_ =	shalt  }
0x7f: {  	_ =	shalt  }
0x80: {  	_ =	shalt  }
0x81: {  	_ =	shalt  }
0x82: {  	_ =	shalt  }
0x83: {  	_ =	shalt  }
0x84: {  	_ =	shalt  }
0x85: {  	_ =	shalt  }
0x86: {  	_ =	shalt  }
0x87: {  	_ =	shalt  }
.Lfunc_end0:
.L_simem_size_0:
called_computation_lowered:
.L_overlay_start_0:
0x88: {  	s2 =	sld [smem:$0x3FD9]  }
0x89: {  	s3 =	sld [smem:$0x3FFE];
	_ =	sdelay $0x1  }
0x8a: {  	s1 =	srdreg.scid  }
0x8b: {  	s0 =	sand.u32 $0x1, s1  }
0x8c: {  	s17 =	sshll.u32 s0, $0xA;
	s2 =	sadd.s32 s3, s2  }
0x8d: {  	s2 =	sadd.s32 s2, s17  }
0x8e: {  	[smem:$0x3FC6] =	sst s2  }
0x8f: {  	_ = 	snop  }
0x90: {  	s2 =	sld [smem:$0x3FC9];
	(tm) =	ssettm $0x1  }
0x91: {  	s18 =	sld [smem:$0x3FFB];
	_ =	sdelay $0x3  }
0x92: {  	_ =	strace s18  }
0x93: {  	s3 =	sld [smem:$0x3FFC];
	_ =	sdelay $0x3  }
0x94: {  	_ =	strace s3  }
0x95: {  	s3 =	sld [smem:$0x3FFD];
	_ =	sdelay $0x3  }
0x96: {  	_ =	strace s3  }
0x97: {  	_ =	strace $0x8FFFFFFF  }
0x98: {  	s19 =	sld [smem:$0x3FDB];
	_ =	sdelay $0x1  }
0x99: {  	s4 =	simm.s32 $_scs_section_size  }
0x9a: {  	s5 =	simm.s32 $_size__tile_overlayer_lowered;
	s6 =	simm.s32 $_tile_overlayer_lowered  }
0x9b: {  	s22 =	simm.s32 $0x1BFF;
	s21 =	sshll.u32 s6, $0x1;
	s3 =	sadd.s32 s4, s19  }
0x9c: {  	s7 =	simm.s32 $0x0;
	s20 =	sshll.u32 s5, $0x1;
	s5 =	sadd.s32 s21, s3  }
0x9d: {  	[timem:s7], [sflag:s22] =	dma.local [hbm:s5], s20  }
0x9e: {  	_ =	swait.ge [sflag:s22], s20  }
0x9f: {  	s4 =	ssub.s32 $0x0, s20;
	[sflag:s22] =	ssyncset.done $0x0  }
0xa0: {  	[sflag:s22] =	ssyncadd.s32 s4;
	_ =	sdelay $0x1  }
0xa1: {  	s23 =	simm.s32 $0x1B8B  }
0xa2: {  	_ =	swait.ge [sflag:s23], $0x1  }
0xa3: {  	[sflag:s23] =	ssyncset.done $0x0  }
0xa4: {  	s25 =	simm.s32 $0x1B8E;
	s24 =	sld [smem:$0x3FFE];
	[sflag:s23] =	ssyncadd.s32 $0xFFFFFFFF  }
0xa5: {  	s26 =	simm.s32 $execute0_lowered;
	[smem:$0x3FD2] =	sst s25  }
0xa6: {  	s5 =	sshll.u32 s26, $0x1;
	_ =	strace $0x80000046;
	[dreg:$0x1] =	wrdreg $0xFFFFFFFF  }
0xa7: {  	s28 =	simm.s32 $_size_execute0_lowered;
	s3 =	sadd.s32 s3, s5;
	[dreg:$0x0] =	wrdreg $0x0  }
0xa8: {  	s5 =	sshll.u32 s28, $0x1;
	[dreg:$0x2] =	wrdreg s3  }
0xa9: {  	[dreg:$0x3] =	wrdreg s5  }
0xaa: {  	[dreg:$0x4] =	wrdreg $0xC0  }
0xab: {  	_ =	task [dreg:s7], $0x5FFFF  }
0xac: {  	[dreg:$0x1] =	wrdreg $0xFFFFFFFF  }
0xad: {  	[dreg:$0x0] =	wrdreg $0x60  }
0xae: {  	[dreg:$0x2] =	wrdreg s2  }
0xaf: {  	[dreg:$0x3] =	wrdreg s24  }
0xb0: {  	[dreg:$0x4] =	wrdreg $0x9  }
0xb1: {  	_ =	task.clear_ibuf [dreg:s7], $0x5FFFF;
	_ =	strace $0x90000046  }
0xb2: {  	s29 =	simm.s32 $0x9;
	_ =	strace $0x80000048  }
0xb3: {  	_ =	swait.ge [sflag:s29], $0x1  }
0xb4: {  	[sflag:s29] =	ssyncadd.s32 $0xFFFFFFFF  }
0xb5: {  	_ =	strace $0x90000048  }
0xb6: {  	_ =	sfence  }
0xb7: {  	s30 =	sld [smem:$0x0];
	_ =	sdelay $0x2  }
0xb8: {  	s31 =	sshll.u32 s1, $0xD;
	s1 =	sshrl.u32 s1, $0x2  }
0xb9: {  	s3 =	sand.u32 $0x4000, s31;
	s1 =	sadd.s32 s1, s30  }
0xba: {  	s0 =	sor.u32 s3, s0;
	s1 =	sshll.u32 s1, $0x11  }
0xbb: {  	s0 =	sor.u32 s1, s0  }
0xbc: {  	s0 =	sadd.s32 $0x8F2B, s0  }
0xbd: {  	[sflag:s0] =	ssyncadd.remote.s32 $0x1  }
0xbe: {  	_ =	sfence.sel $0xFFFF  }
0xbf: {  	[dreg:$0x0] =	wrdreg $0xFFFFFFFF;
	(pc) =	sbr.abs _section_cstart, $3  }
0xc0: {  	[dreg:$0x1] =	wrdreg $0xFFFFFFFF  }
0xc1: {  	_ =	task.clear_ibuf [dreg:s7], $0x2FFFF;
	_ =	strace $0x9FFFFFFF  }
0xc2: {  	(tm) =	ssettm $0x7FFFFFFF  }
0xc3: {  	_ =	shalt  }
tec
execute0_lowered:
.L_overlay_start_1:
0x0: {  	(tag) =	ssettag $0x1  }
0x1: {  	s0 =	rddreg [dreg:$0x0]  }
0x2: {  	v1 =	vlaneseq.u32;
	s5 =	rddreg [dreg:$0x1];
	s3 =	simm.s32 $0x0  }
0x3: {  	[smem:$0x7FF] =	sst s3;
	v0 =	vadd.s32 $0x7A, v1  }
0x4: {  	s1 =	rddreg [dreg:$0x2];
	v3 =	vadd.s32 $0x78, v1;
	_ =	strace $0x80000047;
	[tilespmem:$0x1FC10] =	vst v0  }
0x5: {  	v5 =	vadd.s32 $0x2, v1;
	[tilespmem:$0x1FC40] =	vst v3  }
0x6: {  	v6 =	vadd.s32 $0x4, v1;
	[tilespmem:$0x1FC50] =	vst v5  }
0x7: {  	v7 =	vadd.s32 $0x6, v1;
	[tilespmem:$0x1FC60] =	vst v6  }
0x8: {  	v8 =	vadd.s32 $0x8, v1;
	[tilespmem:$0x1FC70] =	vst v7  }
0x9: {  	v9 =	vadd.s32 $0xA, v1;
	[tilespmem:$0x1FC80] =	vst v8  }
0xa: {  	v10 =	vadd.s32 $0xC, v1;
	[tilespmem:$0x1FC90] =	vst v9  }
0xb: {  	v11 =	vadd.s32 $0xE, v1;
	[tilespmem:$0x1FCA0] =	vst v10  }
0xc: {  	v12 =	vor.u32 $0x10, v1;
	[tilespmem:$0x1FCB0] =	vst v11  }
0xd: {  	v13 =	vadd.s32 $0x12, v1;
	[tilespmem:$0x1FCC0] =	vst v12  }
0xe: {  	v14 =	vadd.s32 $0x14, v1;
	[tilespmem:$0x1FCD0] =	vst v13  }
0xf: {  	v15 =	vadd.s32 $0x16, v1;
	[tilespmem:$0x1FCE0] =	vst v14  }
0x10: {  	v16 =	vadd.s32 $0x18, v1;
	[tilespmem:$0x1FCF0] =	vst v15  }
0x11: {  	v17 =	vadd.s32 $0x1A, v1;
	[tilespmem:$0x1FD00] =	vst v16  }
0x12: {  	v18 =	vadd.s32 $0x1C, v1;
	[tilespmem:$0x1FD10] =	vst v17  }
0x13: {  	v19 =	vadd.s32 $0x1E, v1;
	[tilespmem:$0x1FD20] =	vst v18  }
0x14: {  	v20 =	vor.u32 $0x20, v1;
	[tilespmem:$0x1FD30] =	vst v19  }
0x15: {  	v21 =	vadd.s32 $0x22, v1;
	[tilespmem:$0x1FD40] =	vst v20  }
0x16: {  	v22 =	vadd.s32 $0x24, v1;
	[tilespmem:$0x1FD50] =	vst v21  }
0x17: {  	v23 =	vadd.s32 $0x26, v1;
	[tilespmem:$0x1FD60] =	vst v22  }
0x18: {  	v24 =	vadd.s32 $0x28, v1;
	[tilespmem:$0x1FD70] =	vst v23  }
0x19: {  	v25 =	vadd.s32 $0x2A, v1;
	[tilespmem:$0x1FD80] =	vst v24  }
0x1a: {  	v26 =	vadd.s32 $0x2C, v1;
	[tilespmem:$0x1FD90] =	vst v25  }
0x1b: {  	v27 =	vadd.s32 $0x2E, v1;
	[tilespmem:$0x1FDA0] =	vst v26  }
0x1c: {  	v28 =	vor.u32 $0x30, v1;
	[tilespmem:$0x1FDB0] =	vst v27  }
0x1d: {  	v29 =	vadd.s32 $0x32, v1;
	[tilespmem:$0x1FDC0] =	vst v28  }
0x1e: {  	v30 =	vadd.s32 $0x34, v1;
	[tilespmem:$0x1FDD0] =	vst v29  }
0x1f: {  	v31 =	vadd.s32 $0x36, v1;
	[tilespmem:$0x1FDE0] =	vst v30  }
0x20: {  	v32 =	vadd.s32 $0x38, v1;
	[tilespmem:$0x1FDF0] =	vst v31  }
0x21: {  	v33 =	vadd.s32 $0x3A, v1;
	[tilespmem:$0x1FE00] =	vst v32  }
0x22: {  	v34 =	vadd.s32 $0x3C, v1;
	[tilespmem:$0x1FE10] =	vst v33  }
0x23: {  	v35 =	vadd.s32 $0x3E, v1;
	[tilespmem:$0x1FE20] =	vst v34  }
0x24: {  	v36 =	vor.u32 $0x40, v1;
	[tilespmem:$0x1FE30] =	vst v35  }
0x25: {  	v37 =	vadd.s32 $0x42, v1;
	[tilespmem:$0x1FE40] =	vst v36  }
0x26: {  	v38 =	vadd.s32 $0x44, v1;
	[tilespmem:$0x1FE50] =	vst v37  }
0x27: {  	v39 =	vadd.s32 $0x46, v1;
	[tilespmem:$0x1FE60] =	vst v38  }
0x28: {  	v40 =	vadd.s32 $0x48, v1;
	[tilespmem:$0x1FE70] =	vst v39  }
0x29: {  	v41 =	vadd.s32 $0x4A, v1;
	[tilespmem:$0x1FE80] =	vst v40  }
0x2a: {  	v42 =	vadd.s32 $0x4C, v1;
	[tilespmem:$0x1FE90] =	vst v41  }
0x2b: {  	v43 =	vadd.s32 $0x4E, v1;
	[tilespmem:$0x1FEA0] =	vst v42  }
0x2c: {  	v44 =	vor.u32 $0x50, v1;
	[tilespmem:$0x1FEB0] =	vst v43  }
0x2d: {  	v45 =	vadd.s32 $0x52, v1;
	[tilespmem:$0x1FEC0] =	vst v44  }
0x2e: {  	v46 =	vadd.s32 $0x54, v1;
	[tilespmem:$0x1FED0] =	vst v45  }
0x2f: {  	v47 =	vadd.s32 $0x56, v1;
	[tilespmem:$0x1FEE0] =	vst v46  }
0x30: {  	v48 =	vadd.s32 $0x58, v1;
	[tilespmem:$0x1FEF0] =	vst v47  }
0x31: {  	v49 =	vadd.s32 $0x5A, v1;
	[tilespmem:$0x1FF00] =	vst v48  }
0x32: {  	v50 =	vadd.s32 $0x5C, v1;
	[tilespmem:$0x1FF10] =	vst v49  }
0x33: {  	v51 =	vadd.s32 $0x5E, v1;
	[tilespmem:$0x1FF20] =	vst v50  }
0x34: {  	v52 =	vor.u32 $0x60, v1;
	[tilespmem:$0x1FF30] =	vst v51  }
0x35: {  	v53 =	vadd.s32 $0x62, v1;
	[tilespmem:$0x1FF40] =	vst v52  }
0x36: {  	v54 =	vadd.s32 $0x64, v1;
	[tilespmem:$0x1FF50] =	vst v53  }
0x37: {  	v55 =	vadd.s32 $0x66, v1;
	[tilespmem:$0x1FF60] =	vst v54  }
0x38: {  	v56 =	vadd.s32 $0x68, v1;
	[tilespmem:$0x1FF70] =	vst v55  }
0x39: {  	v57 =	vadd.s32 $0x6A, v1;
	[tilespmem:$0x1FF80] =	vst v56  }
0x3a: {  	s4 =	srdreg.scid;
	v58 =	vadd.s32 $0x6C, v1;
	[tilespmem:$0x1FF90] =	vst v57  }
0x3b: {  	s2 =	stileid.u32;
	s11 =	simm.s32 $0x7A5400;
	s12 =	simm.s32 $0x1;
	v59 =	vadd.s32 $0x6E, v1;
	[tilespmem:$0x1FFA0] =	vst v58  }
0x3c: {  	s13 =	simm.s32 $0x4000;
	s14 =	simm.s32 $0x8000;
	s15 =	simm.s32 $0x2;
	v60 =	vor.u32 $0x70, v1;
	[tilespmem:$0x1FFB0] =	vst v59  }
0x3d: {  	s16 =	simm.s32 $0xC000;
	s4 =	sand.u32 $0x1, s4;
	s6 =	sshll.u32 s2, $0x1;
	v61 =	vadd.s32 $0x72, v1;
	[tilespmem:$0x1FFC0] =	vst v60  }
0x3e: {  	s17 =	simm.s32 $0x3;
	s18 =	simm.s32 $0x4;
	v62 =	vadd.s32 $0x74, v1;
	s8 =	sor.u32 s4, s6;
	[tilespmem:$0x1FFD0] =	vst v61  }
0x3f: {  	s19 =	simm.s32 $0x0;
	v63 =	vadd.s32 $0x76, v1;
	s31 =	ssub.s32 $0x2, s4;
	[tilespmem:$0x1FFE0] =	vst v62;
	s4 =	sadd.s32 $0x4, s8  }
0x40: {  	s5 =	sadd.s32 $0x800, s5;
	v0 =	vadd.s32 $0x7C, v1;
	[tilespmem:$0x1FFF0] =	vst v63;
	s7 =	sshrl.u32 s31, $0x1;
	s9 =	sshll.u32 s4, $0x8  }
0x41: {  	[tilespmem:$0x1FC20] =	vst v0;
	v0 =	vadd.s32 $0x7E, v1;
	s10 =	ssub.s32 s31, s7;
	s7 =	sadd.s32 $0x44, s8;
	s8 =	sadd.s32 $0x24, s8  }
0x42: {  	[tilespmem:$0x1FC30] =	vst v0;
	s6 =	sadd.s32 s0, s9;
	s9 =	smax.u32 s10, $0x1;
	s10 =	simm.s32 $0x800  }
.LBB2_1:
0x43: {  	[tilespmem:s3], [sflag:$0x1] =	stream.strided.gather [hbm4b:s6+s10], $0x4000, s11, s10, $0x38;
	[tilespmem:$0x10000] =	vst v63  }
0x44: {  	s20 =	simm.s32 $0x0  }
.LBB2_2:
0x45: {  	s22 =	sshll.u32 s20, $0x6  }
0x46: {  	s21 =	sadd.s32 s22, s8  }
0x47: {  	_ =	swait.ge [sflag:s12], $0x4000;
	p0 =	seq.s32 s20, $0x0;
	s21 =	smin.u32 s21, $0xF46  }
0x48: {  	s29 =	simm.s32 $0x0;
	[sflag:s12] =	ssyncset.done $0x0;
	s23 =	sshll.u32 s21, $0x8  }
0x49: {  	s24 =	simm.s32 @!p0 $0x3;
	[sflag:s12] =	ssyncadd.s32 $0xFFFFC000;
	s23 =	sadd.s32 s0, s23  }
0x4a: {  	[tilespmem:s13], [sflag:$0x2] =	stream.strided.gather [hbm4b:s23+s10], $0x4000, s11, s10, $0x38;
	[tilespmem:$0x10000] =	vst v63  }
0x4b: {  	v0 =	vor.u32 s29, v1;
	_ =	swait.ge @!p0 [sflag:s24], $0x4000  }
0x4c: {  	s25 =	sand.u32 $0x70, s29;
	s26 =	sand.u32 $0x400, s29;
	v1 =	vshll.u32 v0, $0x6;
	[sflag:s24] =	ssyncset.done @!p0 $0x0  }
0x4d: {  	v2 =	vand.u32 $0x7F, v0;
	s30 =	sor.u32 s25, s26;
	v0 =	vand.u32 $0x3F80, v1;
	[sflag:s24] =	ssyncadd.s32 @!p0 $0xFFFFC000  }
0x4e: {  	v2 =	vor.u32 v2, v0;
	v4 =	vld [tilespmem:s30+$0x0];
	_ =	sdelay $0x3  }
0x4f: {  	v1 =	vadd.s32 s29, v5  }
0x50: {  	v1 =	vand.u32 $0x7F, v1;
	[tilespmem:v2+s14+$0x0] =	vst.idx.msk $0xffff, v4  }
0x51: {  	v1 =	vor.u32 v1, v0;
	v4 =	vld [tilespmem:s30+$0x80];
	_ =	sdelay $0x3  }
0x52: {  	v2 =	vadd.s32 s29, v6  }
0x53: {  	[tilespmem:v1+s14+$0x0] =	vst.idx.msk $0xffff, v4;
	v1 =	vand.u32 $0x7F, v2  }
0x54: {  	v4 =	vld [tilespmem:s30+$0x100];
	v1 =	vor.u32 v1, v0;
	_ =	sdelay $0x3  }
0x55: {  	v2 =	vadd.s32 s29, v7  }
0x56: {  	[tilespmem:v1+s14+$0x0] =	vst.idx.msk $0xffff, v4;
	v1 =	vand.u32 $0x7F, v2  }
0x57: {  	v4 =	vld [tilespmem:s30+$0x180];
	v1 =	vor.u32 v1, v0;
	_ =	sdelay $0x3  }
0x58: {  	v2 =	vadd.s32 s29, v8  }
0x59: {  	[tilespmem:v1+s14+$0x0] =	vst.idx.msk $0xffff, v4;
	v1 =	vand.u32 $0x7F, v2  }
0x5a: {  	v4 =	vld [tilespmem:s30+$0x200];
	v1 =	vor.u32 v1, v0;
	_ =	sdelay $0x3  }
0x5b: {  	v2 =	vadd.s32 s29, v9  }
0x5c: {  	[tilespmem:v1+s14+$0x0] =	vst.idx.msk $0xffff, v4;
	v1 =	vand.u32 $0x7F, v2  }
0x5d: {  	v4 =	vld [tilespmem:s30+$0x280];
	v1 =	vor.u32 v1, v0;
	_ =	sdelay $0x4  }
0x5e: {  	v2 =	vadd.s32 s29, v10;
	[tilespmem:v1+s14+$0x0] =	vst.idx.msk $0xffff, v4  }
0x5f: {  	v1 =	vand.u32 $0x7F, v2;
	v2 =	vld [tilespmem:s30+$0x300];
	_ =	sdelay $0x4  }
0x60: {  	[tilespmem:$0x1FC00] =	vst v2  }
0x61: {  	v1 =	vor.u32 v1, v0;
	v4 =	vld [tilespmem:$0x1FC00];
	_ =	sdelay $0x3  }
0x62: {  	s31 =	sor.u32 s29, s29;
	v2 =	vadd.s32 s29, v11  }
0x63: {  	s25 =	sor.u32 $0x380, s31;
	[tilespmem:v1+s14+$0x0] =	vst.idx.msk $0xffff, v4;
	v1 =	vand.u32 $0x7F, v2  }
0x64: {  	v4 =	vld [tilespmem:s25+$0x0];
	v1 =	vor.u32 v1, v0;
	_ =	sdelay $0x3  }
0x65: {  	v2 =	vadd.s32 s29, v12  }
0x66: {  	[tilespmem:v1+s14+$0x0] =	vst.idx.msk $0xffff, v4;
	v1 =	vand.u32 $0x7F, v2  }
0x67: {  	v4 =	vld [tilespmem:s30+$0x800];
	v1 =	vor.u32 v1, v0;
	_ =	sdelay $0x3  }
0x68: {  	v2 =	vadd.s32 s29, v13  }
0x69: {  	[tilespmem:v1+s14+$0x0] =	vst.idx.msk $0xffff, v4;
	v1 =	vand.u32 $0x7F, v2  }
0x6a: {  	v4 =	vld [tilespmem:s30+$0x880];
	v1 =	vor.u32 v1, v0;
	_ =	sdelay $0x3  }
0x6b: {  	v2 =	vadd.s32 s29, v14  }
0x6c: {  	[tilespmem:v1+s14+$0x0] =	vst.idx.msk $0xffff, v4;
	v1 =	vand.u32 $0x7F, v2  }
0x6d: {  	v4 =	vld [tilespmem:s30+$0x900];
	v1 =	vor.u32 v1, v0;
	_ =	sdelay $0x3  }
0x6e: {  	v2 =	vadd.s32 s29, v15  }
0x6f: {  	[tilespmem:v1+s14+$0x0] =	vst.idx.msk $0xffff, v4;
	v1 =	vand.u32 $0x7F, v2  }
0x70: {  	v4 =	vld [tilespmem:s30+$0x980];
	v1 =	vor.u32 v1, v0;
	_ =	sdelay $0x3  }
0x71: {  	v2 =	vadd.s32 s29, v16  }
0x72: {  	[tilespmem:v1+s14+$0x0] =	vst.idx.msk $0xffff, v4;
	v1 =	vand.u32 $0x7F, v2  }
0x73: {  	v4 =	vld [tilespmem:s30+$0xA00];
	v1 =	vor.u32 v1, v0;
	_ =	sdelay $0x3  }
0x74: {  	v2 =	vadd.s32 s29, v17  }
0x75: {  	[tilespmem:v1+s14+$0x0] =	vst.idx.msk $0xffff, v4;
	v1 =	vand.u32 $0x7F, v2  }
0x76: {  	v4 =	vld [tilespmem:s30+$0xA80];
	v1 =	vor.u32 v1, v0;
	_ =	sdelay $0x3  }
0x77: {  	v2 =	vadd.s32 s29, v18  }
0x78: {  	[tilespmem:v1+s14+$0x0] =	vst.idx.msk $0xffff, v4;
	v1 =	vand.u32 $0x7F, v2  }
0x79: {  	v4 =	vld [tilespmem:s30+$0xB00];
	v1 =	vor.u32 v1, v0;
	_ =	sdelay $0x3  }
0x7a: {  	v2 =	vadd.s32 s29, v19  }
0x7b: {  	[tilespmem:v1+s14+$0x0] =	vst.idx.msk $0xffff, v4;
	v1 =	vand.u32 $0x7F, v2  }
0x7c: {  	v4 =	vld [tilespmem:s30+$0xB80];
	v1 =	vor.u32 v1, v0;
	_ =	sdelay $0x3  }
0x7d: {  	v2 =	vadd.s32 s29, v20  }
0x7e: {  	[tilespmem:v1+s14+$0x0] =	vst.idx.msk $0xffff, v4;
	v1 =	vand.u32 $0x7F, v2  }
0x7f: {  	v4 =	vld [tilespmem:s30+$0x1000];
	v1 =	vor.u32 v1, v0;
	_ =	sdelay $0x3  }
0x80: {  	v2 =	vadd.s32 s29, v21  }
0x81: {  	[tilespmem:v1+s14+$0x0] =	vst.idx.msk $0xffff, v4;
	v1 =	vand.u32 $0x7F, v2  }
0x82: {  	v4 =	vld [tilespmem:s30+$0x1080];
	v1 =	vor.u32 v1, v0;
	_ =	sdelay $0x3  }
0x83: {  	v2 =	vadd.s32 s29, v22  }
0x84: {  	[tilespmem:v1+s14+$0x0] =	vst.idx.msk $0xffff, v4;
	v1 =	vand.u32 $0x7F, v2  }
0x85: {  	v4 =	vld [tilespmem:s30+$0x1100];
	v1 =	vor.u32 v1, v0;
	_ =	sdelay $0x3  }
0x86: {  	v2 =	vadd.s32 s29, v23  }
0x87: {  	[tilespmem:v1+s14+$0x0] =	vst.idx.msk $0xffff, v4;
	v1 =	vand.u32 $0x7F, v2  }
0x88: {  	v4 =	vld [tilespmem:s30+$0x1180];
	v1 =	vor.u32 v1, v0;
	_ =	sdelay $0x3  }
0x89: {  	v2 =	vadd.s32 s29, v24  }
0x8a: {  	[tilespmem:v1+s14+$0x0] =	vst.idx.msk $0xffff, v4;
	v1 =	vand.u32 $0x7F, v2  }
0x8b: {  	v4 =	vld [tilespmem:s30+$0x1200];
	v1 =	vor.u32 v1, v0;
	_ =	sdelay $0x3  }
0x8c: {  	v2 =	vadd.s32 s29, v25  }
0x8d: {  	[tilespmem:v1+s14+$0x0] =	vst.idx.msk $0xffff, v4;
	v1 =	vand.u32 $0x7F, v2  }
0x8e: {  	v4 =	vld [tilespmem:s30+$0x1280];
	v1 =	vor.u32 v1, v0;
	_ =	sdelay $0x3  }
0x8f: {  	v2 =	vadd.s32 s29, v26  }
0x90: {  	[tilespmem:v1+s14+$0x0] =	vst.idx.msk $0xffff, v4;
	v1 =	vand.u32 $0x7F, v2  }
0x91: {  	v4 =	vld [tilespmem:s30+$0x1300];
	v1 =	vor.u32 v1, v0;
	_ =	sdelay $0x3  }
0x92: {  	v2 =	vadd.s32 s29, v27  }
0x93: {  	[tilespmem:v1+s14+$0x0] =	vst.idx.msk $0xffff, v4;
	v1 =	vand.u32 $0x7F, v2  }
0x94: {  	v4 =	vld [tilespmem:s30+$0x1380];
	v1 =	vor.u32 v1, v0;
	_ =	sdelay $0x3  }
0x95: {  	v2 =	vadd.s32 s29, v28  }
0x96: {  	[tilespmem:v1+s14+$0x0] =	vst.idx.msk $0xffff, v4;
	v1 =	vand.u32 $0x7F, v2  }
0x97: {  	v4 =	vld [tilespmem:s30+$0x1800];
	v1 =	vor.u32 v1, v0;
	_ =	sdelay $0x3  }
0x98: {  	v2 =	vadd.s32 s29, v29  }
0x99: {  	[tilespmem:v1+s14+$0x0] =	vst.idx.msk $0xffff, v4;
	v1 =	vand.u32 $0x7F, v2  }
0x9a: {  	v4 =	vld [tilespmem:s30+$0x1880];
	v1 =	vor.u32 v1, v0;
	_ =	sdelay $0x3  }
0x9b: {  	v2 =	vadd.s32 s29, v30  }
0x9c: {  	[tilespmem:v1+s14+$0x0] =	vst.idx.msk $0xffff, v4;
	v1 =	vand.u32 $0x7F, v2  }
0x9d: {  	v4 =	vld [tilespmem:s30+$0x1900];
	v1 =	vor.u32 v1, v0;
	_ =	sdelay $0x3  }
0x9e: {  	v2 =	vadd.s32 s29, v31  }
0x9f: {  	[tilespmem:v1+s14+$0x0] =	vst.idx.msk $0xffff, v4;
	v1 =	vand.u32 $0x7F, v2  }
0xa0: {  	v4 =	vld [tilespmem:s30+$0x1980];
	v1 =	vor.u32 v1, v0;
	_ =	sdelay $0x3  }
0xa1: {  	v2 =	vadd.s32 s29, v32  }
0xa2: {  	[tilespmem:v1+s14+$0x0] =	vst.idx.msk $0xffff, v4;
	v1 =	vand.u32 $0x7F, v2  }
0xa3: {  	v4 =	vld [tilespmem:s30+$0x1A00];
	v1 =	vor.u32 v1, v0;
	_ =	sdelay $0x3  }
0xa4: {  	v2 =	vadd.s32 s29, v33  }
0xa5: {  	[tilespmem:v1+s14+$0x0] =	vst.idx.msk $0xffff, v4;
	v1 =	vand.u32 $0x7F, v2  }
0xa6: {  	v4 =	vld [tilespmem:s30+$0x1A80];
	v1 =	vor.u32 v1, v0;
	_ =	sdelay $0x3  }
0xa7: {  	v2 =	vadd.s32 s29, v34  }
0xa8: {  	[tilespmem:v1+s14+$0x0] =	vst.idx.msk $0xffff, v4;
	v1 =	vand.u32 $0x7F, v2  }
0xa9: {  	v4 =	vld [tilespmem:s30+$0x1B00];
	v1 =	vor.u32 v1, v0;
	_ =	sdelay $0x3  }
0xaa: {  	v2 =	vadd.s32 s29, v35  }
0xab: {  	[tilespmem:v1+s14+$0x0] =	vst.idx.msk $0xffff, v4;
	v1 =	vand.u32 $0x7F, v2  }
0xac: {  	v4 =	vld [tilespmem:s30+$0x1B80];
	v1 =	vor.u32 v1, v0;
	_ =	sdelay $0x3  }
0xad: {  	v2 =	vadd.s32 s29, v36  }
0xae: {  	[tilespmem:v1+s14+$0x0] =	vst.idx.msk $0xffff, v4;
	v1 =	vand.u32 $0x7F, v2  }
0xaf: {  	v4 =	vld [tilespmem:s30+$0x2000];
	v1 =	vor.u32 v1, v0;
	_ =	sdelay $0x3  }
0xb0: {  	v2 =	vadd.s32 s29, v37  }
0xb1: {  	[tilespmem:v1+s14+$0x0] =	vst.idx.msk $0xffff, v4;
	v1 =	vand.u32 $0x7F, v2  }
0xb2: {  	v4 =	vld [tilespmem:s30+$0x2080];
	v1 =	vor.u32 v1, v0;
	_ =	sdelay $0x3  }
0xb3: {  	v2 =	vadd.s32 s29, v38  }
0xb4: {  	[tilespmem:v1+s14+$0x0] =	vst.idx.msk $0xffff, v4;
	v1 =	vand.u32 $0x7F, v2  }
0xb5: {  	v4 =	vld [tilespmem:s30+$0x2100];
	v1 =	vor.u32 v1, v0;
	_ =	sdelay $0x3  }
0xb6: {  	v2 =	vadd.s32 s29, v39  }
0xb7: {  	[tilespmem:v1+s14+$0x0] =	vst.idx.msk $0xffff, v4;
	v1 =	vand.u32 $0x7F, v2  }
0xb8: {  	v4 =	vld [tilespmem:s30+$0x2180];
	v1 =	vor.u32 v1, v0;
	_ =	sdelay $0x3  }
0xb9: {  	v2 =	vadd.s32 s29, v40  }
0xba: {  	[tilespmem:v1+s14+$0x0] =	vst.idx.msk $0xffff, v4;
	v1 =	vand.u32 $0x7F, v2  }
0xbb: {  	v4 =	vld [tilespmem:s30+$0x2200];
	v1 =	vor.u32 v1, v0;
	_ =	sdelay $0x3  }
0xbc: {  	v2 =	vadd.s32 s29, v41  }
0xbd: {  	[tilespmem:v1+s14+$0x0] =	vst.idx.msk $0xffff, v4;
	v1 =	vand.u32 $0x7F, v2  }
0xbe: {  	v4 =	vld [tilespmem:s30+$0x2280];
	v1 =	vor.u32 v1, v0;
	_ =	sdelay $0x3  }
0xbf: {  	v2 =	vadd.s32 s29, v42  }
0xc0: {  	[tilespmem:v1+s14+$0x0] =	vst.idx.msk $0xffff, v4;
	v1 =	vand.u32 $0x7F, v2  }
0xc1: {  	v4 =	vld [tilespmem:s30+$0x2300];
	v1 =	vor.u32 v1, v0;
	_ =	sdelay $0x3  }
0xc2: {  	v2 =	vadd.s32 s29, v43  }
0xc3: {  	[tilespmem:v1+s14+$0x0] =	vst.idx.msk $0xffff, v4;
	v1 =	vand.u32 $0x7F, v2  }
0xc4: {  	v4 =	vld [tilespmem:s30+$0x2380];
	v1 =	vor.u32 v1, v0;
	_ =	sdelay $0x3  }
0xc5: {  	v2 =	vadd.s32 s29, v44  }
0xc6: {  	[tilespmem:v1+s14+$0x0] =	vst.idx.msk $0xffff, v4;
	v1 =	vand.u32 $0x7F, v2  }
0xc7: {  	v4 =	vld [tilespmem:s30+$0x2800];
	v1 =	vor.u32 v1, v0;
	_ =	sdelay $0x3  }
0xc8: {  	v2 =	vadd.s32 s29, v45  }
0xc9: {  	[tilespmem:v1+s14+$0x0] =	vst.idx.msk $0xffff, v4;
	v1 =	vand.u32 $0x7F, v2  }
0xca: {  	v4 =	vld [tilespmem:s30+$0x2880];
	v1 =	vor.u32 v1, v0;
	_ =	sdelay $0x3  }
0xcb: {  	v2 =	vadd.s32 s29, v46  }
0xcc: {  	[tilespmem:v1+s14+$0x0] =	vst.idx.msk $0xffff, v4;
	v1 =	vand.u32 $0x7F, v2  }
0xcd: {  	v4 =	vld [tilespmem:s30+$0x2900];
	v1 =	vor.u32 v1, v0;
	_ =	sdelay $0x3  }
0xce: {  	v2 =	vadd.s32 s29, v47  }
0xcf: {  	[tilespmem:v1+s14+$0x0] =	vst.idx.msk $0xffff, v4;
	v1 =	vand.u32 $0x7F, v2  }
0xd0: {  	v4 =	vld [tilespmem:s30+$0x2980];
	v1 =	vor.u32 v1, v0;
	_ =	sdelay $0x3  }
0xd1: {  	v2 =	vadd.s32 s29, v48  }
0xd2: {  	[tilespmem:v1+s14+$0x0] =	vst.idx.msk $0xffff, v4;
	v1 =	vand.u32 $0x7F, v2  }
0xd3: {  	v4 =	vld [tilespmem:s30+$0x2A00];
	v1 =	vor.u32 v1, v0;
	_ =	sdelay $0x3  }
0xd4: {  	v2 =	vadd.s32 s29, v49  }
0xd5: {  	[tilespmem:v1+s14+$0x0] =	vst.idx.msk $0xffff, v4;
	v1 =	vand.u32 $0x7F, v2  }
0xd6: {  	v4 =	vld [tilespmem:s30+$0x2A80];
	v1 =	vor.u32 v1, v0;
	_ =	sdelay $0x3  }
0xd7: {  	v2 =	vadd.s32 s29, v50  }
0xd8: {  	[tilespmem:v1+s14+$0x0] =	vst.idx.msk $0xffff, v4;
	v1 =	vand.u32 $0x7F, v2  }
0xd9: {  	v4 =	vld [tilespmem:s30+$0x2B00];
	v1 =	vor.u32 v1, v0;
	_ =	sdelay $0x3  }
0xda: {  	v2 =	vadd.s32 s29, v51  }
0xdb: {  	[tilespmem:v1+s14+$0x0] =	vst.idx.msk $0xffff, v4;
	v1 =	vand.u32 $0x7F, v2  }
0xdc: {  	v4 =	vld [tilespmem:s30+$0x2B80];
	v1 =	vor.u32 v1, v0;
	_ =	sdelay $0x3  }
0xdd: {  	v2 =	vadd.s32 s29, v52  }
0xde: {  	[tilespmem:v1+s14+$0x0] =	vst.idx.msk $0xffff, v4;
	v1 =	vand.u32 $0x7F, v2  }
0xdf: {  	v4 =	vld [tilespmem:s30+$0x3000];
	v1 =	vor.u32 v1, v0;
	_ =	sdelay $0x3  }
0xe0: {  	v2 =	vadd.s32 s29, v53  }
0xe1: {  	[tilespmem:v1+s14+$0x0] =	vst.idx.msk $0xffff, v4;
	v1 =	vand.u32 $0x7F, v2  }
0xe2: {  	v4 =	vld [tilespmem:s30+$0x3080];
	v1 =	vor.u32 v1, v0;
	_ =	sdelay $0x3  }
0xe3: {  	v2 =	vadd.s32 s29, v54  }
0xe4: {  	[tilespmem:v1+s14+$0x0] =	vst.idx.msk $0xffff, v4;
	v1 =	vand.u32 $0x7F, v2  }
0xe5: {  	v4 =	vld [tilespmem:s30+$0x3100];
	v1 =	vor.u32 v1, v0;
	_ =	sdelay $0x3  }
0xe6: {  	v2 =	vadd.s32 s29, v55  }
0xe7: {  	[tilespmem:v1+s14+$0x0] =	vst.idx.msk $0xffff, v4;
	v1 =	vand.u32 $0x7F, v2  }
0xe8: {  	v4 =	vld [tilespmem:s30+$0x3180];
	v1 =	vor.u32 v1, v0;
	_ =	sdelay $0x3  }
0xe9: {  	v2 =	vadd.s32 s29, v56  }
0xea: {  	[tilespmem:v1+s14+$0x0] =	vst.idx.msk $0xffff, v4;
	v1 =	vand.u32 $0x7F, v2  }
0xeb: {  	v4 =	vld [tilespmem:s30+$0x3200];
	v1 =	vor.u32 v1, v0;
	_ =	sdelay $0x3  }
0xec: {  	v2 =	vadd.s32 s29, v57  }
0xed: {  	[tilespmem:v1+s14+$0x0] =	vst.idx.msk $0xffff, v4;
	v1 =	vand.u32 $0x7F, v2  }
0xee: {  	v4 =	vld [tilespmem:s30+$0x3280];
	v1 =	vor.u32 v1, v0;
	_ =	sdelay $0x3  }
0xef: {  	v2 =	vadd.s32 s29, v58  }
0xf0: {  	[tilespmem:v1+s14+$0x0] =	vst.idx.msk $0xffff, v4;
	v1 =	vand.u32 $0x7F, v2  }
0xf1: {  	v4 =	vld [tilespmem:s30+$0x3300];
	v1 =	vor.u32 v1, v0;
	_ =	sdelay $0x3  }
0xf2: {  	v2 =	vadd.s32 s29, v59  }
0xf3: {  	[tilespmem:v1+s14+$0x0] =	vst.idx.msk $0xffff, v4;
	v1 =	vand.u32 $0x7F, v2  }
0xf4: {  	v4 =	vld [tilespmem:s30+$0x3380];
	v1 =	vor.u32 v1, v0;
	_ =	sdelay $0x3  }
0xf5: {  	v2 =	vadd.s32 s29, v60  }
0xf6: {  	[tilespmem:v1+s14+$0x0] =	vst.idx.msk $0xffff, v4;
	v1 =	vand.u32 $0x7F, v2  }
0xf7: {  	v4 =	vld [tilespmem:s30+$0x3800];
	v1 =	vor.u32 v1, v0;
	_ =	sdelay $0x3  }
0xf8: {  	v2 =	vadd.s32 s29, v61  }
0xf9: {  	[tilespmem:v1+s14+$0x0] =	vst.idx.msk $0xffff, v4;
	v1 =	vand.u32 $0x7F, v2  }
0xfa: {  	v4 =	vld [tilespmem:s30+$0x3880];
	v1 =	vor.u32 v1, v0;
	_ =	sdelay $0x3  }
0xfb: {  	v2 =	vadd.s32 s29, v62  }
0xfc: {  	[tilespmem:v1+s14+$0x0] =	vst.idx.msk $0xffff, v4;
	v1 =	vand.u32 $0x7F, v2  }
0xfd: {  	v4 =	vld [tilespmem:s30+$0x3900];
	v1 =	vor.u32 v1, v0;
	_ =	sdelay $0x3  }
0xfe: {  	v2 =	vadd.s32 s29, v63  }
0xff: {  	[tilespmem:v1+s14+$0x0] =	vst.idx.msk $0xffff, v4;
	v1 =	vand.u32 $0x7F, v2  }
0x100: {  	v4 =	vld [tilespmem:s30+$0x3980];
	v1 =	vor.u32 v1, v0;
	_ =	sdelay $0x3  }
0x101: {  	v2 =	vadd.s32 s29, v3  }
0x102: {  	[tilespmem:v1+s14+$0x0] =	vst.idx.msk $0xffff, v4;
	v1 =	vand.u32 $0x7F, v2;
	v2 =	vld [tilespmem:$0x1FC10]  }
0x103: {  	v3 =	vld [tilespmem:s30+$0x3A00];
	v1 =	vor.u32 v1, v0;
	_ =	sdelay $0x3  }
0x104: {  	v2 =	vadd.s32 s29, v2  }
0x105: {  	[tilespmem:v1+s14+$0x0] =	vst.idx.msk $0xffff, v3;
	v1 =	vand.u32 $0x7F, v2;
	v2 =	vld [tilespmem:$0x1FC20]  }
0x106: {  	v3 =	vld [tilespmem:s30+$0x3A80];
	v1 =	vor.u32 v1, v0;
	_ =	sdelay $0x3  }
0x107: {  	v2 =	vadd.s32 s29, v2  }
0x108: {  	[tilespmem:v1+s14+$0x0] =	vst.idx.msk $0xffff, v3;
	v1 =	vand.u32 $0x7F, v2;
	v3 =	vld [tilespmem:$0x1FC30]  }
0x109: {  	v2 =	vld [tilespmem:s30+$0x3B00];
	v1 =	vor.u32 v1, v0;
	_ =	sdelay $0x3  }
0x10a: {  	v3 =	vadd.s32 s29, v3  }
0x10b: {  	[tilespmem:v1+s14+$0x0] =	vst.idx.msk $0xffff, v2;
	v2 =	vand.u32 $0x7F, v3  }
0x10c: {  	s23 =	simm.s32 $0x10;
	v2 =	vor.u32 v2, v0;
	v0 =	vlaneseq.u32  }
0x10d: {  	s24 =	simm.s32 $0x80;
	s25 =	simm.s32 $0x20;
	v1 =	vld [tilespmem:s30+$0x3B80];
	v0 =	vor.u32 s23, v0  }
.LBB2_3:
0x10e: {  	_ =	sdelay $0x2  }
0x10f: {  	s26 =	sand.u32 $0x70, s23;
	s28 =	sand.u32 $0x400, s24;
	v3 =	vshll.u32 v0, $0x6  }
0x110: {  	v4 =	vand.u32 $0x7F, v0;
	s26 =	sor.u32 s26, s28;
	v0 =	vand.u32 $0x3F80, v3;
	[tilespmem:v2+s14+$0x0] =	vst.idx.msk $0xffff, v1  }
0x111: {  	v2 =	vor.u32 v4, v0;
	v1 =	vld [tilespmem:s26+$0x0];
	_ =	sdelay $0x3  }
0x112: {  	v3 =	vadd.s32 s23, v5  }
0x113: {  	[tilespmem:v2+s14+$0x0] =	vst.idx.msk $0xffff, v1;
	v1 =	vand.u32 $0x7F, v3  }
0x114: {  	v2 =	vld [tilespmem:s26+$0x80];
	v1 =	vor.u32 v1, v0;
	_ =	sdelay $0x3  }
0x115: {  	v3 =	vadd.s32 s23, v6  }
0x116: {  	[tilespmem:v1+s14+$0x0] =	vst.idx.msk $0xffff, v2;
	v1 =	vand.u32 $0x7F, v3  }
0x117: {  	v2 =	vld [tilespmem:s26+$0x100];
	v1 =	vor.u32 v1, v0;
	_ =	sdelay $0x3  }
0x118: {  	v3 =	vadd.s32 s23, v7  }
0x119: {  	[tilespmem:v1+s14+$0x0] =	vst.idx.msk $0xffff, v2;
	v1 =	vand.u32 $0x7F, v3  }
0x11a: {  	v2 =	vld [tilespmem:s26+$0x180];
	v1 =	vor.u32 v1, v0;
	_ =	sdelay $0x3  }
0x11b: {  	v3 =	vadd.s32 s23, v8  }
0x11c: {  	[tilespmem:v1+s14+$0x0] =	vst.idx.msk $0xffff, v2;
	v1 =	vand.u32 $0x7F, v3  }
0x11d: {  	v2 =	vld [tilespmem:s26+$0x200];
	v1 =	vor.u32 v1, v0;
	_ =	sdelay $0x3  }
0x11e: {  	v3 =	vadd.s32 s23, v9  }
0x11f: {  	[tilespmem:v1+s14+$0x0] =	vst.idx.msk $0xffff, v2;
	v1 =	vand.u32 $0x7F, v3  }
0x120: {  	v2 =	vld [tilespmem:s26+$0x280];
	v1 =	vor.u32 v1, v0;
	_ =	sdelay $0x3  }
0x121: {  	v3 =	vadd.s32 s23, v10  }
0x122: {  	[tilespmem:v1+s14+$0x0] =	vst.idx.msk $0xffff, v2;
	v1 =	vand.u32 $0x7F, v3  }
0x123: {  	v2 =	vld [tilespmem:s26+$0x300];
	v1 =	vor.u32 v1, v0;
	_ =	sdelay $0x3  }
0x124: {  	s31 =	sor.u32 s24, s23;
	v3 =	vadd.s32 s23, v11  }
0x125: {  	s28 =	sor.u32 $0x380, s31;
	[tilespmem:v1+s14+$0x0] =	vst.idx.msk $0xffff, v2;
	v1 =	vand.u32 $0x7F, v3  }
0x126: {  	v2 =	vld [tilespmem:s28+$0x0];
	v1 =	vor.u32 v1, v0;
	_ =	sdelay $0x3  }
0x127: {  	v3 =	vadd.s32 s23, v12  }
0x128: {  	[tilespmem:v1+s14+$0x0] =	vst.idx.msk $0xffff, v2;
	v1 =	vand.u32 $0x7F, v3  }
0x129: {  	v2 =	vld [tilespmem:s26+$0x800];
	v1 =	vor.u32 v1, v0;
	_ =	sdelay $0x3  }
0x12a: {  	v3 =	vadd.s32 s23, v13  }
0x12b: {  	[tilespmem:v1+s14+$0x0] =	vst.idx.msk $0xffff, v2;
	v1 =	vand.u32 $0x7F, v3  }
0x12c: {  	v2 =	vld [tilespmem:s26+$0x880];
	v1 =	vor.u32 v1, v0;
	_ =	sdelay $0x3  }
0x12d: {  	v3 =	vadd.s32 s23, v14  }
0x12e: {  	[tilespmem:v1+s14+$0x0] =	vst.idx.msk $0xffff, v2;
	v1 =	vand.u32 $0x7F, v3  }
0x12f: {  	v2 =	vld [tilespmem:s26+$0x900];
	v1 =	vor.u32 v1, v0;
	_ =	sdelay $0x3  }
0x130: {  	v3 =	vadd.s32 s23, v15  }
0x131: {  	[tilespmem:v1+s14+$0x0] =	vst.idx.msk $0xffff, v2;
	v1 =	vand.u32 $0x7F, v3  }
0x132: {  	v2 =	vld [tilespmem:s26+$0x980];
	v1 =	vor.u32 v1, v0;
	_ =	sdelay $0x3  }
0x133: {  	v3 =	vadd.s32 s23, v16  }
0x134: {  	[tilespmem:v1+s14+$0x0] =	vst.idx.msk $0xffff, v2;
	v1 =	vand.u32 $0x7F, v3  }
0x135: {  	v2 =	vld [tilespmem:s26+$0xA00];
	v1 =	vor.u32 v1, v0;
	_ =	sdelay $0x3  }
0x136: {  	v3 =	vadd.s32 s23, v17  }
0x137: {  	[tilespmem:v1+s14+$0x0] =	vst.idx.msk $0xffff, v2;
	v1 =	vand.u32 $0x7F, v3  }
0x138: {  	v2 =	vld [tilespmem:s26+$0xA80];
	v1 =	vor.u32 v1, v0;
	_ =	sdelay $0x3  }
0x139: {  	v3 =	vadd.s32 s23, v18  }
0x13a: {  	[tilespmem:v1+s14+$0x0] =	vst.idx.msk $0xffff, v2;
	v1 =	vand.u32 $0x7F, v3  }
0x13b: {  	v2 =	vld [tilespmem:s26+$0xB00];
	v1 =	vor.u32 v1, v0;
	_ =	sdelay $0x3  }
0x13c: {  	v3 =	vadd.s32 s23, v19  }
0x13d: {  	[tilespmem:v1+s14+$0x0] =	vst.idx.msk $0xffff, v2;
	v1 =	vand.u32 $0x7F, v3  }
0x13e: {  	v2 =	vld [tilespmem:s26+$0xB80];
	v1 =	vor.u32 v1, v0;
	_ =	sdelay $0x3  }
0x13f: {  	v3 =	vadd.s32 s23, v20  }
0x140: {  	[tilespmem:v1+s14+$0x0] =	vst.idx.msk $0xffff, v2;
	v1 =	vand.u32 $0x7F, v3  }
0x141: {  	v2 =	vld [tilespmem:s26+$0x1000];
	v1 =	vor.u32 v1, v0;
	_ =	sdelay $0x3  }
0x142: {  	v3 =	vadd.s32 s23, v21  }
0x143: {  	[tilespmem:v1+s14+$0x0] =	vst.idx.msk $0xffff, v2;
	v1 =	vand.u32 $0x7F, v3  }
0x144: {  	v2 =	vld [tilespmem:s26+$0x1080];
	v1 =	vor.u32 v1, v0;
	_ =	sdelay $0x3  }
0x145: {  	v3 =	vadd.s32 s23, v22  }
0x146: {  	[tilespmem:v1+s14+$0x0] =	vst.idx.msk $0xffff, v2;
	v1 =	vand.u32 $0x7F, v3  }
0x147: {  	v2 =	vld [tilespmem:s26+$0x1100];
	v1 =	vor.u32 v1, v0;
	_ =	sdelay $0x3  }
0x148: {  	v3 =	vadd.s32 s23, v23  }
0x149: {  	[tilespmem:v1+s14+$0x0] =	vst.idx.msk $0xffff, v2;
	v1 =	vand.u32 $0x7F, v3  }
0x14a: {  	v2 =	vld [tilespmem:s26+$0x1180];
	v1 =	vor.u32 v1, v0;
	_ =	sdelay $0x3  }
0x14b: {  	v3 =	vadd.s32 s23, v24  }
0x14c: {  	[tilespmem:v1+s14+$0x0] =	vst.idx.msk $0xffff, v2;
	v1 =	vand.u32 $0x7F, v3  }
0x14d: {  	v2 =	vld [tilespmem:s26+$0x1200];
	v1 =	vor.u32 v1, v0;
	_ =	sdelay $0x3  }
0x14e: {  	v3 =	vadd.s32 s23, v25  }
0x14f: {  	[tilespmem:v1+s14+$0x0] =	vst.idx.msk $0xffff, v2;
	v1 =	vand.u32 $0x7F, v3  }
0x150: {  	v2 =	vld [tilespmem:s26+$0x1280];
	v1 =	vor.u32 v1, v0;
	_ =	sdelay $0x3  }
0x151: {  	v3 =	vadd.s32 s23, v26  }
0x152: {  	[tilespmem:v1+s14+$0x0] =	vst.idx.msk $0xffff, v2;
	v1 =	vand.u32 $0x7F, v3  }
0x153: {  	v2 =	vld [tilespmem:s26+$0x1300];
	v1 =	vor.u32 v1, v0;
	_ =	sdelay $0x3  }
0x154: {  	v3 =	vadd.s32 s23, v27  }
0x155: {  	[tilespmem:v1+s14+$0x0] =	vst.idx.msk $0xffff, v2;
	v1 =	vand.u32 $0x7F, v3  }
0x156: {  	v2 =	vld [tilespmem:s26+$0x1380];
	v1 =	vor.u32 v1, v0;
	_ =	sdelay $0x3  }
0x157: {  	v3 =	vadd.s32 s23, v28  }
0x158: {  	[tilespmem:v1+s14+$0x0] =	vst.idx.msk $0xffff, v2;
	v1 =	vand.u32 $0x7F, v3  }
0x159: {  	v2 =	vld [tilespmem:s26+$0x1800];
	v1 =	vor.u32 v1, v0;
	_ =	sdelay $0x3  }
0x15a: {  	v3 =	vadd.s32 s23, v29  }
0x15b: {  	[tilespmem:v1+s14+$0x0] =	vst.idx.msk $0xffff, v2;
	v1 =	vand.u32 $0x7F, v3  }
0x15c: {  	v2 =	vld [tilespmem:s26+$0x1880];
	v1 =	vor.u32 v1, v0;
	_ =	sdelay $0x3  }
0x15d: {  	v3 =	vadd.s32 s23, v30  }
0x15e: {  	[tilespmem:v1+s14+$0x0] =	vst.idx.msk $0xffff, v2;
	v1 =	vand.u32 $0x7F, v3  }
0x15f: {  	v2 =	vld [tilespmem:s26+$0x1900];
	v1 =	vor.u32 v1, v0;
	_ =	sdelay $0x3  }
0x160: {  	v3 =	vadd.s32 s23, v31  }
0x161: {  	[tilespmem:v1+s14+$0x0] =	vst.idx.msk $0xffff, v2;
	v1 =	vand.u32 $0x7F, v3  }
0x162: {  	v2 =	vld [tilespmem:s26+$0x1980];
	v1 =	vor.u32 v1, v0;
	_ =	sdelay $0x3  }
0x163: {  	v3 =	vadd.s32 s23, v32  }
0x164: {  	[tilespmem:v1+s14+$0x0] =	vst.idx.msk $0xffff, v2;
	v1 =	vand.u32 $0x7F, v3  }
0x165: {  	v2 =	vld [tilespmem:s26+$0x1A00];
	v1 =	vor.u32 v1, v0;
	_ =	sdelay $0x3  }
0x166: {  	v3 =	vadd.s32 s23, v33  }
0x167: {  	[tilespmem:v1+s14+$0x0] =	vst.idx.msk $0xffff, v2;
	v1 =	vand.u32 $0x7F, v3  }
0x168: {  	v2 =	vld [tilespmem:s26+$0x1A80];
	v1 =	vor.u32 v1, v0;
	_ =	sdelay $0x3  }
0x169: {  	v3 =	vadd.s32 s23, v34  }
0x16a: {  	[tilespmem:v1+s14+$0x0] =	vst.idx.msk $0xffff, v2;
	v1 =	vand.u32 $0x7F, v3  }
0x16b: {  	v2 =	vld [tilespmem:s26+$0x1B00];
	v1 =	vor.u32 v1, v0;
	_ =	sdelay $0x3  }
0x16c: {  	v3 =	vadd.s32 s23, v35  }
0x16d: {  	[tilespmem:v1+s14+$0x0] =	vst.idx.msk $0xffff, v2;
	v1 =	vand.u32 $0x7F, v3  }
0x16e: {  	v2 =	vld [tilespmem:s26+$0x1B80];
	v1 =	vor.u32 v1, v0;
	_ =	sdelay $0x3  }
0x16f: {  	v3 =	vadd.s32 s23, v36  }
0x170: {  	[tilespmem:v1+s14+$0x0] =	vst.idx.msk $0xffff, v2;
	v1 =	vand.u32 $0x7F, v3  }
0x171: {  	v2 =	vld [tilespmem:s26+$0x2000];
	v1 =	vor.u32 v1, v0;
	_ =	sdelay $0x3  }
0x172: {  	v3 =	vadd.s32 s23, v37  }
0x173: {  	[tilespmem:v1+s14+$0x0] =	vst.idx.msk $0xffff, v2;
	v1 =	vand.u32 $0x7F, v3  }
0x174: {  	v2 =	vld [tilespmem:s26+$0x2080];
	v1 =	vor.u32 v1, v0;
	_ =	sdelay $0x3  }
0x175: {  	v3 =	vadd.s32 s23, v38  }
0x176: {  	[tilespmem:v1+s14+$0x0] =	vst.idx.msk $0xffff, v2;
	v1 =	vand.u32 $0x7F, v3  }
0x177: {  	v2 =	vld [tilespmem:s26+$0x2100];
	v1 =	vor.u32 v1, v0;
	_ =	sdelay $0x3  }
0x178: {  	v3 =	vadd.s32 s23, v39  }
0x179: {  	[tilespmem:v1+s14+$0x0] =	vst.idx.msk $0xffff, v2;
	v1 =	vand.u32 $0x7F, v3  }
0x17a: {  	v2 =	vld [tilespmem:s26+$0x2180];
	v1 =	vor.u32 v1, v0;
	_ =	sdelay $0x3  }
0x17b: {  	v3 =	vadd.s32 s23, v40  }
0x17c: {  	[tilespmem:v1+s14+$0x0] =	vst.idx.msk $0xffff, v2;
	v1 =	vand.u32 $0x7F, v3  }
0x17d: {  	v2 =	vld [tilespmem:s26+$0x2200];
	v1 =	vor.u32 v1, v0;
	_ =	sdelay $0x3  }
0x17e: {  	v3 =	vadd.s32 s23, v41  }
0x17f: {  	[tilespmem:v1+s14+$0x0] =	vst.idx.msk $0xffff, v2;
	v1 =	vand.u32 $0x7F, v3  }
0x180: {  	v2 =	vld [tilespmem:s26+$0x2280];
	v1 =	vor.u32 v1, v0;
	_ =	sdelay $0x3  }
0x181: {  	v3 =	vadd.s32 s23, v42  }
0x182: {  	[tilespmem:v1+s14+$0x0] =	vst.idx.msk $0xffff, v2;
	v1 =	vand.u32 $0x7F, v3  }
0x183: {  	v2 =	vld [tilespmem:s26+$0x2300];
	v1 =	vor.u32 v1, v0;
	_ =	sdelay $0x3  }
0x184: {  	v3 =	vadd.s32 s23, v43  }
0x185: {  	[tilespmem:v1+s14+$0x0] =	vst.idx.msk $0xffff, v2;
	v1 =	vand.u32 $0x7F, v3  }
0x186: {  	v2 =	vld [tilespmem:s26+$0x2380];
	v1 =	vor.u32 v1, v0;
	_ =	sdelay $0x3  }
0x187: {  	v3 =	vadd.s32 s23, v44  }
0x188: {  	[tilespmem:v1+s14+$0x0] =	vst.idx.msk $0xffff, v2;
	v1 =	vand.u32 $0x7F, v3  }
0x189: {  	v2 =	vld [tilespmem:s26+$0x2800];
	v1 =	vor.u32 v1, v0;
	_ =	sdelay $0x3  }
0x18a: {  	v3 =	vadd.s32 s23, v45  }
0x18b: {  	[tilespmem:v1+s14+$0x0] =	vst.idx.msk $0xffff, v2;
	v1 =	vand.u32 $0x7F, v3  }
0x18c: {  	v2 =	vld [tilespmem:s26+$0x2880];
	v1 =	vor.u32 v1, v0;
	_ =	sdelay $0x3  }
0x18d: {  	v3 =	vadd.s32 s23, v46  }
0x18e: {  	[tilespmem:v1+s14+$0x0] =	vst.idx.msk $0xffff, v2;
	v1 =	vand.u32 $0x7F, v3  }
0x18f: {  	v2 =	vld [tilespmem:s26+$0x2900];
	v1 =	vor.u32 v1, v0;
	_ =	sdelay $0x3  }
0x190: {  	v3 =	vadd.s32 s23, v47  }
0x191: {  	[tilespmem:v1+s14+$0x0] =	vst.idx.msk $0xffff, v2;
	v1 =	vand.u32 $0x7F, v3  }
0x192: {  	v2 =	vld [tilespmem:s26+$0x2980];
	v1 =	vor.u32 v1, v0;
	_ =	sdelay $0x3  }
0x193: {  	v3 =	vadd.s32 s23, v48  }
0x194: {  	[tilespmem:v1+s14+$0x0] =	vst.idx.msk $0xffff, v2;
	v1 =	vand.u32 $0x7F, v3  }
0x195: {  	v2 =	vld [tilespmem:s26+$0x2A00];
	v1 =	vor.u32 v1, v0;
	_ =	sdelay $0x3  }
0x196: {  	v3 =	vadd.s32 s23, v49  }
0x197: {  	[tilespmem:v1+s14+$0x0] =	vst.idx.msk $0xffff, v2;
	v1 =	vand.u32 $0x7F, v3  }
0x198: {  	v2 =	vld [tilespmem:s26+$0x2A80];
	v1 =	vor.u32 v1, v0;
	_ =	sdelay $0x3  }
0x199: {  	v3 =	vadd.s32 s23, v50  }
0x19a: {  	[tilespmem:v1+s14+$0x0] =	vst.idx.msk $0xffff, v2;
	v1 =	vand.u32 $0x7F, v3  }
0x19b: {  	v2 =	vld [tilespmem:s26+$0x2B00];
	v1 =	vor.u32 v1, v0;
	_ =	sdelay $0x3  }
0x19c: {  	v3 =	vadd.s32 s23, v51  }
0x19d: {  	[tilespmem:v1+s14+$0x0] =	vst.idx.msk $0xffff, v2;
	v1 =	vand.u32 $0x7F, v3  }
0x19e: {  	v2 =	vld [tilespmem:s26+$0x2B80];
	v1 =	vor.u32 v1, v0;
	_ =	sdelay $0x3  }
0x19f: {  	v3 =	vadd.s32 s23, v52  }
0x1a0: {  	[tilespmem:v1+s14+$0x0] =	vst.idx.msk $0xffff, v2;
	v1 =	vand.u32 $0x7F, v3  }
0x1a1: {  	v2 =	vld [tilespmem:s26+$0x3000];
	v1 =	vor.u32 v1, v0;
	_ =	sdelay $0x3  }
0x1a2: {  	v3 =	vadd.s32 s23, v53  }
0x1a3: {  	[tilespmem:v1+s14+$0x0] =	vst.idx.msk $0xffff, v2;
	v1 =	vand.u32 $0x7F, v3  }
0x1a4: {  	v2 =	vld [tilespmem:s26+$0x3080];
	v1 =	vor.u32 v1, v0;
	_ =	sdelay $0x3  }
0x1a5: {  	v3 =	vadd.s32 s23, v54  }
0x1a6: {  	[tilespmem:v1+s14+$0x0] =	vst.idx.msk $0xffff, v2;
	v1 =	vand.u32 $0x7F, v3  }
0x1a7: {  	v2 =	vld [tilespmem:s26+$0x3100];
	v1 =	vor.u32 v1, v0;
	_ =	sdelay $0x3  }
0x1a8: {  	v3 =	vadd.s32 s23, v55  }
0x1a9: {  	[tilespmem:v1+s14+$0x0] =	vst.idx.msk $0xffff, v2;
	v1 =	vand.u32 $0x7F, v3  }
0x1aa: {  	v2 =	vld [tilespmem:s26+$0x3180];
	v1 =	vor.u32 v1, v0;
	_ =	sdelay $0x3  }
0x1ab: {  	v3 =	vadd.s32 s23, v56  }
0x1ac: {  	[tilespmem:v1+s14+$0x0] =	vst.idx.msk $0xffff, v2;
	v1 =	vand.u32 $0x7F, v3  }
0x1ad: {  	v2 =	vld [tilespmem:s26+$0x3200];
	v1 =	vor.u32 v1, v0;
	_ =	sdelay $0x3  }
0x1ae: {  	v3 =	vadd.s32 s23, v57  }
0x1af: {  	[tilespmem:v1+s14+$0x0] =	vst.idx.msk $0xffff, v2;
	v1 =	vand.u32 $0x7F, v3  }
0x1b0: {  	v2 =	vld [tilespmem:s26+$0x3280];
	v1 =	vor.u32 v1, v0;
	_ =	sdelay $0x3  }
0x1b1: {  	v3 =	vadd.s32 s23, v58  }
0x1b2: {  	[tilespmem:v1+s14+$0x0] =	vst.idx.msk $0xffff, v2;
	v1 =	vand.u32 $0x7F, v3  }
0x1b3: {  	v2 =	vld [tilespmem:s26+$0x3300];
	v1 =	vor.u32 v1, v0;
	_ =	sdelay $0x3  }
0x1b4: {  	v3 =	vadd.s32 s23, v59  }
0x1b5: {  	[tilespmem:v1+s14+$0x0] =	vst.idx.msk $0xffff, v2;
	v1 =	vand.u32 $0x7F, v3  }
0x1b6: {  	v2 =	vld [tilespmem:s26+$0x3380];
	v1 =	vor.u32 v1, v0;
	_ =	sdelay $0x3  }
0x1b7: {  	v3 =	vadd.s32 s23, v60  }
0x1b8: {  	[tilespmem:v1+s14+$0x0] =	vst.idx.msk $0xffff, v2;
	v1 =	vand.u32 $0x7F, v3  }
0x1b9: {  	v2 =	vld [tilespmem:s26+$0x3800];
	v1 =	vor.u32 v1, v0;
	_ =	sdelay $0x3  }
0x1ba: {  	v3 =	vadd.s32 s23, v61  }
0x1bb: {  	[tilespmem:v1+s14+$0x0] =	vst.idx.msk $0xffff, v2;
	v1 =	vand.u32 $0x7F, v3  }
0x1bc: {  	v2 =	vld [tilespmem:s26+$0x3880];
	v1 =	vor.u32 v1, v0;
	_ =	sdelay $0x3  }
0x1bd: {  	v3 =	vadd.s32 s23, v62  }
0x1be: {  	[tilespmem:v1+s14+$0x0] =	vst.idx.msk $0xffff, v2;
	v1 =	vand.u32 $0x7F, v3  }
0x1bf: {  	v2 =	vld [tilespmem:s26+$0x3900];
	v1 =	vor.u32 v1, v0;
	_ =	sdelay $0x3  }
0x1c0: {  	v3 =	vadd.s32 s23, v63  }
0x1c1: {  	[tilespmem:v1+s14+$0x0] =	vst.idx.msk $0xffff, v2;
	v1 =	vand.u32 $0x7F, v3;
	v3 =	vld [tilespmem:$0x1FC40]  }
0x1c2: {  	v2 =	vld [tilespmem:s26+$0x3980];
	v1 =	vor.u32 v1, v0;
	_ =	sdelay $0x3  }
0x1c3: {  	v3 =	vadd.s32 s23, v3  }
0x1c4: {  	[tilespmem:v1+s14+$0x0] =	vst.idx.msk $0xffff, v2;
	v1 =	vand.u32 $0x7F, v3;
	v3 =	vld [tilespmem:$0x1FC10]  }
0x1c5: {  	v2 =	vld [tilespmem:s26+$0x3A00];
	v1 =	vor.u32 v1, v0;
	_ =	sdelay $0x3  }
0x1c6: {  	v3 =	vadd.s32 s23, v3  }
0x1c7: {  	[tilespmem:v1+s14+$0x0] =	vst.idx.msk $0xffff, v2;
	v1 =	vand.u32 $0x7F, v3;
	v3 =	vld [tilespmem:$0x1FC20]  }
0x1c8: {  	v2 =	vld [tilespmem:s26+$0x3A80];
	v1 =	vor.u32 v1, v0;
	_ =	sdelay $0x3  }
0x1c9: {  	v3 =	vadd.s32 s23, v3  }
0x1ca: {  	[tilespmem:v1+s14+$0x0] =	vst.idx.msk $0xffff, v2;
	v1 =	vand.u32 $0x7F, v3;
	v3 =	vld [tilespmem:$0x1FC30]  }
0x1cb: {  	v2 =	vld [tilespmem:s26+$0x3B00];
	v1 =	vor.u32 v1, v0;
	_ =	sdelay $0x1  }
0x1cc: {  	p1 =	sne.s32 s25, $0xF0  }
.Ltmp0:
0x1cd: {  	_ = 	snop;
	(pc) =	sbr.rel @p1 .LBB2_3-.Ltmp0, $4  }
0x1ce: {  	v3 =	vadd.s32 s23, v3  }
0x1cf: {  	[tilespmem:v1+s14+$0x0] =	vst.idx.msk $0xffff, v2;
	v2 =	vand.u32 $0x7F, v3  }
0x1d0: {  	s23 =	smov.u32 s25;
	v2 =	vor.u32 v2, v0;
	v0 =	vlaneseq.u32  }
0x1d1: {  	s24 =	sadd.s32 $0x80, s24;
	s25 =	sadd.s32 $0x10, s25;
	v1 =	vld [tilespmem:s26+$0x3B80];
	v0 =	vor.u32 s23, v0  }
0x1d2: {  	_ =	sdelay $0x2  }
0x1d3: {  	s25 =	sand.u32 $0x70, s23;
	s26 =	sand.u32 $0x400, s24;
	v3 =	vshll.u32 v0, $0x6  }
0x1d4: {  	v4 =	vand.u32 $0x7F, v0;
	s25 =	sor.u32 s25, s26;
	v0 =	vand.u32 $0x3F80, v3;
	[tilespmem:v2+s14+$0x0] =	vst.idx.msk $0xffff, v1  }
0x1d5: {  	v2 =	vor.u32 v4, v0;
	v1 =	vld [tilespmem:s25+$0x0];
	_ =	sdelay $0x3  }
0x1d6: {  	v3 =	vadd.s32 s23, v5  }
0x1d7: {  	[tilespmem:v2+s14+$0x0] =	vst.idx.msk $0xffff, v1;
	v1 =	vand.u32 $0x7F, v3  }
0x1d8: {  	v2 =	vld [tilespmem:s25+$0x80];
	v1 =	vor.u32 v1, v0;
	_ =	sdelay $0x3  }
0x1d9: {  	v3 =	vadd.s32 s23, v6  }
0x1da: {  	[tilespmem:v1+s14+$0x0] =	vst.idx.msk $0xffff, v2;
	v1 =	vand.u32 $0x7F, v3  }
0x1db: {  	v2 =	vld [tilespmem:s25+$0x100];
	v1 =	vor.u32 v1, v0;
	_ =	sdelay $0x3  }
0x1dc: {  	v3 =	vadd.s32 s23, v7  }
0x1dd: {  	[tilespmem:v1+s14+$0x0] =	vst.idx.msk $0xffff, v2;
	v1 =	vand.u32 $0x7F, v3  }
0x1de: {  	v2 =	vld [tilespmem:s25+$0x180];
	v1 =	vor.u32 v1, v0;
	_ =	sdelay $0x3  }
0x1df: {  	v3 =	vadd.s32 s23, v8  }
0x1e0: {  	[tilespmem:v1+s14+$0x0] =	vst.idx.msk $0xffff, v2;
	v1 =	vand.u32 $0x7F, v3  }
0x1e1: {  	v2 =	vld [tilespmem:s25+$0x200];
	v1 =	vor.u32 v1, v0;
	_ =	sdelay $0x3  }
0x1e2: {  	v3 =	vadd.s32 s23, v9  }
0x1e3: {  	[tilespmem:v1+s14+$0x0] =	vst.idx.msk $0xffff, v2;
	v1 =	vand.u32 $0x7F, v3  }
0x1e4: {  	v2 =	vld [tilespmem:s25+$0x280];
	v1 =	vor.u32 v1, v0;
	_ =	sdelay $0x3  }
0x1e5: {  	v3 =	vadd.s32 s23, v10  }
0x1e6: {  	[tilespmem:v1+s14+$0x0] =	vst.idx.msk $0xffff, v2;
	v1 =	vand.u32 $0x7F, v3  }
0x1e7: {  	v2 =	vld [tilespmem:s25+$0x300];
	v1 =	vor.u32 v1, v0;
	_ =	sdelay $0x3  }
0x1e8: {  	s31 =	sor.u32 s24, s23;
	v3 =	vadd.s32 s23, v11  }
0x1e9: {  	s24 =	sor.u32 $0x380, s31;
	[tilespmem:v1+s14+$0x0] =	vst.idx.msk $0xffff, v2;
	v1 =	vand.u32 $0x7F, v3  }
0x1ea: {  	v2 =	vld [tilespmem:s24+$0x0];
	v1 =	vor.u32 v1, v0;
	_ =	sdelay $0x3  }
0x1eb: {  	v3 =	vadd.s32 s23, v12  }
0x1ec: {  	[tilespmem:v1+s14+$0x0] =	vst.idx.msk $0xffff, v2;
	v1 =	vand.u32 $0x7F, v3  }
0x1ed: {  	v2 =	vld [tilespmem:s25+$0x800];
	v1 =	vor.u32 v1, v0;
	_ =	sdelay $0x3  }
0x1ee: {  	v3 =	vadd.s32 s23, v13  }
0x1ef: {  	[tilespmem:v1+s14+$0x0] =	vst.idx.msk $0xffff, v2;
	v1 =	vand.u32 $0x7F, v3  }
0x1f0: {  	v2 =	vld [tilespmem:s25+$0x880];
	v1 =	vor.u32 v1, v0;
	_ =	sdelay $0x3  }
0x1f1: {  	v3 =	vadd.s32 s23, v14  }
0x1f2: {  	[tilespmem:v1+s14+$0x0] =	vst.idx.msk $0xffff, v2;
	v1 =	vand.u32 $0x7F, v3  }
0x1f3: {  	v2 =	vld [tilespmem:s25+$0x900];
	v1 =	vor.u32 v1, v0;
	_ =	sdelay $0x3  }
0x1f4: {  	v3 =	vadd.s32 s23, v15  }
0x1f5: {  	[tilespmem:v1+s14+$0x0] =	vst.idx.msk $0xffff, v2;
	v1 =	vand.u32 $0x7F, v3  }
0x1f6: {  	v2 =	vld [tilespmem:s25+$0x980];
	v1 =	vor.u32 v1, v0;
	_ =	sdelay $0x3  }
0x1f7: {  	v3 =	vadd.s32 s23, v16  }
0x1f8: {  	[tilespmem:v1+s14+$0x0] =	vst.idx.msk $0xffff, v2;
	v1 =	vand.u32 $0x7F, v3  }
0x1f9: {  	v2 =	vld [tilespmem:s25+$0xA00];
	v1 =	vor.u32 v1, v0;
	_ =	sdelay $0x3  }
0x1fa: {  	v3 =	vadd.s32 s23, v17  }
0x1fb: {  	[tilespmem:v1+s14+$0x0] =	vst.idx.msk $0xffff, v2;
	v1 =	vand.u32 $0x7F, v3  }
0x1fc: {  	v2 =	vld [tilespmem:s25+$0xA80];
	v1 =	vor.u32 v1, v0;
	_ =	sdelay $0x3  }
0x1fd: {  	v3 =	vadd.s32 s23, v18  }
0x1fe: {  	[tilespmem:v1+s14+$0x0] =	vst.idx.msk $0xffff, v2;
	v1 =	vand.u32 $0x7F, v3  }
0x1ff: {  	v2 =	vld [tilespmem:s25+$0xB00];
	v1 =	vor.u32 v1, v0;
	_ =	sdelay $0x3  }
0x200: {  	v3 =	vadd.s32 s23, v19  }
0x201: {  	[tilespmem:v1+s14+$0x0] =	vst.idx.msk $0xffff, v2;
	v1 =	vand.u32 $0x7F, v3  }
0x202: {  	v2 =	vld [tilespmem:s25+$0xB80];
	v1 =	vor.u32 v1, v0;
	_ =	sdelay $0x3  }
0x203: {  	v3 =	vadd.s32 s23, v20  }
0x204: {  	[tilespmem:v1+s14+$0x0] =	vst.idx.msk $0xffff, v2;
	v1 =	vand.u32 $0x7F, v3  }
0x205: {  	v2 =	vld [tilespmem:s25+$0x1000];
	v1 =	vor.u32 v1, v0;
	_ =	sdelay $0x3  }
0x206: {  	v3 =	vadd.s32 s23, v21  }
0x207: {  	[tilespmem:v1+s14+$0x0] =	vst.idx.msk $0xffff, v2;
	v1 =	vand.u32 $0x7F, v3  }
0x208: {  	v2 =	vld [tilespmem:s25+$0x1080];
	v1 =	vor.u32 v1, v0;
	_ =	sdelay $0x3  }
0x209: {  	v3 =	vadd.s32 s23, v22  }
0x20a: {  	[tilespmem:v1+s14+$0x0] =	vst.idx.msk $0xffff, v2;
	v1 =	vand.u32 $0x7F, v3  }
0x20b: {  	v2 =	vld [tilespmem:s25+$0x1100];
	v1 =	vor.u32 v1, v0;
	_ =	sdelay $0x3  }
0x20c: {  	v3 =	vadd.s32 s23, v23  }
0x20d: {  	[tilespmem:v1+s14+$0x0] =	vst.idx.msk $0xffff, v2;
	v1 =	vand.u32 $0x7F, v3  }
0x20e: {  	v2 =	vld [tilespmem:s25+$0x1180];
	v1 =	vor.u32 v1, v0;
	_ =	sdelay $0x3  }
0x20f: {  	v3 =	vadd.s32 s23, v24  }
0x210: {  	[tilespmem:v1+s14+$0x0] =	vst.idx.msk $0xffff, v2;
	v1 =	vand.u32 $0x7F, v3  }
0x211: {  	v2 =	vld [tilespmem:s25+$0x1200];
	v1 =	vor.u32 v1, v0;
	_ =	sdelay $0x3  }
0x212: {  	v3 =	vadd.s32 s23, v25  }
0x213: {  	[tilespmem:v1+s14+$0x0] =	vst.idx.msk $0xffff, v2;
	v1 =	vand.u32 $0x7F, v3  }
0x214: {  	v2 =	vld [tilespmem:s25+$0x1280];
	v1 =	vor.u32 v1, v0;
	_ =	sdelay $0x3  }
0x215: {  	v3 =	vadd.s32 s23, v26  }
0x216: {  	[tilespmem:v1+s14+$0x0] =	vst.idx.msk $0xffff, v2;
	v1 =	vand.u32 $0x7F, v3  }
0x217: {  	v2 =	vld [tilespmem:s25+$0x1300];
	v1 =	vor.u32 v1, v0;
	_ =	sdelay $0x3  }
0x218: {  	v3 =	vadd.s32 s23, v27  }
0x219: {  	[tilespmem:v1+s14+$0x0] =	vst.idx.msk $0xffff, v2;
	v1 =	vand.u32 $0x7F, v3  }
0x21a: {  	v2 =	vld [tilespmem:s25+$0x1380];
	v1 =	vor.u32 v1, v0;
	_ =	sdelay $0x3  }
0x21b: {  	v3 =	vadd.s32 s23, v28  }
0x21c: {  	[tilespmem:v1+s14+$0x0] =	vst.idx.msk $0xffff, v2;
	v1 =	vand.u32 $0x7F, v3  }
0x21d: {  	v2 =	vld [tilespmem:s25+$0x1800];
	v1 =	vor.u32 v1, v0;
	_ =	sdelay $0x3  }
0x21e: {  	v3 =	vadd.s32 s23, v29  }
0x21f: {  	[tilespmem:v1+s14+$0x0] =	vst.idx.msk $0xffff, v2;
	v1 =	vand.u32 $0x7F, v3  }
0x220: {  	v2 =	vld [tilespmem:s25+$0x1880];
	v1 =	vor.u32 v1, v0;
	_ =	sdelay $0x3  }
0x221: {  	v3 =	vadd.s32 s23, v30  }
0x222: {  	[tilespmem:v1+s14+$0x0] =	vst.idx.msk $0xffff, v2;
	v1 =	vand.u32 $0x7F, v3  }
0x223: {  	v2 =	vld [tilespmem:s25+$0x1900];
	v1 =	vor.u32 v1, v0;
	_ =	sdelay $0x3  }
0x224: {  	v3 =	vadd.s32 s23, v31  }
0x225: {  	[tilespmem:v1+s14+$0x0] =	vst.idx.msk $0xffff, v2;
	v1 =	vand.u32 $0x7F, v3  }
0x226: {  	v2 =	vld [tilespmem:s25+$0x1980];
	v1 =	vor.u32 v1, v0;
	_ =	sdelay $0x3  }
0x227: {  	v3 =	vadd.s32 s23, v32  }
0x228: {  	[tilespmem:v1+s14+$0x0] =	vst.idx.msk $0xffff, v2;
	v1 =	vand.u32 $0x7F, v3  }
0x229: {  	v2 =	vld [tilespmem:s25+$0x1A00];
	v1 =	vor.u32 v1, v0;
	_ =	sdelay $0x3  }
0x22a: {  	v3 =	vadd.s32 s23, v33  }
0x22b: {  	[tilespmem:v1+s14+$0x0] =	vst.idx.msk $0xffff, v2;
	v1 =	vand.u32 $0x7F, v3  }
0x22c: {  	v2 =	vld [tilespmem:s25+$0x1A80];
	v1 =	vor.u32 v1, v0;
	_ =	sdelay $0x3  }
0x22d: {  	v3 =	vadd.s32 s23, v34  }
0x22e: {  	[tilespmem:v1+s14+$0x0] =	vst.idx.msk $0xffff, v2;
	v1 =	vand.u32 $0x7F, v3  }
0x22f: {  	v2 =	vld [tilespmem:s25+$0x1B00];
	v1 =	vor.u32 v1, v0;
	_ =	sdelay $0x3  }
0x230: {  	v3 =	vadd.s32 s23, v35  }
0x231: {  	[tilespmem:v1+s14+$0x0] =	vst.idx.msk $0xffff, v2;
	v1 =	vand.u32 $0x7F, v3  }
0x232: {  	v2 =	vld [tilespmem:s25+$0x1B80];
	v1 =	vor.u32 v1, v0;
	_ =	sdelay $0x3  }
0x233: {  	v3 =	vadd.s32 s23, v36  }
0x234: {  	[tilespmem:v1+s14+$0x0] =	vst.idx.msk $0xffff, v2;
	v1 =	vand.u32 $0x7F, v3  }
0x235: {  	v2 =	vld [tilespmem:s25+$0x2000];
	v1 =	vor.u32 v1, v0;
	_ =	sdelay $0x3  }
0x236: {  	v3 =	vadd.s32 s23, v37  }
0x237: {  	[tilespmem:v1+s14+$0x0] =	vst.idx.msk $0xffff, v2;
	v1 =	vand.u32 $0x7F, v3  }
0x238: {  	v2 =	vld [tilespmem:s25+$0x2080];
	v1 =	vor.u32 v1, v0;
	_ =	sdelay $0x3  }
0x239: {  	v3 =	vadd.s32 s23, v38  }
0x23a: {  	[tilespmem:v1+s14+$0x0] =	vst.idx.msk $0xffff, v2;
	v1 =	vand.u32 $0x7F, v3  }
0x23b: {  	v2 =	vld [tilespmem:s25+$0x2100];
	v1 =	vor.u32 v1, v0;
	_ =	sdelay $0x3  }
0x23c: {  	v3 =	vadd.s32 s23, v39  }
0x23d: {  	[tilespmem:v1+s14+$0x0] =	vst.idx.msk $0xffff, v2;
	v1 =	vand.u32 $0x7F, v3  }
0x23e: {  	v2 =	vld [tilespmem:s25+$0x2180];
	v1 =	vor.u32 v1, v0;
	_ =	sdelay $0x3  }
0x23f: {  	v3 =	vadd.s32 s23, v40  }
0x240: {  	[tilespmem:v1+s14+$0x0] =	vst.idx.msk $0xffff, v2;
	v1 =	vand.u32 $0x7F, v3  }
0x241: {  	v2 =	vld [tilespmem:s25+$0x2200];
	v1 =	vor.u32 v1, v0;
	_ =	sdelay $0x3  }
0x242: {  	v3 =	vadd.s32 s23, v41  }
0x243: {  	[tilespmem:v1+s14+$0x0] =	vst.idx.msk $0xffff, v2;
	v1 =	vand.u32 $0x7F, v3  }
0x244: {  	v2 =	vld [tilespmem:s25+$0x2280];
	v1 =	vor.u32 v1, v0;
	_ =	sdelay $0x3  }
0x245: {  	v3 =	vadd.s32 s23, v42  }
0x246: {  	[tilespmem:v1+s14+$0x0] =	vst.idx.msk $0xffff, v2;
	v1 =	vand.u32 $0x7F, v3  }
0x247: {  	v2 =	vld [tilespmem:s25+$0x2300];
	v1 =	vor.u32 v1, v0;
	_ =	sdelay $0x3  }
0x248: {  	v3 =	vadd.s32 s23, v43  }
0x249: {  	[tilespmem:v1+s14+$0x0] =	vst.idx.msk $0xffff, v2;
	v1 =	vand.u32 $0x7F, v3  }
0x24a: {  	v2 =	vld [tilespmem:s25+$0x2380];
	v1 =	vor.u32 v1, v0;
	_ =	sdelay $0x3  }
0x24b: {  	v3 =	vadd.s32 s23, v44  }
0x24c: {  	[tilespmem:v1+s14+$0x0] =	vst.idx.msk $0xffff, v2;
	v1 =	vand.u32 $0x7F, v3  }
0x24d: {  	v2 =	vld [tilespmem:s25+$0x2800];
	v1 =	vor.u32 v1, v0;
	_ =	sdelay $0x3  }
0x24e: {  	v3 =	vadd.s32 s23, v45  }
0x24f: {  	[tilespmem:v1+s14+$0x0] =	vst.idx.msk $0xffff, v2;
	v1 =	vand.u32 $0x7F, v3  }
0x250: {  	v2 =	vld [tilespmem:s25+$0x2880];
	v1 =	vor.u32 v1, v0;
	_ =	sdelay $0x3  }
0x251: {  	v3 =	vadd.s32 s23, v46  }
0x252: {  	[tilespmem:v1+s14+$0x0] =	vst.idx.msk $0xffff, v2;
	v1 =	vand.u32 $0x7F, v3  }
0x253: {  	v2 =	vld [tilespmem:s25+$0x2900];
	v1 =	vor.u32 v1, v0;
	_ =	sdelay $0x3  }
0x254: {  	v3 =	vadd.s32 s23, v47  }
0x255: {  	[tilespmem:v1+s14+$0x0] =	vst.idx.msk $0xffff, v2;
	v1 =	vand.u32 $0x7F, v3  }
0x256: {  	v2 =	vld [tilespmem:s25+$0x2980];
	v1 =	vor.u32 v1, v0;
	_ =	sdelay $0x3  }
0x257: {  	v3 =	vadd.s32 s23, v48  }
0x258: {  	[tilespmem:v1+s14+$0x0] =	vst.idx.msk $0xffff, v2;
	v1 =	vand.u32 $0x7F, v3  }
0x259: {  	v2 =	vld [tilespmem:s25+$0x2A00];
	v1 =	vor.u32 v1, v0;
	_ =	sdelay $0x3  }
0x25a: {  	v3 =	vadd.s32 s23, v49  }
0x25b: {  	[tilespmem:v1+s14+$0x0] =	vst.idx.msk $0xffff, v2;
	v1 =	vand.u32 $0x7F, v3  }
0x25c: {  	v2 =	vld [tilespmem:s25+$0x2A80];
	v1 =	vor.u32 v1, v0;
	_ =	sdelay $0x3  }
0x25d: {  	v3 =	vadd.s32 s23, v50  }
0x25e: {  	[tilespmem:v1+s14+$0x0] =	vst.idx.msk $0xffff, v2;
	v1 =	vand.u32 $0x7F, v3  }
0x25f: {  	v2 =	vld [tilespmem:s25+$0x2B00];
	v1 =	vor.u32 v1, v0;
	_ =	sdelay $0x3  }
0x260: {  	v3 =	vadd.s32 s23, v51  }
0x261: {  	[tilespmem:v1+s14+$0x0] =	vst.idx.msk $0xffff, v2;
	v1 =	vand.u32 $0x7F, v3  }
0x262: {  	v2 =	vld [tilespmem:s25+$0x2B80];
	v1 =	vor.u32 v1, v0;
	_ =	sdelay $0x3  }
0x263: {  	v3 =	vadd.s32 s23, v52  }
0x264: {  	[tilespmem:v1+s14+$0x0] =	vst.idx.msk $0xffff, v2;
	v1 =	vand.u32 $0x7F, v3  }
0x265: {  	v2 =	vld [tilespmem:s25+$0x3000];
	v1 =	vor.u32 v1, v0;
	_ =	sdelay $0x3  }
0x266: {  	v3 =	vadd.s32 s23, v53  }
0x267: {  	[tilespmem:v1+s14+$0x0] =	vst.idx.msk $0xffff, v2;
	v1 =	vand.u32 $0x7F, v3  }
0x268: {  	v2 =	vld [tilespmem:s25+$0x3080];
	v1 =	vor.u32 v1, v0;
	_ =	sdelay $0x3  }
0x269: {  	v3 =	vadd.s32 s23, v54  }
0x26a: {  	[tilespmem:v1+s14+$0x0] =	vst.idx.msk $0xffff, v2;
	v1 =	vand.u32 $0x7F, v3  }
0x26b: {  	v2 =	vld [tilespmem:s25+$0x3100];
	v1 =	vor.u32 v1, v0;
	_ =	sdelay $0x3  }
0x26c: {  	v3 =	vadd.s32 s23, v55  }
0x26d: {  	[tilespmem:v1+s14+$0x0] =	vst.idx.msk $0xffff, v2;
	v1 =	vand.u32 $0x7F, v3  }
0x26e: {  	v2 =	vld [tilespmem:s25+$0x3180];
	v1 =	vor.u32 v1, v0;
	_ =	sdelay $0x3  }
0x26f: {  	v3 =	vadd.s32 s23, v56  }
0x270: {  	[tilespmem:v1+s14+$0x0] =	vst.idx.msk $0xffff, v2;
	v1 =	vand.u32 $0x7F, v3  }
0x271: {  	v2 =	vld [tilespmem:s25+$0x3200];
	v1 =	vor.u32 v1, v0;
	_ =	sdelay $0x3  }
0x272: {  	v3 =	vadd.s32 s23, v57  }
0x273: {  	[tilespmem:v1+s14+$0x0] =	vst.idx.msk $0xffff, v2;
	v1 =	vand.u32 $0x7F, v3  }
0x274: {  	v2 =	vld [tilespmem:s25+$0x3280];
	v1 =	vor.u32 v1, v0;
	_ =	sdelay $0x3  }
0x275: {  	v3 =	vadd.s32 s23, v58  }
0x276: {  	[tilespmem:v1+s14+$0x0] =	vst.idx.msk $0xffff, v2;
	v1 =	vand.u32 $0x7F, v3  }
0x277: {  	v2 =	vld [tilespmem:s25+$0x3300];
	v1 =	vor.u32 v1, v0;
	_ =	sdelay $0x3  }
0x278: {  	v3 =	vadd.s32 s23, v59  }
0x279: {  	[tilespmem:v1+s14+$0x0] =	vst.idx.msk $0xffff, v2;
	v1 =	vand.u32 $0x7F, v3  }
0x27a: {  	v2 =	vld [tilespmem:s25+$0x3380];
	v1 =	vor.u32 v1, v0;
	_ =	sdelay $0x3  }
0x27b: {  	v3 =	vadd.s32 s23, v60  }
0x27c: {  	[tilespmem:v1+s14+$0x0] =	vst.idx.msk $0xffff, v2;
	v1 =	vand.u32 $0x7F, v3  }
0x27d: {  	v2 =	vld [tilespmem:s25+$0x3800];
	v1 =	vor.u32 v1, v0;
	_ =	sdelay $0x3  }
0x27e: {  	v3 =	vadd.s32 s23, v61  }
0x27f: {  	[tilespmem:v1+s14+$0x0] =	vst.idx.msk $0xffff, v2;
	v1 =	vand.u32 $0x7F, v3  }
0x280: {  	v2 =	vld [tilespmem:s25+$0x3880];
	v1 =	vor.u32 v1, v0;
	_ =	sdelay $0x3  }
0x281: {  	v3 =	vadd.s32 s23, v62  }
0x282: {  	[tilespmem:v1+s14+$0x0] =	vst.idx.msk $0xffff, v2;
	v1 =	vand.u32 $0x7F, v3  }
0x283: {  	v2 =	vld [tilespmem:s25+$0x3900];
	v1 =	vor.u32 v1, v0;
	_ =	sdelay $0x3  }
0x284: {  	v3 =	vadd.s32 s23, v63  }
0x285: {  	[tilespmem:v1+s14+$0x0] =	vst.idx.msk $0xffff, v2;
	v1 =	vand.u32 $0x7F, v3;
	v3 =	vld [tilespmem:$0x1FC40]  }
0x286: {  	v2 =	vld [tilespmem:s25+$0x3980];
	v1 =	vor.u32 v1, v0;
	_ =	sdelay $0x3  }
0x287: {  	v3 =	vadd.s32 s23, v3  }
0x288: {  	[tilespmem:v1+s14+$0x0] =	vst.idx.msk $0xffff, v2;
	v1 =	vand.u32 $0x7F, v3;
	v3 =	vld [tilespmem:$0x1FC10]  }
0x289: {  	v2 =	vld [tilespmem:s25+$0x3A00];
	v1 =	vor.u32 v1, v0;
	_ =	sdelay $0x3  }
0x28a: {  	v3 =	vadd.s32 s23, v3  }
0x28b: {  	[tilespmem:v1+s14+$0x0] =	vst.idx.msk $0xffff, v2;
	v1 =	vand.u32 $0x7F, v3  }
0x28c: {  	v2 =	vor.u32 v1, v0;
	v1 =	vld [tilespmem:$0x1FC20]  }
0x28d: {  	v4 =	vld [tilespmem:s25+$0x3A80];
	_ =	sdelay $0x3  }
0x28e: {  	v3 =	vadd.s32 s23, v1  }
0x28f: {  	[tilespmem:v2+s14+$0x0] =	vst.idx.msk $0xffff, v4;
	v4 =	vld [tilespmem:$0x1FC30];
	v1 =	vand.u32 $0x7F, v3  }
0x290: {  	v2 =	vld [tilespmem:s25+$0x3B00];
	v1 =	vor.u32 v1, v0;
	_ =	sdelay $0x3  }
0x291: {  	v3 =	vadd.s32 s23, v4  }
0x292: {  	[tilespmem:v1+s14+$0x0] =	vst.idx.msk $0xffff, v2;
	v1 =	vand.u32 $0x7F, v3  }
0x293: {  	v2 =	vld [tilespmem:s25+$0x3B80];
	v0 =	vor.u32 v1, v0;
	_ =	sdelay $0x1  }
0x294: {  	s24 =	sor.u32 s4, s22  }
0x295: {  	s23 =	smin.u32 s24, $0xF46  }
0x296: {  	s23 =	sshll.u32 s23, $0xB  }
0x297: {  	s23 =	sadd.s32 s5, s23;
	s25 =	sadd.s32 s7, s22;
	[tilespmem:v0+s14+$0x0] =	vst.idx.msk $0xffff, v2  }
0x298: {  	[hbm4b:s23+s3] =	stream.linear.scatter [tilespmem:s14], [sflag:$0x3], $0x4000, $0x38;
	[tilespmem:$0x10000] =	vst v63  }
0x299: {  	s22 =	smin.u32 s25, $0xF46;
	_ =	swait.ge [sflag:s15], $0x4000  }
0x29a: {  	s26 =	simm.s32 $0x0;
	s22 =	sshll.u32 s22, $0x8;
	[sflag:s15] =	ssyncset.done $0x0  }
0x29b: {  	s22 =	sadd.s32 s0, s22;
	s23 =	simm.s32 @!p0 $0x4;
	[sflag:s15] =	ssyncadd.s32 $0xFFFFC000  }
0x29c: {  	v0 =	vlaneseq.u32;
	[tilespmem:s3], [sflag:$0x1] =	stream.strided.gather [hbm4b:s22+s10], $0x4000, s11, s10, $0x38;
	[tilespmem:$0x10000] =	vst v63  }
0x29d: {  	v0 =	vor.u32 s26, v0;
	_ =	swait.ge @!p0 [sflag:s23], $0x4000  }
0x29e: {  	s28 =	sand.u32 $0x70, s26;
	s29 =	sand.u32 $0x400, s26;
	v1 =	vshll.u32 v0, $0x6;
	[sflag:s23] =	ssyncset.done @!p0 $0x0  }
0x29f: {  	s30 =	sor.u32 s28, s29;
	v2 =	vand.u32 $0x7F, v0;
	v0 =	vand.u32 $0x3F80, v1;
	v3 =	vld [tilespmem:$0x1FC50];
	[sflag:s23] =	ssyncadd.s32 @!p0 $0xFFFFC000  }
0x2a0: {  	v2 =	vor.u32 v2, v0;
	v1 =	vld [tilespmem:s30+$0x4000];
	_ =	sdelay $0x3  }
0x2a1: {  	v3 =	vadd.s32 s26, v3  }
0x2a2: {  	[tilespmem:v2+s16+$0x0] =	vst.idx.msk $0xffff, v1;
	v1 =	vand.u32 $0x7F, v3;
	v3 =	vld [tilespmem:$0x1FC60]  }
0x2a3: {  	v2 =	vld [tilespmem:s30+$0x4080];
	v1 =	vor.u32 v1, v0;
	_ =	sdelay $0x3  }
0x2a4: {  	v3 =	vadd.s32 s26, v3  }
0x2a5: {  	[tilespmem:v1+s16+$0x0] =	vst.idx.msk $0xffff, v2;
	v1 =	vand.u32 $0x7F, v3;
	v3 =	vld [tilespmem:$0x1FC70]  }
0x2a6: {  	v2 =	vld [tilespmem:s30+$0x4100];
	v1 =	vor.u32 v1, v0;
	_ =	sdelay $0x3  }
0x2a7: {  	v3 =	vadd.s32 s26, v3  }
0x2a8: {  	[tilespmem:v1+s16+$0x0] =	vst.idx.msk $0xffff, v2;
	v1 =	vand.u32 $0x7F, v3;
	v3 =	vld [tilespmem:$0x1FC80]  }
0x2a9: {  	v2 =	vld [tilespmem:s30+$0x4180];
	v1 =	vor.u32 v1, v0;
	_ =	sdelay $0x3  }
0x2aa: {  	v3 =	vadd.s32 s26, v3  }
0x2ab: {  	[tilespmem:v1+s16+$0x0] =	vst.idx.msk $0xffff, v2;
	v1 =	vand.u32 $0x7F, v3;
	v3 =	vld [tilespmem:$0x1FC90]  }
0x2ac: {  	v2 =	vld [tilespmem:s30+$0x4200];
	v1 =	vor.u32 v1, v0;
	_ =	sdelay $0x3  }
0x2ad: {  	v3 =	vadd.s32 s26, v3  }
0x2ae: {  	[tilespmem:v1+s16+$0x0] =	vst.idx.msk $0xffff, v2;
	v1 =	vand.u32 $0x7F, v3;
	v3 =	vld [tilespmem:$0x1FCA0]  }
0x2af: {  	v2 =	vld [tilespmem:s30+$0x4280];
	v1 =	vor.u32 v1, v0;
	_ =	sdelay $0x3  }
0x2b0: {  	v3 =	vadd.s32 s26, v3  }
0x2b1: {  	[tilespmem:v1+s16+$0x0] =	vst.idx.msk $0xffff, v2;
	v1 =	vand.u32 $0x7F, v3;
	v3 =	vld [tilespmem:$0x1FCB0]  }
0x2b2: {  	v2 =	vld [tilespmem:s30+$0x4300];
	v1 =	vor.u32 v1, v0;
	_ =	sdelay $0x3  }
0x2b3: {  	s31 =	sor.u32 s26, s26;
	v3 =	vadd.s32 s26, v3  }
0x2b4: {  	s24 =	sor.u32 $0x380, s31;
	[tilespmem:v1+s16+$0x0] =	vst.idx.msk $0xffff, v2;
	v1 =	vand.u32 $0x7F, v3;
	v3 =	vld [tilespmem:$0x1FCC0]  }
0x2b5: {  	v2 =	vld [tilespmem:s24+$0x4000];
	v1 =	vor.u32 v1, v0;
	_ =	sdelay $0x3  }
0x2b6: {  	v3 =	vadd.s32 s26, v3  }
0x2b7: {  	[tilespmem:v1+s16+$0x0] =	vst.idx.msk $0xffff, v2;
	v1 =	vand.u32 $0x7F, v3;
	v3 =	vld [tilespmem:$0x1FCD0]  }
0x2b8: {  	v2 =	vld [tilespmem:s30+$0x4800];
	v1 =	vor.u32 v1, v0;
	_ =	sdelay $0x3  }
0x2b9: {  	v3 =	vadd.s32 s26, v3  }
0x2ba: {  	[tilespmem:v1+s16+$0x0] =	vst.idx.msk $0xffff, v2;
	v1 =	vand.u32 $0x7F, v3;
	v3 =	vld [tilespmem:$0x1FCE0]  }
0x2bb: {  	v2 =	vld [tilespmem:s30+$0x4880];
	v1 =	vor.u32 v1, v0;
	_ =	sdelay $0x3  }
0x2bc: {  	v3 =	vadd.s32 s26, v3  }
0x2bd: {  	[tilespmem:v1+s16+$0x0] =	vst.idx.msk $0xffff, v2;
	v1 =	vand.u32 $0x7F, v3;
	v3 =	vld [tilespmem:$0x1FCF0]  }
0x2be: {  	v2 =	vld [tilespmem:s30+$0x4900];
	v1 =	vor.u32 v1, v0;
	_ =	sdelay $0x3  }
0x2bf: {  	v3 =	vadd.s32 s26, v3  }
0x2c0: {  	[tilespmem:v1+s16+$0x0] =	vst.idx.msk $0xffff, v2;
	v1 =	vand.u32 $0x7F, v3;
	v3 =	vld [tilespmem:$0x1FD00]  }
0x2c1: {  	v2 =	vld [tilespmem:s30+$0x4980];
	v1 =	vor.u32 v1, v0;
	_ =	sdelay $0x3  }
0x2c2: {  	v3 =	vadd.s32 s26, v3  }
0x2c3: {  	[tilespmem:v1+s16+$0x0] =	vst.idx.msk $0xffff, v2;
	v1 =	vand.u32 $0x7F, v3;
	v3 =	vld [tilespmem:$0x1FD10]  }
0x2c4: {  	v2 =	vld [tilespmem:s30+$0x4A00];
	v1 =	vor.u32 v1, v0;
	_ =	sdelay $0x3  }
0x2c5: {  	v3 =	vadd.s32 s26, v3  }
0x2c6: {  	[tilespmem:v1+s16+$0x0] =	vst.idx.msk $0xffff, v2;
	v1 =	vand.u32 $0x7F, v3;
	v3 =	vld [tilespmem:$0x1FD20]  }
0x2c7: {  	v2 =	vld [tilespmem:s30+$0x4A80];
	v1 =	vor.u32 v1, v0;
	_ =	sdelay $0x3  }
0x2c8: {  	v3 =	vadd.s32 s26, v3  }
0x2c9: {  	[tilespmem:v1+s16+$0x0] =	vst.idx.msk $0xffff, v2;
	v1 =	vand.u32 $0x7F, v3;
	v3 =	vld [tilespmem:$0x1FD30]  }
0x2ca: {  	v2 =	vld [tilespmem:s30+$0x4B00];
	v1 =	vor.u32 v1, v0;
	_ =	sdelay $0x3  }
0x2cb: {  	v3 =	vadd.s32 s26, v3  }
0x2cc: {  	[tilespmem:v1+s16+$0x0] =	vst.idx.msk $0xffff, v2;
	v1 =	vand.u32 $0x7F, v3;
	v3 =	vld [tilespmem:$0x1FD40]  }
0x2cd: {  	v2 =	vld [tilespmem:s30+$0x4B80];
	v1 =	vor.u32 v1, v0;
	_ =	sdelay $0x3  }
0x2ce: {  	v3 =	vadd.s32 s26, v3  }
0x2cf: {  	[tilespmem:v1+s16+$0x0] =	vst.idx.msk $0xffff, v2;
	v1 =	vand.u32 $0x7F, v3;
	v3 =	vld [tilespmem:$0x1FD50]  }
0x2d0: {  	v2 =	vld [tilespmem:s30+$0x5000];
	v1 =	vor.u32 v1, v0;
	_ =	sdelay $0x3  }
0x2d1: {  	v3 =	vadd.s32 s26, v3  }
0x2d2: {  	[tilespmem:v1+s16+$0x0] =	vst.idx.msk $0xffff, v2;
	v1 =	vand.u32 $0x7F, v3;
	v3 =	vld [tilespmem:$0x1FD60]  }
0x2d3: {  	v2 =	vld [tilespmem:s30+$0x5080];
	v1 =	vor.u32 v1, v0;
	_ =	sdelay $0x3  }
0x2d4: {  	v3 =	vadd.s32 s26, v3  }
0x2d5: {  	[tilespmem:v1+s16+$0x0] =	vst.idx.msk $0xffff, v2;
	v1 =	vand.u32 $0x7F, v3;
	v3 =	vld [tilespmem:$0x1FD70]  }
0x2d6: {  	v2 =	vld [tilespmem:s30+$0x5100];
	v1 =	vor.u32 v1, v0;
	_ =	sdelay $0x3  }
0x2d7: {  	v3 =	vadd.s32 s26, v3  }
0x2d8: {  	[tilespmem:v1+s16+$0x0] =	vst.idx.msk $0xffff, v2;
	v1 =	vand.u32 $0x7F, v3;
	v3 =	vld [tilespmem:$0x1FD80]  }
0x2d9: {  	v2 =	vld [tilespmem:s30+$0x5180];
	v1 =	vor.u32 v1, v0;
	_ =	sdelay $0x3  }
0x2da: {  	v3 =	vadd.s32 s26, v3  }
0x2db: {  	[tilespmem:v1+s16+$0x0] =	vst.idx.msk $0xffff, v2;
	v1 =	vand.u32 $0x7F, v3;
	v3 =	vld [tilespmem:$0x1FD90]  }
0x2dc: {  	v2 =	vld [tilespmem:s30+$0x5200];
	v1 =	vor.u32 v1, v0;
	_ =	sdelay $0x3  }
0x2dd: {  	v3 =	vadd.s32 s26, v3  }
0x2de: {  	[tilespmem:v1+s16+$0x0] =	vst.idx.msk $0xffff, v2;
	v1 =	vand.u32 $0x7F, v3;
	v3 =	vld [tilespmem:$0x1FDA0]  }
0x2df: {  	v2 =	vld [tilespmem:s30+$0x5280];
	v1 =	vor.u32 v1, v0;
	_ =	sdelay $0x3  }
0x2e0: {  	v3 =	vadd.s32 s26, v3  }
0x2e1: {  	[tilespmem:v1+s16+$0x0] =	vst.idx.msk $0xffff, v2;
	v1 =	vand.u32 $0x7F, v3;
	v3 =	vld [tilespmem:$0x1FDB0]  }
0x2e2: {  	v2 =	vld [tilespmem:s30+$0x5300];
	v1 =	vor.u32 v1, v0;
	_ =	sdelay $0x3  }
0x2e3: {  	v3 =	vadd.s32 s26, v3  }
0x2e4: {  	[tilespmem:v1+s16+$0x0] =	vst.idx.msk $0xffff, v2;
	v1 =	vand.u32 $0x7F, v3;
	v3 =	vld [tilespmem:$0x1FDC0]  }
0x2e5: {  	v2 =	vld [tilespmem:s30+$0x5380];
	v1 =	vor.u32 v1, v0;
	_ =	sdelay $0x3  }
0x2e6: {  	v3 =	vadd.s32 s26, v3  }
0x2e7: {  	[tilespmem:v1+s16+$0x0] =	vst.idx.msk $0xffff, v2;
	v1 =	vand.u32 $0x7F, v3;
	v3 =	vld [tilespmem:$0x1FDD0]  }
0x2e8: {  	v2 =	vld [tilespmem:s30+$0x5800];
	v1 =	vor.u32 v1, v0;
	_ =	sdelay $0x3  }
0x2e9: {  	v3 =	vadd.s32 s26, v3  }
0x2ea: {  	[tilespmem:v1+s16+$0x0] =	vst.idx.msk $0xffff, v2;
	v1 =	vand.u32 $0x7F, v3;
	v3 =	vld [tilespmem:$0x1FDE0]  }
0x2eb: {  	v2 =	vld [tilespmem:s30+$0x5880];
	v1 =	vor.u32 v1, v0;
	_ =	sdelay $0x3  }
0x2ec: {  	v3 =	vadd.s32 s26, v3  }
0x2ed: {  	[tilespmem:v1+s16+$0x0] =	vst.idx.msk $0xffff, v2;
	v1 =	vand.u32 $0x7F, v3;
	v3 =	vld [tilespmem:$0x1FDF0]  }
0x2ee: {  	v2 =	vld [tilespmem:s30+$0x5900];
	v1 =	vor.u32 v1, v0;
	_ =	sdelay $0x3  }
0x2ef: {  	v3 =	vadd.s32 s26, v3  }
0x2f0: {  	[tilespmem:v1+s16+$0x0] =	vst.idx.msk $0xffff, v2;
	v1 =	vand.u32 $0x7F, v3;
	v3 =	vld [tilespmem:$0x1FE00]  }
0x2f1: {  	v2 =	vld [tilespmem:s30+$0x5980];
	v1 =	vor.u32 v1, v0;
	_ =	sdelay $0x3  }
0x2f2: {  	v3 =	vadd.s32 s26, v3  }
0x2f3: {  	[tilespmem:v1+s16+$0x0] =	vst.idx.msk $0xffff, v2;
	v1 =	vand.u32 $0x7F, v3;
	v3 =	vld [tilespmem:$0x1FE10]  }
0x2f4: {  	v2 =	vld [tilespmem:s30+$0x5A00];
	v1 =	vor.u32 v1, v0;
	_ =	sdelay $0x3  }
0x2f5: {  	v3 =	vadd.s32 s26, v3  }
0x2f6: {  	[tilespmem:v1+s16+$0x0] =	vst.idx.msk $0xffff, v2;
	v1 =	vand.u32 $0x7F, v3;
	v3 =	vld [tilespmem:$0x1FE20]  }
0x2f7: {  	v2 =	vld [tilespmem:s30+$0x5A80];
	v1 =	vor.u32 v1, v0;
	_ =	sdelay $0x3  }
0x2f8: {  	v3 =	vadd.s32 s26, v3  }
0x2f9: {  	[tilespmem:v1+s16+$0x0] =	vst.idx.msk $0xffff, v2;
	v1 =	vand.u32 $0x7F, v3;
	v3 =	vld [tilespmem:$0x1FE30]  }
0x2fa: {  	v2 =	vld [tilespmem:s30+$0x5B00];
	v1 =	vor.u32 v1, v0;
	_ =	sdelay $0x3  }
0x2fb: {  	v3 =	vadd.s32 s26, v3  }
0x2fc: {  	[tilespmem:v1+s16+$0x0] =	vst.idx.msk $0xffff, v2;
	v1 =	vand.u32 $0x7F, v3;
	v3 =	vld [tilespmem:$0x1FE40]  }
0x2fd: {  	v2 =	vld [tilespmem:s30+$0x5B80];
	v1 =	vor.u32 v1, v0;
	_ =	sdelay $0x3  }
0x2fe: {  	v3 =	vadd.s32 s26, v3  }
0x2ff: {  	[tilespmem:v1+s16+$0x0] =	vst.idx.msk $0xffff, v2;
	v1 =	vand.u32 $0x7F, v3;
	v3 =	vld [tilespmem:$0x1FE50]  }
0x300: {  	v2 =	vld [tilespmem:s30+$0x6000];
	v1 =	vor.u32 v1, v0;
	_ =	sdelay $0x3  }
0x301: {  	v3 =	vadd.s32 s26, v3  }
0x302: {  	[tilespmem:v1+s16+$0x0] =	vst.idx.msk $0xffff, v2;
	v1 =	vand.u32 $0x7F, v3;
	v3 =	vld [tilespmem:$0x1FE60]  }
0x303: {  	v2 =	vld [tilespmem:s30+$0x6080];
	v1 =	vor.u32 v1, v0;
	_ =	sdelay $0x3  }
0x304: {  	v3 =	vadd.s32 s26, v3  }
0x305: {  	[tilespmem:v1+s16+$0x0] =	vst.idx.msk $0xffff, v2;
	v1 =	vand.u32 $0x7F, v3;
	v3 =	vld [tilespmem:$0x1FE70]  }
0x306: {  	v2 =	vld [tilespmem:s30+$0x6100];
	v1 =	vor.u32 v1, v0;
	_ =	sdelay $0x3  }
0x307: {  	v3 =	vadd.s32 s26, v3  }
0x308: {  	[tilespmem:v1+s16+$0x0] =	vst.idx.msk $0xffff, v2;
	v1 =	vand.u32 $0x7F, v3;
	v3 =	vld [tilespmem:$0x1FE80]  }
0x309: {  	v2 =	vld [tilespmem:s30+$0x6180];
	v1 =	vor.u32 v1, v0;
	_ =	sdelay $0x3  }
0x30a: {  	v3 =	vadd.s32 s26, v3  }
0x30b: {  	[tilespmem:v1+s16+$0x0] =	vst.idx.msk $0xffff, v2;
	v1 =	vand.u32 $0x7F, v3;
	v3 =	vld [tilespmem:$0x1FE90]  }
0x30c: {  	v2 =	vld [tilespmem:s30+$0x6200];
	v1 =	vor.u32 v1, v0;
	_ =	sdelay $0x3  }
0x30d: {  	v3 =	vadd.s32 s26, v3  }
0x30e: {  	[tilespmem:v1+s16+$0x0] =	vst.idx.msk $0xffff, v2;
	v1 =	vand.u32 $0x7F, v3;
	v3 =	vld [tilespmem:$0x1FEA0]  }
0x30f: {  	v2 =	vld [tilespmem:s30+$0x6280];
	v1 =	vor.u32 v1, v0;
	_ =	sdelay $0x3  }
0x310: {  	v3 =	vadd.s32 s26, v3  }
0x311: {  	[tilespmem:v1+s16+$0x0] =	vst.idx.msk $0xffff, v2;
	v1 =	vand.u32 $0x7F, v3;
	v3 =	vld [tilespmem:$0x1FEB0]  }
0x312: {  	v2 =	vld [tilespmem:s30+$0x6300];
	v1 =	vor.u32 v1, v0;
	_ =	sdelay $0x3  }
0x313: {  	v3 =	vadd.s32 s26, v3  }
0x314: {  	[tilespmem:v1+s16+$0x0] =	vst.idx.msk $0xffff, v2;
	v1 =	vand.u32 $0x7F, v3;
	v3 =	vld [tilespmem:$0x1FEC0]  }
0x315: {  	v2 =	vld [tilespmem:s30+$0x6380];
	v1 =	vor.u32 v1, v0;
	_ =	sdelay $0x3  }
0x316: {  	v3 =	vadd.s32 s26, v3  }
0x317: {  	[tilespmem:v1+s16+$0x0] =	vst.idx.msk $0xffff, v2;
	v1 =	vand.u32 $0x7F, v3;
	v3 =	vld [tilespmem:$0x1FED0]  }
0x318: {  	v2 =	vld [tilespmem:s30+$0x6800];
	v1 =	vor.u32 v1, v0;
	_ =	sdelay $0x3  }
0x319: {  	v3 =	vadd.s32 s26, v3  }
0x31a: {  	[tilespmem:v1+s16+$0x0] =	vst.idx.msk $0xffff, v2;
	v1 =	vand.u32 $0x7F, v3;
	v3 =	vld [tilespmem:$0x1FEE0]  }
0x31b: {  	v2 =	vld [tilespmem:s30+$0x6880];
	v1 =	vor.u32 v1, v0;
	_ =	sdelay $0x3  }
0x31c: {  	v3 =	vadd.s32 s26, v3  }
0x31d: {  	[tilespmem:v1+s16+$0x0] =	vst.idx.msk $0xffff, v2;
	v1 =	vand.u32 $0x7F, v3;
	v3 =	vld [tilespmem:$0x1FEF0]  }
0x31e: {  	v2 =	vld [tilespmem:s30+$0x6900];
	v1 =	vor.u32 v1, v0;
	_ =	sdelay $0x3  }
0x31f: {  	v3 =	vadd.s32 s26, v3  }
0x320: {  	[tilespmem:v1+s16+$0x0] =	vst.idx.msk $0xffff, v2;
	v1 =	vand.u32 $0x7F, v3;
	v3 =	vld [tilespmem:$0x1FF00]  }
0x321: {  	v2 =	vld [tilespmem:s30+$0x6980];
	v1 =	vor.u32 v1, v0;
	_ =	sdelay $0x3  }
0x322: {  	v3 =	vadd.s32 s26, v3  }
0x323: {  	[tilespmem:v1+s16+$0x0] =	vst.idx.msk $0xffff, v2;
	v1 =	vand.u32 $0x7F, v3;
	v3 =	vld [tilespmem:$0x1FF10]  }
0x324: {  	v2 =	vld [tilespmem:s30+$0x6A00];
	v1 =	vor.u32 v1, v0;
	_ =	sdelay $0x3  }
0x325: {  	v3 =	vadd.s32 s26, v3  }
0x326: {  	[tilespmem:v1+s16+$0x0] =	vst.idx.msk $0xffff, v2;
	v1 =	vand.u32 $0x7F, v3;
	v3 =	vld [tilespmem:$0x1FF20]  }
0x327: {  	v2 =	vld [tilespmem:s30+$0x6A80];
	v1 =	vor.u32 v1, v0;
	_ =	sdelay $0x3  }
0x328: {  	v3 =	vadd.s32 s26, v3  }
0x329: {  	[tilespmem:v1+s16+$0x0] =	vst.idx.msk $0xffff, v2;
	v1 =	vand.u32 $0x7F, v3;
	v3 =	vld [tilespmem:$0x1FF30]  }
0x32a: {  	v2 =	vld [tilespmem:s30+$0x6B00];
	v1 =	vor.u32 v1, v0;
	_ =	sdelay $0x3  }
0x32b: {  	v3 =	vadd.s32 s26, v3  }
0x32c: {  	[tilespmem:v1+s16+$0x0] =	vst.idx.msk $0xffff, v2;
	v1 =	vand.u32 $0x7F, v3;
	v3 =	vld [tilespmem:$0x1FF40]  }
0x32d: {  	v2 =	vld [tilespmem:s30+$0x6B80];
	v1 =	vor.u32 v1, v0;
	_ =	sdelay $0x3  }
0x32e: {  	v3 =	vadd.s32 s26, v3  }
0x32f: {  	[tilespmem:v1+s16+$0x0] =	vst.idx.msk $0xffff, v2;
	v1 =	vand.u32 $0x7F, v3;
	v3 =	vld [tilespmem:$0x1FF50]  }
0x330: {  	v2 =	vld [tilespmem:s30+$0x7000];
	v1 =	vor.u32 v1, v0;
	_ =	sdelay $0x3  }
0x331: {  	v3 =	vadd.s32 s26, v3  }
0x332: {  	[tilespmem:v1+s16+$0x0] =	vst.idx.msk $0xffff, v2;
	v1 =	vand.u32 $0x7F, v3;
	v3 =	vld [tilespmem:$0x1FF60]  }
0x333: {  	v2 =	vld [tilespmem:s30+$0x7080];
	v1 =	vor.u32 v1, v0;
	_ =	sdelay $0x3  }
0x334: {  	v3 =	vadd.s32 s26, v3  }
0x335: {  	[tilespmem:v1+s16+$0x0] =	vst.idx.msk $0xffff, v2;
	v1 =	vand.u32 $0x7F, v3;
	v3 =	vld [tilespmem:$0x1FF70]  }
0x336: {  	v2 =	vld [tilespmem:s30+$0x7100];
	v1 =	vor.u32 v1, v0;
	_ =	sdelay $0x3  }
0x337: {  	v3 =	vadd.s32 s26, v3  }
0x338: {  	[tilespmem:v1+s16+$0x0] =	vst.idx.msk $0xffff, v2;
	v1 =	vand.u32 $0x7F, v3;
	v3 =	vld [tilespmem:$0x1FF80]  }
0x339: {  	v2 =	vld [tilespmem:s30+$0x7180];
	v1 =	vor.u32 v1, v0;
	_ =	sdelay $0x3  }
0x33a: {  	v3 =	vadd.s32 s26, v3  }
0x33b: {  	[tilespmem:v1+s16+$0x0] =	vst.idx.msk $0xffff, v2;
	v1 =	vand.u32 $0x7F, v3;
	v3 =	vld [tilespmem:$0x1FF90]  }
0x33c: {  	v2 =	vld [tilespmem:s30+$0x7200];
	v1 =	vor.u32 v1, v0;
	_ =	sdelay $0x3  }
0x33d: {  	v3 =	vadd.s32 s26, v3  }
0x33e: {  	[tilespmem:v1+s16+$0x0] =	vst.idx.msk $0xffff, v2;
	v1 =	vand.u32 $0x7F, v3;
	v3 =	vld [tilespmem:$0x1FFA0]  }
0x33f: {  	v2 =	vld [tilespmem:s30+$0x7280];
	v1 =	vor.u32 v1, v0;
	_ =	sdelay $0x3  }
0x340: {  	v3 =	vadd.s32 s26, v3  }
0x341: {  	[tilespmem:v1+s16+$0x0] =	vst.idx.msk $0xffff, v2;
	v1 =	vand.u32 $0x7F, v3;
	v3 =	vld [tilespmem:$0x1FFB0]  }
0x342: {  	v2 =	vld [tilespmem:s30+$0x7300];
	v1 =	vor.u32 v1, v0;
	_ =	sdelay $0x3  }
0x343: {  	v3 =	vadd.s32 s26, v3  }
0x344: {  	[tilespmem:v1+s16+$0x0] =	vst.idx.msk $0xffff, v2;
	v1 =	vand.u32 $0x7F, v3;
	v3 =	vld [tilespmem:$0x1FFC0]  }
0x345: {  	v2 =	vld [tilespmem:s30+$0x7380];
	v1 =	vor.u32 v1, v0;
	_ =	sdelay $0x3  }
0x346: {  	v3 =	vadd.s32 s26, v3  }
0x347: {  	[tilespmem:v1+s16+$0x0] =	vst.idx.msk $0xffff, v2;
	v1 =	vand.u32 $0x7F, v3;
	v3 =	vld [tilespmem:$0x1FFD0]  }
0x348: {  	v2 =	vld [tilespmem:s30+$0x7800];
	v1 =	vor.u32 v1, v0;
	_ =	sdelay $0x3  }
0x349: {  	v3 =	vadd.s32 s26, v3  }
0x34a: {  	[tilespmem:v1+s16+$0x0] =	vst.idx.msk $0xffff, v2;
	v1 =	vand.u32 $0x7F, v3;
	v3 =	vld [tilespmem:$0x1FFE0]  }
0x34b: {  	v2 =	vld [tilespmem:s30+$0x7880];
	v1 =	vor.u32 v1, v0;
	_ =	sdelay $0x3  }
0x34c: {  	v3 =	vadd.s32 s26, v3  }
0x34d: {  	[tilespmem:v1+s16+$0x0] =	vst.idx.msk $0xffff, v2;
	v1 =	vand.u32 $0x7F, v3;
	v3 =	vld [tilespmem:$0x1FFF0]  }
0x34e: {  	v2 =	vld [tilespmem:s30+$0x7900];
	v1 =	vor.u32 v1, v0;
	_ =	sdelay $0x3  }
0x34f: {  	v3 =	vadd.s32 s26, v3  }
0x350: {  	[tilespmem:v1+s16+$0x0] =	vst.idx.msk $0xffff, v2;
	v1 =	vand.u32 $0x7F, v3;
	v3 =	vld [tilespmem:$0x1FC40]  }
0x351: {  	v2 =	vld [tilespmem:s30+$0x7980];
	v1 =	vor.u32 v1, v0;
	_ =	sdelay $0x3  }
0x352: {  	v3 =	vadd.s32 s26, v3  }
0x353: {  	[tilespmem:v1+s16+$0x0] =	vst.idx.msk $0xffff, v2;
	v1 =	vand.u32 $0x7F, v3;
	v3 =	vld [tilespmem:$0x1FC10]  }
0x354: {  	v2 =	vld [tilespmem:s30+$0x7A00];
	v1 =	vor.u32 v1, v0;
	_ =	sdelay $0x3  }
0x355: {  	v3 =	vadd.s32 s26, v3  }
0x356: {  	[tilespmem:v1+s16+$0x0] =	vst.idx.msk $0xffff, v2;
	v1 =	vand.u32 $0x7F, v3;
	v3 =	vld [tilespmem:$0x1FC20]  }
0x357: {  	v2 =	vld [tilespmem:s30+$0x7A80];
	v1 =	vor.u32 v1, v0;
	_ =	sdelay $0x3  }
0x358: {  	v3 =	vadd.s32 s26, v3  }
0x359: {  	[tilespmem:v1+s16+$0x0] =	vst.idx.msk $0xffff, v2;
	v1 =	vand.u32 $0x7F, v3  }
0x35a: {  	v2 =	vld [tilespmem:s30+$0x7B00];
	v1 =	vor.u32 v1, v0;
	_ =	sdelay $0x3  }
0x35b: {  	v3 =	vadd.s32 s26, v4  }
0x35c: {  	[tilespmem:v1+s16+$0x0] =	vst.idx.msk $0xffff, v2;
	v2 =	vand.u32 $0x7F, v3  }
0x35d: {  	s22 =	simm.s32 $0x10;
	v2 =	vor.u32 v2, v0;
	v0 =	vlaneseq.u32  }
0x35e: {  	s23 =	simm.s32 $0x80;
	s24 =	simm.s32 $0x20;
	v1 =	vld [tilespmem:s30+$0x7B80];
	v0 =	vor.u32 s22, v0  }
.LBB2_5:
0x35f: {  	_ =	sdelay $0x2  }
0x360: {  	s25 =	sand.u32 $0x70, s22;
	s26 =	sand.u32 $0x400, s23;
	v3 =	vshll.u32 v0, $0x6  }
0x361: {  	v4 =	vand.u32 $0x7F, v0;
	s25 =	sor.u32 s25, s26;
	v0 =	vand.u32 $0x3F80, v3;
	[tilespmem:v2+s16+$0x0] =	vst.idx.msk $0xffff, v1  }
0x362: {  	v2 =	vor.u32 v4, v0;
	v1 =	vld [tilespmem:s25+$0x4000];
	_ =	sdelay $0x3  }
0x363: {  	v3 =	vadd.s32 s22, v5  }
0x364: {  	[tilespmem:v2+s16+$0x0] =	vst.idx.msk $0xffff, v1;
	v1 =	vand.u32 $0x7F, v3  }
0x365: {  	v2 =	vld [tilespmem:s25+$0x4080];
	v1 =	vor.u32 v1, v0;
	_ =	sdelay $0x3  }
0x366: {  	v3 =	vadd.s32 s22, v6  }
0x367: {  	[tilespmem:v1+s16+$0x0] =	vst.idx.msk $0xffff, v2;
	v1 =	vand.u32 $0x7F, v3  }
0x368: {  	v2 =	vld [tilespmem:s25+$0x4100];
	v1 =	vor.u32 v1, v0;
	_ =	sdelay $0x3  }
0x369: {  	v3 =	vadd.s32 s22, v7  }
0x36a: {  	[tilespmem:v1+s16+$0x0] =	vst.idx.msk $0xffff, v2;
	v1 =	vand.u32 $0x7F, v3  }
0x36b: {  	v2 =	vld [tilespmem:s25+$0x4180];
	v1 =	vor.u32 v1, v0;
	_ =	sdelay $0x3  }
0x36c: {  	v3 =	vadd.s32 s22, v8  }
0x36d: {  	[tilespmem:v1+s16+$0x0] =	vst.idx.msk $0xffff, v2;
	v1 =	vand.u32 $0x7F, v3  }
0x36e: {  	v2 =	vld [tilespmem:s25+$0x4200];
	v1 =	vor.u32 v1, v0;
	_ =	sdelay $0x3  }
0x36f: {  	v3 =	vadd.s32 s22, v9  }
0x370: {  	[tilespmem:v1+s16+$0x0] =	vst.idx.msk $0xffff, v2;
	v1 =	vand.u32 $0x7F, v3  }
0x371: {  	v2 =	vld [tilespmem:s25+$0x4280];
	v1 =	vor.u32 v1, v0;
	_ =	sdelay $0x3  }
0x372: {  	v3 =	vadd.s32 s22, v10  }
0x373: {  	[tilespmem:v1+s16+$0x0] =	vst.idx.msk $0xffff, v2;
	v1 =	vand.u32 $0x7F, v3  }
0x374: {  	v2 =	vld [tilespmem:s25+$0x4300];
	v1 =	vor.u32 v1, v0;
	_ =	sdelay $0x3  }
0x375: {  	s31 =	sor.u32 s23, s22;
	v3 =	vadd.s32 s22, v11  }
0x376: {  	s26 =	sor.u32 $0x380, s31;
	[tilespmem:v1+s16+$0x0] =	vst.idx.msk $0xffff, v2;
	v1 =	vand.u32 $0x7F, v3  }
0x377: {  	v2 =	vld [tilespmem:s26+$0x4000];
	v1 =	vor.u32 v1, v0;
	_ =	sdelay $0x3  }
0x378: {  	v3 =	vadd.s32 s22, v12  }
0x379: {  	[tilespmem:v1+s16+$0x0] =	vst.idx.msk $0xffff, v2;
	v1 =	vand.u32 $0x7F, v3  }
0x37a: {  	v2 =	vld [tilespmem:s25+$0x4800];
	v1 =	vor.u32 v1, v0;
	_ =	sdelay $0x3  }
0x37b: {  	v3 =	vadd.s32 s22, v13  }
0x37c: {  	[tilespmem:v1+s16+$0x0] =	vst.idx.msk $0xffff, v2;
	v1 =	vand.u32 $0x7F, v3  }
0x37d: {  	v2 =	vld [tilespmem:s25+$0x4880];
	v1 =	vor.u32 v1, v0;
	_ =	sdelay $0x3  }
0x37e: {  	v3 =	vadd.s32 s22, v14  }
0x37f: {  	[tilespmem:v1+s16+$0x0] =	vst.idx.msk $0xffff, v2;
	v1 =	vand.u32 $0x7F, v3  }
0x380: {  	v2 =	vld [tilespmem:s25+$0x4900];
	v1 =	vor.u32 v1, v0;
	_ =	sdelay $0x3  }
0x381: {  	v3 =	vadd.s32 s22, v15  }
0x382: {  	[tilespmem:v1+s16+$0x0] =	vst.idx.msk $0xffff, v2;
	v1 =	vand.u32 $0x7F, v3  }
0x383: {  	v2 =	vld [tilespmem:s25+$0x4980];
	v1 =	vor.u32 v1, v0;
	_ =	sdelay $0x3  }
0x384: {  	v3 =	vadd.s32 s22, v16  }
0x385: {  	[tilespmem:v1+s16+$0x0] =	vst.idx.msk $0xffff, v2;
	v1 =	vand.u32 $0x7F, v3  }
0x386: {  	v2 =	vld [tilespmem:s25+$0x4A00];
	v1 =	vor.u32 v1, v0;
	_ =	sdelay $0x3  }
0x387: {  	v3 =	vadd.s32 s22, v17  }
0x388: {  	[tilespmem:v1+s16+$0x0] =	vst.idx.msk $0xffff, v2;
	v1 =	vand.u32 $0x7F, v3  }
0x389: {  	v2 =	vld [tilespmem:s25+$0x4A80];
	v1 =	vor.u32 v1, v0;
	_ =	sdelay $0x3  }
0x38a: {  	v3 =	vadd.s32 s22, v18  }
0x38b: {  	[tilespmem:v1+s16+$0x0] =	vst.idx.msk $0xffff, v2;
	v1 =	vand.u32 $0x7F, v3  }
0x38c: {  	v2 =	vld [tilespmem:s25+$0x4B00];
	v1 =	vor.u32 v1, v0;
	_ =	sdelay $0x3  }
0x38d: {  	v3 =	vadd.s32 s22, v19  }
0x38e: {  	[tilespmem:v1+s16+$0x0] =	vst.idx.msk $0xffff, v2;
	v1 =	vand.u32 $0x7F, v3  }
0x38f: {  	v2 =	vld [tilespmem:s25+$0x4B80];
	v1 =	vor.u32 v1, v0;
	_ =	sdelay $0x3  }
0x390: {  	v3 =	vadd.s32 s22, v20  }
0x391: {  	[tilespmem:v1+s16+$0x0] =	vst.idx.msk $0xffff, v2;
	v1 =	vand.u32 $0x7F, v3  }
0x392: {  	v2 =	vld [tilespmem:s25+$0x5000];
	v1 =	vor.u32 v1, v0;
	_ =	sdelay $0x3  }
0x393: {  	v3 =	vadd.s32 s22, v21  }
0x394: {  	[tilespmem:v1+s16+$0x0] =	vst.idx.msk $0xffff, v2;
	v1 =	vand.u32 $0x7F, v3  }
0x395: {  	v2 =	vld [tilespmem:s25+$0x5080];
	v1 =	vor.u32 v1, v0;
	_ =	sdelay $0x3  }
0x396: {  	v3 =	vadd.s32 s22, v22  }
0x397: {  	[tilespmem:v1+s16+$0x0] =	vst.idx.msk $0xffff, v2;
	v1 =	vand.u32 $0x7F, v3  }
0x398: {  	v2 =	vld [tilespmem:s25+$0x5100];
	v1 =	vor.u32 v1, v0;
	_ =	sdelay $0x3  }
0x399: {  	v3 =	vadd.s32 s22, v23  }
0x39a: {  	[tilespmem:v1+s16+$0x0] =	vst.idx.msk $0xffff, v2;
	v1 =	vand.u32 $0x7F, v3  }
0x39b: {  	v2 =	vld [tilespmem:s25+$0x5180];
	v1 =	vor.u32 v1, v0;
	_ =	sdelay $0x3  }
0x39c: {  	v3 =	vadd.s32 s22, v24  }
0x39d: {  	[tilespmem:v1+s16+$0x0] =	vst.idx.msk $0xffff, v2;
	v1 =	vand.u32 $0x7F, v3  }
0x39e: {  	v2 =	vld [tilespmem:s25+$0x5200];
	v1 =	vor.u32 v1, v0;
	_ =	sdelay $0x3  }
0x39f: {  	v3 =	vadd.s32 s22, v25  }
0x3a0: {  	[tilespmem:v1+s16+$0x0] =	vst.idx.msk $0xffff, v2;
	v1 =	vand.u32 $0x7F, v3  }
0x3a1: {  	v2 =	vld [tilespmem:s25+$0x5280];
	v1 =	vor.u32 v1, v0;
	_ =	sdelay $0x3  }
0x3a2: {  	v3 =	vadd.s32 s22, v26  }
0x3a3: {  	[tilespmem:v1+s16+$0x0] =	vst.idx.msk $0xffff, v2;
	v1 =	vand.u32 $0x7F, v3  }
0x3a4: {  	v2 =	vld [tilespmem:s25+$0x5300];
	v1 =	vor.u32 v1, v0;
	_ =	sdelay $0x3  }
0x3a5: {  	v3 =	vadd.s32 s22, v27  }
0x3a6: {  	[tilespmem:v1+s16+$0x0] =	vst.idx.msk $0xffff, v2;
	v1 =	vand.u32 $0x7F, v3  }
0x3a7: {  	v2 =	vld [tilespmem:s25+$0x5380];
	v1 =	vor.u32 v1, v0;
	_ =	sdelay $0x3  }
0x3a8: {  	v3 =	vadd.s32 s22, v28  }
0x3a9: {  	[tilespmem:v1+s16+$0x0] =	vst.idx.msk $0xffff, v2;
	v1 =	vand.u32 $0x7F, v3  }
0x3aa: {  	v2 =	vld [tilespmem:s25+$0x5800];
	v1 =	vor.u32 v1, v0;
	_ =	sdelay $0x3  }
0x3ab: {  	v3 =	vadd.s32 s22, v29  }
0x3ac: {  	[tilespmem:v1+s16+$0x0] =	vst.idx.msk $0xffff, v2;
	v1 =	vand.u32 $0x7F, v3  }
0x3ad: {  	v2 =	vld [tilespmem:s25+$0x5880];
	v1 =	vor.u32 v1, v0;
	_ =	sdelay $0x3  }
0x3ae: {  	v3 =	vadd.s32 s22, v30  }
0x3af: {  	[tilespmem:v1+s16+$0x0] =	vst.idx.msk $0xffff, v2;
	v1 =	vand.u32 $0x7F, v3  }
0x3b0: {  	v2 =	vld [tilespmem:s25+$0x5900];
	v1 =	vor.u32 v1, v0;
	_ =	sdelay $0x3  }
0x3b1: {  	v3 =	vadd.s32 s22, v31  }
0x3b2: {  	[tilespmem:v1+s16+$0x0] =	vst.idx.msk $0xffff, v2;
	v1 =	vand.u32 $0x7F, v3  }
0x3b3: {  	v2 =	vld [tilespmem:s25+$0x5980];
	v1 =	vor.u32 v1, v0;
	_ =	sdelay $0x3  }
0x3b4: {  	v3 =	vadd.s32 s22, v32  }
0x3b5: {  	[tilespmem:v1+s16+$0x0] =	vst.idx.msk $0xffff, v2;
	v1 =	vand.u32 $0x7F, v3  }
0x3b6: {  	v2 =	vld [tilespmem:s25+$0x5A00];
	v1 =	vor.u32 v1, v0;
	_ =	sdelay $0x3  }
0x3b7: {  	v3 =	vadd.s32 s22, v33  }
0x3b8: {  	[tilespmem:v1+s16+$0x0] =	vst.idx.msk $0xffff, v2;
	v1 =	vand.u32 $0x7F, v3  }
0x3b9: {  	v2 =	vld [tilespmem:s25+$0x5A80];
	v1 =	vor.u32 v1, v0;
	_ =	sdelay $0x3  }
0x3ba: {  	v3 =	vadd.s32 s22, v34  }
0x3bb: {  	[tilespmem:v1+s16+$0x0] =	vst.idx.msk $0xffff, v2;
	v1 =	vand.u32 $0x7F, v3  }
0x3bc: {  	v2 =	vld [tilespmem:s25+$0x5B00];
	v1 =	vor.u32 v1, v0;
	_ =	sdelay $0x3  }
0x3bd: {  	v3 =	vadd.s32 s22, v35  }
0x3be: {  	[tilespmem:v1+s16+$0x0] =	vst.idx.msk $0xffff, v2;
	v1 =	vand.u32 $0x7F, v3  }
0x3bf: {  	v2 =	vld [tilespmem:s25+$0x5B80];
	v1 =	vor.u32 v1, v0;
	_ =	sdelay $0x3  }
0x3c0: {  	v3 =	vadd.s32 s22, v36  }
0x3c1: {  	[tilespmem:v1+s16+$0x0] =	vst.idx.msk $0xffff, v2;
	v1 =	vand.u32 $0x7F, v3  }
0x3c2: {  	v2 =	vld [tilespmem:s25+$0x6000];
	v1 =	vor.u32 v1, v0;
	_ =	sdelay $0x3  }
0x3c3: {  	v3 =	vadd.s32 s22, v37  }
0x3c4: {  	[tilespmem:v1+s16+$0x0] =	vst.idx.msk $0xffff, v2;
	v1 =	vand.u32 $0x7F, v3  }
0x3c5: {  	v2 =	vld [tilespmem:s25+$0x6080];
	v1 =	vor.u32 v1, v0;
	_ =	sdelay $0x3  }
0x3c6: {  	v3 =	vadd.s32 s22, v38  }
0x3c7: {  	[tilespmem:v1+s16+$0x0] =	vst.idx.msk $0xffff, v2;
	v1 =	vand.u32 $0x7F, v3  }
0x3c8: {  	v2 =	vld [tilespmem:s25+$0x6100];
	v1 =	vor.u32 v1, v0;
	_ =	sdelay $0x3  }
0x3c9: {  	v3 =	vadd.s32 s22, v39  }
0x3ca: {  	[tilespmem:v1+s16+$0x0] =	vst.idx.msk $0xffff, v2;
	v1 =	vand.u32 $0x7F, v3  }
0x3cb: {  	v2 =	vld [tilespmem:s25+$0x6180];
	v1 =	vor.u32 v1, v0;
	_ =	sdelay $0x3  }
0x3cc: {  	v3 =	vadd.s32 s22, v40  }
0x3cd: {  	[tilespmem:v1+s16+$0x0] =	vst.idx.msk $0xffff, v2;
	v1 =	vand.u32 $0x7F, v3  }
0x3ce: {  	v2 =	vld [tilespmem:s25+$0x6200];
	v1 =	vor.u32 v1, v0;
	_ =	sdelay $0x3  }
0x3cf: {  	v3 =	vadd.s32 s22, v41  }
0x3d0: {  	[tilespmem:v1+s16+$0x0] =	vst.idx.msk $0xffff, v2;
	v1 =	vand.u32 $0x7F, v3  }
0x3d1: {  	v2 =	vld [tilespmem:s25+$0x6280];
	v1 =	vor.u32 v1, v0;
	_ =	sdelay $0x3  }
0x3d2: {  	v3 =	vadd.s32 s22, v42  }
0x3d3: {  	[tilespmem:v1+s16+$0x0] =	vst.idx.msk $0xffff, v2;
	v1 =	vand.u32 $0x7F, v3  }
0x3d4: {  	v2 =	vld [tilespmem:s25+$0x6300];
	v1 =	vor.u32 v1, v0;
	_ =	sdelay $0x3  }
0x3d5: {  	v3 =	vadd.s32 s22, v43  }
0x3d6: {  	[tilespmem:v1+s16+$0x0] =	vst.idx.msk $0xffff, v2;
	v1 =	vand.u32 $0x7F, v3  }
0x3d7: {  	v2 =	vld [tilespmem:s25+$0x6380];
	v1 =	vor.u32 v1, v0;
	_ =	sdelay $0x3  }
0x3d8: {  	v3 =	vadd.s32 s22, v44  }
0x3d9: {  	[tilespmem:v1+s16+$0x0] =	vst.idx.msk $0xffff, v2;
	v1 =	vand.u32 $0x7F, v3  }
0x3da: {  	v2 =	vld [tilespmem:s25+$0x6800];
	v1 =	vor.u32 v1, v0;
	_ =	sdelay $0x3  }
0x3db: {  	v3 =	vadd.s32 s22, v45  }
0x3dc: {  	[tilespmem:v1+s16+$0x0] =	vst.idx.msk $0xffff, v2;
	v1 =	vand.u32 $0x7F, v3  }
0x3dd: {  	v2 =	vld [tilespmem:s25+$0x6880];
	v1 =	vor.u32 v1, v0;
	_ =	sdelay $0x3  }
0x3de: {  	v3 =	vadd.s32 s22, v46  }
0x3df: {  	[tilespmem:v1+s16+$0x0] =	vst.idx.msk $0xffff, v2;
	v1 =	vand.u32 $0x7F, v3  }
0x3e0: {  	v2 =	vld [tilespmem:s25+$0x6900];
	v1 =	vor.u32 v1, v0;
	_ =	sdelay $0x3  }
0x3e1: {  	v3 =	vadd.s32 s22, v47  }
0x3e2: {  	[tilespmem:v1+s16+$0x0] =	vst.idx.msk $0xffff, v2;
	v1 =	vand.u32 $0x7F, v3  }
0x3e3: {  	v2 =	vld [tilespmem:s25+$0x6980];
	v1 =	vor.u32 v1, v0;
	_ =	sdelay $0x3  }
0x3e4: {  	v3 =	vadd.s32 s22, v48  }
0x3e5: {  	[tilespmem:v1+s16+$0x0] =	vst.idx.msk $0xffff, v2;
	v1 =	vand.u32 $0x7F, v3  }
0x3e6: {  	v2 =	vld [tilespmem:s25+$0x6A00];
	v1 =	vor.u32 v1, v0;
	_ =	sdelay $0x3  }
0x3e7: {  	v3 =	vadd.s32 s22, v49  }
0x3e8: {  	[tilespmem:v1+s16+$0x0] =	vst.idx.msk $0xffff, v2;
	v1 =	vand.u32 $0x7F, v3  }
0x3e9: {  	v2 =	vld [tilespmem:s25+$0x6A80];
	v1 =	vor.u32 v1, v0;
	_ =	sdelay $0x3  }
0x3ea: {  	v3 =	vadd.s32 s22, v50  }
0x3eb: {  	[tilespmem:v1+s16+$0x0] =	vst.idx.msk $0xffff, v2;
	v1 =	vand.u32 $0x7F, v3  }
0x3ec: {  	v2 =	vld [tilespmem:s25+$0x6B00];
	v1 =	vor.u32 v1, v0;
	_ =	sdelay $0x3  }
0x3ed: {  	v3 =	vadd.s32 s22, v51  }
0x3ee: {  	[tilespmem:v1+s16+$0x0] =	vst.idx.msk $0xffff, v2;
	v1 =	vand.u32 $0x7F, v3  }
0x3ef: {  	v2 =	vld [tilespmem:s25+$0x6B80];
	v1 =	vor.u32 v1, v0;
	_ =	sdelay $0x3  }
0x3f0: {  	v3 =	vadd.s32 s22, v52  }
0x3f1: {  	[tilespmem:v1+s16+$0x0] =	vst.idx.msk $0xffff, v2;
	v1 =	vand.u32 $0x7F, v3  }
0x3f2: {  	v2 =	vld [tilespmem:s25+$0x7000];
	v1 =	vor.u32 v1, v0;
	_ =	sdelay $0x3  }
0x3f3: {  	v3 =	vadd.s32 s22, v53  }
0x3f4: {  	[tilespmem:v1+s16+$0x0] =	vst.idx.msk $0xffff, v2;
	v1 =	vand.u32 $0x7F, v3  }
0x3f5: {  	v2 =	vld [tilespmem:s25+$0x7080];
	v1 =	vor.u32 v1, v0;
	_ =	sdelay $0x3  }
0x3f6: {  	v3 =	vadd.s32 s22, v54  }
0x3f7: {  	[tilespmem:v1+s16+$0x0] =	vst.idx.msk $0xffff, v2;
	v1 =	vand.u32 $0x7F, v3  }
0x3f8: {  	v2 =	vld [tilespmem:s25+$0x7100];
	v1 =	vor.u32 v1, v0;
	_ =	sdelay $0x3  }
0x3f9: {  	v3 =	vadd.s32 s22, v55  }
0x3fa: {  	[tilespmem:v1+s16+$0x0] =	vst.idx.msk $0xffff, v2;
	v1 =	vand.u32 $0x7F, v3  }
0x3fb: {  	v2 =	vld [tilespmem:s25+$0x7180];
	v1 =	vor.u32 v1, v0;
	_ =	sdelay $0x3  }
0x3fc: {  	v3 =	vadd.s32 s22, v56  }
0x3fd: {  	[tilespmem:v1+s16+$0x0] =	vst.idx.msk $0xffff, v2;
	v1 =	vand.u32 $0x7F, v3  }
0x3fe: {  	v2 =	vld [tilespmem:s25+$0x7200];
	v1 =	vor.u32 v1, v0;
	_ =	sdelay $0x3  }
0x3ff: {  	v3 =	vadd.s32 s22, v57  }
0x400: {  	[tilespmem:v1+s16+$0x0] =	vst.idx.msk $0xffff, v2;
	v1 =	vand.u32 $0x7F, v3  }
0x401: {  	v2 =	vld [tilespmem:s25+$0x7280];
	v1 =	vor.u32 v1, v0;
	_ =	sdelay $0x3  }
0x402: {  	v3 =	vadd.s32 s22, v58  }
0x403: {  	[tilespmem:v1+s16+$0x0] =	vst.idx.msk $0xffff, v2;
	v1 =	vand.u32 $0x7F, v3  }
0x404: {  	v2 =	vld [tilespmem:s25+$0x7300];
	v1 =	vor.u32 v1, v0;
	_ =	sdelay $0x3  }
0x405: {  	v3 =	vadd.s32 s22, v59  }
0x406: {  	[tilespmem:v1+s16+$0x0] =	vst.idx.msk $0xffff, v2;
	v1 =	vand.u32 $0x7F, v3  }
0x407: {  	v2 =	vld [tilespmem:s25+$0x7380];
	v1 =	vor.u32 v1, v0;
	_ =	sdelay $0x3  }
0x408: {  	v3 =	vadd.s32 s22, v60  }
0x409: {  	[tilespmem:v1+s16+$0x0] =	vst.idx.msk $0xffff, v2;
	v1 =	vand.u32 $0x7F, v3  }
0x40a: {  	v2 =	vld [tilespmem:s25+$0x7800];
	v1 =	vor.u32 v1, v0;
	_ =	sdelay $0x3  }
0x40b: {  	v3 =	vadd.s32 s22, v61  }
0x40c: {  	[tilespmem:v1+s16+$0x0] =	vst.idx.msk $0xffff, v2;
	v1 =	vand.u32 $0x7F, v3  }
0x40d: {  	v2 =	vld [tilespmem:s25+$0x7880];
	v1 =	vor.u32 v1, v0;
	_ =	sdelay $0x3  }
0x40e: {  	v3 =	vadd.s32 s22, v62  }
0x40f: {  	[tilespmem:v1+s16+$0x0] =	vst.idx.msk $0xffff, v2;
	v1 =	vand.u32 $0x7F, v3  }
0x410: {  	v2 =	vld [tilespmem:s25+$0x7900];
	v1 =	vor.u32 v1, v0;
	_ =	sdelay $0x3  }
0x411: {  	v3 =	vadd.s32 s22, v63  }
0x412: {  	[tilespmem:v1+s16+$0x0] =	vst.idx.msk $0xffff, v2;
	v1 =	vand.u32 $0x7F, v3;
	v3 =	vld [tilespmem:$0x1FC40]  }
0x413: {  	v2 =	vld [tilespmem:s25+$0x7980];
	v1 =	vor.u32 v1, v0;
	_ =	sdelay $0x3  }
0x414: {  	v3 =	vadd.s32 s22, v3  }
0x415: {  	[tilespmem:v1+s16+$0x0] =	vst.idx.msk $0xffff, v2;
	v1 =	vand.u32 $0x7F, v3;
	v3 =	vld [tilespmem:$0x1FC10]  }
0x416: {  	v2 =	vld [tilespmem:s25+$0x7A00];
	v1 =	vor.u32 v1, v0;
	_ =	sdelay $0x3  }
0x417: {  	v3 =	vadd.s32 s22, v3  }
0x418: {  	[tilespmem:v1+s16+$0x0] =	vst.idx.msk $0xffff, v2;
	v1 =	vand.u32 $0x7F, v3;
	v3 =	vld [tilespmem:$0x1FC20]  }
0x419: {  	v2 =	vld [tilespmem:s25+$0x7A80];
	v1 =	vor.u32 v1, v0;
	_ =	sdelay $0x3  }
0x41a: {  	v3 =	vadd.s32 s22, v3  }
0x41b: {  	[tilespmem:v1+s16+$0x0] =	vst.idx.msk $0xffff, v2;
	v1 =	vand.u32 $0x7F, v3;
	v3 =	vld [tilespmem:$0x1FC30]  }
0x41c: {  	v2 =	vld [tilespmem:s25+$0x7B00];
	v1 =	vor.u32 v1, v0;
	_ =	sdelay $0x1  }
0x41d: {  	p0 =	sne.s32 s24, $0xF0  }
.Ltmp1:
0x41e: {  	_ = 	snop;
	(pc) =	sbr.rel @p0 .LBB2_5-.Ltmp1, $4  }
0x41f: {  	v3 =	vadd.s32 s22, v3  }
0x420: {  	[tilespmem:v1+s16+$0x0] =	vst.idx.msk $0xffff, v2;
	v2 =	vand.u32 $0x7F, v3  }
0x421: {  	s22 =	smov.u32 s24;
	v2 =	vor.u32 v2, v0;
	v0 =	vlaneseq.u32  }
0x422: {  	s23 =	sadd.s32 $0x80, s23;
	s24 =	sadd.s32 $0x10, s24;
	v1 =	vld [tilespmem:s25+$0x7B80];
	v0 =	vor.u32 s22, v0  }
0x423: {  	_ =	sdelay $0x2  }
0x424: {  	s24 =	sand.u32 $0x70, s22;
	s25 =	sand.u32 $0x400, s23;
	v3 =	vshll.u32 v0, $0x6  }
0x425: {  	v4 =	vand.u32 $0x7F, v0;
	s24 =	sor.u32 s24, s25;
	v0 =	vand.u32 $0x3F80, v3;
	[tilespmem:v2+s16+$0x0] =	vst.idx.msk $0xffff, v1  }
0x426: {  	v2 =	vor.u32 v4, v0;
	v1 =	vld [tilespmem:s24+$0x4000];
	_ =	sdelay $0x3  }
0x427: {  	v3 =	vadd.s32 s22, v5  }
0x428: {  	[tilespmem:v2+s16+$0x0] =	vst.idx.msk $0xffff, v1;
	v1 =	vand.u32 $0x7F, v3  }
0x429: {  	v2 =	vld [tilespmem:s24+$0x4080];
	v1 =	vor.u32 v1, v0;
	_ =	sdelay $0x3  }
0x42a: {  	v3 =	vadd.s32 s22, v6  }
0x42b: {  	[tilespmem:v1+s16+$0x0] =	vst.idx.msk $0xffff, v2;
	v1 =	vand.u32 $0x7F, v3  }
0x42c: {  	v2 =	vld [tilespmem:s24+$0x4100];
	v1 =	vor.u32 v1, v0;
	_ =	sdelay $0x3  }
0x42d: {  	v3 =	vadd.s32 s22, v7  }
0x42e: {  	[tilespmem:v1+s16+$0x0] =	vst.idx.msk $0xffff, v2;
	v1 =	vand.u32 $0x7F, v3  }
0x42f: {  	v2 =	vld [tilespmem:s24+$0x4180];
	v1 =	vor.u32 v1, v0;
	_ =	sdelay $0x3  }
0x430: {  	v3 =	vadd.s32 s22, v8  }
0x431: {  	[tilespmem:v1+s16+$0x0] =	vst.idx.msk $0xffff, v2;
	v1 =	vand.u32 $0x7F, v3  }
0x432: {  	v2 =	vld [tilespmem:s24+$0x4200];
	v1 =	vor.u32 v1, v0;
	_ =	sdelay $0x3  }
0x433: {  	v3 =	vadd.s32 s22, v9  }
0x434: {  	[tilespmem:v1+s16+$0x0] =	vst.idx.msk $0xffff, v2;
	v1 =	vand.u32 $0x7F, v3  }
0x435: {  	v2 =	vld [tilespmem:s24+$0x4280];
	v1 =	vor.u32 v1, v0;
	_ =	sdelay $0x3  }
0x436: {  	v3 =	vadd.s32 s22, v10  }
0x437: {  	[tilespmem:v1+s16+$0x0] =	vst.idx.msk $0xffff, v2;
	v1 =	vand.u32 $0x7F, v3  }
0x438: {  	v2 =	vld [tilespmem:s24+$0x4300];
	v1 =	vor.u32 v1, v0;
	_ =	sdelay $0x3  }
0x439: {  	s31 =	sor.u32 s23, s22;
	v3 =	vadd.s32 s22, v11  }
0x43a: {  	s23 =	sor.u32 $0x380, s31;
	[tilespmem:v1+s16+$0x0] =	vst.idx.msk $0xffff, v2;
	v1 =	vand.u32 $0x7F, v3  }
0x43b: {  	v2 =	vld [tilespmem:s23+$0x4000];
	v1 =	vor.u32 v1, v0;
	_ =	sdelay $0x3  }
0x43c: {  	v3 =	vadd.s32 s22, v12  }
0x43d: {  	[tilespmem:v1+s16+$0x0] =	vst.idx.msk $0xffff, v2;
	v1 =	vand.u32 $0x7F, v3  }
0x43e: {  	v2 =	vld [tilespmem:s24+$0x4800];
	v1 =	vor.u32 v1, v0;
	_ =	sdelay $0x3  }
0x43f: {  	v3 =	vadd.s32 s22, v13  }
0x440: {  	[tilespmem:v1+s16+$0x0] =	vst.idx.msk $0xffff, v2;
	v1 =	vand.u32 $0x7F, v3  }
0x441: {  	v2 =	vld [tilespmem:s24+$0x4880];
	v1 =	vor.u32 v1, v0;
	_ =	sdelay $0x3  }
0x442: {  	v3 =	vadd.s32 s22, v14  }
0x443: {  	[tilespmem:v1+s16+$0x0] =	vst.idx.msk $0xffff, v2;
	v1 =	vand.u32 $0x7F, v3  }
0x444: {  	v2 =	vld [tilespmem:s24+$0x4900];
	v1 =	vor.u32 v1, v0;
	_ =	sdelay $0x3  }
0x445: {  	v3 =	vadd.s32 s22, v15  }
0x446: {  	[tilespmem:v1+s16+$0x0] =	vst.idx.msk $0xffff, v2;
	v1 =	vand.u32 $0x7F, v3  }
0x447: {  	v2 =	vld [tilespmem:s24+$0x4980];
	v1 =	vor.u32 v1, v0;
	_ =	sdelay $0x3  }
0x448: {  	v3 =	vadd.s32 s22, v16  }
0x449: {  	[tilespmem:v1+s16+$0x0] =	vst.idx.msk $0xffff, v2;
	v1 =	vand.u32 $0x7F, v3  }
0x44a: {  	v2 =	vld [tilespmem:s24+$0x4A00];
	v1 =	vor.u32 v1, v0;
	_ =	sdelay $0x3  }
0x44b: {  	v3 =	vadd.s32 s22, v17  }
0x44c: {  	[tilespmem:v1+s16+$0x0] =	vst.idx.msk $0xffff, v2;
	v1 =	vand.u32 $0x7F, v3  }
0x44d: {  	v2 =	vld [tilespmem:s24+$0x4A80];
	v1 =	vor.u32 v1, v0;
	_ =	sdelay $0x3  }
0x44e: {  	v3 =	vadd.s32 s22, v18  }
0x44f: {  	[tilespmem:v1+s16+$0x0] =	vst.idx.msk $0xffff, v2;
	v1 =	vand.u32 $0x7F, v3  }
0x450: {  	v2 =	vld [tilespmem:s24+$0x4B00];
	v1 =	vor.u32 v1, v0;
	_ =	sdelay $0x3  }
0x451: {  	v3 =	vadd.s32 s22, v19  }
0x452: {  	[tilespmem:v1+s16+$0x0] =	vst.idx.msk $0xffff, v2;
	v1 =	vand.u32 $0x7F, v3  }
0x453: {  	v2 =	vld [tilespmem:s24+$0x4B80];
	v1 =	vor.u32 v1, v0;
	_ =	sdelay $0x3  }
0x454: {  	v3 =	vadd.s32 s22, v20  }
0x455: {  	[tilespmem:v1+s16+$0x0] =	vst.idx.msk $0xffff, v2;
	v1 =	vand.u32 $0x7F, v3  }
0x456: {  	v2 =	vld [tilespmem:s24+$0x5000];
	v1 =	vor.u32 v1, v0;
	_ =	sdelay $0x3  }
0x457: {  	v3 =	vadd.s32 s22, v21  }
0x458: {  	[tilespmem:v1+s16+$0x0] =	vst.idx.msk $0xffff, v2;
	v1 =	vand.u32 $0x7F, v3  }
0x459: {  	v2 =	vld [tilespmem:s24+$0x5080];
	v1 =	vor.u32 v1, v0;
	_ =	sdelay $0x3  }
0x45a: {  	v3 =	vadd.s32 s22, v22  }
0x45b: {  	[tilespmem:v1+s16+$0x0] =	vst.idx.msk $0xffff, v2;
	v1 =	vand.u32 $0x7F, v3  }
0x45c: {  	v2 =	vld [tilespmem:s24+$0x5100];
	v1 =	vor.u32 v1, v0;
	_ =	sdelay $0x3  }
0x45d: {  	v3 =	vadd.s32 s22, v23  }
0x45e: {  	[tilespmem:v1+s16+$0x0] =	vst.idx.msk $0xffff, v2;
	v1 =	vand.u32 $0x7F, v3  }
0x45f: {  	v2 =	vld [tilespmem:s24+$0x5180];
	v1 =	vor.u32 v1, v0;
	_ =	sdelay $0x3  }
0x460: {  	v3 =	vadd.s32 s22, v24  }
0x461: {  	[tilespmem:v1+s16+$0x0] =	vst.idx.msk $0xffff, v2;
	v1 =	vand.u32 $0x7F, v3  }
0x462: {  	v2 =	vld [tilespmem:s24+$0x5200];
	v1 =	vor.u32 v1, v0;
	_ =	sdelay $0x3  }
0x463: {  	v3 =	vadd.s32 s22, v25  }
0x464: {  	[tilespmem:v1+s16+$0x0] =	vst.idx.msk $0xffff, v2;
	v1 =	vand.u32 $0x7F, v3  }
0x465: {  	v2 =	vld [tilespmem:s24+$0x5280];
	v1 =	vor.u32 v1, v0;
	_ =	sdelay $0x3  }
0x466: {  	v3 =	vadd.s32 s22, v26  }
0x467: {  	[tilespmem:v1+s16+$0x0] =	vst.idx.msk $0xffff, v2;
	v1 =	vand.u32 $0x7F, v3  }
0x468: {  	v2 =	vld [tilespmem:s24+$0x5300];
	v1 =	vor.u32 v1, v0;
	_ =	sdelay $0x3  }
0x469: {  	v3 =	vadd.s32 s22, v27  }
0x46a: {  	[tilespmem:v1+s16+$0x0] =	vst.idx.msk $0xffff, v2;
	v1 =	vand.u32 $0x7F, v3  }
0x46b: {  	v2 =	vld [tilespmem:s24+$0x5380];
	v1 =	vor.u32 v1, v0;
	_ =	sdelay $0x3  }
0x46c: {  	v3 =	vadd.s32 s22, v28  }
0x46d: {  	[tilespmem:v1+s16+$0x0] =	vst.idx.msk $0xffff, v2;
	v1 =	vand.u32 $0x7F, v3  }
0x46e: {  	v2 =	vld [tilespmem:s24+$0x5800];
	v1 =	vor.u32 v1, v0;
	_ =	sdelay $0x3  }
0x46f: {  	v3 =	vadd.s32 s22, v29  }
0x470: {  	[tilespmem:v1+s16+$0x0] =	vst.idx.msk $0xffff, v2;
	v1 =	vand.u32 $0x7F, v3  }
0x471: {  	v2 =	vld [tilespmem:s24+$0x5880];
	v1 =	vor.u32 v1, v0;
	_ =	sdelay $0x3  }
0x472: {  	v3 =	vadd.s32 s22, v30  }
0x473: {  	[tilespmem:v1+s16+$0x0] =	vst.idx.msk $0xffff, v2;
	v1 =	vand.u32 $0x7F, v3  }
0x474: {  	v2 =	vld [tilespmem:s24+$0x5900];
	v1 =	vor.u32 v1, v0;
	_ =	sdelay $0x3  }
0x475: {  	v3 =	vadd.s32 s22, v31  }
0x476: {  	[tilespmem:v1+s16+$0x0] =	vst.idx.msk $0xffff, v2;
	v1 =	vand.u32 $0x7F, v3  }
0x477: {  	v2 =	vld [tilespmem:s24+$0x5980];
	v1 =	vor.u32 v1, v0;
	_ =	sdelay $0x3  }
0x478: {  	v3 =	vadd.s32 s22, v32  }
0x479: {  	[tilespmem:v1+s16+$0x0] =	vst.idx.msk $0xffff, v2;
	v1 =	vand.u32 $0x7F, v3  }
0x47a: {  	v2 =	vld [tilespmem:s24+$0x5A00];
	v1 =	vor.u32 v1, v0;
	_ =	sdelay $0x3  }
0x47b: {  	v3 =	vadd.s32 s22, v33  }
0x47c: {  	[tilespmem:v1+s16+$0x0] =	vst.idx.msk $0xffff, v2;
	v1 =	vand.u32 $0x7F, v3  }
0x47d: {  	v2 =	vld [tilespmem:s24+$0x5A80];
	v1 =	vor.u32 v1, v0;
	_ =	sdelay $0x3  }
0x47e: {  	v3 =	vadd.s32 s22, v34  }
0x47f: {  	[tilespmem:v1+s16+$0x0] =	vst.idx.msk $0xffff, v2;
	v1 =	vand.u32 $0x7F, v3  }
0x480: {  	v2 =	vld [tilespmem:s24+$0x5B00];
	v1 =	vor.u32 v1, v0;
	_ =	sdelay $0x3  }
0x481: {  	v3 =	vadd.s32 s22, v35  }
0x482: {  	[tilespmem:v1+s16+$0x0] =	vst.idx.msk $0xffff, v2;
	v1 =	vand.u32 $0x7F, v3  }
0x483: {  	v2 =	vld [tilespmem:s24+$0x5B80];
	v1 =	vor.u32 v1, v0;
	_ =	sdelay $0x3  }
0x484: {  	v3 =	vadd.s32 s22, v36  }
0x485: {  	[tilespmem:v1+s16+$0x0] =	vst.idx.msk $0xffff, v2;
	v1 =	vand.u32 $0x7F, v3  }
0x486: {  	v2 =	vld [tilespmem:s24+$0x6000];
	v1 =	vor.u32 v1, v0;
	_ =	sdelay $0x3  }
0x487: {  	v3 =	vadd.s32 s22, v37  }
0x488: {  	[tilespmem:v1+s16+$0x0] =	vst.idx.msk $0xffff, v2;
	v1 =	vand.u32 $0x7F, v3  }
0x489: {  	v2 =	vld [tilespmem:s24+$0x6080];
	v1 =	vor.u32 v1, v0;
	_ =	sdelay $0x3  }
0x48a: {  	v3 =	vadd.s32 s22, v38  }
0x48b: {  	[tilespmem:v1+s16+$0x0] =	vst.idx.msk $0xffff, v2;
	v1 =	vand.u32 $0x7F, v3  }
0x48c: {  	v2 =	vld [tilespmem:s24+$0x6100];
	v1 =	vor.u32 v1, v0;
	_ =	sdelay $0x3  }
0x48d: {  	v3 =	vadd.s32 s22, v39  }
0x48e: {  	[tilespmem:v1+s16+$0x0] =	vst.idx.msk $0xffff, v2;
	v1 =	vand.u32 $0x7F, v3  }
0x48f: {  	v2 =	vld [tilespmem:s24+$0x6180];
	v1 =	vor.u32 v1, v0;
	_ =	sdelay $0x3  }
0x490: {  	v3 =	vadd.s32 s22, v40  }
0x491: {  	[tilespmem:v1+s16+$0x0] =	vst.idx.msk $0xffff, v2;
	v1 =	vand.u32 $0x7F, v3  }
0x492: {  	v2 =	vld [tilespmem:s24+$0x6200];
	v1 =	vor.u32 v1, v0;
	_ =	sdelay $0x3  }
0x493: {  	v3 =	vadd.s32 s22, v41  }
0x494: {  	[tilespmem:v1+s16+$0x0] =	vst.idx.msk $0xffff, v2;
	v1 =	vand.u32 $0x7F, v3  }
0x495: {  	v2 =	vld [tilespmem:s24+$0x6280];
	v1 =	vor.u32 v1, v0;
	_ =	sdelay $0x3  }
0x496: {  	v3 =	vadd.s32 s22, v42  }
0x497: {  	[tilespmem:v1+s16+$0x0] =	vst.idx.msk $0xffff, v2;
	v1 =	vand.u32 $0x7F, v3  }
0x498: {  	v2 =	vld [tilespmem:s24+$0x6300];
	v1 =	vor.u32 v1, v0;
	_ =	sdelay $0x3  }
0x499: {  	v3 =	vadd.s32 s22, v43  }
0x49a: {  	[tilespmem:v1+s16+$0x0] =	vst.idx.msk $0xffff, v2;
	v1 =	vand.u32 $0x7F, v3  }
0x49b: {  	v2 =	vld [tilespmem:s24+$0x6380];
	v1 =	vor.u32 v1, v0;
	_ =	sdelay $0x3  }
0x49c: {  	v3 =	vadd.s32 s22, v44  }
0x49d: {  	[tilespmem:v1+s16+$0x0] =	vst.idx.msk $0xffff, v2;
	v1 =	vand.u32 $0x7F, v3  }
0x49e: {  	v2 =	vld [tilespmem:s24+$0x6800];
	v1 =	vor.u32 v1, v0;
	_ =	sdelay $0x3  }
0x49f: {  	v3 =	vadd.s32 s22, v45  }
0x4a0: {  	[tilespmem:v1+s16+$0x0] =	vst.idx.msk $0xffff, v2;
	v1 =	vand.u32 $0x7F, v3  }
0x4a1: {  	v2 =	vld [tilespmem:s24+$0x6880];
	v1 =	vor.u32 v1, v0;
	_ =	sdelay $0x3  }
0x4a2: {  	v3 =	vadd.s32 s22, v46  }
0x4a3: {  	[tilespmem:v1+s16+$0x0] =	vst.idx.msk $0xffff, v2;
	v1 =	vand.u32 $0x7F, v3  }
0x4a4: {  	v2 =	vld [tilespmem:s24+$0x6900];
	v1 =	vor.u32 v1, v0;
	_ =	sdelay $0x3  }
0x4a5: {  	v3 =	vadd.s32 s22, v47  }
0x4a6: {  	[tilespmem:v1+s16+$0x0] =	vst.idx.msk $0xffff, v2;
	v1 =	vand.u32 $0x7F, v3  }
0x4a7: {  	v2 =	vld [tilespmem:s24+$0x6980];
	v1 =	vor.u32 v1, v0;
	_ =	sdelay $0x3  }
0x4a8: {  	v3 =	vadd.s32 s22, v48  }
0x4a9: {  	[tilespmem:v1+s16+$0x0] =	vst.idx.msk $0xffff, v2;
	v1 =	vand.u32 $0x7F, v3  }
0x4aa: {  	v2 =	vld [tilespmem:s24+$0x6A00];
	v1 =	vor.u32 v1, v0;
	_ =	sdelay $0x3  }
0x4ab: {  	v3 =	vadd.s32 s22, v49  }
0x4ac: {  	[tilespmem:v1+s16+$0x0] =	vst.idx.msk $0xffff, v2;
	v1 =	vand.u32 $0x7F, v3  }
0x4ad: {  	v2 =	vld [tilespmem:s24+$0x6A80];
	v1 =	vor.u32 v1, v0;
	_ =	sdelay $0x3  }
0x4ae: {  	v3 =	vadd.s32 s22, v50  }
0x4af: {  	[tilespmem:v1+s16+$0x0] =	vst.idx.msk $0xffff, v2;
	v1 =	vand.u32 $0x7F, v3  }
0x4b0: {  	v2 =	vld [tilespmem:s24+$0x6B00];
	v1 =	vor.u32 v1, v0;
	_ =	sdelay $0x3  }
0x4b1: {  	v3 =	vadd.s32 s22, v51  }
0x4b2: {  	[tilespmem:v1+s16+$0x0] =	vst.idx.msk $0xffff, v2;
	v1 =	vand.u32 $0x7F, v3  }
0x4b3: {  	v2 =	vld [tilespmem:s24+$0x6B80];
	v1 =	vor.u32 v1, v0;
	_ =	sdelay $0x3  }
0x4b4: {  	v3 =	vadd.s32 s22, v52  }
0x4b5: {  	[tilespmem:v1+s16+$0x0] =	vst.idx.msk $0xffff, v2;
	v1 =	vand.u32 $0x7F, v3  }
0x4b6: {  	v2 =	vld [tilespmem:s24+$0x7000];
	v1 =	vor.u32 v1, v0;
	_ =	sdelay $0x3  }
0x4b7: {  	v3 =	vadd.s32 s22, v53  }
0x4b8: {  	[tilespmem:v1+s16+$0x0] =	vst.idx.msk $0xffff, v2;
	v1 =	vand.u32 $0x7F, v3  }
0x4b9: {  	v2 =	vld [tilespmem:s24+$0x7080];
	v1 =	vor.u32 v1, v0;
	_ =	sdelay $0x3  }
0x4ba: {  	v3 =	vadd.s32 s22, v54  }
0x4bb: {  	[tilespmem:v1+s16+$0x0] =	vst.idx.msk $0xffff, v2;
	v1 =	vand.u32 $0x7F, v3  }
0x4bc: {  	v2 =	vld [tilespmem:s24+$0x7100];
	v1 =	vor.u32 v1, v0;
	_ =	sdelay $0x3  }
0x4bd: {  	v3 =	vadd.s32 s22, v55  }
0x4be: {  	[tilespmem:v1+s16+$0x0] =	vst.idx.msk $0xffff, v2;
	v1 =	vand.u32 $0x7F, v3  }
0x4bf: {  	v2 =	vld [tilespmem:s24+$0x7180];
	v1 =	vor.u32 v1, v0;
	_ =	sdelay $0x3  }
0x4c0: {  	v3 =	vadd.s32 s22, v56  }
0x4c1: {  	[tilespmem:v1+s16+$0x0] =	vst.idx.msk $0xffff, v2;
	v1 =	vand.u32 $0x7F, v3  }
0x4c2: {  	v2 =	vld [tilespmem:s24+$0x7200];
	v1 =	vor.u32 v1, v0;
	_ =	sdelay $0x3  }
0x4c3: {  	v3 =	vadd.s32 s22, v57  }
0x4c4: {  	[tilespmem:v1+s16+$0x0] =	vst.idx.msk $0xffff, v2;
	v1 =	vand.u32 $0x7F, v3  }
0x4c5: {  	v2 =	vld [tilespmem:s24+$0x7280];
	v1 =	vor.u32 v1, v0;
	_ =	sdelay $0x3  }
0x4c6: {  	v3 =	vadd.s32 s22, v58  }
0x4c7: {  	[tilespmem:v1+s16+$0x0] =	vst.idx.msk $0xffff, v2;
	v1 =	vand.u32 $0x7F, v3  }
0x4c8: {  	v2 =	vld [tilespmem:s24+$0x7300];
	v1 =	vor.u32 v1, v0;
	_ =	sdelay $0x3  }
0x4c9: {  	v3 =	vadd.s32 s22, v59  }
0x4ca: {  	[tilespmem:v1+s16+$0x0] =	vst.idx.msk $0xffff, v2;
	v1 =	vand.u32 $0x7F, v3  }
0x4cb: {  	v2 =	vld [tilespmem:s24+$0x7380];
	v1 =	vor.u32 v1, v0;
	_ =	sdelay $0x3  }
0x4cc: {  	v3 =	vadd.s32 s22, v60  }
0x4cd: {  	[tilespmem:v1+s16+$0x0] =	vst.idx.msk $0xffff, v2;
	v1 =	vand.u32 $0x7F, v3  }
0x4ce: {  	v2 =	vld [tilespmem:s24+$0x7800];
	v1 =	vor.u32 v1, v0;
	_ =	sdelay $0x3  }
0x4cf: {  	v3 =	vadd.s32 s22, v61  }
0x4d0: {  	[tilespmem:v1+s16+$0x0] =	vst.idx.msk $0xffff, v2;
	v1 =	vand.u32 $0x7F, v3  }
0x4d1: {  	v2 =	vld [tilespmem:s24+$0x7880];
	v1 =	vor.u32 v1, v0;
	_ =	sdelay $0x3  }
0x4d2: {  	v3 =	vadd.s32 s22, v62  }
0x4d3: {  	[tilespmem:v1+s16+$0x0] =	vst.idx.msk $0xffff, v2;
	v1 =	vand.u32 $0x7F, v3  }
0x4d4: {  	v2 =	vld [tilespmem:s24+$0x7900];
	v1 =	vor.u32 v1, v0;
	_ =	sdelay $0x3  }
0x4d5: {  	v3 =	vadd.s32 s22, v63  }
0x4d6: {  	v4 =	vld [tilespmem:$0x1FC40];
	[tilespmem:v1+s16+$0x0] =	vst.idx.msk $0xffff, v2;
	v1 =	vand.u32 $0x7F, v3  }
0x4d7: {  	v2 =	vld [tilespmem:s24+$0x7980];
	v1 =	vor.u32 v1, v0;
	_ =	sdelay $0x3  }
0x4d8: {  	v3 =	vadd.s32 s22, v4  }
0x4d9: {  	[tilespmem:v1+s16+$0x0] =	vst.idx.msk $0xffff, v2;
	v1 =	vand.u32 $0x7F, v3;
	v3 =	vld [tilespmem:$0x1FC10]  }
0x4da: {  	v2 =	vld [tilespmem:s24+$0x7A00];
	v1 =	vor.u32 v1, v0;
	_ =	sdelay $0x3  }
0x4db: {  	v3 =	vadd.s32 s22, v3  }
0x4dc: {  	[tilespmem:v1+s16+$0x0] =	vst.idx.msk $0xffff, v2;
	v1 =	vand.u32 $0x7F, v3;
	v3 =	vld [tilespmem:$0x1FC20]  }
0x4dd: {  	v2 =	vld [tilespmem:s24+$0x7A80];
	v1 =	vor.u32 v1, v0;
	_ =	sdelay $0x3  }
0x4de: {  	v3 =	vadd.s32 s22, v3  }
0x4df: {  	[tilespmem:v1+s16+$0x0] =	vst.idx.msk $0xffff, v2;
	v1 =	vand.u32 $0x7F, v3;
	v3 =	vld [tilespmem:$0x1FC30]  }
0x4e0: {  	v2 =	vld [tilespmem:s24+$0x7B00];
	v1 =	vor.u32 v1, v0;
	_ =	sdelay $0x3  }
0x4e1: {  	v3 =	vadd.s32 s22, v3  }
0x4e2: {  	[tilespmem:v1+s16+$0x0] =	vst.idx.msk $0xffff, v2;
	v1 =	vand.u32 $0x7F, v3  }
0x4e3: {  	s20 =	sadd.s32 $0x1, s20;
	v0 =	vor.u32 v1, v0;
	v1 =	vld [tilespmem:s24+$0x7B80]  }
0x4e4: {  	p0 =	sne.s32 s20, $0x3E  }
.Ltmp2:
0x4e5: {  	_ = 	snop;
	(pc) =	sbr.rel @p0 .LBB2_2-.Ltmp2, $4  }
0x4e6: {  	_ = 	snop  }
0x4e7: {  	s21 =	sshll.u32 s21, $0xB  }
0x4e8: {  	s21 =	sadd.s32 s5, s21;
	[tilespmem:v0+s16+$0x0] =	vst.idx.msk $0xffff, v1  }
0x4e9: {  	v3 =	vmov v4;
	v1 =	vlaneseq.u32;
	[hbm4b:s21+s3] =	stream.linear.scatter [tilespmem:s16], [sflag:$0x4], $0x4000, $0x38;
	[tilespmem:$0x10000] =	vst v63  }
0x4ea: {  	_ =	swait.ge [sflag:s12], $0x4000  }
0x4eb: {  	[sflag:s12] =	ssyncset.done $0x0  }
0x4ec: {  	s19 =	sadd.s32 $0x1, s19;
	[sflag:s12] =	ssyncadd.s32 $0xFFFFC000  }
0x4ed: {  	p0 =	sne.s32 s19, s9;
	_ =	swait.ge [sflag:s17], $0x4000  }
.Ltmp3:
0x4ee: {  	[sflag:s17] =	ssyncset.done $0x0;
	(pc) =	sbr.rel @p0 .LBB2_1-.Ltmp3, $4  }
0x4ef: {  	[sflag:s17] =	ssyncadd.s32 $0xFFFFC000  }
0x4f0: {  	_ =	swait.ge [sflag:s18], $0x4000  }
0x4f1: {  	[sflag:s18] =	ssyncset.done $0x0  }
0x4f2: {  	[sflag:s18] =	ssyncadd.s32 $0xFFFFC000  }
0x4f3: {  	_ =	sfence.sel $0x180000  }
0x4f4: {  	[bflag:$0x0] =	sbarrier.arrive $0xFFFF  }
0x4f5: {  	p0 =	sne.s32 s2, $0x0;
	_ =	strace $0x90000047  }
0x4f6: {  	s0 =	sadd.s32 @!p0 $0x100000, s1;
	[bflag:$0x2] =	sbarrier.arrive $0xFFFF  }
0x4f7: {  	[sflag:s0] =	ssyncadd.tile.s32 @!p0 $0x1;
	_ =	shalt  }
.Lfunc_end2:
_tile_overlayer_lowered:
.L_overlay_start_2:
0x4f8: {  	(tag) =	ssettag $0x2  }
0x4f9: {  	s0 =	rddreg [dreg:$0x0];
	s2 =	stileid.u32  }
0x4fa: {  	s1 =	rddreg [dreg:$0x1];
	p0 =	sne.s32 s2, $0x0  }
0x4fb: {  	s3 =	rddreg [dreg:$0x2];
	[bflag:$0x3] =	sbarrier.arrive $0xFFFF;
	s2 =	simm.s32 @!p0 $0x1C05  }
0x4fc: {  	[timem:s3], [sflag:s2] =	dma.local @!p0 [hbm:s0], s1  }
0x4fd: {  	s0 =	simm.s32 @!p0 $0x5  }
0x4fe: {  	_ =	swait.ge @!p0 [sflag:s0], s1  }
0x4ff: {  	s1 =	ssub.s32 @!p0 $0x0, s1;
	[sflag:s0] =	ssyncset.done @!p0 $0x0  }
0x500: {  	[sflag:s0] =	ssyncadd.s32 @!p0 s1  }
0x501: {  	[bflag:$0x3] =	sbarrier.arrive $0xFFFF  }
0x502: {  	_ =	shalt  }

// kernel: _lookup.7.cloned.1.call-start
scs
__scs_entry_jumppad:
0x0: {  	(pc) =	sbr.rel $0x88, $3  }
0x1: {  	(tag) =	ssettag $0x0;
	lr =	simm.s32 $0x1  }
0x2: {  	[smem:$0x3F9F] =	sst lr;
	_ =	strace $0xD0000000  }
0x3: {  	_ = 	snop  }
0x4: {  	_ = 	snop  }
0x5: {  	_ = 	snop  }
0x6: {  	_ = 	snop  }
0x7: {  	_ = 	snop  }
__scs_overlays_trampoline_lowered:
0x8: {  	[smem:$0x3FAE] =	sst s0  }
0x9: {  	[smem:$0x3FAF] =	sst s1  }
0xa: {  	[smem:$0x3FB0] =	sst s2  }
0xb: {  	[smem:$0x3FB1] =	sst s3  }
0xc: {  	[smem:$0x3FB2] =	sst s4  }
0xd: {  	[smem:$0x3FB3] =	sst s5  }
0xe: {  	[smem:$0x3FB4] =	sst s6  }
0xf: {  	[smem:$0x3FB5] =	sst s7  }
0x10: {  	[smem:$0x3FB6] =	sst s8  }
0x11: {  	[smem:$0x3FB7] =	sst s9;
	s0 =	simm.s32 @!p0 $0x0  }
0x12: {  	s1 =	sld [smem:$0x3F9D];
	s0 =	simm.s32 @p0 $0x1  }
0x13: {  	[smem:$0x3FB8] =	sst s0;
	s0 =	simm.s32 @!p1 $0x0  }
0x14: {  	s2 =	sld [smem:$0x3F9C];
	s0 =	simm.s32 @p1 $0x1  }
0x15: {  	[smem:$0x3FB9] =	sst s0;
	s0 =	simm.s32 @!p2 $0x0  }
0x16: {  	s3 =	sld [smem:$0x3FDB];
	s0 =	simm.s32 @p2 $0x1  }
0x17: {  	s4 =	simm.s32 $0x1BF5;
	[smem:$0x3FBB] =	sst s0  }
0x18: {  	s0 =	sld [smem:$0x3F9E];
	_ =	swait.ge [sflag:s4], $0x0  }
0x19: {  	s7 =	sld [smem:$0x3F9F]  }
0x1a: {  	s8 =	sadd.s32 $0xFFFFE003, lr  }
0x1b: {  	s9 =	sadd.s32 $0xFFFFFEF7, lr;
	s5 =	simm.s32 $0xFFFFFFFF;
	p2 =	slt.u32 s8, $0xFFFFF086  }
0x1c: {  	p1 =	slt.u32 s9, $0xF7A;
	s5 =	simm.s32 @!p2 $0x0  }
0x1d: {  	s5 =	simm.s32 @p1 $0x1;
	p0 =	seq.s32 s7, s2  }
0x1e: {  	s7 =	smul.u32 @!p0 $0xF7A, s2;
	p2 =	seq.s32 @!p0 s5, $0x0  }
0x1f: {  	s9 =	smul.u32 $0xF7A, s1;
	s8 =	simm.s32 @!p0 $0x1BF5;
	p2 =	por !p2, p0  }
0x20: {  	[sflag:s8] =	ssyncset.s32 @!p0 $0xFFFFF086;
	s6 =	sadd.s32 @!p0 s3, s7;
	s7 =	simm.s32 @!p0 $0x108  }
0x21: {  	s3 =	sadd.s32 s3, s9;
	s6 =	sadd.s32 @!p0 $0x88, s6;
	s7 =	simm.s32 @p2 $0x1082  }
0x22: {  	[simem:s7], [sflag:s8] =	dma.local @!p0 [hbm:s6], $0xF7A  }
0x23: {  	s9 =	sor.u32 $0xD0000000, s2;
	s6 =	simm.s32 $0x108;
	_ =	swait.ge @!p0 [sflag:s8], $0x0  }
0x24: {  	s3 =	sadd.s32 $0x88, s3;
	s6 =	simm.s32 @!p1 $0x1082;
	[sflag:s4] =	ssyncset.s32 $0xFFFFF086  }
0x25: {  	[simem:s6], [sflag:s4] =	dma.local [hbm:s3], $0xF7A  }
0x26: {  	[smem:$0x3F9F] =	sst s1;
	(tag) =	ssettag s2;
	_ =	strace s9  }
0x27: {  	s1 =	sld [smem:$0x3FAF]  }
0x28: {  	s2 =	sld [smem:$0x3FB0]  }
0x29: {  	s4 =	sld [smem:$0x3FB2]  }
0x2a: {  	p0 =	seq.s32 s5, $0x0;
	s5 =	sld [smem:$0x3FB3]  }
0x2b: {  	s6 =	sld [smem:$0x3FB4]  }
0x2c: {  	s7 =	sld [smem:$0x3FB5]  }
0x2d: {  	s3 =	simm.s32 $0x108;
	s8 =	sld [smem:$0x3FB6]  }
0x2e: {  	s3 =	simm.s32 @!p0 $0x1082;
	s9 =	sld [smem:$0x3FB7]  }
0x2f: {  	lr =	sadd.s32 s0, s3;
	s0 =	sld [smem:$0x3FAE]  }
0x30: {  	s3 =	sld [smem:$0x3FB1]  }
0x31: {  	[smem:$0x3FBA] =	sst s10  }
0x32: {  	s10 =	sld [smem:$0x3FB8];
	_ =	sdelay $0x3  }
0x33: {  	p0 =	seq.s32 s10, $0x1;
	s10 =	sld [smem:$0x3FBA];
	_ =	sdelay $0x3  }
0x34: {  	[smem:$0x3FBA] =	sst s10  }
0x35: {  	s10 =	sld [smem:$0x3FB9];
	_ =	sdelay $0x3  }
0x36: {  	p1 =	seq.s32 s10, $0x1;
	s10 =	sld [smem:$0x3FBA];
	_ =	sdelay $0x3  }
0x37: {  	[smem:$0x3FBA] =	sst s10  }
0x38: {  	s10 =	sld [smem:$0x3FBB]  }
0x39: {  	_ = 	snop;
	(pc) =	sbr.ind lr, $3  }
0x3a: {  	_ = 	snop  }
0x3b: {  	_ = 	snop  }
0x3c: {  	p2 =	seq.s32 s10, $0x1;
	s10 =	sld [smem:$0x3FBA]  }
0x3d: {  	_ =	shalt  }
0x3e: {  	_ =	shalt  }
0x3f: {  	_ =	shalt  }
0x40: {  	_ =	shalt  }
0x41: {  	_ =	shalt  }
0x42: {  	_ =	shalt  }
0x43: {  	_ =	shalt  }
0x44: {  	_ =	shalt  }
0x45: {  	_ =	shalt  }
0x46: {  	_ =	shalt  }
0x47: {  	_ =	shalt  }
0x48: {  	_ =	shalt  }
0x49: {  	_ =	shalt  }
0x4a: {  	_ =	shalt  }
0x4b: {  	_ =	shalt  }
0x4c: {  	_ =	shalt  }
0x4d: {  	_ =	shalt  }
0x4e: {  	_ =	shalt  }
0x4f: {  	_ =	shalt  }
0x50: {  	_ =	shalt  }
0x51: {  	_ =	shalt  }
0x52: {  	_ =	shalt  }
0x53: {  	_ =	shalt  }
0x54: {  	_ =	shalt  }
0x55: {  	_ =	shalt  }
0x56: {  	_ =	shalt  }
0x57: {  	_ =	shalt  }
0x58: {  	_ =	shalt  }
0x59: {  	_ =	shalt  }
0x5a: {  	_ =	shalt  }
0x5b: {  	_ =	shalt  }
0x5c: {  	_ =	shalt  }
0x5d: {  	_ =	shalt  }
0x5e: {  	_ =	shalt  }
0x5f: {  	_ =	shalt  }
0x60: {  	_ =	shalt  }
0x61: {  	_ =	shalt  }
0x62: {  	_ =	shalt  }
0x63: {  	_ =	shalt  }
0x64: {  	_ =	shalt  }
0x65: {  	_ =	shalt  }
0x66: {  	_ =	shalt  }
0x67: {  	_ =	shalt  }
0x68: {  	_ =	shalt  }
0x69: {  	_ =	shalt  }
0x6a: {  	_ =	shalt  }
0x6b: {  	_ =	shalt  }
0x6c: {  	_ =	shalt  }
0x6d: {  	_ =	shalt  }
0x6e: {  	_ =	shalt  }
0x6f: {  	_ =	shalt  }
0x70: {  	_ =	shalt  }
0x71: {  	_ =	shalt  }
0x72: {  	_ =	shalt  }
0x73: {  	_ =	shalt  }
0x74: {  	_ =	shalt  }
0x75: {  	_ =	shalt  }
0x76: {  	_ =	shalt  }
0x77: {  	_ =	shalt  }
0x78: {  	_ =	shalt  }
0x79: {  	_ =	shalt  }
0x7a: {  	_ =	shalt  }
0x7b: {  	_ =	shalt  }
0x7c: {  	_ =	shalt  }
0x7d: {  	_ =	shalt  }
0x7e: {  	_ =	shalt  }
0x7f: {  	_ =	shalt  }
0x80: {  	_ =	shalt  }
0x81: {  	_ =	shalt  }
0x82: {  	_ =	shalt  }
0x83: {  	_ =	shalt  }
0x84: {  	_ =	shalt  }
0x85: {  	_ =	shalt  }
0x86: {  	_ =	shalt  }
0x87: {  	_ =	shalt  }
.Lfunc_end0:
.L_simem_size_0:
called_computation.1_lowered:
.L_overlay_start_0:
0x88: {  	s2 =	sld [smem:$0x3FD9]  }
0x89: {  	s3 =	sld [smem:$0x3FFE];
	_ =	sdelay $0x1  }
0x8a: {  	s1 =	srdreg.scid  }
0x8b: {  	s0 =	sand.u32 $0x1, s1  }
0x8c: {  	s17 =	sshll.u32 s0, $0xA;
	s2 =	sadd.s32 s3, s2  }
0x8d: {  	s2 =	sadd.s32 s2, s17  }
0x8e: {  	[smem:$0x3FC6] =	sst s2  }
0x8f: {  	_ = 	snop  }
0x90: {  	s2 =	sld [smem:$0x3FC8]  }
0x91: {  	s18 =	sld [smem:$0x3FD0];
	(tm) =	ssettm $0x1  }
0x92: {  	s4 =	sld [smem:$0x3FFB];
	_ =	sdelay $0x3  }
0x93: {  	_ =	strace s4  }
0x94: {  	s4 =	sld [smem:$0x3FFC];
	_ =	sdelay $0x3  }
0x95: {  	_ =	strace s4  }
0x96: {  	s4 =	sld [smem:$0x3FFD];
	_ =	sdelay $0x3  }
0x97: {  	_ =	strace s4  }
0x98: {  	_ =	strace $0x8FFFFFFF  }
0x99: {  	s19 =	sld [smem:$0x3FDB];
	_ =	sdelay $0x1  }
0x9a: {  	s5 =	simm.s32 $_scs_section_size  }
0x9b: {  	s6 =	simm.s32 $_size__tile_overlayer_lowered;
	s7 =	simm.s32 $_tile_overlayer_lowered  }
0x9c: {  	s22 =	simm.s32 $0x1BFF;
	s21 =	sshll.u32 s7, $0x1;
	s4 =	sadd.s32 s5, s19  }
0x9d: {  	s8 =	simm.s32 $0x0;
	s20 =	sshll.u32 s6, $0x1;
	s6 =	sadd.s32 s21, s4  }
0x9e: {  	[timem:s8], [sflag:s22] =	dma.local [hbm:s6], s20  }
0x9f: {  	_ =	swait.ge [sflag:s22], s20  }
0xa0: {  	s5 =	ssub.s32 $0x0, s20;
	[sflag:s22] =	ssyncset.done $0x0  }
0xa1: {  	[sflag:s22] =	ssyncadd.s32 s5;
	_ =	sdelay $0x1  }
0xa2: {  	s23 =	simm.s32 $0x1B8B  }
0xa3: {  	_ =	swait.ge [sflag:s23], $0x1  }
0xa4: {  	[sflag:s23] =	ssyncset.done $0x0  }
0xa5: {  	s25 =	simm.s32 $0x1B8E;
	s24 =	sld [smem:$0x3FFE];
	[sflag:s23] =	ssyncadd.s32 $0xFFFFFFFF  }
0xa6: {  	s26 =	simm.s32 $execute0_lowered;
	[smem:$0x3FD2] =	sst s25  }
0xa7: {  	s6 =	sshll.u32 s26, $0x1;
	_ =	strace $0x80000049;
	[dreg:$0x1] =	wrdreg $0xFFFFFFFF  }
0xa8: {  	s28 =	simm.s32 $_size_execute0_lowered;
	s4 =	sadd.s32 s4, s6;
	[dreg:$0x0] =	wrdreg $0x0  }
0xa9: {  	s6 =	sshll.u32 s28, $0x1;
	[dreg:$0x2] =	wrdreg s4  }
0xaa: {  	[dreg:$0x3] =	wrdreg s6  }
0xab: {  	[dreg:$0x4] =	wrdreg $0xC0  }
0xac: {  	_ =	task [dreg:s8], $0x5FFFF  }
0xad: {  	[dreg:$0x1] =	wrdreg $0xFFFFFFFF  }
0xae: {  	[dreg:$0x0] =	wrdreg $0x60  }
0xaf: {  	[dreg:$0x2] =	wrdreg s24  }
0xb0: {  	[dreg:$0x3] =	wrdreg s2  }
0xb1: {  	[dreg:$0x4] =	wrdreg s18  }
0xb2: {  	[dreg:$0x5] =	wrdreg $0x9  }
0xb3: {  	_ =	task.clear_ibuf [dreg:s8], $0x6FFFF;
	_ =	strace $0x90000049  }
0xb4: {  	s29 =	simm.s32 $0x9;
	_ =	strace $0x8000004B  }
0xb5: {  	_ =	swait.ge [sflag:s29], $0x1  }
0xb6: {  	[sflag:s29] =	ssyncadd.s32 $0xFFFFFFFF  }
0xb7: {  	_ =	strace $0x9000004B  }
0xb8: {  	_ =	sfence  }
0xb9: {  	s30 =	sld [smem:$0x0];
	_ =	sdelay $0x2  }
0xba: {  	s31 =	sshll.u32 s1, $0xD;
	s1 =	sshrl.u32 s1, $0x2  }
0xbb: {  	s3 =	sand.u32 $0x4000, s31;
	s1 =	sadd.s32 s1, s30  }
0xbc: {  	s0 =	sor.u32 s3, s0;
	s1 =	sshll.u32 s1, $0x11  }
0xbd: {  	s0 =	sor.u32 s1, s0  }
0xbe: {  	s0 =	sadd.s32 $0x8F2B, s0  }
0xbf: {  	[sflag:s0] =	ssyncadd.remote.s32 $0x1  }
0xc0: {  	_ =	sfence.sel $0xFFFF  }
0xc1: {  	[dreg:$0x0] =	wrdreg $0xFFFFFFFF;
	(pc) =	sbr.abs _section_cstart, $3  }
0xc2: {  	[dreg:$0x1] =	wrdreg $0xFFFFFFFF  }
0xc3: {  	_ =	task.clear_ibuf [dreg:s8], $0x2FFFF;
	_ =	strace $0x9FFFFFFF  }
0xc4: {  	(tm) =	ssettm $0x7FFFFFFF  }
0xc5: {  	_ =	shalt  }
tec
execute0_lowered:
.L_overlay_start_1:
0x0: {  	(tag) =	ssettag $0x1  }
0x1: {  	s0 =	rddreg [dreg:$0x0]  }
0x2: {  	s1 =	rddreg [dreg:$0x1];
	s3 =	srdreg.scid  }
0x3: {  	s5 =	stileid.u32;
	s2 =	rddreg [dreg:$0x2];
	s9 =	simm.s32 $0x400  }
0x4: {  	s10 =	simm.s32 $0x8000;
	s11 =	simm.s32 $0x1800;
	s12 =	simm.s32 $0x5  }
0x5: {  	s13 =	simm.s32 $0x1C00;
	s14 =	simm.s32 $0x1D00;
	s15 =	simm.s32 $0x1  }
0x6: {  	s16 =	simm.s32 $0x80;
	s17 =	simm.s32 $0x1C80;
	s18 =	simm.s32 $0x5D00  }
0x7: {  	s19 =	simm.s32 $0x9D00;
	s20 =	simm.s32 $0x2;
	s21 =	simm.s32 $0xBD00  }
0x8: {  	s22 =	simm.s32 $0x3;
	s23 =	simm.s32 $0x4;
	s24 =	simm.s32 $0x0  }
0x9: {  	s4 =	sand.u32 $0x1, s3;
	s5 =	sshll.u32 s5, $0x1;
	s3 =	simm.s32 $0x0  }
0xa: {  	s7 =	sor.u32 s4, s5;
	[smem:$0x7FF] =	sst s3;
	s6 =	ssub.s32 $0x2, s4  }
0xb: {  	s5 =	sadd.s32 $0x800, s0;
	s30 =	sshll.u32 s7, $0x7;
	s8 =	sshrl.u32 s6, $0x1  }
0xc: {  	v0 =	vlaneseq.u32;
	_ =	strace $0x8000004A;
	s4 =	sadd.s32 s1, s30;
	s31 =	ssub.s32 s6, s8  }
0xd: {  	v0 =	vmul.u32 $0x80, v0;
	s7 =	sshll.u32 s7, $0xA;
	s6 =	sadd.s32 $0x6000, s4;
	s8 =	smax.u32 s31, $0x1  }
.LBB2_1:
0xe: {  	[tilespmem:s3], [sflag:$0x5] =	stream.strided.gather [hbm4b:s4+s9], $0x1800, s10, s9, $0x38;
	[tilespmem:$0xDD00] =	vst v63  }
0xf: {  	_ = 	snop  }
0x10: {  	[tilespmem:s11], [sflag:$0x5] =	stream.linear.gather [hbm4b:s6+s3], $0x100, $0x38;
	[tilespmem:$0xDD00] =	vst v63  }
0x11: {  	_ =	swait.ge [sflag:s12], $0x1900  }
0x12: {  	[sflag:s12] =	ssyncset.done $0x0  }
0x13: {  	[sflag:s12] =	ssyncadd.s32 $0xFFFFE700  }
0x14: {  	v1 =	vld [tilespmem:$0x0]  }
0x15: {  	v2 =	vld [tilespmem:$0x10]  }
0x16: {  	v3 =	vld [tilespmem:$0x20]  }
0x17: {  	v4 =	vld [tilespmem:$0x30]  }
0x18: {  	v5 =	vld [tilespmem:$0x40]  }
0x19: {  	v6 =	vld [tilespmem:$0x50];
	v1 =	vadd.s32 $0x400, v1  }
0x1a: {  	v7 =	vld [tilespmem:$0x60];
	v2 =	vadd.s32 $0x400, v2;
	v1 =	vshrl.u32 v1, $0x1  }
0x1b: {  	[tilespmem:$0x1C00] =	vst v1;
	v1 =	vshrl.u32 v2, $0x1;
	v2 =	vadd.s32 $0x400, v3;
	v3 =	vld [tilespmem:$0x70]  }
0x1c: {  	[tilespmem:$0x1C10] =	vst v1;
	v1 =	vshrl.u32 v2, $0x1;
	v2 =	vadd.s32 $0x400, v4  }
0x1d: {  	[tilespmem:$0x1C20] =	vst v1;
	v1 =	vshrl.u32 v2, $0x1;
	v2 =	vadd.s32 $0x400, v5  }
0x1e: {  	[tilespmem:$0x1C30] =	vst v1;
	v1 =	vshrl.u32 v2, $0x1;
	v2 =	vadd.s32 $0x400, v6  }
0x1f: {  	[tilespmem:$0x1C40] =	vst v1;
	v1 =	vshrl.u32 v2, $0x1;
	v2 =	vadd.s32 $0x400, v7  }
0x20: {  	[tilespmem:$0x1C50] =	vst v1;
	v1 =	vshrl.u32 v2, $0x1;
	v2 =	vadd.s32 $0x400, v3  }
0x21: {  	[tilespmem:$0x1C60] =	vst v1;
	v1 =	vshrl.u32 v2, $0x1  }
0x22: {  	s25 =	simm.s32 $0x80;
	s0 =	simm.s32 $0x0;
	s28 =	simm.s32 $0x0;
	[tilespmem:$0x1C70] =	vst v1  }
0x23: {  	[tilespmem:s14], [sflag:$0x1] =	stream.indirect.gather [hbm4b:s5+s16], $0x80, s13, s16, $0xb8;
	[tilespmem:$0xDD00] =	vst v63  }
.LBB2_2:
0x24: {  	s29 =	sshllo.u32 s28, $0x1  }
0x25: {  	s1 =	sshll.u32 s29, $0x7  }
0x26: {  	s1 =	sand.u32 $0x3FFFFF80, s1  }
0x27: {  	v1 =	vld [tilespmem:s1+$0x0];
	_ =	sdelay $0x4  }
0x28: {  	v1 =	vadd.s32 $0x400, v1  }
0x29: {  	v1 =	vshrl.u32 v1, $0x1  }
0x2a: {  	[tilespmem:$0x1C80] =	vst v1  }
0x2b: {  	v1 =	vld [tilespmem:s1+$0x10];
	_ =	sdelay $0x4  }
0x2c: {  	v1 =	vadd.s32 $0x400, v1  }
0x2d: {  	v1 =	vshrl.u32 v1, $0x1  }
0x2e: {  	[tilespmem:$0x1C90] =	vst v1  }
0x2f: {  	v1 =	vld [tilespmem:s1+$0x20];
	_ =	sdelay $0x4  }
0x30: {  	v1 =	vadd.s32 $0x400, v1  }
0x31: {  	v1 =	vshrl.u32 v1, $0x1  }
0x32: {  	[tilespmem:$0x1CA0] =	vst v1  }
0x33: {  	v1 =	vld [tilespmem:s1+$0x30];
	_ =	sdelay $0x4  }
0x34: {  	v1 =	vadd.s32 $0x400, v1  }
0x35: {  	v1 =	vshrl.u32 v1, $0x1  }
0x36: {  	[tilespmem:$0x1CB0] =	vst v1  }
0x37: {  	v1 =	vld [tilespmem:s1+$0x40];
	_ =	sdelay $0x4  }
0x38: {  	v1 =	vadd.s32 $0x400, v1  }
0x39: {  	v1 =	vshrl.u32 v1, $0x1  }
0x3a: {  	[tilespmem:$0x1CC0] =	vst v1  }
0x3b: {  	v1 =	vld [tilespmem:s1+$0x50];
	_ =	sdelay $0x4  }
0x3c: {  	v1 =	vadd.s32 $0x400, v1  }
0x3d: {  	v1 =	vshrl.u32 v1, $0x1  }
0x3e: {  	[tilespmem:$0x1CD0] =	vst v1  }
0x3f: {  	v1 =	vld [tilespmem:s1+$0x60];
	_ =	sdelay $0x4  }
0x40: {  	v1 =	vadd.s32 $0x400, v1  }
0x41: {  	v1 =	vshrl.u32 v1, $0x1  }
0x42: {  	[tilespmem:$0x1CE0] =	vst v1  }
0x43: {  	v1 =	vld [tilespmem:s1+$0x70];
	_ =	sdelay $0x4  }
0x44: {  	v1 =	vadd.s32 $0x400, v1  }
0x45: {  	v1 =	vshrl.u32 v1, $0x1  }
0x46: {  	[tilespmem:$0x1CF0] =	vst v1  }
0x47: {  	_ =	swait.ge [sflag:s15], $0x4000  }
0x48: {  	p0 =	seq.s32 s28, $0x0;
	[sflag:s15] =	ssyncset.done $0x0  }
0x49: {  	s1 =	simm.s32 @!p0 $0x3;
	[sflag:s15] =	ssyncadd.s32 $0xFFFFC000  }
0x4a: {  	[tilespmem:s18], [sflag:$0x2] =	stream.indirect.gather [hbm4b:s5+s16], $0x80, s17, s16, $0xb8;
	[tilespmem:$0xDD00] =	vst v63  }
0x4b: {  	s26 =	sshll.u32 s28, $0x1;
	_ =	swait.ge @!p0 [sflag:s1], $0x2000  }
0x4c: {  	s31 =	simm.s32 $0x0;
	s30 =	smin.u32 s26, $0x2F;
	[sflag:s1] =	ssyncset.done @!p0 $0x0  }
0x4d: {  	s26 =	smov.u32 s0;
	[sflag:s1] =	ssyncadd.s32 @!p0 $0xFFFFE000;
	s1 =	simm.s32 $0xAD00  }
.LBB2_3:
0x4e: {  	v3 =	vld [tilespmem:s26+$0x0];
	_ =	sdelay $0x2  }
0x4f: {  	v1 =	vmov s31  }
0x50: {  	v1 =	vshll.u32 v1, $0x7  }
0x51: {  	v1 =	vor.u32 v0, v1;
	v2 =	vand.u32 $0x7F, v3  }
0x52: {  	v4 =	vor.u32 v1, v2;
	_ =	sdelay $0x3  }
0x53: {  	v5 =	vadd.s32 $0x2, v3  }
0x54: {  	v5 =	vand.u32 $0x7F, v5;
	v4 =	vld.idx.msk [tilespmem:v4+s14+$0x0], $0xffff  }
0x55: {  	v5 =	vor.u32 v1, v5;
	_ =	sdelay $0x3  }
0x56: {  	v19 =	vadd.s32 $0x4, v3;
	[tilespmem:s1+$0xFFFFF000] =	vst v4  }
0x57: {  	v4 =	vand.u32 $0x7F, v19;
	v5 =	vld.idx.msk [tilespmem:v5+s14+$0x0], $0xffff  }
0x58: {  	v4 =	vor.u32 v1, v4;
	_ =	sdelay $0x3  }
0x59: {  	v20 =	vadd.s32 $0x6, v3;
	[tilespmem:s1+$0xFFFFF080] =	vst v5  }
0x5a: {  	v5 =	vand.u32 $0x7F, v20;
	v4 =	vld.idx.msk [tilespmem:v4+s14+$0x0], $0xffff  }
0x5b: {  	v5 =	vor.u32 v1, v5;
	_ =	sdelay $0x3  }
0x5c: {  	v21 =	vadd.s32 $0x8, v3;
	[tilespmem:s1+$0xFFFFF100] =	vst v4  }
0x5d: {  	v4 =	vand.u32 $0x7F, v21;
	v5 =	vld.idx.msk [tilespmem:v5+s14+$0x0], $0xffff  }
0x5e: {  	v4 =	vor.u32 v1, v4;
	_ =	sdelay $0x3  }
0x5f: {  	v22 =	vadd.s32 $0xA, v3;
	[tilespmem:s1+$0xFFFFF180] =	vst v5  }
0x60: {  	v5 =	vand.u32 $0x7F, v22;
	v4 =	vld.idx.msk [tilespmem:v4+s14+$0x0], $0xffff  }
0x61: {  	v5 =	vor.u32 v1, v5;
	_ =	sdelay $0x3  }
0x62: {  	v23 =	vadd.s32 $0xC, v3;
	[tilespmem:s1+$0xFFFFF200] =	vst v4  }
0x63: {  	v4 =	vand.u32 $0x7F, v23;
	v5 =	vld.idx.msk [tilespmem:v5+s14+$0x0], $0xffff  }
0x64: {  	v4 =	vor.u32 v1, v4;
	_ =	sdelay $0x3  }
0x65: {  	v24 =	vadd.s32 $0xE, v3;
	[tilespmem:s1+$0xFFFFF280] =	vst v5  }
0x66: {  	v5 =	vand.u32 $0x7F, v24;
	v4 =	vld.idx.msk [tilespmem:v4+s14+$0x0], $0xffff  }
0x67: {  	v5 =	vor.u32 v1, v5;
	_ =	sdelay $0x3  }
0x68: {  	v25 =	vadd.s32 $0x10, v3;
	[tilespmem:s1+$0xFFFFF300] =	vst v4  }
0x69: {  	v4 =	vand.u32 $0x7F, v25;
	v5 =	vld.idx.msk [tilespmem:v5+s14+$0x0], $0xffff  }
0x6a: {  	v4 =	vor.u32 v1, v4;
	_ =	sdelay $0x3  }
0x6b: {  	v26 =	vadd.s32 $0x12, v3;
	[tilespmem:s1+$0xFFFFF380] =	vst v5  }
0x6c: {  	v5 =	vand.u32 $0x7F, v26;
	v4 =	vld.idx.msk [tilespmem:v4+s14+$0x0], $0xffff  }
0x6d: {  	v5 =	vor.u32 v1, v5;
	_ =	sdelay $0x3  }
0x6e: {  	v27 =	vadd.s32 $0x14, v3;
	[tilespmem:s1+$0xFFFFF400] =	vst v4  }
0x6f: {  	v4 =	vand.u32 $0x7F, v27;
	v5 =	vld.idx.msk [tilespmem:v5+s14+$0x0], $0xffff  }
0x70: {  	v4 =	vor.u32 v1, v4;
	_ =	sdelay $0x3  }
0x71: {  	v28 =	vadd.s32 $0x16, v3;
	[tilespmem:s1+$0xFFFFF480] =	vst v5  }
0x72: {  	v5 =	vand.u32 $0x7F, v28;
	v4 =	vld.idx.msk [tilespmem:v4+s14+$0x0], $0xffff  }
0x73: {  	v5 =	vor.u32 v1, v5;
	_ =	sdelay $0x3  }
0x74: {  	v29 =	vadd.s32 $0x18, v3;
	[tilespmem:s1+$0xFFFFF500] =	vst v4  }
0x75: {  	v4 =	vand.u32 $0x7F, v29;
	v5 =	vld.idx.msk [tilespmem:v5+s14+$0x0], $0xffff  }
0x76: {  	v4 =	vor.u32 v1, v4;
	_ =	sdelay $0x3  }
0x77: {  	v30 =	vadd.s32 $0x1A, v3;
	[tilespmem:s1+$0xFFFFF580] =	vst v5  }
0x78: {  	v5 =	vand.u32 $0x7F, v30;
	v4 =	vld.idx.msk [tilespmem:v4+s14+$0x0], $0xffff  }
0x79: {  	v5 =	vor.u32 v1, v5;
	_ =	sdelay $0x3  }
0x7a: {  	v31 =	vadd.s32 $0x1C, v3;
	[tilespmem:s1+$0xFFFFF600] =	vst v4  }
0x7b: {  	v4 =	vand.u32 $0x7F, v31;
	v5 =	vld.idx.msk [tilespmem:v5+s14+$0x0], $0xffff  }
0x7c: {  	v4 =	vor.u32 v1, v4;
	_ =	sdelay $0x3  }
0x7d: {  	v32 =	vadd.s32 $0x1E, v3;
	[tilespmem:s1+$0xFFFFF680] =	vst v5  }
0x7e: {  	v5 =	vand.u32 $0x7F, v32;
	v4 =	vld.idx.msk [tilespmem:v4+s14+$0x0], $0xffff  }
0x7f: {  	v5 =	vor.u32 v1, v5;
	_ =	sdelay $0x3  }
0x80: {  	v33 =	vadd.s32 $0x20, v3;
	[tilespmem:s1+$0xFFFFF700] =	vst v4  }
0x81: {  	v4 =	vand.u32 $0x7F, v33;
	v5 =	vld.idx.msk [tilespmem:v5+s14+$0x0], $0xffff  }
0x82: {  	v4 =	vor.u32 v1, v4;
	_ =	sdelay $0x3  }
0x83: {  	v34 =	vadd.s32 $0x22, v3;
	[tilespmem:s1+$0xFFFFF780] =	vst v5  }
0x84: {  	v5 =	vand.u32 $0x7F, v34;
	v4 =	vld.idx.msk [tilespmem:v4+s14+$0x0], $0xffff  }
0x85: {  	v5 =	vor.u32 v1, v5;
	_ =	sdelay $0x3  }
0x86: {  	v35 =	vadd.s32 $0x24, v3;
	[tilespmem:s1+$0xFFFFF800] =	vst v4  }
0x87: {  	v4 =	vand.u32 $0x7F, v35;
	v5 =	vld.idx.msk [tilespmem:v5+s14+$0x0], $0xffff  }
0x88: {  	v4 =	vor.u32 v1, v4;
	_ =	sdelay $0x3  }
0x89: {  	v36 =	vadd.s32 $0x26, v3;
	[tilespmem:s1+$0xFFFFF880] =	vst v5  }
0x8a: {  	v5 =	vand.u32 $0x7F, v36;
	v4 =	vld.idx.msk [tilespmem:v4+s14+$0x0], $0xffff  }
0x8b: {  	v5 =	vor.u32 v1, v5;
	_ =	sdelay $0x3  }
0x8c: {  	v37 =	vadd.s32 $0x28, v3;
	[tilespmem:s1+$0xFFFFF900] =	vst v4  }
0x8d: {  	v4 =	vand.u32 $0x7F, v37;
	v5 =	vld.idx.msk [tilespmem:v5+s14+$0x0], $0xffff  }
0x8e: {  	v4 =	vor.u32 v1, v4;
	_ =	sdelay $0x3  }
0x8f: {  	v38 =	vadd.s32 $0x2A, v3;
	[tilespmem:s1+$0xFFFFF980] =	vst v5  }
0x90: {  	v5 =	vand.u32 $0x7F, v38;
	v4 =	vld.idx.msk [tilespmem:v4+s14+$0x0], $0xffff  }
0x91: {  	v5 =	vor.u32 v1, v5;
	_ =	sdelay $0x3  }
0x92: {  	v39 =	vadd.s32 $0x2C, v3;
	[tilespmem:s1+$0xFFFFFA00] =	vst v4  }
0x93: {  	v4 =	vand.u32 $0x7F, v39;
	v5 =	vld.idx.msk [tilespmem:v5+s14+$0x0], $0xffff  }
0x94: {  	v4 =	vor.u32 v1, v4;
	_ =	sdelay $0x3  }
0x95: {  	v40 =	vadd.s32 $0x2E, v3;
	[tilespmem:s1+$0xFFFFFA80] =	vst v5  }
0x96: {  	v5 =	vand.u32 $0x7F, v40;
	v4 =	vld.idx.msk [tilespmem:v4+s14+$0x0], $0xffff  }
0x97: {  	v5 =	vor.u32 v1, v5;
	_ =	sdelay $0x3  }
0x98: {  	v41 =	vadd.s32 $0x30, v3;
	[tilespmem:s1+$0xFFFFFB00] =	vst v4  }
0x99: {  	v4 =	vand.u32 $0x7F, v41;
	v5 =	vld.idx.msk [tilespmem:v5+s14+$0x0], $0xffff  }
0x9a: {  	v4 =	vor.u32 v1, v4;
	_ =	sdelay $0x3  }
0x9b: {  	v42 =	vadd.s32 $0x32, v3;
	[tilespmem:s1+$0xFFFFFB80] =	vst v5  }
0x9c: {  	v5 =	vand.u32 $0x7F, v42;
	v4 =	vld.idx.msk [tilespmem:v4+s14+$0x0], $0xffff  }
0x9d: {  	v5 =	vor.u32 v1, v5;
	_ =	sdelay $0x3  }
0x9e: {  	v43 =	vadd.s32 $0x34, v3;
	[tilespmem:s1+$0xFFFFFC00] =	vst v4  }
0x9f: {  	v4 =	vand.u32 $0x7F, v43;
	v5 =	vld.idx.msk [tilespmem:v5+s14+$0x0], $0xffff  }
0xa0: {  	v4 =	vor.u32 v1, v4;
	_ =	sdelay $0x3  }
0xa1: {  	v44 =	vadd.s32 $0x36, v3;
	[tilespmem:s1+$0xFFFFFC80] =	vst v5  }
0xa2: {  	v5 =	vand.u32 $0x7F, v44;
	v4 =	vld.idx.msk [tilespmem:v4+s14+$0x0], $0xffff  }
0xa3: {  	v5 =	vor.u32 v1, v5;
	_ =	sdelay $0x3  }
0xa4: {  	v45 =	vadd.s32 $0x38, v3;
	[tilespmem:s1+$0xFFFFFD00] =	vst v4  }
0xa5: {  	v4 =	vand.u32 $0x7F, v45;
	v5 =	vld.idx.msk [tilespmem:v5+s14+$0x0], $0xffff  }
0xa6: {  	v4 =	vor.u32 v1, v4;
	_ =	sdelay $0x3  }
0xa7: {  	v46 =	vadd.s32 $0x3A, v3;
	[tilespmem:s1+$0xFFFFFD80] =	vst v5  }
0xa8: {  	v5 =	vand.u32 $0x7F, v46;
	v4 =	vld.idx.msk [tilespmem:v4+s14+$0x0], $0xffff  }
0xa9: {  	v5 =	vor.u32 v1, v5;
	_ =	sdelay $0x3  }
0xaa: {  	v47 =	vadd.s32 $0x3C, v3;
	[tilespmem:s1+$0xFFFFFE00] =	vst v4  }
0xab: {  	v4 =	vand.u32 $0x7F, v47;
	v5 =	vld.idx.msk [tilespmem:v5+s14+$0x0], $0xffff  }
0xac: {  	v4 =	vor.u32 v1, v4;
	_ =	sdelay $0x3  }
0xad: {  	v3 =	vadd.s32 $0x3E, v3;
	[tilespmem:s1+$0xFFFFFE80] =	vst v5  }
0xae: {  	v3 =	vand.u32 $0x7F, v3;
	v4 =	vld.idx.msk [tilespmem:v4+s14+$0x0], $0xffff  }
0xaf: {  	v3 =	vor.u32 v1, v3;
	_ =	sdelay $0x3  }
0xb0: {  	[tilespmem:s1+$0xFFFFFF00] =	vst v4  }
0xb1: {  	v2 =	vxor.u32 $0x40, v2;
	v3 =	vld.idx.msk [tilespmem:v3+s14+$0x0], $0xffff  }
0xb2: {  	v48 =	vor.u32 v1, v2;
	_ =	sdelay $0x3  }
0xb3: {  	[tilespmem:s1+$0xFFFFFF80] =	vst v3;
	v3 =	vadd.s32 $0x2, v2  }
0xb4: {  	v4 =	vld.idx.msk [tilespmem:v48+s14+$0x0], $0xffff;
	v3 =	vand.u32 $0x7F, v3  }
0xb5: {  	v3 =	vor.u32 v1, v3;
	_ =	sdelay $0x3  }
0xb6: {  	v49 =	vadd.s32 $0x4, v2;
	[tilespmem:s1+$0x0] =	vst v4  }
0xb7: {  	v4 =	vand.u32 $0x7F, v49;
	v3 =	vld.idx.msk [tilespmem:v3+s14+$0x0], $0xffff  }
0xb8: {  	v4 =	vor.u32 v1, v4;
	_ =	sdelay $0x3  }
0xb9: {  	[tilespmem:s1+$0x80] =	vst v3;
	v3 =	vadd.s32 $0x6, v2  }
0xba: {  	v4 =	vld.idx.msk [tilespmem:v4+s14+$0x0], $0xffff;
	v3 =	vand.u32 $0x7F, v3  }
0xbb: {  	v3 =	vor.u32 v1, v3;
	_ =	sdelay $0x3  }
0xbc: {  	v50 =	vadd.s32 $0x8, v2;
	[tilespmem:s1+$0x100] =	vst v4  }
0xbd: {  	v4 =	vand.u32 $0x7F, v50;
	v3 =	vld.idx.msk [tilespmem:v3+s14+$0x0], $0xffff  }
0xbe: {  	v4 =	vor.u32 v1, v4;
	_ =	sdelay $0x3  }
0xbf: {  	[tilespmem:s1+$0x180] =	vst v3;
	v3 =	vadd.s32 $0xA, v2  }
0xc0: {  	v4 =	vld.idx.msk [tilespmem:v4+s14+$0x0], $0xffff;
	v3 =	vand.u32 $0x7F, v3  }
0xc1: {  	v3 =	vor.u32 v1, v3;
	_ =	sdelay $0x3  }
0xc2: {  	v51 =	vadd.s32 $0xC, v2;
	[tilespmem:s1+$0x200] =	vst v4  }
0xc3: {  	v4 =	vand.u32 $0x7F, v51;
	v3 =	vld.idx.msk [tilespmem:v3+s14+$0x0], $0xffff  }
0xc4: {  	v4 =	vor.u32 v1, v4;
	_ =	sdelay $0x3  }
0xc5: {  	[tilespmem:s1+$0x280] =	vst v3;
	v3 =	vadd.s32 $0xE, v2  }
0xc6: {  	v4 =	vld.idx.msk [tilespmem:v4+s14+$0x0], $0xffff;
	v3 =	vand.u32 $0x7F, v3  }
0xc7: {  	v3 =	vor.u32 v1, v3;
	_ =	sdelay $0x3  }
0xc8: {  	v52 =	vadd.s32 $0x10, v2;
	[tilespmem:s1+$0x300] =	vst v4  }
0xc9: {  	v4 =	vand.u32 $0x7F, v52;
	v3 =	vld.idx.msk [tilespmem:v3+s14+$0x0], $0xffff  }
0xca: {  	v4 =	vor.u32 v1, v4;
	_ =	sdelay $0x3  }
0xcb: {  	[tilespmem:s1+$0x380] =	vst v3;
	v3 =	vadd.s32 $0x12, v2  }
0xcc: {  	v4 =	vld.idx.msk [tilespmem:v4+s14+$0x0], $0xffff;
	v3 =	vand.u32 $0x7F, v3  }
0xcd: {  	v3 =	vor.u32 v1, v3;
	_ =	sdelay $0x3  }
0xce: {  	v53 =	vadd.s32 $0x14, v2;
	[tilespmem:s1+$0x400] =	vst v4  }
0xcf: {  	v4 =	vand.u32 $0x7F, v53;
	v3 =	vld.idx.msk [tilespmem:v3+s14+$0x0], $0xffff  }
0xd0: {  	v4 =	vor.u32 v1, v4;
	_ =	sdelay $0x3  }
0xd1: {  	[tilespmem:s1+$0x480] =	vst v3;
	v3 =	vadd.s32 $0x16, v2  }
0xd2: {  	v4 =	vld.idx.msk [tilespmem:v4+s14+$0x0], $0xffff;
	v3 =	vand.u32 $0x7F, v3  }
0xd3: {  	v3 =	vor.u32 v1, v3;
	_ =	sdelay $0x3  }
0xd4: {  	v54 =	vadd.s32 $0x18, v2;
	[tilespmem:s1+$0x500] =	vst v4  }
0xd5: {  	v4 =	vand.u32 $0x7F, v54;
	v3 =	vld.idx.msk [tilespmem:v3+s14+$0x0], $0xffff  }
0xd6: {  	v4 =	vor.u32 v1, v4;
	_ =	sdelay $0x3  }
0xd7: {  	[tilespmem:s1+$0x580] =	vst v3;
	v3 =	vadd.s32 $0x1A, v2  }
0xd8: {  	v4 =	vld.idx.msk [tilespmem:v4+s14+$0x0], $0xffff;
	v3 =	vand.u32 $0x7F, v3  }
0xd9: {  	v3 =	vor.u32 v1, v3;
	_ =	sdelay $0x3  }
0xda: {  	v55 =	vadd.s32 $0x1C, v2;
	[tilespmem:s1+$0x600] =	vst v4  }
0xdb: {  	v4 =	vand.u32 $0x7F, v55;
	v3 =	vld.idx.msk [tilespmem:v3+s14+$0x0], $0xffff  }
0xdc: {  	v4 =	vor.u32 v1, v4;
	_ =	sdelay $0x3  }
0xdd: {  	[tilespmem:s1+$0x680] =	vst v3;
	v3 =	vadd.s32 $0x1E, v2  }
0xde: {  	v4 =	vld.idx.msk [tilespmem:v4+s14+$0x0], $0xffff;
	v3 =	vand.u32 $0x7F, v3  }
0xdf: {  	v3 =	vor.u32 v1, v3;
	_ =	sdelay $0x3  }
0xe0: {  	v56 =	vadd.s32 $0x20, v2;
	[tilespmem:s1+$0x700] =	vst v4  }
0xe1: {  	v4 =	vand.u32 $0x7F, v56;
	v3 =	vld.idx.msk [tilespmem:v3+s14+$0x0], $0xffff  }
0xe2: {  	v4 =	vor.u32 v1, v4;
	_ =	sdelay $0x3  }
0xe3: {  	[tilespmem:s1+$0x780] =	vst v3;
	v3 =	vadd.s32 $0x22, v2  }
0xe4: {  	v4 =	vld.idx.msk [tilespmem:v4+s14+$0x0], $0xffff;
	v3 =	vand.u32 $0x7F, v3  }
0xe5: {  	v3 =	vor.u32 v1, v3;
	_ =	sdelay $0x3  }
0xe6: {  	v57 =	vadd.s32 $0x24, v2;
	[tilespmem:s1+$0x800] =	vst v4  }
0xe7: {  	v4 =	vand.u32 $0x7F, v57;
	v3 =	vld.idx.msk [tilespmem:v3+s14+$0x0], $0xffff  }
0xe8: {  	v4 =	vor.u32 v1, v4;
	_ =	sdelay $0x3  }
0xe9: {  	[tilespmem:s1+$0x880] =	vst v3;
	v3 =	vadd.s32 $0x26, v2  }
0xea: {  	v4 =	vld.idx.msk [tilespmem:v4+s14+$0x0], $0xffff;
	v3 =	vand.u32 $0x7F, v3  }
0xeb: {  	v3 =	vor.u32 v1, v3;
	_ =	sdelay $0x3  }
0xec: {  	v58 =	vadd.s32 $0x28, v2;
	[tilespmem:s1+$0x900] =	vst v4  }
0xed: {  	v4 =	vand.u32 $0x7F, v58;
	v3 =	vld.idx.msk [tilespmem:v3+s14+$0x0], $0xffff  }
0xee: {  	v4 =	vor.u32 v1, v4;
	_ =	sdelay $0x3  }
0xef: {  	[tilespmem:s1+$0x980] =	vst v3;
	v3 =	vadd.s32 $0x2A, v2  }
0xf0: {  	v4 =	vld.idx.msk [tilespmem:v4+s14+$0x0], $0xffff;
	v3 =	vand.u32 $0x7F, v3  }
0xf1: {  	v3 =	vor.u32 v1, v3;
	_ =	sdelay $0x3  }
0xf2: {  	v59 =	vadd.s32 $0x2C, v2;
	[tilespmem:s1+$0xA00] =	vst v4  }
0xf3: {  	v4 =	vand.u32 $0x7F, v59;
	v3 =	vld.idx.msk [tilespmem:v3+s14+$0x0], $0xffff  }
0xf4: {  	v4 =	vor.u32 v1, v4;
	_ =	sdelay $0x3  }
0xf5: {  	[tilespmem:s1+$0xA80] =	vst v3;
	v3 =	vadd.s32 $0x2E, v2  }
0xf6: {  	v4 =	vld.idx.msk [tilespmem:v4+s14+$0x0], $0xffff;
	v3 =	vand.u32 $0x7F, v3  }
0xf7: {  	v3 =	vor.u32 v1, v3;
	_ =	sdelay $0x3  }
0xf8: {  	v60 =	vadd.s32 $0x30, v2;
	[tilespmem:s1+$0xB00] =	vst v4  }
0xf9: {  	v4 =	vand.u32 $0x7F, v60;
	v3 =	vld.idx.msk [tilespmem:v3+s14+$0x0], $0xffff  }
0xfa: {  	v4 =	vor.u32 v1, v4;
	_ =	sdelay $0x3  }
0xfb: {  	[tilespmem:s1+$0xB80] =	vst v3;
	v3 =	vadd.s32 $0x32, v2  }
0xfc: {  	v4 =	vld.idx.msk [tilespmem:v4+s14+$0x0], $0xffff;
	v3 =	vand.u32 $0x7F, v3  }
0xfd: {  	v3 =	vor.u32 v1, v3;
	_ =	sdelay $0x3  }
0xfe: {  	v61 =	vadd.s32 $0x34, v2;
	[tilespmem:s1+$0xC00] =	vst v4  }
0xff: {  	v4 =	vand.u32 $0x7F, v61;
	v3 =	vld.idx.msk [tilespmem:v3+s14+$0x0], $0xffff  }
0x100: {  	v4 =	vor.u32 v1, v4;
	_ =	sdelay $0x3  }
0x101: {  	[tilespmem:s1+$0xC80] =	vst v3;
	v3 =	vadd.s32 $0x36, v2  }
0x102: {  	v4 =	vld.idx.msk [tilespmem:v4+s14+$0x0], $0xffff;
	v3 =	vand.u32 $0x7F, v3  }
0x103: {  	v3 =	vor.u32 v1, v3;
	_ =	sdelay $0x3  }
0x104: {  	v62 =	vadd.s32 $0x38, v2;
	[tilespmem:s1+$0xD00] =	vst v4  }
0x105: {  	v4 =	vand.u32 $0x7F, v62;
	v3 =	vld.idx.msk [tilespmem:v3+s14+$0x0], $0xffff  }
0x106: {  	v4 =	vor.u32 v1, v4;
	_ =	sdelay $0x3  }
0x107: {  	[tilespmem:s1+$0xD80] =	vst v3;
	v3 =	vadd.s32 $0x3A, v2  }
0x108: {  	v4 =	vld.idx.msk [tilespmem:v4+s14+$0x0], $0xffff;
	v3 =	vand.u32 $0x7F, v3  }
0x109: {  	v3 =	vor.u32 v1, v3;
	_ =	sdelay $0x3  }
0x10a: {  	v63 =	vadd.s32 $0x3C, v2;
	[tilespmem:s1+$0xE00] =	vst v4  }
0x10b: {  	v4 =	vand.u32 $0x7F, v63;
	v3 =	vld.idx.msk [tilespmem:v3+s14+$0x0], $0xffff  }
0x10c: {  	v4 =	vor.u32 v1, v4;
	_ =	sdelay $0x3  }
0x10d: {  	v2 =	vadd.s32 $0x3E, v2;
	[tilespmem:s1+$0xE80] =	vst v3  }
0x10e: {  	v2 =	vand.u32 $0x7F, v2;
	v3 =	vld.idx.msk [tilespmem:v4+s14+$0x0], $0xffff  }
0x10f: {  	v1 =	vor.u32 v1, v2;
	_ =	sdelay $0x3  }
0x110: {  	[tilespmem:s1+$0xF00] =	vst v3  }
0x111: {  	p1 =	sne.s32 s31, $0x70;
	v1 =	vld.idx.msk [tilespmem:v1+s14+$0x0], $0xffff  }
.Ltmp0:
0x112: {  	_ = 	snop;
	(pc) =	sbr.rel @p1 .LBB2_3-.Ltmp0, $2  }
0x113: {  	_ =	sdelay $0x2  }
0x114: {  	s26 =	sadd.s32 $0x10, s26;
	s31 =	sadd.s32 $0x10, s31;
	[tilespmem:s1+$0xF80] =	vst v1;
	s1 =	sadd.s32 $0x10, s1  }
0x115: {  	s1 =	sshll.u32 s28, $0x13  }
0x116: {  	s1 =	sor.u32 s7, s1  }
0x117: {  	s1 =	sshrl.u32 s1, $0x3  }
0x118: {  	s31 =	sshll.u32 s30, $0x7;
	s1 =	sadd.s32 s2, s1  }
0x119: {  	[hbm4b:s1+s9] =	stream.strided.scatter [tilespmem:s19], [sflag:$0x3], $0x2000, s10, s9, $0x38;
	[tilespmem:$0xDD00] =	vst v63  }
0x11a: {  	v1 =	vld [tilespmem:s31+$0x100];
	_ =	sdelay $0x4  }
0x11b: {  	v1 =	vadd.s32 $0x400, v1  }
0x11c: {  	v1 =	vshrl.u32 v1, $0x1  }
0x11d: {  	[tilespmem:$0x1C00] =	vst v1  }
0x11e: {  	v1 =	vld [tilespmem:s31+$0x110];
	_ =	sdelay $0x4  }
0x11f: {  	v1 =	vadd.s32 $0x400, v1  }
0x120: {  	v1 =	vshrl.u32 v1, $0x1  }
0x121: {  	[tilespmem:$0x1C10] =	vst v1  }
0x122: {  	v1 =	vld [tilespmem:s31+$0x120];
	_ =	sdelay $0x4  }
0x123: {  	v1 =	vadd.s32 $0x400, v1  }
0x124: {  	v1 =	vshrl.u32 v1, $0x1  }
0x125: {  	[tilespmem:$0x1C20] =	vst v1  }
0x126: {  	v1 =	vld [tilespmem:s31+$0x130];
	_ =	sdelay $0x4  }
0x127: {  	v1 =	vadd.s32 $0x400, v1  }
0x128: {  	v1 =	vshrl.u32 v1, $0x1  }
0x129: {  	[tilespmem:$0x1C30] =	vst v1  }
0x12a: {  	v1 =	vld [tilespmem:s31+$0x140];
	_ =	sdelay $0x4  }
0x12b: {  	v1 =	vadd.s32 $0x400, v1  }
0x12c: {  	v1 =	vshrl.u32 v1, $0x1  }
0x12d: {  	[tilespmem:$0x1C40] =	vst v1  }
0x12e: {  	v1 =	vld [tilespmem:s31+$0x150];
	_ =	sdelay $0x4  }
0x12f: {  	v1 =	vadd.s32 $0x400, v1  }
0x130: {  	v1 =	vshrl.u32 v1, $0x1  }
0x131: {  	[tilespmem:$0x1C50] =	vst v1  }
0x132: {  	v1 =	vld [tilespmem:s31+$0x160];
	_ =	sdelay $0x4  }
0x133: {  	v1 =	vadd.s32 $0x400, v1  }
0x134: {  	v1 =	vshrl.u32 v1, $0x1  }
0x135: {  	[tilespmem:$0x1C60] =	vst v1  }
0x136: {  	v1 =	vld [tilespmem:s31+$0x170];
	_ =	sdelay $0x4  }
0x137: {  	v1 =	vadd.s32 $0x400, v1  }
0x138: {  	v1 =	vshrl.u32 v1, $0x1  }
0x139: {  	[tilespmem:$0x1C70] =	vst v1  }
0x13a: {  	_ =	swait.ge [sflag:s20], $0x4000  }
0x13b: {  	[sflag:s20] =	ssyncset.done $0x0  }
0x13c: {  	s1 =	simm.s32 @!p0 $0x4;
	[sflag:s20] =	ssyncadd.s32 $0xFFFFC000  }
0x13d: {  	[tilespmem:s14], [sflag:$0x1] =	stream.indirect.gather [hbm4b:s5+s16], $0x80, s13, s16, $0xb8;
	[tilespmem:$0xDD00] =	vst v63  }
0x13e: {  	_ =	swait.ge @!p0 [sflag:s1], $0x2000  }
0x13f: {  	s30 =	simm.s32 $0x0;
	[sflag:s1] =	ssyncset.done @!p0 $0x0  }
0x140: {  	s26 =	smov.u32 s25;
	[sflag:s1] =	ssyncadd.s32 @!p0 $0xFFFFE000;
	s1 =	simm.s32 $0xCD00  }
.LBB2_5:
0x141: {  	v3 =	vld [tilespmem:s26+$0x0];
	_ =	sdelay $0x2  }
0x142: {  	v1 =	vmov s30  }
0x143: {  	v1 =	vshll.u32 v1, $0x7  }
0x144: {  	v1 =	vor.u32 v0, v1;
	v2 =	vand.u32 $0x7F, v3  }
0x145: {  	v4 =	vor.u32 v1, v2;
	_ =	sdelay $0x3  }
0x146: {  	v5 =	vadd.s32 $0x2, v3  }
0x147: {  	v5 =	vand.u32 $0x7F, v5;
	v4 =	vld.idx.msk [tilespmem:v4+s18+$0x0], $0xffff  }
0x148: {  	v5 =	vor.u32 v1, v5;
	_ =	sdelay $0x3  }
0x149: {  	v19 =	vadd.s32 $0x4, v3;
	[tilespmem:s1+$0xFFFFF000] =	vst v4  }
0x14a: {  	v4 =	vand.u32 $0x7F, v19;
	v5 =	vld.idx.msk [tilespmem:v5+s18+$0x0], $0xffff  }
0x14b: {  	v4 =	vor.u32 v1, v4;
	_ =	sdelay $0x3  }
0x14c: {  	v20 =	vadd.s32 $0x6, v3;
	[tilespmem:s1+$0xFFFFF080] =	vst v5  }
0x14d: {  	v5 =	vand.u32 $0x7F, v20;
	v4 =	vld.idx.msk [tilespmem:v4+s18+$0x0], $0xffff  }
0x14e: {  	v5 =	vor.u32 v1, v5;
	_ =	sdelay $0x3  }
0x14f: {  	v21 =	vadd.s32 $0x8, v3;
	[tilespmem:s1+$0xFFFFF100] =	vst v4  }
0x150: {  	v4 =	vand.u32 $0x7F, v21;
	v5 =	vld.idx.msk [tilespmem:v5+s18+$0x0], $0xffff  }
0x151: {  	v4 =	vor.u32 v1, v4;
	_ =	sdelay $0x3  }
0x152: {  	v22 =	vadd.s32 $0xA, v3;
	[tilespmem:s1+$0xFFFFF180] =	vst v5  }
0x153: {  	v5 =	vand.u32 $0x7F, v22;
	v4 =	vld.idx.msk [tilespmem:v4+s18+$0x0], $0xffff  }
0x154: {  	v5 =	vor.u32 v1, v5;
	_ =	sdelay $0x3  }
0x155: {  	v23 =	vadd.s32 $0xC, v3;
	[tilespmem:s1+$0xFFFFF200] =	vst v4  }
0x156: {  	v4 =	vand.u32 $0x7F, v23;
	v5 =	vld.idx.msk [tilespmem:v5+s18+$0x0], $0xffff  }
0x157: {  	v4 =	vor.u32 v1, v4;
	_ =	sdelay $0x3  }
0x158: {  	v24 =	vadd.s32 $0xE, v3;
	[tilespmem:s1+$0xFFFFF280] =	vst v5  }
0x159: {  	v5 =	vand.u32 $0x7F, v24;
	v4 =	vld.idx.msk [tilespmem:v4+s18+$0x0], $0xffff  }
0x15a: {  	v5 =	vor.u32 v1, v5;
	_ =	sdelay $0x3  }
0x15b: {  	v25 =	vadd.s32 $0x10, v3;
	[tilespmem:s1+$0xFFFFF300] =	vst v4  }
0x15c: {  	v4 =	vand.u32 $0x7F, v25;
	v5 =	vld.idx.msk [tilespmem:v5+s18+$0x0], $0xffff  }
0x15d: {  	v4 =	vor.u32 v1, v4;
	_ =	sdelay $0x3  }
0x15e: {  	v26 =	vadd.s32 $0x12, v3;
	[tilespmem:s1+$0xFFFFF380] =	vst v5  }
0x15f: {  	v5 =	vand.u32 $0x7F, v26;
	v4 =	vld.idx.msk [tilespmem:v4+s18+$0x0], $0xffff  }
0x160: {  	v5 =	vor.u32 v1, v5;
	_ =	sdelay $0x3  }
0x161: {  	v27 =	vadd.s32 $0x14, v3;
	[tilespmem:s1+$0xFFFFF400] =	vst v4  }
0x162: {  	v4 =	vand.u32 $0x7F, v27;
	v5 =	vld.idx.msk [tilespmem:v5+s18+$0x0], $0xffff  }
0x163: {  	v4 =	vor.u32 v1, v4;
	_ =	sdelay $0x3  }
0x164: {  	v28 =	vadd.s32 $0x16, v3;
	[tilespmem:s1+$0xFFFFF480] =	vst v5  }
0x165: {  	v5 =	vand.u32 $0x7F, v28;
	v4 =	vld.idx.msk [tilespmem:v4+s18+$0x0], $0xffff  }
0x166: {  	v5 =	vor.u32 v1, v5;
	_ =	sdelay $0x3  }
0x167: {  	v29 =	vadd.s32 $0x18, v3;
	[tilespmem:s1+$0xFFFFF500] =	vst v4  }
0x168: {  	v4 =	vand.u32 $0x7F, v29;
	v5 =	vld.idx.msk [tilespmem:v5+s18+$0x0], $0xffff  }
0x169: {  	v4 =	vor.u32 v1, v4;
	_ =	sdelay $0x3  }
0x16a: {  	v30 =	vadd.s32 $0x1A, v3;
	[tilespmem:s1+$0xFFFFF580] =	vst v5  }
0x16b: {  	v5 =	vand.u32 $0x7F, v30;
	v4 =	vld.idx.msk [tilespmem:v4+s18+$0x0], $0xffff  }
0x16c: {  	v5 =	vor.u32 v1, v5;
	_ =	sdelay $0x3  }
0x16d: {  	v31 =	vadd.s32 $0x1C, v3;
	[tilespmem:s1+$0xFFFFF600] =	vst v4  }
0x16e: {  	v4 =	vand.u32 $0x7F, v31;
	v5 =	vld.idx.msk [tilespmem:v5+s18+$0x0], $0xffff  }
0x16f: {  	v4 =	vor.u32 v1, v4;
	_ =	sdelay $0x3  }
0x170: {  	v32 =	vadd.s32 $0x1E, v3;
	[tilespmem:s1+$0xFFFFF680] =	vst v5  }
0x171: {  	v5 =	vand.u32 $0x7F, v32;
	v4 =	vld.idx.msk [tilespmem:v4+s18+$0x0], $0xffff  }
0x172: {  	v5 =	vor.u32 v1, v5;
	_ =	sdelay $0x3  }
0x173: {  	v33 =	vadd.s32 $0x20, v3;
	[tilespmem:s1+$0xFFFFF700] =	vst v4  }
0x174: {  	v4 =	vand.u32 $0x7F, v33;
	v5 =	vld.idx.msk [tilespmem:v5+s18+$0x0], $0xffff  }
0x175: {  	v4 =	vor.u32 v1, v4;
	_ =	sdelay $0x3  }
0x176: {  	v34 =	vadd.s32 $0x22, v3;
	[tilespmem:s1+$0xFFFFF780] =	vst v5  }
0x177: {  	v5 =	vand.u32 $0x7F, v34;
	v4 =	vld.idx.msk [tilespmem:v4+s18+$0x0], $0xffff  }
0x178: {  	v5 =	vor.u32 v1, v5;
	_ =	sdelay $0x3  }
0x179: {  	v35 =	vadd.s32 $0x24, v3;
	[tilespmem:s1+$0xFFFFF800] =	vst v4  }
0x17a: {  	v4 =	vand.u32 $0x7F, v35;
	v5 =	vld.idx.msk [tilespmem:v5+s18+$0x0], $0xffff  }
0x17b: {  	v4 =	vor.u32 v1, v4;
	_ =	sdelay $0x3  }
0x17c: {  	v36 =	vadd.s32 $0x26, v3;
	[tilespmem:s1+$0xFFFFF880] =	vst v5  }
0x17d: {  	v5 =	vand.u32 $0x7F, v36;
	v4 =	vld.idx.msk [tilespmem:v4+s18+$0x0], $0xffff  }
0x17e: {  	v5 =	vor.u32 v1, v5;
	_ =	sdelay $0x3  }
0x17f: {  	v37 =	vadd.s32 $0x28, v3;
	[tilespmem:s1+$0xFFFFF900] =	vst v4  }
0x180: {  	v4 =	vand.u32 $0x7F, v37;
	v5 =	vld.idx.msk [tilespmem:v5+s18+$0x0], $0xffff  }
0x181: {  	v4 =	vor.u32 v1, v4;
	_ =	sdelay $0x3  }
0x182: {  	v38 =	vadd.s32 $0x2A, v3;
	[tilespmem:s1+$0xFFFFF980] =	vst v5  }
0x183: {  	v5 =	vand.u32 $0x7F, v38;
	v4 =	vld.idx.msk [tilespmem:v4+s18+$0x0], $0xffff  }
0x184: {  	v5 =	vor.u32 v1, v5;
	_ =	sdelay $0x3  }
0x185: {  	v39 =	vadd.s32 $0x2C, v3;
	[tilespmem:s1+$0xFFFFFA00] =	vst v4  }
0x186: {  	v4 =	vand.u32 $0x7F, v39;
	v5 =	vld.idx.msk [tilespmem:v5+s18+$0x0], $0xffff  }
0x187: {  	v4 =	vor.u32 v1, v4;
	_ =	sdelay $0x3  }
0x188: {  	v40 =	vadd.s32 $0x2E, v3;
	[tilespmem:s1+$0xFFFFFA80] =	vst v5  }
0x189: {  	v5 =	vand.u32 $0x7F, v40;
	v4 =	vld.idx.msk [tilespmem:v4+s18+$0x0], $0xffff  }
0x18a: {  	v5 =	vor.u32 v1, v5;
	_ =	sdelay $0x3  }
0x18b: {  	v41 =	vadd.s32 $0x30, v3;
	[tilespmem:s1+$0xFFFFFB00] =	vst v4  }
0x18c: {  	v4 =	vand.u32 $0x7F, v41;
	v5 =	vld.idx.msk [tilespmem:v5+s18+$0x0], $0xffff  }
0x18d: {  	v4 =	vor.u32 v1, v4;
	_ =	sdelay $0x3  }
0x18e: {  	v42 =	vadd.s32 $0x32, v3;
	[tilespmem:s1+$0xFFFFFB80] =	vst v5  }
0x18f: {  	v5 =	vand.u32 $0x7F, v42;
	v4 =	vld.idx.msk [tilespmem:v4+s18+$0x0], $0xffff  }
0x190: {  	v5 =	vor.u32 v1, v5;
	_ =	sdelay $0x3  }
0x191: {  	v43 =	vadd.s32 $0x34, v3;
	[tilespmem:s1+$0xFFFFFC00] =	vst v4  }
0x192: {  	v4 =	vand.u32 $0x7F, v43;
	v5 =	vld.idx.msk [tilespmem:v5+s18+$0x0], $0xffff  }
0x193: {  	v4 =	vor.u32 v1, v4;
	_ =	sdelay $0x3  }
0x194: {  	v44 =	vadd.s32 $0x36, v3;
	[tilespmem:s1+$0xFFFFFC80] =	vst v5  }
0x195: {  	v5 =	vand.u32 $0x7F, v44;
	v4 =	vld.idx.msk [tilespmem:v4+s18+$0x0], $0xffff  }
0x196: {  	v5 =	vor.u32 v1, v5;
	_ =	sdelay $0x3  }
0x197: {  	v45 =	vadd.s32 $0x38, v3;
	[tilespmem:s1+$0xFFFFFD00] =	vst v4  }
0x198: {  	v4 =	vand.u32 $0x7F, v45;
	v5 =	vld.idx.msk [tilespmem:v5+s18+$0x0], $0xffff  }
0x199: {  	v4 =	vor.u32 v1, v4;
	_ =	sdelay $0x3  }
0x19a: {  	v46 =	vadd.s32 $0x3A, v3;
	[tilespmem:s1+$0xFFFFFD80] =	vst v5  }
0x19b: {  	v5 =	vand.u32 $0x7F, v46;
	v4 =	vld.idx.msk [tilespmem:v4+s18+$0x0], $0xffff  }
0x19c: {  	v5 =	vor.u32 v1, v5;
	_ =	sdelay $0x3  }
0x19d: {  	v47 =	vadd.s32 $0x3C, v3;
	[tilespmem:s1+$0xFFFFFE00] =	vst v4  }
0x19e: {  	v4 =	vand.u32 $0x7F, v47;
	v5 =	vld.idx.msk [tilespmem:v5+s18+$0x0], $0xffff  }
0x19f: {  	v4 =	vor.u32 v1, v4;
	_ =	sdelay $0x3  }
0x1a0: {  	v3 =	vadd.s32 $0x3E, v3;
	[tilespmem:s1+$0xFFFFFE80] =	vst v5  }
0x1a1: {  	v3 =	vand.u32 $0x7F, v3;
	v4 =	vld.idx.msk [tilespmem:v4+s18+$0x0], $0xffff  }
0x1a2: {  	v3 =	vor.u32 v1, v3;
	_ =	sdelay $0x3  }
0x1a3: {  	[tilespmem:s1+$0xFFFFFF00] =	vst v4  }
0x1a4: {  	v2 =	vxor.u32 $0x40, v2;
	v3 =	vld.idx.msk [tilespmem:v3+s18+$0x0], $0xffff  }
0x1a5: {  	v48 =	vor.u32 v1, v2;
	_ =	sdelay $0x3  }
0x1a6: {  	[tilespmem:s1+$0xFFFFFF80] =	vst v3;
	v3 =	vadd.s32 $0x2, v2  }
0x1a7: {  	v4 =	vld.idx.msk [tilespmem:v48+s18+$0x0], $0xffff;
	v3 =	vand.u32 $0x7F, v3  }
0x1a8: {  	v3 =	vor.u32 v1, v3;
	_ =	sdelay $0x3  }
0x1a9: {  	v49 =	vadd.s32 $0x4, v2;
	[tilespmem:s1+$0x0] =	vst v4  }
0x1aa: {  	v4 =	vand.u32 $0x7F, v49;
	v3 =	vld.idx.msk [tilespmem:v3+s18+$0x0], $0xffff  }
0x1ab: {  	v4 =	vor.u32 v1, v4;
	_ =	sdelay $0x3  }
0x1ac: {  	[tilespmem:s1+$0x80] =	vst v3;
	v3 =	vadd.s32 $0x6, v2  }
0x1ad: {  	v4 =	vld.idx.msk [tilespmem:v4+s18+$0x0], $0xffff;
	v3 =	vand.u32 $0x7F, v3  }
0x1ae: {  	v3 =	vor.u32 v1, v3;
	_ =	sdelay $0x3  }
0x1af: {  	v50 =	vadd.s32 $0x8, v2;
	[tilespmem:s1+$0x100] =	vst v4  }
0x1b0: {  	v4 =	vand.u32 $0x7F, v50;
	v3 =	vld.idx.msk [tilespmem:v3+s18+$0x0], $0xffff  }
0x1b1: {  	v4 =	vor.u32 v1, v4;
	_ =	sdelay $0x3  }
0x1b2: {  	[tilespmem:s1+$0x180] =	vst v3;
	v3 =	vadd.s32 $0xA, v2  }
0x1b3: {  	v4 =	vld.idx.msk [tilespmem:v4+s18+$0x0], $0xffff;
	v3 =	vand.u32 $0x7F, v3  }
0x1b4: {  	v3 =	vor.u32 v1, v3;
	_ =	sdelay $0x3  }
0x1b5: {  	v51 =	vadd.s32 $0xC, v2;
	[tilespmem:s1+$0x200] =	vst v4  }
0x1b6: {  	v4 =	vand.u32 $0x7F, v51;
	v3 =	vld.idx.msk [tilespmem:v3+s18+$0x0], $0xffff  }
0x1b7: {  	v4 =	vor.u32 v1, v4;
	_ =	sdelay $0x3  }
0x1b8: {  	[tilespmem:s1+$0x280] =	vst v3;
	v3 =	vadd.s32 $0xE, v2  }
0x1b9: {  	v4 =	vld.idx.msk [tilespmem:v4+s18+$0x0], $0xffff;
	v3 =	vand.u32 $0x7F, v3  }
0x1ba: {  	v3 =	vor.u32 v1, v3;
	_ =	sdelay $0x3  }
0x1bb: {  	v52 =	vadd.s32 $0x10, v2;
	[tilespmem:s1+$0x300] =	vst v4  }
0x1bc: {  	v4 =	vand.u32 $0x7F, v52;
	v3 =	vld.idx.msk [tilespmem:v3+s18+$0x0], $0xffff  }
0x1bd: {  	v4 =	vor.u32 v1, v4;
	_ =	sdelay $0x3  }
0x1be: {  	[tilespmem:s1+$0x380] =	vst v3;
	v3 =	vadd.s32 $0x12, v2  }
0x1bf: {  	v4 =	vld.idx.msk [tilespmem:v4+s18+$0x0], $0xffff;
	v3 =	vand.u32 $0x7F, v3  }
0x1c0: {  	v3 =	vor.u32 v1, v3;
	_ =	sdelay $0x3  }
0x1c1: {  	v53 =	vadd.s32 $0x14, v2;
	[tilespmem:s1+$0x400] =	vst v4  }
0x1c2: {  	v4 =	vand.u32 $0x7F, v53;
	v3 =	vld.idx.msk [tilespmem:v3+s18+$0x0], $0xffff  }
0x1c3: {  	v4 =	vor.u32 v1, v4;
	_ =	sdelay $0x3  }
0x1c4: {  	[tilespmem:s1+$0x480] =	vst v3;
	v3 =	vadd.s32 $0x16, v2  }
0x1c5: {  	v4 =	vld.idx.msk [tilespmem:v4+s18+$0x0], $0xffff;
	v3 =	vand.u32 $0x7F, v3  }
0x1c6: {  	v3 =	vor.u32 v1, v3;
	_ =	sdelay $0x3  }
0x1c7: {  	v54 =	vadd.s32 $0x18, v2;
	[tilespmem:s1+$0x500] =	vst v4  }
0x1c8: {  	v4 =	vand.u32 $0x7F, v54;
	v3 =	vld.idx.msk [tilespmem:v3+s18+$0x0], $0xffff  }
0x1c9: {  	v4 =	vor.u32 v1, v4;
	_ =	sdelay $0x3  }
0x1ca: {  	[tilespmem:s1+$0x580] =	vst v3;
	v3 =	vadd.s32 $0x1A, v2  }
0x1cb: {  	v4 =	vld.idx.msk [tilespmem:v4+s18+$0x0], $0xffff;
	v3 =	vand.u32 $0x7F, v3  }
0x1cc: {  	v3 =	vor.u32 v1, v3;
	_ =	sdelay $0x3  }
0x1cd: {  	v55 =	vadd.s32 $0x1C, v2;
	[tilespmem:s1+$0x600] =	vst v4  }
0x1ce: {  	v4 =	vand.u32 $0x7F, v55;
	v3 =	vld.idx.msk [tilespmem:v3+s18+$0x0], $0xffff  }
0x1cf: {  	v4 =	vor.u32 v1, v4;
	_ =	sdelay $0x3  }
0x1d0: {  	[tilespmem:s1+$0x680] =	vst v3;
	v3 =	vadd.s32 $0x1E, v2  }
0x1d1: {  	v4 =	vld.idx.msk [tilespmem:v4+s18+$0x0], $0xffff;
	v3 =	vand.u32 $0x7F, v3  }
0x1d2: {  	v3 =	vor.u32 v1, v3;
	_ =	sdelay $0x3  }
0x1d3: {  	v56 =	vadd.s32 $0x20, v2;
	[tilespmem:s1+$0x700] =	vst v4  }
0x1d4: {  	v4 =	vand.u32 $0x7F, v56;
	v3 =	vld.idx.msk [tilespmem:v3+s18+$0x0], $0xffff  }
0x1d5: {  	v4 =	vor.u32 v1, v4;
	_ =	sdelay $0x3  }
0x1d6: {  	[tilespmem:s1+$0x780] =	vst v3;
	v3 =	vadd.s32 $0x22, v2  }
0x1d7: {  	v4 =	vld.idx.msk [tilespmem:v4+s18+$0x0], $0xffff;
	v3 =	vand.u32 $0x7F, v3  }
0x1d8: {  	v3 =	vor.u32 v1, v3;
	_ =	sdelay $0x3  }
0x1d9: {  	v57 =	vadd.s32 $0x24, v2;
	[tilespmem:s1+$0x800] =	vst v4  }
0x1da: {  	v4 =	vand.u32 $0x7F, v57;
	v3 =	vld.idx.msk [tilespmem:v3+s18+$0x0], $0xffff  }
0x1db: {  	v4 =	vor.u32 v1, v4;
	_ =	sdelay $0x3  }
0x1dc: {  	[tilespmem:s1+$0x880] =	vst v3;
	v3 =	vadd.s32 $0x26, v2  }
0x1dd: {  	v4 =	vld.idx.msk [tilespmem:v4+s18+$0x0], $0xffff;
	v3 =	vand.u32 $0x7F, v3  }
0x1de: {  	v3 =	vor.u32 v1, v3;
	_ =	sdelay $0x3  }
0x1df: {  	v58 =	vadd.s32 $0x28, v2;
	[tilespmem:s1+$0x900] =	vst v4  }
0x1e0: {  	v4 =	vand.u32 $0x7F, v58;
	v3 =	vld.idx.msk [tilespmem:v3+s18+$0x0], $0xffff  }
0x1e1: {  	v4 =	vor.u32 v1, v4;
	_ =	sdelay $0x3  }
0x1e2: {  	[tilespmem:s1+$0x980] =	vst v3;
	v3 =	vadd.s32 $0x2A, v2  }
0x1e3: {  	v4 =	vld.idx.msk [tilespmem:v4+s18+$0x0], $0xffff;
	v3 =	vand.u32 $0x7F, v3  }
0x1e4: {  	v3 =	vor.u32 v1, v3;
	_ =	sdelay $0x3  }
0x1e5: {  	v59 =	vadd.s32 $0x2C, v2;
	[tilespmem:s1+$0xA00] =	vst v4  }
0x1e6: {  	v4 =	vand.u32 $0x7F, v59;
	v3 =	vld.idx.msk [tilespmem:v3+s18+$0x0], $0xffff  }
0x1e7: {  	v4 =	vor.u32 v1, v4;
	_ =	sdelay $0x3  }
0x1e8: {  	[tilespmem:s1+$0xA80] =	vst v3;
	v3 =	vadd.s32 $0x2E, v2  }
0x1e9: {  	v4 =	vld.idx.msk [tilespmem:v4+s18+$0x0], $0xffff;
	v3 =	vand.u32 $0x7F, v3  }
0x1ea: {  	v3 =	vor.u32 v1, v3;
	_ =	sdelay $0x3  }
0x1eb: {  	v60 =	vadd.s32 $0x30, v2;
	[tilespmem:s1+$0xB00] =	vst v4  }
0x1ec: {  	v4 =	vand.u32 $0x7F, v60;
	v3 =	vld.idx.msk [tilespmem:v3+s18+$0x0], $0xffff  }
0x1ed: {  	v4 =	vor.u32 v1, v4;
	_ =	sdelay $0x3  }
0x1ee: {  	[tilespmem:s1+$0xB80] =	vst v3;
	v3 =	vadd.s32 $0x32, v2  }
0x1ef: {  	v4 =	vld.idx.msk [tilespmem:v4+s18+$0x0], $0xffff;
	v3 =	vand.u32 $0x7F, v3  }
0x1f0: {  	v3 =	vor.u32 v1, v3;
	_ =	sdelay $0x3  }
0x1f1: {  	v61 =	vadd.s32 $0x34, v2;
	[tilespmem:s1+$0xC00] =	vst v4  }
0x1f2: {  	v4 =	vand.u32 $0x7F, v61;
	v3 =	vld.idx.msk [tilespmem:v3+s18+$0x0], $0xffff  }
0x1f3: {  	v4 =	vor.u32 v1, v4;
	_ =	sdelay $0x3  }
0x1f4: {  	[tilespmem:s1+$0xC80] =	vst v3;
	v3 =	vadd.s32 $0x36, v2  }
0x1f5: {  	v4 =	vld.idx.msk [tilespmem:v4+s18+$0x0], $0xffff;
	v3 =	vand.u32 $0x7F, v3  }
0x1f6: {  	v3 =	vor.u32 v1, v3;
	_ =	sdelay $0x3  }
0x1f7: {  	v62 =	vadd.s32 $0x38, v2;
	[tilespmem:s1+$0xD00] =	vst v4  }
0x1f8: {  	v4 =	vand.u32 $0x7F, v62;
	v3 =	vld.idx.msk [tilespmem:v3+s18+$0x0], $0xffff  }
0x1f9: {  	v4 =	vor.u32 v1, v4;
	_ =	sdelay $0x3  }
0x1fa: {  	[tilespmem:s1+$0xD80] =	vst v3;
	v3 =	vadd.s32 $0x3A, v2  }
0x1fb: {  	v4 =	vld.idx.msk [tilespmem:v4+s18+$0x0], $0xffff;
	v3 =	vand.u32 $0x7F, v3  }
0x1fc: {  	v3 =	vor.u32 v1, v3;
	_ =	sdelay $0x3  }
0x1fd: {  	v63 =	vadd.s32 $0x3C, v2;
	[tilespmem:s1+$0xE00] =	vst v4  }
0x1fe: {  	v4 =	vand.u32 $0x7F, v63;
	v3 =	vld.idx.msk [tilespmem:v3+s18+$0x0], $0xffff  }
0x1ff: {  	v4 =	vor.u32 v1, v4;
	_ =	sdelay $0x3  }
0x200: {  	v2 =	vadd.s32 $0x3E, v2;
	[tilespmem:s1+$0xE80] =	vst v3  }
0x201: {  	v2 =	vand.u32 $0x7F, v2;
	v3 =	vld.idx.msk [tilespmem:v4+s18+$0x0], $0xffff  }
0x202: {  	v1 =	vor.u32 v1, v2;
	_ =	sdelay $0x3  }
0x203: {  	[tilespmem:s1+$0xF00] =	vst v3  }
0x204: {  	p0 =	sne.s32 s30, $0x70;
	v1 =	vld.idx.msk [tilespmem:v1+s18+$0x0], $0xffff  }
.Ltmp1:
0x205: {  	_ = 	snop;
	(pc) =	sbr.rel @p0 .LBB2_5-.Ltmp1, $2  }
0x206: {  	_ =	sdelay $0x2  }
0x207: {  	s26 =	sadd.s32 $0x10, s26;
	s30 =	sadd.s32 $0x10, s30;
	[tilespmem:s1+$0xF80] =	vst v1;
	s1 =	sadd.s32 $0x10, s1  }
0x208: {  	s28 =	sadd.s32 $0x1, s28  }
0x209: {  	p0 =	sne.s32 s28, $0x19  }
.Ltmp2:
0x20a: {  	s1 =	sshll.u32 s29, $0x12;
	(pc) =	sbr.rel @p0 .LBB2_2-.Ltmp2, $4  }
0x20b: {  	s1 =	sor.u32 s7, s1  }
0x20c: {  	s1 =	sshrl.u32 s1, $0x3  }
0x20d: {  	s0 =	sadd.s32 $0x100, s0;
	s25 =	sadd.s32 $0x100, s25;
	s1 =	sadd.s32 s2, s1  }
0x20e: {  	[hbm4b:s1+s9] =	stream.strided.scatter [tilespmem:s21], [sflag:$0x4], $0x2000, s10, s9, $0x38;
	[tilespmem:$0xDD00] =	vst v63  }
0x20f: {  	_ =	swait.ge [sflag:s15], $0x4000  }
0x210: {  	[sflag:s15] =	ssyncset.done $0x0  }
0x211: {  	s24 =	sadd.s32 $0x1, s24;
	[sflag:s15] =	ssyncadd.s32 $0xFFFFC000  }
0x212: {  	p0 =	sne.s32 s24, s8;
	_ =	swait.ge [sflag:s22], $0x2000  }
.Ltmp3:
0x213: {  	[sflag:s22] =	ssyncset.done $0x0;
	(pc) =	sbr.rel @p0 .LBB2_1-.Ltmp3, $4  }
0x214: {  	[sflag:s22] =	ssyncadd.s32 $0xFFFFE000  }
0x215: {  	_ =	swait.ge [sflag:s23], $0x2000  }
0x216: {  	[sflag:s23] =	ssyncset.done $0x0  }
0x217: {  	[sflag:s23] =	ssyncadd.s32 $0xFFFFE000  }
0x218: {  	_ =	sfence.sel $0x180000  }
0x219: {  	[bflag:$0x0] =	sbarrier.arrive $0xFFFF  }
0x21a: {  	_ =	strace $0x9000004A  }
0x21b: {  	s0 =	stileid.u32;
	[bflag:$0x2] =	sbarrier.arrive $0xFFFF  }
0x21c: {  	p0 =	sne.s32 s0, $0x0;
	s0 =	rddreg [dreg:$0x3]  }
0x21d: {  	s0 =	sadd.s32 @!p0 $0x100000, s0  }
0x21e: {  	[sflag:s0] =	ssyncadd.tile.s32 @!p0 $0x1;
	_ =	shalt  }
.Lfunc_end2:
_tile_overlayer_lowered:
.L_overlay_start_2:
0x21f: {  	(tag) =	ssettag $0x2  }
0x220: {  	s0 =	rddreg [dreg:$0x0];
	s2 =	stileid.u32  }
0x221: {  	s1 =	rddreg [dreg:$0x1];
	p0 =	sne.s32 s2, $0x0  }
0x222: {  	s3 =	rddreg [dreg:$0x2];
	[bflag:$0x3] =	sbarrier.arrive $0xFFFF;
	s2 =	simm.s32 @!p0 $0x1C05  }
0x223: {  	[timem:s3], [sflag:s2] =	dma.local @!p0 [hbm:s0], s1  }
0x224: {  	s0 =	simm.s32 @!p0 $0x5  }
0x225: {  	_ =	swait.ge @!p0 [sflag:s0], s1  }
0x226: {  	s1 =	ssub.s32 @!p0 $0x0, s1;
	[sflag:s0] =	ssyncset.done @!p0 $0x0  }
0x227: {  	[sflag:s0] =	ssyncadd.s32 @!p0 s1  }
0x228: {  	[bflag:$0x3] =	sbarrier.arrive $0xFFFF  }
0x229: {  	_ =	shalt  }

</sc_bundles>
